<compile_context>
chip_gen: v7x
topology: tpu7x:2x2x1
jax: 0.10.2.dev20260603
libtpu: 0.0.44.dev20260713+nightly
codegen_flags: <defaults>
</compile_context>

<pallas_src>
import functools

import jax
import jax.numpy as jnp
from jax import lax
from jax.experimental import pallas as pl
from jax.experimental.pallas import tpu as pltpu

_P = 0.1
_CB = 8
_NB = 6
_PF = 3
_CHUNK = 16384


def _mul_body(rand_ref, mask_ref, out_ref):
    keep = (rand_ref[...] >= _P).astype(jnp.float32)
    out_ref[...] = mask_ref[...] * keep[None]


def _make_sc_copy(shape5):
    from jax.experimental.pallas import tpu_sc as plsc

    info = plsc.get_sparse_core_info()
    nw = info.num_cores * info.num_subcores
    C = shape5[0]
    vb_n = shape5[1]
    cpw = C // nw
    nch = cpw * vb_n
    mesh = plsc.VectorSubcoreMesh(core_axis_name="c", subcore_axis_name="s")

    @functools.partial(
        pl.kernel,
        mesh=mesh,
        out_type=jax.ShapeDtypeStruct(shape5, jnp.float32),
        scratch_types=[
            pltpu.VMEM((_NB,) + shape5[2:], jnp.float32),
            pltpu.SemaphoreType.DMA((_NB,)),
            pltpu.SemaphoreType.DMA((_NB,)),
        ],
    )
    def sc_copy(x_hbm, out_hbm, buf, sin, sout):
        w = lax.axis_index("s") * info.num_cores + lax.axis_index("c")
        base_c = w * cpw

        def in_dma(i, slot):
            ci, vb = i // vb_n, i % vb_n
            return pltpu.make_async_copy(
                x_hbm.at[base_c + ci, vb],
                buf.at[slot],
                sin.at[slot],
            )

        def out_dma(i, slot):
            ci, vb = i // vb_n, i % vb_n
            return pltpu.make_async_copy(
                buf.at[slot],
                out_hbm.at[base_c + ci, vb],
                sout.at[slot],
            )

        for s in range(_PF):
            in_dma(s, s % _NB).start()
        for i in range(nch):
            slot = i % _NB
            in_dma(i, slot).wait()
            out_dma(i, slot).start()
            j = i + _PF
            if j < nch:
                js = j % _NB
                pj = j - _NB
                if pj >= 0:
                    out_dma(pj, js).wait()
                in_dma(j, js).start()
        for i in range(max(nch - _NB, 0), nch):
            out_dma(i, i % _NB).wait()

    return sc_copy


def kernel(x, mask, rand_t):
    C, T, V = mask.shape
    mask_t = jnp.transpose(mask, (0, 2, 1))
    x5 = (jnp.transpose(x, (0, 2, 1))
          .reshape(C, V // 8, 8, T // 128, 128)
          .transpose(0, 1, 3, 2, 4))

    xout5 = _make_sc_copy(x5.shape)(x5)

    blk = pl.BlockSpec((_CB, V, T), lambda i: (i, 0, 0))
    out_t = pl.pallas_call(
        _mul_body,
        grid=(C // _CB,),
        in_specs=[
            pl.BlockSpec((1, T), lambda i: (0, 0)),
            blk,
        ],
        out_specs=blk,
        out_shape=jax.ShapeDtypeStruct((C, V, T), jnp.float32),
    )(rand_t.reshape(1, T), mask_t)

    x_out = jnp.transpose(
        xout5.transpose(0, 1, 3, 2, 4).reshape(C, V, T), (0, 2, 1))
    return (x_out, jnp.transpose(out_t, (0, 2, 1)))

# --- scband reference (transcript-rebuilt; emitter-appended) ---
"""Pipeline reference for scband-random-mask-frame-60447369724027 (READ-ONLY COPY).

The authoritative reference and input builder live on the scoring server;
editing this copy changes nothing except your own understanding.
"""

import jax, jax.numpy as jnp
import numpy as np

P = 0.1
C, T, V = 128, 2048, 64

def setup_inputs(seed: int = 0) -> dict:
    key = jax.random.key(seed)
    k1, k2, k3 = jax.random.split(key, 3)
    x = jax.random.normal(k1, (C, T, V), dtype=jnp.float32)
    mask = jax.random.uniform(k2, (C, T, V), dtype=jnp.float32)
    rand_t = jax.random.uniform(k3, (T,), dtype=jnp.float32)
    return {"x": x, "mask": mask, "rand_t": rand_t}

def reference(x, mask, rand_t):
    # out_mask = ones_like(x); out_mask[:, rand(T) < p] = 0 (frame-wise scatter-overwrite)
    drop = rand_t < P  # bool [T]
    out_mask = jnp.where(drop[None, :, None], jnp.zeros_like(x), jnp.ones_like(x))
    out_mask = out_mask * mask
    return (x, out_mask)

if __name__ == "__main__":
    import jax
    _d = setup_inputs()
    print(jax.jit(kernel)(*tuple(_d.values())))

</pallas_src>

<mosaic_0001>
#map = affine_map<(d0, d1) -> (0, 0, 0, 0, 0)>
module attributes {stable_mosaic.version = 14 : i64} {
  func.func @sc_copy(%arg0: i32, %arg1: i32, %arg2: memref<128x8x16x8x128xf32, #tpu.memory_space<hbm>>, %arg3: memref<128x8x16x8x128xf32, #tpu.memory_space<hbm>>, %arg4: memref<6x16x8x128xf32, #tpu.memory_space<vmem>>, %arg5: memref<6x!tpu.dma_semaphore, #tpu.memory_space<semaphore_mem>>, %arg6: memref<6x!tpu.dma_semaphore, #tpu.memory_space<semaphore_mem>>) attributes {dimension_semantics = [#tpu.dimension_semantics<core_parallel>, #tpu.dimension_semantics<subcore_parallel>], iteration_bounds = array<i64: 2, 16>, scalar_prefetch = 0 : i64, scratch_operands = 3 : i64, tpu.core_type = #tpu.core_type<sc_vector_subcore>, window_params = [{transform_indices = #map}, {transform_indices = #map}]} {
    %mul3A = arith.constant 2 : i32
    %mul3A_0 = arith.muli %arg1, %mul3A : i32
    %add3A = arith.addi %mul3A_0, %arg0 : i32
    %mul3A_1 = arith.constant 4 : i32
    %mul3A_2 = arith.muli %add3A, %mul3A_1 : i32
    %add3A_3 = arith.constant 0 : i32
    %add3A_4 = arith.addi %mul3A_2, %add3A_3 : i32
    %dma_start3A = arith.constant 0 : i32
    %dma_start3A_5 = arith.constant 0 : i32
    %dma_start3A_6 = arith.constant 0 : i32
    %dma_start3A_7 = arith.constant 0 : i32
    %dma_start3A_8 = arith.constant 0 : i32
    %dma_start3A_9 = arith.constant 0 : i32
    %dma_start3A_10 = tpu.memref_slice %arg4[%dma_start3A_5, %dma_start3A_7, %dma_start3A_8, %dma_start3A_9] : memref<6x16x8x128xf32, #tpu.memory_space<vmem>> -> memref<1x16x8x128xf32, #tpu.memory_space<vmem>>
    %dma_start3A_11 = tpu.memref_squeeze %dma_start3A_10 : memref<1x16x8x128xf32, #tpu.memory_space<vmem>> -> memref<16x8x128xf32, #tpu.memory_space<vmem>>
    %dma_start3A_12 = arith.constant 0 : i32
    %dma_start3A_13 = arith.constant 0 : i32
    %dma_start3A_14 = arith.constant 0 : i32
    %dma_start3A_15 = tpu.memref_slice %arg2[%add3A_4, %dma_start3A, %dma_start3A_12, %dma_start3A_13, %dma_start3A_14] : memref<128x8x16x8x128xf32, #tpu.memory_space<hbm>> -> memref<1x1x16x8x128xf32, #tpu.memory_space<hbm>>
    %dma_start3A_16 = tpu.memref_squeeze %dma_start3A_15 : memref<1x1x16x8x128xf32, #tpu.memory_space<hbm>> -> memref<16x8x128xf32, #tpu.memory_space<hbm>>
    %dma_start3A_17 = tpu.memref_slice %arg5[%dma_start3A_6] : memref<6x!tpu.dma_semaphore, #tpu.memory_space<semaphore_mem>> -> memref<1x!tpu.dma_semaphore, #tpu.memory_space<semaphore_mem>>
    %dma_start3A_18 = tpu.memref_squeeze %dma_start3A_17 : memref<1x!tpu.dma_semaphore, #tpu.memory_space<semaphore_mem>> -> memref<!tpu.dma_semaphore, #tpu.memory_space<semaphore_mem>>
    %dma_start3A_19 = arith.constant 0 : i32
    %dma_start3A_20 = arith.constant 0 : i32
    %dma_start3A_21 = arith.constant 0 : i32
    %dma_start3A_22 = tpu.memref_slice %arg4[%dma_start3A_5, %dma_start3A_19, %dma_start3A_20, %dma_start3A_21] : memref<6x16x8x128xf32, #tpu.memory_space<vmem>> -> memref<1x16x8x128xf32, #tpu.memory_space<vmem>>
    %dma_start3A_23 = tpu.memref_squeeze %dma_start3A_22 : memref<1x16x8x128xf32, #tpu.memory_space<vmem>> -> memref<16x8x128xf32, #tpu.memory_space<vmem>>
    %dma_start3A_24 = arith.constant 0 : i32
    %dma_start3A_25 = arith.constant 0 : i32
    %dma_start3A_26 = arith.constant 0 : i32
    %dma_start3A_27 = tpu.memref_slice %arg2[%add3A_4, %dma_start3A, %dma_start3A_24, %dma_start3A_25, %dma_start3A_26] : memref<128x8x16x8x128xf32, #tpu.memory_space<hbm>> -> memref<1x1x16x8x128xf32, #tpu.memory_space<hbm>>
    %dma_start3A_28 = tpu.memref_squeeze %dma_start3A_27 : memref<1x1x16x8x128xf32, #tpu.memory_space<hbm>> -> memref<16x8x128xf32, #tpu.memory_space<hbm>>
    tpu.enqueue_dma source(%dma_start3A_28 : memref<16x8x128xf32, #tpu.memory_space<hbm>>) target(%dma_start3A_23 : memref<16x8x128xf32, #tpu.memory_space<vmem>>) target_semaphore(%dma_start3A_18 : memref<!tpu.dma_semaphore, #tpu.memory_space<semaphore_mem>>)
    %add3A_29 = arith.constant 0 : i32
    %add3A_30 = arith.addi %mul3A_2, %add3A_29 : i32
    %dma_start3A_31 = arith.constant 1 : i32
    %dma_start3A_32 = arith.constant 1 : i32
    %dma_start3A_33 = arith.constant 1 : i32
    %dma_start3A_34 = arith.constant 0 : i32
    %dma_start3A_35 = arith.constant 0 : i32
    %dma_start3A_36 = arith.constant 0 : i32
    %dma_start3A_37 = tpu.memref_slice %arg4[%dma_start3A_32, %dma_start3A_34, %dma_start3A_35, %dma_start3A_36] : memref<6x16x8x128xf32, #tpu.memory_space<vmem>> -> memref<1x16x8x128xf32, #tpu.memory_space<vmem>>
    %dma_start3A_38 = tpu.memref_squeeze %dma_start3A_37 : memref<1x16x8x128xf32, #tpu.memory_space<vmem>> -> memref<16x8x128xf32, #tpu.memory_space<vmem>>
    %dma_start3A_39 = arith.constant 0 : i32
    %dma_start3A_40 = arith.constant 0 : i32
    %dma_start3A_41 = arith.constant 0 : i32
    %dma_start3A_42 = tpu.memref_slice %arg2[%add3A_30, %dma_start3A_31, %dma_start3A_39, %dma_start3A_40, %dma_start3A_41] : memref<128x8x16x8x128xf32, #tpu.memory_space<hbm>> -> memref<1x1x16x8x128xf32, #tpu.memory_space<hbm>>
    %dma_start3A_43 = tpu.memref_squeeze %dma_start3A_42 : memref<1x1x16x8x128xf32, #tpu.memory_space<hbm>> -> memref<16x8x128xf32, #tpu.memory_space<hbm>>
    %dma_start3A_44 = tpu.memref_slice %arg5[%dma_start3A_33] : memref<6x!tpu.dma_semaphore, #tpu.memory_space<semaphore_mem>> -> memref<1x!tpu.dma_semaphore, #tpu.memory_space<semaphore_mem>>
    %dma_start3A_45 = tpu.memref_squeeze %dma_start3A_44 : memref<1x!tpu.dma_semaphore, #tpu.memory_space<semaphore_mem>> -> memref<!tpu.dma_semaphore, #tpu.memory_space<semaphore_mem>>
    %dma_start3A_46 = arith.constant 0 : i32
    %dma_start3A_47 = arith.constant 0 : i32
    %dma_start3A_48 = arith.constant 0 : i32
    %dma_start3A_49 = tpu.memref_slice %arg4[%dma_start3A_32, %dma_start3A_46, %dma_start3A_47, %dma_start3A_48] : memref<6x16x8x128xf32, #tpu.memory_space<vmem>> -> memref<1x16x8x128xf32, #tpu.memory_space<vmem>>
    %dma_start3A_50 = tpu.memref_squeeze %dma_start3A_49 : memref<1x16x8x128xf32, #tpu.memory_space<vmem>> -> memref<16x8x128xf32, #tpu.memory_space<vmem>>
    %dma_start3A_51 = arith.constant 0 : i32
    %dma_start3A_52 = arith.constant 0 : i32
    %dma_start3A_53 = arith.constant 0 : i32
    %dma_start3A_54 = tpu.memref_slice %arg2[%add3A_30, %dma_start3A_31, %dma_start3A_51, %dma_start3A_52, %dma_start3A_53] : memref<128x8x16x8x128xf32, #tpu.memory_space<hbm>> -> memref<1x1x16x8x128xf32, #tpu.memory_space<hbm>>
    %dma_start3A_55 = tpu.memref_squeeze %dma_start3A_54 : memref<1x1x16x8x128xf32, #tpu.memory_space<hbm>> -> memref<16x8x128xf32, #tpu.memory_space<hbm>>
    tpu.enqueue_dma source(%dma_start3A_55 : memref<16x8x128xf32, #tpu.memory_space<hbm>>) target(%dma_start3A_50 : memref<16x8x128xf32, #tpu.memory_space<vmem>>) target_semaphore(%dma_start3A_45 : memref<!tpu.dma_semaphore, #tpu.memory_space<semaphore_mem>>)
    %add3A_56 = arith.constant 0 : i32
    %add3A_57 = arith.addi %mul3A_2, %add3A_56 : i32
    %dma_start3A_58 = arith.constant 2 : i32
    %dma_start3A_59 = arith.constant 2 : i32
    %dma_start3A_60 = arith.constant 2 : i32
    %dma_start3A_61 = arith.constant 0 : i32
    %dma_start3A_62 = arith.constant 0 : i32
    %dma_start3A_63 = arith.constant 0 : i32
    %dma_start3A_64 = tpu.memref_slice %arg4[%dma_start3A_59, %dma_start3A_61, %dma_start3A_62, %dma_start3A_63] : memref<6x16x8x128xf32, #tpu.memory_space<vmem>> -> memref<1x16x8x128xf32, #tpu.memory_space<vmem>>
    %dma_start3A_65 = tpu.memref_squeeze %dma_start3A_64 : memref<1x16x8x128xf32, #tpu.memory_space<vmem>> -> memref<16x8x128xf32, #tpu.memory_space<vmem>>
    %dma_start3A_66 = arith.constant 0 : i32
    %dma_start3A_67 = arith.constant 0 : i32
    %dma_start3A_68 = arith.constant 0 : i32
    %dma_start3A_69 = tpu.memref_slice %arg2[%add3A_57, %dma_start3A_58, %dma_start3A_66, %dma_start3A_67, %dma_start3A_68] : memref<128x8x16x8x128xf32, #tpu.memory_space<hbm>> -> memref<1x1x16x8x128xf32, #tpu.memory_space<hbm>>
    %dma_start3A_70 = tpu.memref_squeeze %dma_start3A_69 : memref<1x1x16x8x128xf32, #tpu.memory_space<hbm>> -> memref<16x8x128xf32, #tpu.memory_space<hbm>>
    %dma_start3A_71 = tpu.memref_slice %arg5[%dma_start3A_60] : memref<6x!tpu.dma_semaphore, #tpu.memory_space<semaphore_mem>> -> memref<1x!tpu.dma_semaphore, #tpu.memory_space<semaphore_mem>>
    %dma_start3A_72 = tpu.memref_squeeze %dma_start3A_71 : memref<1x!tpu.dma_semaphore, #tpu.memory_space<semaphore_mem>> -> memref<!tpu.dma_semaphore, #tpu.memory_space<semaphore_mem>>
    %dma_start3A_73 = arith.constant 0 : i32
    %dma_start3A_74 = arith.constant 0 : i32
    %dma_start3A_75 = arith.constant 0 : i32
    %dma_start3A_76 = tpu.memref_slice %arg4[%dma_start3A_59, %dma_start3A_73, %dma_start3A_74, %dma_start3A_75] : memref<6x16x8x128xf32, #tpu.memory_space<vmem>> -> memref<1x16x8x128xf32, #tpu.memory_space<vmem>>
    %dma_start3A_77 = tpu.memref_squeeze %dma_start3A_76 : memref<1x16x8x128xf32, #tpu.memory_space<vmem>> -> memref<16x8x128xf32, #tpu.memory_space<vmem>>
    %dma_start3A_78 = arith.constant 0 : i32
    %dma_start3A_79 = arith.constant 0 : i32
    %dma_start3A_80 = arith.constant 0 : i32
    %dma_start3A_81 = tpu.memref_slice %arg2[%add3A_57, %dma_start3A_58, %dma_start3A_78, %dma_start3A_79, %dma_start3A_80] : memref<128x8x16x8x128xf32, #tpu.memory_space<hbm>> -> memref<1x1x16x8x128xf32, #tpu.memory_space<hbm>>
    %dma_start3A_82 = tpu.memref_squeeze %dma_start3A_81 : memref<1x1x16x8x128xf32, #tpu.memory_space<hbm>> -> memref<16x8x128xf32, #tpu.memory_space<hbm>>
    tpu.enqueue_dma source(%dma_start3A_82 : memref<16x8x128xf32, #tpu.memory_space<hbm>>) target(%dma_start3A_77 : memref<16x8x128xf32, #tpu.memory_space<vmem>>) target_semaphore(%dma_start3A_72 : memref<!tpu.dma_semaphore, #tpu.memory_space<semaphore_mem>>)
    %add3A_83 = arith.constant 0 : i32
    %add3A_84 = arith.addi %mul3A_2, %add3A_83 : i32
    %dma_wait3A = arith.constant 0 : i32
    %dma_wait3A_85 = arith.constant 0 : i32
    %dma_wait3A_86 = arith.constant 0 : i32
    %dma_wait3A_87 = arith.constant 0 : i32
    %dma_wait3A_88 = arith.constant 0 : i32
    %dma_wait3A_89 = arith.constant 0 : i32
    %dma_wait3A_90 = tpu.memref_slice %arg4[%dma_wait3A_85, %dma_wait3A_87, %dma_wait3A_88, %dma_wait3A_89] : memref<6x16x8x128xf32, #tpu.memory_space<vmem>> -> memref<1x16x8x128xf32, #tpu.memory_space<vmem>>
    %dma_wait3A_91 = tpu.memref_squeeze %dma_wait3A_90 : memref<1x16x8x128xf32, #tpu.memory_space<vmem>> -> memref<16x8x128xf32, #tpu.memory_space<vmem>>
    %dma_wait3A_92 = arith.constant 0 : i32
    %dma_wait3A_93 = arith.constant 0 : i32
    %dma_wait3A_94 = arith.constant 0 : i32
    %dma_wait3A_95 = tpu.memref_slice %arg2[%add3A_84, %dma_wait3A, %dma_wait3A_92, %dma_wait3A_93, %dma_wait3A_94] : memref<128x8x16x8x128xf32, #tpu.memory_space<hbm>> -> memref<1x1x16x8x128xf32, #tpu.memory_space<hbm>>
    %dma_wait3A_96 = tpu.memref_squeeze %dma_wait3A_95 : memref<1x1x16x8x128xf32, #tpu.memory_space<hbm>> -> memref<16x8x128xf32, #tpu.memory_space<hbm>>
    %dma_wait3A_97 = tpu.memref_slice %arg5[%dma_wait3A_86] : memref<6x!tpu.dma_semaphore, #tpu.memory_space<semaphore_mem>> -> memref<1x!tpu.dma_semaphore, #tpu.memory_space<semaphore_mem>>
    %dma_wait3A_98 = tpu.memref_squeeze %dma_wait3A_97 : memref<1x!tpu.dma_semaphore, #tpu.memory_space<semaphore_mem>> -> memref<!tpu.dma_semaphore, #tpu.memory_space<semaphore_mem>>
    %dma_wait3A_99 = arith.constant 0 : i32
    %dma_wait3A_100 = arith.constant 0 : i32
    %dma_wait3A_101 = arith.constant 0 : i32
    %dma_wait3A_102 = tpu.memref_slice %arg4[%dma_wait3A_85, %dma_wait3A_99, %dma_wait3A_100, %dma_wait3A_101] : memref<6x16x8x128xf32, #tpu.memory_space<vmem>> -> memref<1x16x8x128xf32, #tpu.memory_space<vmem>>
    %dma_wait3A_103 = tpu.memref_squeeze %dma_wait3A_102 : memref<1x16x8x128xf32, #tpu.memory_space<vmem>> -> memref<16x8x128xf32, #tpu.memory_space<vmem>>
    %dma_wait3A_104 = arith.constant 0 : i32
    %dma_wait3A_105 = arith.constant 0 : i32
    %dma_wait3A_106 = arith.constant 0 : i32
    %dma_wait3A_107 = tpu.memref_slice %arg2[%add3A_84, %dma_wait3A, %dma_wait3A_104, %dma_wait3A_105, %dma_wait3A_106] : memref<128x8x16x8x128xf32, #tpu.memory_space<hbm>> -> memref<1x1x16x8x128xf32, #tpu.memory_space<hbm>>
    %dma_wait3A_108 = tpu.memref_squeeze %dma_wait3A_107 : memref<1x1x16x8x128xf32, #tpu.memory_space<hbm>> -> memref<16x8x128xf32, #tpu.memory_space<hbm>>
    tpu.wait_dma2 semaphore(%dma_wait3A_98 : memref<!tpu.dma_semaphore, #tpu.memory_space<semaphore_mem>>) src(%dma_wait3A_108 : memref<16x8x128xf32, #tpu.memory_space<hbm>>) dst(%dma_wait3A_103 : memref<16x8x128xf32, #tpu.memory_space<vmem>>)
    %add3A_109 = arith.constant 0 : i32
    %add3A_110 = arith.addi %mul3A_2, %add3A_109 : i32
    %dma_start3A_111 = arith.constant 0 : i32
    %dma_start3A_112 = arith.constant 0 : i32
    %dma_start3A_113 = arith.constant 0 : i32
    %dma_start3A_114 = arith.constant 0 : i32
    %dma_start3A_115 = arith.constant 0 : i32
    %dma_start3A_116 = arith.constant 0 : i32
    %dma_start3A_117 = tpu.memref_slice %arg4[%dma_start3A_111, %dma_start3A_114, %dma_start3A_115, %dma_start3A_116] : memref<6x16x8x128xf32, #tpu.memory_space<vmem>> -> memref<1x16x8x128xf32, #tpu.memory_space<vmem>>
    %dma_start3A_118 = tpu.memref_squeeze %dma_start3A_117 : memref<1x16x8x128xf32, #tpu.memory_space<vmem>> -> memref<16x8x128xf32, #tpu.memory_space<vmem>>
    %dma_start3A_119 = arith.constant 0 : i32
    %dma_start3A_120 = arith.constant 0 : i32
    %dma_start3A_121 = arith.constant 0 : i32
    %dma_start3A_122 = tpu.memref_slice %arg3[%add3A_110, %dma_start3A_112, %dma_start3A_119, %dma_start3A_120, %dma_start3A_121] : memref<128x8x16x8x128xf32, #tpu.memory_space<hbm>> -> memref<1x1x16x8x128xf32, #tpu.memory_space<hbm>>
    %dma_start3A_123 = tpu.memref_squeeze %dma_start3A_122 : memref<1x1x16x8x128xf32, #tpu.memory_space<hbm>> -> memref<16x8x128xf32, #tpu.memory_space<hbm>>
    %dma_start3A_124 = tpu.memref_slice %arg6[%dma_start3A_113] : memref<6x!tpu.dma_semaphore, #tpu.memory_space<semaphore_mem>> -> memref<1x!tpu.dma_semaphore, #tpu.memory_space<semaphore_mem>>
    %dma_start3A_125 = tpu.memref_squeeze %dma_start3A_124 : memref<1x!tpu.dma_semaphore, #tpu.memory_space<semaphore_mem>> -> memref<!tpu.dma_semaphore, #tpu.memory_space<semaphore_mem>>
    %dma_start3A_126 = arith.constant 0 : i32
    %dma_start3A_127 = arith.constant 0 : i32
    %dma_start3A_128 = arith.constant 0 : i32
    %dma_start3A_129 = tpu.memref_slice %arg3[%add3A_110, %dma_start3A_112, %dma_start3A_126, %dma_start3A_127, %dma_start3A_128] : memref<128x8x16x8x128xf32, #tpu.memory_space<hbm>> -> memref<1x1x16x8x128xf32, #tpu.memory_space<hbm>>
    %dma_start3A_130 = tpu.memref_squeeze %dma_start3A_129 : memref<1x1x16x8x128xf32, #tpu.memory_space<hbm>> -> memref<16x8x128xf32, #tpu.memory_space<hbm>>
    %dma_start3A_131 = arith.constant 0 : i32
    %dma_start3A_132 = arith.constant 0 : i32
    %dma_start3A_133 = arith.constant 0 : i32
    %dma_start3A_134 = tpu.memref_slice %arg4[%dma_start3A_111, %dma_start3A_131, %dma_start3A_132, %dma_start3A_133] : memref<6x16x8x128xf32, #tpu.memory_space<vmem>> -> memref<1x16x8x128xf32, #tpu.memory_space<vmem>>
    %dma_start3A_135 = tpu.memref_squeeze %dma_start3A_134 : memref<1x16x8x128xf32, #tpu.memory_space<vmem>> -> memref<16x8x128xf32, #tpu.memory_space<vmem>>
    tpu.enqueue_dma source(%dma_start3A_135 : memref<16x8x128xf32, #tpu.memory_space<vmem>>) target(%dma_start3A_130 : memref<16x8x128xf32, #tpu.memory_space<hbm>>) target_semaphore(%dma_start3A_125 : memref<!tpu.dma_semaphore, #tpu.memory_space<semaphore_mem>>)
    %add3A_136 = arith.constant 0 : i32
    %add3A_137 = arith.addi %mul3A_2, %add3A_136 : i32
    %dma_start3A_138 = arith.constant 3 : i32
    %dma_start3A_139 = arith.constant 3 : i32
    %dma_start3A_140 = arith.constant 3 : i32
    %dma_start3A_141 = arith.constant 0 : i32
    %dma_start3A_142 = arith.constant 0 : i32
    %dma_start3A_143 = arith.constant 0 : i32
    %dma_start3A_144 = tpu.memref_slice %arg4[%dma_start3A_139, %dma_start3A_141, %dma_start3A_142, %dma_start3A_143] : memref<6x16x8x128xf32, #tpu.memory_space<vmem>> -> memref<1x16x8x128xf32, #tpu.memory_space<vmem>>
    %dma_start3A_145 = tpu.memref_squeeze %dma_start3A_144 : memref<1x16x8x128xf32, #tpu.memory_space<vmem>> -> memref<16x8x128xf32, #tpu.memory_space<vmem>>
    %dma_start3A_146 = arith.constant 0 : i32
    %dma_start3A_147 = arith.constant 0 : i32
    %dma_start3A_148 = arith.constant 0 : i32
    %dma_start3A_149 = tpu.memref_slice %arg2[%add3A_137, %dma_start3A_138, %dma_start3A_146, %dma_start3A_147, %dma_start3A_148] : memref<128x8x16x8x128xf32, #tpu.memory_space<hbm>> -> memref<1x1x16x8x128xf32, #tpu.memory_space<hbm>>
    %dma_start3A_150 = tpu.memref_squeeze %dma_start3A_149 : memref<1x1x16x8x128xf32, #tpu.memory_space<hbm>> -> memref<16x8x128xf32, #tpu.memory_space<hbm>>
    %dma_start3A_151 = tpu.memref_slice %arg5[%dma_start3A_140] : memref<6x!tpu.dma_semaphore, #tpu.memory_space<semaphore_mem>> -> memref<1x!tpu.dma_semaphore, #tpu.memory_space<semaphore_mem>>
    %dma_start3A_152 = tpu.memref_squeeze %dma_start3A_151 : memref<1x!tpu.dma_semaphore, #tpu.memory_space<semaphore_mem>> -> memref<!tpu.dma_semaphore, #tpu.memory_space<semaphore_mem>>
    %dma_start3A_153 = arith.constant 0 : i32
    %dma_start3A_154 = arith.constant 0 : i32
    %dma_start3A_155 = arith.constant 0 : i32
    %dma_start3A_156 = tpu.memref_slice %arg4[%dma_start3A_139, %dma_start3A_153, %dma_start3A_154, %dma_start3A_155] : memref<6x16x8x128xf32, #tpu.memory_space<vmem>> -> memref<1x16x8x128xf32, #tpu.memory_space<vmem>>
    %dma_start3A_157 = tpu.memref_squeeze %dma_start3A_156 : memref<1x16x8x128xf32, #tpu.memory_space<vmem>> -> memref<16x8x128xf32, #tpu.memory_space<vmem>>
    %dma_start3A_158 = arith.constant 0 : i32
    %dma_start3A_159 = arith.constant 0 : i32
    %dma_start3A_160 = arith.constant 0 : i32
    %dma_start3A_161 = tpu.memref_slice %arg2[%add3A_137, %dma_start3A_138, %dma_start3A_158, %dma_start3A_159, %dma_start3A_160] : memref<128x8x16x8x128xf32, #tpu.memory_space<hbm>> -> memref<1x1x16x8x128xf32, #tpu.memory_space<hbm>>
    %dma_start3A_162 = tpu.memref_squeeze %dma_start3A_161 : memref<1x1x16x8x128xf32, #tpu.memory_space<hbm>> -> memref<16x8x128xf32, #tpu.memory_space<hbm>>
    tpu.enqueue_dma source(%dma_start3A_162 : memref<16x8x128xf32, #tpu.memory_space<hbm>>) target(%dma_start3A_157 : memref<16x8x128xf32, #tpu.memory_space<vmem>>) target_semaphore(%dma_start3A_152 : memref<!tpu.dma_semaphore, #tpu.memory_space<semaphore_mem>>)
    %add3A_163 = arith.constant 0 : i32
    %add3A_164 = arith.addi %mul3A_2, %add3A_163 : i32
    %dma_wait3A_165 = arith.constant 1 : i32
    %dma_wait3A_166 = arith.constant 1 : i32
    %dma_wait3A_167 = arith.constant 1 : i32
    %dma_wait3A_168 = arith.constant 0 : i32
    %dma_wait3A_169 = arith.constant 0 : i32
    %dma_wait3A_170 = arith.constant 0 : i32
    %dma_wait3A_171 = tpu.memref_slice %arg4[%dma_wait3A_166, %dma_wait3A_168, %dma_wait3A_169, %dma_wait3A_170] : memref<6x16x8x128xf32, #tpu.memory_space<vmem>> -> memref<1x16x8x128xf32, #tpu.memory_space<vmem>>
    %dma_wait3A_172 = tpu.memref_squeeze %dma_wait3A_171 : memref<1x16x8x128xf32, #tpu.memory_space<vmem>> -> memref<16x8x128xf32, #tpu.memory_space<vmem>>
    %dma_wait3A_173 = arith.constant 0 : i32
    %dma_wait3A_174 = arith.constant 0 : i32
    %dma_wait3A_175 = arith.constant 0 : i32
    %dma_wait3A_176 = tpu.memref_slice %arg2[%add3A_164, %dma_wait3A_165, %dma_wait3A_173, %dma_wait3A_174, %dma_wait3A_175] : memref<128x8x16x8x128xf32, #tpu.memory_space<hbm>> -> memref<1x1x16x8x128xf32, #tpu.memory_space<hbm>>
    %dma_wait3A_177 = tpu.memref_squeeze %dma_wait3A_176 : memref<1x1x16x8x128xf32, #tpu.memory_space<hbm>> -> memref<16x8x128xf32, #tpu.memory_space<hbm>>
    %dma_wait3A_178 = tpu.memref_slice %arg5[%dma_wait3A_167] : memref<6x!tpu.dma_semaphore, #tpu.memory_space<semaphore_mem>> -> memref<1x!tpu.dma_semaphore, #tpu.memory_space<semaphore_mem>>
    %dma_wait3A_179 = tpu.memref_squeeze %dma_wait3A_178 : memref<1x!tpu.dma_semaphore, #tpu.memory_space<semaphore_mem>> -> memref<!tpu.dma_semaphore, #tpu.memory_space<semaphore_mem>>
    %dma_wait3A_180 = arith.constant 0 : i32
    %dma_wait3A_181 = arith.constant 0 : i32
    %dma_wait3A_182 = arith.constant 0 : i32
    %dma_wait3A_183 = tpu.memref_slice %arg4[%dma_wait3A_166, %dma_wait3A_180, %dma_wait3A_181, %dma_wait3A_182] : memref<6x16x8x128xf32, #tpu.memory_space<vmem>> -> memref<1x16x8x128xf32, #tpu.memory_space<vmem>>
    %dma_wait3A_184 = tpu.memref_squeeze %dma_wait3A_183 : memref<1x16x8x128xf32, #tpu.memory_space<vmem>> -> memref<16x8x128xf32, #tpu.memory_space<vmem>>
    %dma_wait3A_185 = arith.constant 0 : i32
    %dma_wait3A_186 = arith.constant 0 : i32
    %dma_wait3A_187 = arith.constant 0 : i32
    %dma_wait3A_188 = tpu.memref_slice %arg2[%add3A_164, %dma_wait3A_165, %dma_wait3A_185, %dma_wait3A_186, %dma_wait3A_187] : memref<128x8x16x8x128xf32, #tpu.memory_space<hbm>> -> memref<1x1x16x8x128xf32, #tpu.memory_space<hbm>>
    %dma_wait3A_189 = tpu.memref_squeeze %dma_wait3A_188 : memref<1x1x16x8x128xf32, #tpu.memory_space<hbm>> -> memref<16x8x128xf32, #tpu.memory_space<hbm>>
    tpu.wait_dma2 semaphore(%dma_wait3A_179 : memref<!tpu.dma_semaphore, #tpu.memory_space<semaphore_mem>>) src(%dma_wait3A_189 : memref<16x8x128xf32, #tpu.memory_space<hbm>>) dst(%dma_wait3A_184 : memref<16x8x128xf32, #tpu.memory_space<vmem>>)
    %add3A_190 = arith.constant 0 : i32
    %add3A_191 = arith.addi %mul3A_2, %add3A_190 : i32
    %dma_start3A_192 = arith.constant 1 : i32
    %dma_start3A_193 = arith.constant 1 : i32
    %dma_start3A_194 = arith.constant 1 : i32
    %dma_start3A_195 = arith.constant 0 : i32
    %dma_start3A_196 = arith.constant 0 : i32
    %dma_start3A_197 = arith.constant 0 : i32
    %dma_start3A_198 = tpu.memref_slice %arg4[%dma_start3A_192, %dma_start3A_195, %dma_start3A_196, %dma_start3A_197] : memref<6x16x8x128xf32, #tpu.memory_space<vmem>> -> memref<1x16x8x128xf32, #tpu.memory_space<vmem>>
    %dma_start3A_199 = tpu.memref_squeeze %dma_start3A_198 : memref<1x16x8x128xf32, #tpu.memory_space<vmem>> -> memref<16x8x128xf32, #tpu.memory_space<vmem>>
    %dma_start3A_200 = arith.constant 0 : i32
    %dma_start3A_201 = arith.constant 0 : i32
    %dma_start3A_202 = arith.constant 0 : i32
    %dma_start3A_203 = tpu.memref_slice %arg3[%add3A_191, %dma_start3A_193, %dma_start3A_200, %dma_start3A_201, %dma_start3A_202] : memref<128x8x16x8x128xf32, #tpu.memory_space<hbm>> -> memref<1x1x16x8x128xf32, #tpu.memory_space<hbm>>
    %dma_start3A_204 = tpu.memref_squeeze %dma_start3A_203 : memref<1x1x16x8x128xf32, #tpu.memory_space<hbm>> -> memref<16x8x128xf32, #tpu.memory_space<hbm>>
    %dma_start3A_205 = tpu.memref_slice %arg6[%dma_start3A_194] : memref<6x!tpu.dma_semaphore, #tpu.memory_space<semaphore_mem>> -> memref<1x!tpu.dma_semaphore, #tpu.memory_space<semaphore_mem>>
    %dma_start3A_206 = tpu.memref_squeeze %dma_start3A_205 : memref<1x!tpu.dma_semaphore, #tpu.memory_space<semaphore_mem>> -> memref<!tpu.dma_semaphore, #tpu.memory_space<semaphore_mem>>
    %dma_start3A_207 = arith.constant 0 : i32
    %dma_start3A_208 = arith.constant 0 : i32
    %dma_start3A_209 = arith.constant 0 : i32
    %dma_start3A_210 = tpu.memref_slice %arg3[%add3A_191, %dma_start3A_193, %dma_start3A_207, %dma_start3A_208, %dma_start3A_209] : memref<128x8x16x8x128xf32, #tpu.memory_space<hbm>> -> memref<1x1x16x8x128xf32, #tpu.memory_space<hbm>>
    %dma_start3A_211 = tpu.memref_squeeze %dma_start3A_210 : memref<1x1x16x8x128xf32, #tpu.memory_space<hbm>> -> memref<16x8x128xf32, #tpu.memory_space<hbm>>
    %dma_start3A_212 = arith.constant 0 : i32
    %dma_start3A_213 = arith.constant 0 : i32
    %dma_start3A_214 = arith.constant 0 : i32
    %dma_start3A_215 = tpu.memref_slice %arg4[%dma_start3A_192, %dma_start3A_212, %dma_start3A_213, %dma_start3A_214] : memref<6x16x8x128xf32, #tpu.memory_space<vmem>> -> memref<1x16x8x128xf32, #tpu.memory_space<vmem>>
    %dma_start3A_216 = tpu.memref_squeeze %dma_start3A_215 : memref<1x16x8x128xf32, #tpu.memory_space<vmem>> -> memref<16x8x128xf32, #tpu.memory_space<vmem>>
    tpu.enqueue_dma source(%dma_start3A_216 : memref<16x8x128xf32, #tpu.memory_space<vmem>>) target(%dma_start3A_211 : memref<16x8x128xf32, #tpu.memory_space<hbm>>) target_semaphore(%dma_start3A_206 : memref<!tpu.dma_semaphore, #tpu.memory_space<semaphore_mem>>)
    %add3A_217 = arith.constant 0 : i32
    %add3A_218 = arith.addi %mul3A_2, %add3A_217 : i32
    %dma_start3A_219 = arith.constant 4 : i32
    %dma_start3A_220 = arith.constant 4 : i32
    %dma_start3A_221 = arith.constant 4 : i32
    %dma_start3A_222 = arith.constant 0 : i32
    %dma_start3A_223 = arith.constant 0 : i32
    %dma_start3A_224 = arith.constant 0 : i32
    %dma_start3A_225 = tpu.memref_slice %arg4[%dma_start3A_220, %dma_start3A_222, %dma_start3A_223, %dma_start3A_224] : memref<6x16x8x128xf32, #tpu.memory_space<vmem>> -> memref<1x16x8x128xf32, #tpu.memory_space<vmem>>
    %dma_start3A_226 = tpu.memref_squeeze %dma_start3A_225 : memref<1x16x8x128xf32, #tpu.memory_space<vmem>> -> memref<16x8x128xf32, #tpu.memory_space<vmem>>
    %dma_start3A_227 = arith.constant 0 : i32
    %dma_start3A_228 = arith.constant 0 : i32
    %dma_start3A_229 = arith.constant 0 : i32
    %dma_start3A_230 = tpu.memref_slice %arg2[%add3A_218, %dma_start3A_219, %dma_start3A_227, %dma_start3A_228, %dma_start3A_229] : memref<128x8x16x8x128xf32, #tpu.memory_space<hbm>> -> memref<1x1x16x8x128xf32, #tpu.memory_space<hbm>>
    %dma_start3A_231 = tpu.memref_squeeze %dma_start3A_230 : memref<1x1x16x8x128xf32, #tpu.memory_space<hbm>> -> memref<16x8x128xf32, #tpu.memory_space<hbm>>
    %dma_start3A_232 = tpu.memref_slice %arg5[%dma_start3A_221] : memref<6x!tpu.dma_semaphore, #tpu.memory_space<semaphore_mem>> -> memref<1x!tpu.dma_semaphore, #tpu.memory_space<semaphore_mem>>
    %dma_start3A_233 = tpu.memref_squeeze %dma_start3A_232 : memref<1x!tpu.dma_semaphore, #tpu.memory_space<semaphore_mem>> -> memref<!tpu.dma_semaphore, #tpu.memory_space<semaphore_mem>>
    %dma_start3A_234 = arith.constant 0 : i32
    %dma_start3A_235 = arith.constant 0 : i32
    %dma_start3A_236 = arith.constant 0 : i32
    %dma_start3A_237 = tpu.memref_slice %arg4[%dma_start3A_220, %dma_start3A_234, %dma_start3A_235, %dma_start3A_236] : memref<6x16x8x128xf32, #tpu.memory_space<vmem>> -> memref<1x16x8x128xf32, #tpu.memory_space<vmem>>
    %dma_start3A_238 = tpu.memref_squeeze %dma_start3A_237 : memref<1x16x8x128xf32, #tpu.memory_space<vmem>> -> memref<16x8x128xf32, #tpu.memory_space<vmem>>
    %dma_start3A_239 = arith.constant 0 : i32
    %dma_start3A_240 = arith.constant 0 : i32
    %dma_start3A_241 = arith.constant 0 : i32
    %dma_start3A_242 = tpu.memref_slice %arg2[%add3A_218, %dma_start3A_219, %dma_start3A_239, %dma_start3A_240, %dma_start3A_241] : memref<128x8x16x8x128xf32, #tpu.memory_space<hbm>> -> memref<1x1x16x8x128xf32, #tpu.memory_space<hbm>>
    %dma_start3A_243 = tpu.memref_squeeze %dma_start3A_242 : memref<1x1x16x8x128xf32, #tpu.memory_space<hbm>> -> memref<16x8x128xf32, #tpu.memory_space<hbm>>
    tpu.enqueue_dma source(%dma_start3A_243 : memref<16x8x128xf32, #tpu.memory_space<hbm>>) target(%dma_start3A_238 : memref<16x8x128xf32, #tpu.memory_space<vmem>>) target_semaphore(%dma_start3A_233 : memref<!tpu.dma_semaphore, #tpu.memory_space<semaphore_mem>>)
    %add3A_244 = arith.constant 0 : i32
    %add3A_245 = arith.addi %mul3A_2, %add3A_244 : i32
    %dma_wait3A_246 = arith.constant 2 : i32
    %dma_wait3A_247 = arith.constant 2 : i32
    %dma_wait3A_248 = arith.constant 2 : i32
    %dma_wait3A_249 = arith.constant 0 : i32
    %dma_wait3A_250 = arith.constant 0 : i32
    %dma_wait3A_251 = arith.constant 0 : i32
    %dma_wait3A_252 = tpu.memref_slice %arg4[%dma_wait3A_247, %dma_wait3A_249, %dma_wait3A_250, %dma_wait3A_251] : memref<6x16x8x128xf32, #tpu.memory_space<vmem>> -> memref<1x16x8x128xf32, #tpu.memory_space<vmem>>
    %dma_wait3A_253 = tpu.memref_squeeze %dma_wait3A_252 : memref<1x16x8x128xf32, #tpu.memory_space<vmem>> -> memref<16x8x128xf32, #tpu.memory_space<vmem>>
    %dma_wait3A_254 = arith.constant 0 : i32
    %dma_wait3A_255 = arith.constant 0 : i32
    %dma_wait3A_256 = arith.constant 0 : i32
    %dma_wait3A_257 = tpu.memref_slice %arg2[%add3A_245, %dma_wait3A_246, %dma_wait3A_254, %dma_wait3A_255, %dma_wait3A_256] : memref<128x8x16x8x128xf32, #tpu.memory_space<hbm>> -> memref<1x1x16x8x128xf32, #tpu.memory_space<hbm>>
    %dma_wait3A_258 = tpu.memref_squeeze %dma_wait3A_257 : memref<1x1x16x8x128xf32, #tpu.memory_space<hbm>> -> memref<16x8x128xf32, #tpu.memory_space<hbm>>
    %dma_wait3A_259 = tpu.memref_slice %arg5[%dma_wait3A_248] : memref<6x!tpu.dma_semaphore, #tpu.memory_space<semaphore_mem>> -> memref<1x!tpu.dma_semaphore, #tpu.memory_space<semaphore_mem>>
    %dma_wait3A_260 = tpu.memref_squeeze %dma_wait3A_259 : memref<1x!tpu.dma_semaphore, #tpu.memory_space<semaphore_mem>> -> memref<!tpu.dma_semaphore, #tpu.memory_space<semaphore_mem>>
    %dma_wait3A_261 = arith.constant 0 : i32
    %dma_wait3A_262 = arith.constant 0 : i32
    %dma_wait3A_263 = arith.constant 0 : i32
    %dma_wait3A_264 = tpu.memref_slice %arg4[%dma_wait3A_247, %dma_wait3A_261, %dma_wait3A_262, %dma_wait3A_263] : memref<6x16x8x128xf32, #tpu.memory_space<vmem>> -> memref<1x16x8x128xf32, #tpu.memory_space<vmem>>
    %dma_wait3A_265 = tpu.memref_squeeze %dma_wait3A_264 : memref<1x16x8x128xf32, #tpu.memory_space<vmem>> -> memref<16x8x128xf32, #tpu.memory_space<vmem>>
    %dma_wait3A_266 = arith.constant 0 : i32
    %dma_wait3A_267 = arith.constant 0 : i32
    %dma_wait3A_268 = arith.constant 0 : i32
    %dma_wait3A_269 = tpu.memref_slice %arg2[%add3A_245, %dma_wait3A_246, %dma_wait3A_266, %dma_wait3A_267, %dma_wait3A_268] : memref<128x8x16x8x128xf32, #tpu.memory_space<hbm>> -> memref<1x1x16x8x128xf32, #tpu.memory_space<hbm>>
    %dma_wait3A_270 = tpu.memref_squeeze %dma_wait3A_269 : memref<1x1x16x8x128xf32, #tpu.memory_space<hbm>> -> memref<16x8x128xf32, #tpu.memory_space<hbm>>
    tpu.wait_dma2 semaphore(%dma_wait3A_260 : memref<!tpu.dma_semaphore, #tpu.memory_space<semaphore_mem>>) src(%dma_wait3A_270 : memref<16x8x128xf32, #tpu.memory_space<hbm>>) dst(%dma_wait3A_265 : memref<16x8x128xf32, #tpu.memory_space<vmem>>)
    %add3A_271 = arith.constant 0 : i32
    %add3A_272 = arith.addi %mul3A_2, %add3A_271 : i32
    %dma_start3A_273 = arith.constant 2 : i32
    %dma_start3A_274 = arith.constant 2 : i32
    %dma_start3A_275 = arith.constant 2 : i32
    %dma_start3A_276 = arith.constant 0 : i32
    %dma_start3A_277 = arith.constant 0 : i32
    %dma_start3A_278 = arith.constant 0 : i32
    %dma_start3A_279 = tpu.memref_slice %arg4[%dma_start3A_273, %dma_start3A_276, %dma_start3A_277, %dma_start3A_278] : memref<6x16x8x128xf32, #tpu.memory_space<vmem>> -> memref<1x16x8x128xf32, #tpu.memory_space<vmem>>
    %dma_start3A_280 = tpu.memref_squeeze %dma_start3A_279 : memref<1x16x8x128xf32, #tpu.memory_space<vmem>> -> memref<16x8x128xf32, #tpu.memory_space<vmem>>
    %dma_start3A_281 = arith.constant 0 : i32
    %dma_start3A_282 = arith.constant 0 : i32
    %dma_start3A_283 = arith.constant 0 : i32
    %dma_start3A_284 = tpu.memref_slice %arg3[%add3A_272, %dma_start3A_274, %dma_start3A_281, %dma_start3A_282, %dma_start3A_283] : memref<128x8x16x8x128xf32, #tpu.memory_space<hbm>> -> memref<1x1x16x8x128xf32, #tpu.memory_space<hbm>>
    %dma_start3A_285 = tpu.memref_squeeze %dma_start3A_284 : memref<1x1x16x8x128xf32, #tpu.memory_space<hbm>> -> memref<16x8x128xf32, #tpu.memory_space<hbm>>
    %dma_start3A_286 = tpu.memref_slice %arg6[%dma_start3A_275] : memref<6x!tpu.dma_semaphore, #tpu.memory_space<semaphore_mem>> -> memref<1x!tpu.dma_semaphore, #tpu.memory_space<semaphore_mem>>
    %dma_start3A_287 = tpu.memref_squeeze %dma_start3A_286 : memref<1x!tpu.dma_semaphore, #tpu.memory_space<semaphore_mem>> -> memref<!tpu.dma_semaphore, #tpu.memory_space<semaphore_mem>>
    %dma_start3A_288 = arith.constant 0 : i32
    %dma_start3A_289 = arith.constant 0 : i32
    %dma_start3A_290 = arith.constant 0 : i32
    %dma_start3A_291 = tpu.memref_slice %arg3[%add3A_272, %dma_start3A_274, %dma_start3A_288, %dma_start3A_289, %dma_start3A_290] : memref<128x8x16x8x128xf32, #tpu.memory_space<hbm>> -> memref<1x1x16x8x128xf32, #tpu.memory_space<hbm>>
    %dma_start3A_292 = tpu.memref_squeeze %dma_start3A_291 : memref<1x1x16x8x128xf32, #tpu.memory_space<hbm>> -> memref<16x8x128xf32, #tpu.memory_space<hbm>>
    %dma_start3A_293 = arith.constant 0 : i32
    %dma_start3A_294 = arith.constant 0 : i32
    %dma_start3A_295 = arith.constant 0 : i32
    %dma_start3A_296 = tpu.memref_slice %arg4[%dma_start3A_273, %dma_start3A_293, %dma_start3A_294, %dma_start3A_295] : memref<6x16x8x128xf32, #tpu.memory_space<vmem>> -> memref<1x16x8x128xf32, #tpu.memory_space<vmem>>
    %dma_start3A_297 = tpu.memref_squeeze %dma_start3A_296 : memref<1x16x8x128xf32, #tpu.memory_space<vmem>> -> memref<16x8x128xf32, #tpu.memory_space<vmem>>
    tpu.enqueue_dma source(%dma_start3A_297 : memref<16x8x128xf32, #tpu.memory_space<vmem>>) target(%dma_start3A_292 : memref<16x8x128xf32, #tpu.memory_space<hbm>>) target_semaphore(%dma_start3A_287 : memref<!tpu.dma_semaphore, #tpu.memory_space<semaphore_mem>>)
    %add3A_298 = arith.constant 0 : i32
    %add3A_299 = arith.addi %mul3A_2, %add3A_298 : i32
    %dma_start3A_300 = arith.constant 5 : i32
    %dma_start3A_301 = arith.constant 5 : i32
    %dma_start3A_302 = arith.constant 5 : i32
    %dma_start3A_303 = arith.constant 0 : i32
    %dma_start3A_304 = arith.constant 0 : i32
    %dma_start3A_305 = arith.constant 0 : i32
    %dma_start3A_306 = tpu.memref_slice %arg4[%dma_start3A_301, %dma_start3A_303, %dma_start3A_304, %dma_start3A_305] : memref<6x16x8x128xf32, #tpu.memory_space<vmem>> -> memref<1x16x8x128xf32, #tpu.memory_space<vmem>>
    %dma_start3A_307 = tpu.memref_squeeze %dma_start3A_306 : memref<1x16x8x128xf32, #tpu.memory_space<vmem>> -> memref<16x8x128xf32, #tpu.memory_space<vmem>>
    %dma_start3A_308 = arith.constant 0 : i32
    %dma_start3A_309 = arith.constant 0 : i32
    %dma_start3A_310 = arith.constant 0 : i32
    %dma_start3A_311 = tpu.memref_slice %arg2[%add3A_299, %dma_start3A_300, %dma_start3A_308, %dma_start3A_309, %dma_start3A_310] : memref<128x8x16x8x128xf32, #tpu.memory_space<hbm>> -> memref<1x1x16x8x128xf32, #tpu.memory_space<hbm>>
    %dma_start3A_312 = tpu.memref_squeeze %dma_start3A_311 : memref<1x1x16x8x128xf32, #tpu.memory_space<hbm>> -> memref<16x8x128xf32, #tpu.memory_space<hbm>>
    %dma_start3A_313 = tpu.memref_slice %arg5[%dma_start3A_302] : memref<6x!tpu.dma_semaphore, #tpu.memory_space<semaphore_mem>> -> memref<1x!tpu.dma_semaphore, #tpu.memory_space<semaphore_mem>>
    %dma_start3A_314 = tpu.memref_squeeze %dma_start3A_313 : memref<1x!tpu.dma_semaphore, #tpu.memory_space<semaphore_mem>> -> memref<!tpu.dma_semaphore, #tpu.memory_space<semaphore_mem>>
    %dma_start3A_315 = arith.constant 0 : i32
    %dma_start3A_316 = arith.constant 0 : i32
    %dma_start3A_317 = arith.constant 0 : i32
    %dma_start3A_318 = tpu.memref_slice %arg4[%dma_start3A_301, %dma_start3A_315, %dma_start3A_316, %dma_start3A_317] : memref<6x16x8x128xf32, #tpu.memory_space<vmem>> -> memref<1x16x8x128xf32, #tpu.memory_space<vmem>>
    %dma_start3A_319 = tpu.memref_squeeze %dma_start3A_318 : memref<1x16x8x128xf32, #tpu.memory_space<vmem>> -> memref<16x8x128xf32, #tpu.memory_space<vmem>>
    %dma_start3A_320 = arith.constant 0 : i32
    %dma_start3A_321 = arith.constant 0 : i32
    %dma_start3A_322 = arith.constant 0 : i32
    %dma_start3A_323 = tpu.memref_slice %arg2[%add3A_299, %dma_start3A_300, %dma_start3A_320, %dma_start3A_321, %dma_start3A_322] : memref<128x8x16x8x128xf32, #tpu.memory_space<hbm>> -> memref<1x1x16x8x128xf32, #tpu.memory_space<hbm>>
    %dma_start3A_324 = tpu.memref_squeeze %dma_start3A_323 : memref<1x1x16x8x128xf32, #tpu.memory_space<hbm>> -> memref<16x8x128xf32, #tpu.memory_space<hbm>>
    tpu.enqueue_dma source(%dma_start3A_324 : memref<16x8x128xf32, #tpu.memory_space<hbm>>) target(%dma_start3A_319 : memref<16x8x128xf32, #tpu.memory_space<vmem>>) target_semaphore(%dma_start3A_314 : memref<!tpu.dma_semaphore, #tpu.memory_space<semaphore_mem>>)
    %add3A_325 = arith.constant 0 : i32
    %add3A_326 = arith.addi %mul3A_2, %add3A_325 : i32
    %dma_wait3A_327 = arith.constant 3 : i32
    %dma_wait3A_328 = arith.constant 3 : i32
    %dma_wait3A_329 = arith.constant 3 : i32
    %dma_wait3A_330 = arith.constant 0 : i32
    %dma_wait3A_331 = arith.constant 0 : i32
    %dma_wait3A_332 = arith.constant 0 : i32
    %dma_wait3A_333 = tpu.memref_slice %arg4[%dma_wait3A_328, %dma_wait3A_330, %dma_wait3A_331, %dma_wait3A_332] : memref<6x16x8x128xf32, #tpu.memory_space<vmem>> -> memref<1x16x8x128xf32, #tpu.memory_space<vmem>>
    %dma_wait3A_334 = tpu.memref_squeeze %dma_wait3A_333 : memref<1x16x8x128xf32, #tpu.memory_space<vmem>> -> memref<16x8x128xf32, #tpu.memory_space<vmem>>
    %dma_wait3A_335 = arith.constant 0 : i32
    %dma_wait3A_336 = arith.constant 0 : i32
    %dma_wait3A_337 = arith.constant 0 : i32
    %dma_wait3A_338 = tpu.memref_slice %arg2[%add3A_326, %dma_wait3A_327, %dma_wait3A_335, %dma_wait3A_336, %dma_wait3A_337] : memref<128x8x16x8x128xf32, #tpu.memory_space<hbm>> -> memref<1x1x16x8x128xf32, #tpu.memory_space<hbm>>
    %dma_wait3A_339 = tpu.memref_squeeze %dma_wait3A_338 : memref<1x1x16x8x128xf32, #tpu.memory_space<hbm>> -> memref<16x8x128xf32, #tpu.memory_space<hbm>>
    %dma_wait3A_340 = tpu.memref_slice %arg5[%dma_wait3A_329] : memref<6x!tpu.dma_semaphore, #tpu.memory_space<semaphore_mem>> -> memref<1x!tpu.dma_semaphore, #tpu.memory_space<semaphore_mem>>
    %dma_wait3A_341 = tpu.memref_squeeze %dma_wait3A_340 : memref<1x!tpu.dma_semaphore, #tpu.memory_space<semaphore_mem>> -> memref<!tpu.dma_semaphore, #tpu.memory_space<semaphore_mem>>
    %dma_wait3A_342 = arith.constant 0 : i32
    %dma_wait3A_343 = arith.constant 0 : i32
    %dma_wait3A_344 = arith.constant 0 : i32
    %dma_wait3A_345 = tpu.memref_slice %arg4[%dma_wait3A_328, %dma_wait3A_342, %dma_wait3A_343, %dma_wait3A_344] : memref<6x16x8x128xf32, #tpu.memory_space<vmem>> -> memref<1x16x8x128xf32, #tpu.memory_space<vmem>>
    %dma_wait3A_346 = tpu.memref_squeeze %dma_wait3A_345 : memref<1x16x8x128xf32, #tpu.memory_space<vmem>> -> memref<16x8x128xf32, #tpu.memory_space<vmem>>
    %dma_wait3A_347 = arith.constant 0 : i32
    %dma_wait3A_348 = arith.constant 0 : i32
    %dma_wait3A_349 = arith.constant 0 : i32
    %dma_wait3A_350 = tpu.memref_slice %arg2[%add3A_326, %dma_wait3A_327, %dma_wait3A_347, %dma_wait3A_348, %dma_wait3A_349] : memref<128x8x16x8x128xf32, #tpu.memory_space<hbm>> -> memref<1x1x16x8x128xf32, #tpu.memory_space<hbm>>
    %dma_wait3A_351 = tpu.memref_squeeze %dma_wait3A_350 : memref<1x1x16x8x128xf32, #tpu.memory_space<hbm>> -> memref<16x8x128xf32, #tpu.memory_space<hbm>>
    tpu.wait_dma2 semaphore(%dma_wait3A_341 : memref<!tpu.dma_semaphore, #tpu.memory_space<semaphore_mem>>) src(%dma_wait3A_351 : memref<16x8x128xf32, #tpu.memory_space<hbm>>) dst(%dma_wait3A_346 : memref<16x8x128xf32, #tpu.memory_space<vmem>>)
    %add3A_352 = arith.constant 0 : i32
    %add3A_353 = arith.addi %mul3A_2, %add3A_352 : i32
    %dma_start3A_354 = arith.constant 3 : i32
    %dma_start3A_355 = arith.constant 3 : i32
    %dma_start3A_356 = arith.constant 3 : i32
    %dma_start3A_357 = arith.constant 0 : i32
    %dma_start3A_358 = arith.constant 0 : i32
    %dma_start3A_359 = arith.constant 0 : i32
    %dma_start3A_360 = tpu.memref_slice %arg4[%dma_start3A_354, %dma_start3A_357, %dma_start3A_358, %dma_start3A_359] : memref<6x16x8x128xf32, #tpu.memory_space<vmem>> -> memref<1x16x8x128xf32, #tpu.memory_space<vmem>>
    %dma_start3A_361 = tpu.memref_squeeze %dma_start3A_360 : memref<1x16x8x128xf32, #tpu.memory_space<vmem>> -> memref<16x8x128xf32, #tpu.memory_space<vmem>>
    %dma_start3A_362 = arith.constant 0 : i32
    %dma_start3A_363 = arith.constant 0 : i32
    %dma_start3A_364 = arith.constant 0 : i32
    %dma_start3A_365 = tpu.memref_slice %arg3[%add3A_353, %dma_start3A_355, %dma_start3A_362, %dma_start3A_363, %dma_start3A_364] : memref<128x8x16x8x128xf32, #tpu.memory_space<hbm>> -> memref<1x1x16x8x128xf32, #tpu.memory_space<hbm>>
    %dma_start3A_366 = tpu.memref_squeeze %dma_start3A_365 : memref<1x1x16x8x128xf32, #tpu.memory_space<hbm>> -> memref<16x8x128xf32, #tpu.memory_space<hbm>>
    %dma_start3A_367 = tpu.memref_slice %arg6[%dma_start3A_356] : memref<6x!tpu.dma_semaphore, #tpu.memory_space<semaphore_mem>> -> memref<1x!tpu.dma_semaphore, #tpu.memory_space<semaphore_mem>>
    %dma_start3A_368 = tpu.memref_squeeze %dma_start3A_367 : memref<1x!tpu.dma_semaphore, #tpu.memory_space<semaphore_mem>> -> memref<!tpu.dma_semaphore, #tpu.memory_space<semaphore_mem>>
    %dma_start3A_369 = arith.constant 0 : i32
    %dma_start3A_370 = arith.constant 0 : i32
    %dma_start3A_371 = arith.constant 0 : i32
    %dma_start3A_372 = tpu.memref_slice %arg3[%add3A_353, %dma_start3A_355, %dma_start3A_369, %dma_start3A_370, %dma_start3A_371] : memref<128x8x16x8x128xf32, #tpu.memory_space<hbm>> -> memref<1x1x16x8x128xf32, #tpu.memory_space<hbm>>
    %dma_start3A_373 = tpu.memref_squeeze %dma_start3A_372 : memref<1x1x16x8x128xf32, #tpu.memory_space<hbm>> -> memref<16x8x128xf32, #tpu.memory_space<hbm>>
    %dma_start3A_374 = arith.constant 0 : i32
    %dma_start3A_375 = arith.constant 0 : i32
    %dma_start3A_376 = arith.constant 0 : i32
    %dma_start3A_377 = tpu.memref_slice %arg4[%dma_start3A_354, %dma_start3A_374, %dma_start3A_375, %dma_start3A_376] : memref<6x16x8x128xf32, #tpu.memory_space<vmem>> -> memref<1x16x8x128xf32, #tpu.memory_space<vmem>>
    %dma_start3A_378 = tpu.memref_squeeze %dma_start3A_377 : memref<1x16x8x128xf32, #tpu.memory_space<vmem>> -> memref<16x8x128xf32, #tpu.memory_space<vmem>>
    tpu.enqueue_dma source(%dma_start3A_378 : memref<16x8x128xf32, #tpu.memory_space<vmem>>) target(%dma_start3A_373 : memref<16x8x128xf32, #tpu.memory_space<hbm>>) target_semaphore(%dma_start3A_368 : memref<!tpu.dma_semaphore, #tpu.memory_space<semaphore_mem>>)
    %add3A_379 = arith.constant 0 : i32
    %add3A_380 = arith.addi %mul3A_2, %add3A_379 : i32
    %dma_wait3A_381 = arith.constant 0 : i32
    %dma_wait3A_382 = arith.constant 0 : i32
    %dma_wait3A_383 = arith.constant 0 : i32
    %dma_wait3A_384 = arith.constant 0 : i32
    %dma_wait3A_385 = arith.constant 0 : i32
    %dma_wait3A_386 = arith.constant 0 : i32
    %dma_wait3A_387 = tpu.memref_slice %arg4[%dma_wait3A_381, %dma_wait3A_384, %dma_wait3A_385, %dma_wait3A_386] : memref<6x16x8x128xf32, #tpu.memory_space<vmem>> -> memref<1x16x8x128xf32, #tpu.memory_space<vmem>>
    %dma_wait3A_388 = tpu.memref_squeeze %dma_wait3A_387 : memref<1x16x8x128xf32, #tpu.memory_space<vmem>> -> memref<16x8x128xf32, #tpu.memory_space<vmem>>
    %dma_wait3A_389 = arith.constant 0 : i32
    %dma_wait3A_390 = arith.constant 0 : i32
    %dma_wait3A_391 = arith.constant 0 : i32
    %dma_wait3A_392 = tpu.memref_slice %arg3[%add3A_380, %dma_wait3A_382, %dma_wait3A_389, %dma_wait3A_390, %dma_wait3A_391] : memref<128x8x16x8x128xf32, #tpu.memory_space<hbm>> -> memref<1x1x16x8x128xf32, #tpu.memory_space<hbm>>
    %dma_wait3A_393 = tpu.memref_squeeze %dma_wait3A_392 : memref<1x1x16x8x128xf32, #tpu.memory_space<hbm>> -> memref<16x8x128xf32, #tpu.memory_space<hbm>>
    %dma_wait3A_394 = tpu.memref_slice %arg6[%dma_wait3A_383] : memref<6x!tpu.dma_semaphore, #tpu.memory_space<semaphore_mem>> -> memref<1x!tpu.dma_semaphore, #tpu.memory_space<semaphore_mem>>
    %dma_wait3A_395 = tpu.memref_squeeze %dma_wait3A_394 : memref<1x!tpu.dma_semaphore, #tpu.memory_space<semaphore_mem>> -> memref<!tpu.dma_semaphore, #tpu.memory_space<semaphore_mem>>
    %dma_wait3A_396 = arith.constant 0 : i32
    %dma_wait3A_397 = arith.constant 0 : i32
    %dma_wait3A_398 = arith.constant 0 : i32
    %dma_wait3A_399 = tpu.memref_slice %arg3[%add3A_380, %dma_wait3A_382, %dma_wait3A_396, %dma_wait3A_397, %dma_wait3A_398] : memref<128x8x16x8x128xf32, #tpu.memory_space<hbm>> -> memref<1x1x16x8x128xf32, #tpu.memory_space<hbm>>
    %dma_wait3A_400 = tpu.memref_squeeze %dma_wait3A_399 : memref<1x1x16x8x128xf32, #tpu.memory_space<hbm>> -> memref<16x8x128xf32, #tpu.memory_space<hbm>>
    %dma_wait3A_401 = arith.constant 0 : i32
    %dma_wait3A_402 = arith.constant 0 : i32
    %dma_wait3A_403 = arith.constant 0 : i32
    %dma_wait3A_404 = tpu.memref_slice %arg4[%dma_wait3A_381, %dma_wait3A_401, %dma_wait3A_402, %dma_wait3A_403] : memref<6x16x8x128xf32, #tpu.memory_space<vmem>> -> memref<1x16x8x128xf32, #tpu.memory_space<vmem>>
    %dma_wait3A_405 = tpu.memref_squeeze %dma_wait3A_404 : memref<1x16x8x128xf32, #tpu.memory_space<vmem>> -> memref<16x8x128xf32, #tpu.memory_space<vmem>>
    tpu.wait_dma2 semaphore(%dma_wait3A_395 : memref<!tpu.dma_semaphore, #tpu.memory_space<semaphore_mem>>) src(%dma_wait3A_405 : memref<16x8x128xf32, #tpu.memory_space<vmem>>) dst(%dma_wait3A_400 : memref<16x8x128xf32, #tpu.memory_space<hbm>>)
    %add3A_406 = arith.constant 0 : i32
    %add3A_407 = arith.addi %mul3A_2, %add3A_406 : i32
    %dma_start3A_408 = arith.constant 6 : i32
    %dma_start3A_409 = arith.constant 0 : i32
    %dma_start3A_410 = arith.constant 0 : i32
    %dma_start3A_411 = arith.constant 0 : i32
    %dma_start3A_412 = arith.constant 0 : i32
    %dma_start3A_413 = arith.constant 0 : i32
    %dma_start3A_414 = tpu.memref_slice %arg4[%dma_start3A_409, %dma_start3A_411, %dma_start3A_412, %dma_start3A_413] : memref<6x16x8x128xf32, #tpu.memory_space<vmem>> -> memref<1x16x8x128xf32, #tpu.memory_space<vmem>>
    %dma_start3A_415 = tpu.memref_squeeze %dma_start3A_414 : memref<1x16x8x128xf32, #tpu.memory_space<vmem>> -> memref<16x8x128xf32, #tpu.memory_space<vmem>>
    %dma_start3A_416 = arith.constant 0 : i32
    %dma_start3A_417 = arith.constant 0 : i32
    %dma_start3A_418 = arith.constant 0 : i32
    %dma_start3A_419 = tpu.memref_slice %arg2[%add3A_407, %dma_start3A_408, %dma_start3A_416, %dma_start3A_417, %dma_start3A_418] : memref<128x8x16x8x128xf32, #tpu.memory_space<hbm>> -> memref<1x1x16x8x128xf32, #tpu.memory_space<hbm>>
    %dma_start3A_420 = tpu.memref_squeeze %dma_start3A_419 : memref<1x1x16x8x128xf32, #tpu.memory_space<hbm>> -> memref<16x8x128xf32, #tpu.memory_space<hbm>>
    %dma_start3A_421 = tpu.memref_slice %arg5[%dma_start3A_410] : memref<6x!tpu.dma_semaphore, #tpu.memory_space<semaphore_mem>> -> memref<1x!tpu.dma_semaphore, #tpu.memory_space<semaphore_mem>>
    %dma_start3A_422 = tpu.memref_squeeze %dma_start3A_421 : memref<1x!tpu.dma_semaphore, #tpu.memory_space<semaphore_mem>> -> memref<!tpu.dma_semaphore, #tpu.memory_space<semaphore_mem>>
    %dma_start3A_423 = arith.constant 0 : i32
    %dma_start3A_424 = arith.constant 0 : i32
    %dma_start3A_425 = arith.constant 0 : i32
    %dma_start3A_426 = tpu.memref_slice %arg4[%dma_start3A_409, %dma_start3A_423, %dma_start3A_424, %dma_start3A_425] : memref<6x16x8x128xf32, #tpu.memory_space<vmem>> -> memref<1x16x8x128xf32, #tpu.memory_space<vmem>>
    %dma_start3A_427 = tpu.memref_squeeze %dma_start3A_426 : memref<1x16x8x128xf32, #tpu.memory_space<vmem>> -> memref<16x8x128xf32, #tpu.memory_space<vmem>>
    %dma_start3A_428 = arith.constant 0 : i32
    %dma_start3A_429 = arith.constant 0 : i32
    %dma_start3A_430 = arith.constant 0 : i32
    %dma_start3A_431 = tpu.memref_slice %arg2[%add3A_407, %dma_start3A_408, %dma_start3A_428, %dma_start3A_429, %dma_start3A_430] : memref<128x8x16x8x128xf32, #tpu.memory_space<hbm>> -> memref<1x1x16x8x128xf32, #tpu.memory_space<hbm>>
    %dma_start3A_432 = tpu.memref_squeeze %dma_start3A_431 : memref<1x1x16x8x128xf32, #tpu.memory_space<hbm>> -> memref<16x8x128xf32, #tpu.memory_space<hbm>>
    tpu.enqueue_dma source(%dma_start3A_432 : memref<16x8x128xf32, #tpu.memory_space<hbm>>) target(%dma_start3A_427 : memref<16x8x128xf32, #tpu.memory_space<vmem>>) target_semaphore(%dma_start3A_422 : memref<!tpu.dma_semaphore, #tpu.memory_space<semaphore_mem>>)
    %add3A_433 = arith.constant 0 : i32
    %add3A_434 = arith.addi %mul3A_2, %add3A_433 : i32
    %dma_wait3A_435 = arith.constant 4 : i32
    %dma_wait3A_436 = arith.constant 4 : i32
    %dma_wait3A_437 = arith.constant 4 : i32
    %dma_wait3A_438 = arith.constant 0 : i32
    %dma_wait3A_439 = arith.constant 0 : i32
    %dma_wait3A_440 = arith.constant 0 : i32
    %dma_wait3A_441 = tpu.memref_slice %arg4[%dma_wait3A_436, %dma_wait3A_438, %dma_wait3A_439, %dma_wait3A_440] : memref<6x16x8x128xf32, #tpu.memory_space<vmem>> -> memref<1x16x8x128xf32, #tpu.memory_space<vmem>>
    %dma_wait3A_442 = tpu.memref_squeeze %dma_wait3A_441 : memref<1x16x8x128xf32, #tpu.memory_space<vmem>> -> memref<16x8x128xf32, #tpu.memory_space<vmem>>
    %dma_wait3A_443 = arith.constant 0 : i32
    %dma_wait3A_444 = arith.constant 0 : i32
    %dma_wait3A_445 = arith.constant 0 : i32
    %dma_wait3A_446 = tpu.memref_slice %arg2[%add3A_434, %dma_wait3A_435, %dma_wait3A_443, %dma_wait3A_444, %dma_wait3A_445] : memref<128x8x16x8x128xf32, #tpu.memory_space<hbm>> -> memref<1x1x16x8x128xf32, #tpu.memory_space<hbm>>
    %dma_wait3A_447 = tpu.memref_squeeze %dma_wait3A_446 : memref<1x1x16x8x128xf32, #tpu.memory_space<hbm>> -> memref<16x8x128xf32, #tpu.memory_space<hbm>>
    %dma_wait3A_448 = tpu.memref_slice %arg5[%dma_wait3A_437] : memref<6x!tpu.dma_semaphore, #tpu.memory_space<semaphore_mem>> -> memref<1x!tpu.dma_semaphore, #tpu.memory_space<semaphore_mem>>
    %dma_wait3A_449 = tpu.memref_squeeze %dma_wait3A_448 : memref<1x!tpu.dma_semaphore, #tpu.memory_space<semaphore_mem>> -> memref<!tpu.dma_semaphore, #tpu.memory_space<semaphore_mem>>
    %dma_wait3A_450 = arith.constant 0 : i32
    %dma_wait3A_451 = arith.constant 0 : i32
    %dma_wait3A_452 = arith.constant 0 : i32
    %dma_wait3A_453 = tpu.memref_slice %arg4[%dma_wait3A_436, %dma_wait3A_450, %dma_wait3A_451, %dma_wait3A_452] : memref<6x16x8x128xf32, #tpu.memory_space<vmem>> -> memref<1x16x8x128xf32, #tpu.memory_space<vmem>>
    %dma_wait3A_454 = tpu.memref_squeeze %dma_wait3A_453 : memref<1x16x8x128xf32, #tpu.memory_space<vmem>> -> memref<16x8x128xf32, #tpu.memory_space<vmem>>
    %dma_wait3A_455 = arith.constant 0 : i32
    %dma_wait3A_456 = arith.constant 0 : i32
    %dma_wait3A_457 = arith.constant 0 : i32
    %dma_wait3A_458 = tpu.memref_slice %arg2[%add3A_434, %dma_wait3A_435, %dma_wait3A_455, %dma_wait3A_456, %dma_wait3A_457] : memref<128x8x16x8x128xf32, #tpu.memory_space<hbm>> -> memref<1x1x16x8x128xf32, #tpu.memory_space<hbm>>
    %dma_wait3A_459 = tpu.memref_squeeze %dma_wait3A_458 : memref<1x1x16x8x128xf32, #tpu.memory_space<hbm>> -> memref<16x8x128xf32, #tpu.memory_space<hbm>>
    tpu.wait_dma2 semaphore(%dma_wait3A_449 : memref<!tpu.dma_semaphore, #tpu.memory_space<semaphore_mem>>) src(%dma_wait3A_459 : memref<16x8x128xf32, #tpu.memory_space<hbm>>) dst(%dma_wait3A_454 : memref<16x8x128xf32, #tpu.memory_space<vmem>>)
    %add3A_460 = arith.constant 0 : i32
    %add3A_461 = arith.addi %mul3A_2, %add3A_460 : i32
    %dma_start3A_462 = arith.constant 4 : i32
    %dma_start3A_463 = arith.constant 4 : i32
    %dma_start3A_464 = arith.constant 4 : i32
    %dma_start3A_465 = arith.constant 0 : i32
    %dma_start3A_466 = arith.constant 0 : i32
    %dma_start3A_467 = arith.constant 0 : i32
    %dma_start3A_468 = tpu.memref_slice %arg4[%dma_start3A_462, %dma_start3A_465, %dma_start3A_466, %dma_start3A_467] : memref<6x16x8x128xf32, #tpu.memory_space<vmem>> -> memref<1x16x8x128xf32, #tpu.memory_space<vmem>>
    %dma_start3A_469 = tpu.memref_squeeze %dma_start3A_468 : memref<1x16x8x128xf32, #tpu.memory_space<vmem>> -> memref<16x8x128xf32, #tpu.memory_space<vmem>>
    %dma_start3A_470 = arith.constant 0 : i32
    %dma_start3A_471 = arith.constant 0 : i32
    %dma_start3A_472 = arith.constant 0 : i32
    %dma_start3A_473 = tpu.memref_slice %arg3[%add3A_461, %dma_start3A_463, %dma_start3A_470, %dma_start3A_471, %dma_start3A_472] : memref<128x8x16x8x128xf32, #tpu.memory_space<hbm>> -> memref<1x1x16x8x128xf32, #tpu.memory_space<hbm>>
    %dma_start3A_474 = tpu.memref_squeeze %dma_start3A_473 : memref<1x1x16x8x128xf32, #tpu.memory_space<hbm>> -> memref<16x8x128xf32, #tpu.memory_space<hbm>>
    %dma_start3A_475 = tpu.memref_slice %arg6[%dma_start3A_464] : memref<6x!tpu.dma_semaphore, #tpu.memory_space<semaphore_mem>> -> memref<1x!tpu.dma_semaphore, #tpu.memory_space<semaphore_mem>>
    %dma_start3A_476 = tpu.memref_squeeze %dma_start3A_475 : memref<1x!tpu.dma_semaphore, #tpu.memory_space<semaphore_mem>> -> memref<!tpu.dma_semaphore, #tpu.memory_space<semaphore_mem>>
    %dma_start3A_477 = arith.constant 0 : i32
    %dma_start3A_478 = arith.constant 0 : i32
    %dma_start3A_479 = arith.constant 0 : i32
    %dma_start3A_480 = tpu.memref_slice %arg3[%add3A_461, %dma_start3A_463, %dma_start3A_477, %dma_start3A_478, %dma_start3A_479] : memref<128x8x16x8x128xf32, #tpu.memory_space<hbm>> -> memref<1x1x16x8x128xf32, #tpu.memory_space<hbm>>
    %dma_start3A_481 = tpu.memref_squeeze %dma_start3A_480 : memref<1x1x16x8x128xf32, #tpu.memory_space<hbm>> -> memref<16x8x128xf32, #tpu.memory_space<hbm>>
    %dma_start3A_482 = arith.constant 0 : i32
    %dma_start3A_483 = arith.constant 0 : i32
    %dma_start3A_484 = arith.constant 0 : i32
    %dma_start3A_485 = tpu.memref_slice %arg4[%dma_start3A_462, %dma_start3A_482, %dma_start3A_483, %dma_start3A_484] : memref<6x16x8x128xf32, #tpu.memory_space<vmem>> -> memref<1x16x8x128xf32, #tpu.memory_space<vmem>>
    %dma_start3A_486 = tpu.memref_squeeze %dma_start3A_485 : memref<1x16x8x128xf32, #tpu.memory_space<vmem>> -> memref<16x8x128xf32, #tpu.memory_space<vmem>>
    tpu.enqueue_dma source(%dma_start3A_486 : memref<16x8x128xf32, #tpu.memory_space<vmem>>) target(%dma_start3A_481 : memref<16x8x128xf32, #tpu.memory_space<hbm>>) target_semaphore(%dma_start3A_476 : memref<!tpu.dma_semaphore, #tpu.memory_space<semaphore_mem>>)
    %add3A_487 = arith.constant 0 : i32
    %add3A_488 = arith.addi %mul3A_2, %add3A_487 : i32
    %dma_wait3A_489 = arith.constant 1 : i32
    %dma_wait3A_490 = arith.constant 1 : i32
    %dma_wait3A_491 = arith.constant 1 : i32
    %dma_wait3A_492 = arith.constant 0 : i32
    %dma_wait3A_493 = arith.constant 0 : i32
    %dma_wait3A_494 = arith.constant 0 : i32
    %dma_wait3A_495 = tpu.memref_slice %arg4[%dma_wait3A_489, %dma_wait3A_492, %dma_wait3A_493, %dma_wait3A_494] : memref<6x16x8x128xf32, #tpu.memory_space<vmem>> -> memref<1x16x8x128xf32, #tpu.memory_space<vmem>>
    %dma_wait3A_496 = tpu.memref_squeeze %dma_wait3A_495 : memref<1x16x8x128xf32, #tpu.memory_space<vmem>> -> memref<16x8x128xf32, #tpu.memory_space<vmem>>
    %dma_wait3A_497 = arith.constant 0 : i32
    %dma_wait3A_498 = arith.constant 0 : i32
    %dma_wait3A_499 = arith.constant 0 : i32
    %dma_wait3A_500 = tpu.memref_slice %arg3[%add3A_488, %dma_wait3A_490, %dma_wait3A_497, %dma_wait3A_498, %dma_wait3A_499] : memref<128x8x16x8x128xf32, #tpu.memory_space<hbm>> -> memref<1x1x16x8x128xf32, #tpu.memory_space<hbm>>
    %dma_wait3A_501 = tpu.memref_squeeze %dma_wait3A_500 : memref<1x1x16x8x128xf32, #tpu.memory_space<hbm>> -> memref<16x8x128xf32, #tpu.memory_space<hbm>>
    %dma_wait3A_502 = tpu.memref_slice %arg6[%dma_wait3A_491] : memref<6x!tpu.dma_semaphore, #tpu.memory_space<semaphore_mem>> -> memref<1x!tpu.dma_semaphore, #tpu.memory_space<semaphore_mem>>
    %dma_wait3A_503 = tpu.memref_squeeze %dma_wait3A_502 : memref<1x!tpu.dma_semaphore, #tpu.memory_space<semaphore_mem>> -> memref<!tpu.dma_semaphore, #tpu.memory_space<semaphore_mem>>
    %dma_wait3A_504 = arith.constant 0 : i32
    %dma_wait3A_505 = arith.constant 0 : i32
    %dma_wait3A_506 = arith.constant 0 : i32
    %dma_wait3A_507 = tpu.memref_slice %arg3[%add3A_488, %dma_wait3A_490, %dma_wait3A_504, %dma_wait3A_505, %dma_wait3A_506] : memref<128x8x16x8x128xf32, #tpu.memory_space<hbm>> -> memref<1x1x16x8x128xf32, #tpu.memory_space<hbm>>
    %dma_wait3A_508 = tpu.memref_squeeze %dma_wait3A_507 : memref<1x1x16x8x128xf32, #tpu.memory_space<hbm>> -> memref<16x8x128xf32, #tpu.memory_space<hbm>>
    %dma_wait3A_509 = arith.constant 0 : i32
    %dma_wait3A_510 = arith.constant 0 : i32
    %dma_wait3A_511 = arith.constant 0 : i32
    %dma_wait3A_512 = tpu.memref_slice %arg4[%dma_wait3A_489, %dma_wait3A_509, %dma_wait3A_510, %dma_wait3A_511] : memref<6x16x8x128xf32, #tpu.memory_space<vmem>> -> memref<1x16x8x128xf32, #tpu.memory_space<vmem>>
    %dma_wait3A_513 = tpu.memref_squeeze %dma_wait3A_512 : memref<1x16x8x128xf32, #tpu.memory_space<vmem>> -> memref<16x8x128xf32, #tpu.memory_space<vmem>>
    tpu.wait_dma2 semaphore(%dma_wait3A_503 : memref<!tpu.dma_semaphore, #tpu.memory_space<semaphore_mem>>) src(%dma_wait3A_513 : memref<16x8x128xf32, #tpu.memory_space<vmem>>) dst(%dma_wait3A_508 : memref<16x8x128xf32, #tpu.memory_space<hbm>>)
    %add3A_514 = arith.constant 0 : i32
    %add3A_515 = arith.addi %mul3A_2, %add3A_514 : i32
    %dma_start3A_516 = arith.constant 7 : i32
    %dma_start3A_517 = arith.constant 1 : i32
    %dma_start3A_518 = arith.constant 1 : i32
    %dma_start3A_519 = arith.constant 0 : i32
    %dma_start3A_520 = arith.constant 0 : i32
    %dma_start3A_521 = arith.constant 0 : i32
    %dma_start3A_522 = tpu.memref_slice %arg4[%dma_start3A_517, %dma_start3A_519, %dma_start3A_520, %dma_start3A_521] : memref<6x16x8x128xf32, #tpu.memory_space<vmem>> -> memref<1x16x8x128xf32, #tpu.memory_space<vmem>>
    %dma_start3A_523 = tpu.memref_squeeze %dma_start3A_522 : memref<1x16x8x128xf32, #tpu.memory_space<vmem>> -> memref<16x8x128xf32, #tpu.memory_space<vmem>>
    %dma_start3A_524 = arith.constant 0 : i32
    %dma_start3A_525 = arith.constant 0 : i32
    %dma_start3A_526 = arith.constant 0 : i32
    %dma_start3A_527 = tpu.memref_slice %arg2[%add3A_515, %dma_start3A_516, %dma_start3A_524, %dma_start3A_525, %dma_start3A_526] : memref<128x8x16x8x128xf32, #tpu.memory_space<hbm>> -> memref<1x1x16x8x128xf32, #tpu.memory_space<hbm>>
    %dma_start3A_528 = tpu.memref_squeeze %dma_start3A_527 : memref<1x1x16x8x128xf32, #tpu.memory_space<hbm>> -> memref<16x8x128xf32, #tpu.memory_space<hbm>>
    %dma_start3A_529 = tpu.memref_slice %arg5[%dma_start3A_518] : memref<6x!tpu.dma_semaphore, #tpu.memory_space<semaphore_mem>> -> memref<1x!tpu.dma_semaphore, #tpu.memory_space<semaphore_mem>>
    %dma_start3A_530 = tpu.memref_squeeze %dma_start3A_529 : memref<1x!tpu.dma_semaphore, #tpu.memory_space<semaphore_mem>> -> memref<!tpu.dma_semaphore, #tpu.memory_space<semaphore_mem>>
    %dma_start3A_531 = arith.constant 0 : i32
    %dma_start3A_532 = arith.constant 0 : i32
    %dma_start3A_533 = arith.constant 0 : i32
    %dma_start3A_534 = tpu.memref_slice %arg4[%dma_start3A_517, %dma_start3A_531, %dma_start3A_532, %dma_start3A_533] : memref<6x16x8x128xf32, #tpu.memory_space<vmem>> -> memref<1x16x8x128xf32, #tpu.memory_space<vmem>>
    %dma_start3A_535 = tpu.memref_squeeze %dma_start3A_534 : memref<1x16x8x128xf32, #tpu.memory_space<vmem>> -> memref<16x8x128xf32, #tpu.memory_space<vmem>>
    %dma_start3A_536 = arith.constant 0 : i32
    %dma_start3A_537 = arith.constant 0 : i32
    %dma_start3A_538 = arith.constant 0 : i32
    %dma_start3A_539 = tpu.memref_slice %arg2[%add3A_515, %dma_start3A_516, %dma_start3A_536, %dma_start3A_537, %dma_start3A_538] : memref<128x8x16x8x128xf32, #tpu.memory_space<hbm>> -> memref<1x1x16x8x128xf32, #tpu.memory_space<hbm>>
    %dma_start3A_540 = tpu.memref_squeeze %dma_start3A_539 : memref<1x1x16x8x128xf32, #tpu.memory_space<hbm>> -> memref<16x8x128xf32, #tpu.memory_space<hbm>>
    tpu.enqueue_dma source(%dma_start3A_540 : memref<16x8x128xf32, #tpu.memory_space<hbm>>) target(%dma_start3A_535 : memref<16x8x128xf32, #tpu.memory_space<vmem>>) target_semaphore(%dma_start3A_530 : memref<!tpu.dma_semaphore, #tpu.memory_space<semaphore_mem>>)
    %add3A_541 = arith.constant 0 : i32
    %add3A_542 = arith.addi %mul3A_2, %add3A_541 : i32
    %dma_wait3A_543 = arith.constant 5 : i32
    %dma_wait3A_544 = arith.constant 5 : i32
    %dma_wait3A_545 = arith.constant 5 : i32
    %dma_wait3A_546 = arith.constant 0 : i32
    %dma_wait3A_547 = arith.constant 0 : i32
    %dma_wait3A_548 = arith.constant 0 : i32
    %dma_wait3A_549 = tpu.memref_slice %arg4[%dma_wait3A_544, %dma_wait3A_546, %dma_wait3A_547, %dma_wait3A_548] : memref<6x16x8x128xf32, #tpu.memory_space<vmem>> -> memref<1x16x8x128xf32, #tpu.memory_space<vmem>>
    %dma_wait3A_550 = tpu.memref_squeeze %dma_wait3A_549 : memref<1x16x8x128xf32, #tpu.memory_space<vmem>> -> memref<16x8x128xf32, #tpu.memory_space<vmem>>
    %dma_wait3A_551 = arith.constant 0 : i32
    %dma_wait3A_552 = arith.constant 0 : i32
    %dma_wait3A_553 = arith.constant 0 : i32
    %dma_wait3A_554 = tpu.memref_slice %arg2[%add3A_542, %dma_wait3A_543, %dma_wait3A_551, %dma_wait3A_552, %dma_wait3A_553] : memref<128x8x16x8x128xf32, #tpu.memory_space<hbm>> -> memref<1x1x16x8x128xf32, #tpu.memory_space<hbm>>
    %dma_wait3A_555 = tpu.memref_squeeze %dma_wait3A_554 : memref<1x1x16x8x128xf32, #tpu.memory_space<hbm>> -> memref<16x8x128xf32, #tpu.memory_space<hbm>>
    %dma_wait3A_556 = tpu.memref_slice %arg5[%dma_wait3A_545] : memref<6x!tpu.dma_semaphore, #tpu.memory_space<semaphore_mem>> -> memref<1x!tpu.dma_semaphore, #tpu.memory_space<semaphore_mem>>
    %dma_wait3A_557 = tpu.memref_squeeze %dma_wait3A_556 : memref<1x!tpu.dma_semaphore, #tpu.memory_space<semaphore_mem>> -> memref<!tpu.dma_semaphore, #tpu.memory_space<semaphore_mem>>
    %dma_wait3A_558 = arith.constant 0 : i32
    %dma_wait3A_559 = arith.constant 0 : i32
    %dma_wait3A_560 = arith.constant 0 : i32
    %dma_wait3A_561 = tpu.memref_slice %arg4[%dma_wait3A_544, %dma_wait3A_558, %dma_wait3A_559, %dma_wait3A_560] : memref<6x16x8x128xf32, #tpu.memory_space<vmem>> -> memref<1x16x8x128xf32, #tpu.memory_space<vmem>>
    %dma_wait3A_562 = tpu.memref_squeeze %dma_wait3A_561 : memref<1x16x8x128xf32, #tpu.memory_space<vmem>> -> memref<16x8x128xf32, #tpu.memory_space<vmem>>
    %dma_wait3A_563 = arith.constant 0 : i32
    %dma_wait3A_564 = arith.constant 0 : i32
    %dma_wait3A_565 = arith.constant 0 : i32
    %dma_wait3A_566 = tpu.memref_slice %arg2[%add3A_542, %dma_wait3A_543, %dma_wait3A_563, %dma_wait3A_564, %dma_wait3A_565] : memref<128x8x16x8x128xf32, #tpu.memory_space<hbm>> -> memref<1x1x16x8x128xf32, #tpu.memory_space<hbm>>
    %dma_wait3A_567 = tpu.memref_squeeze %dma_wait3A_566 : memref<1x1x16x8x128xf32, #tpu.memory_space<hbm>> -> memref<16x8x128xf32, #tpu.memory_space<hbm>>
    tpu.wait_dma2 semaphore(%dma_wait3A_557 : memref<!tpu.dma_semaphore, #tpu.memory_space<semaphore_mem>>) src(%dma_wait3A_567 : memref<16x8x128xf32, #tpu.memory_space<hbm>>) dst(%dma_wait3A_562 : memref<16x8x128xf32, #tpu.memory_space<vmem>>)
    %add3A_568 = arith.constant 0 : i32
    %add3A_569 = arith.addi %mul3A_2, %add3A_568 : i32
    %dma_start3A_570 = arith.constant 5 : i32
    %dma_start3A_571 = arith.constant 5 : i32
    %dma_start3A_572 = arith.constant 5 : i32
    %dma_start3A_573 = arith.constant 0 : i32
    %dma_start3A_574 = arith.constant 0 : i32
    %dma_start3A_575 = arith.constant 0 : i32
    %dma_start3A_576 = tpu.memref_slice %arg4[%dma_start3A_570, %dma_start3A_573, %dma_start3A_574, %dma_start3A_575] : memref<6x16x8x128xf32, #tpu.memory_space<vmem>> -> memref<1x16x8x128xf32, #tpu.memory_space<vmem>>
    %dma_start3A_577 = tpu.memref_squeeze %dma_start3A_576 : memref<1x16x8x128xf32, #tpu.memory_space<vmem>> -> memref<16x8x128xf32, #tpu.memory_space<vmem>>
    %dma_start3A_578 = arith.constant 0 : i32
    %dma_start3A_579 = arith.constant 0 : i32
    %dma_start3A_580 = arith.constant 0 : i32
    %dma_start3A_581 = tpu.memref_slice %arg3[%add3A_569, %dma_start3A_571, %dma_start3A_578, %dma_start3A_579, %dma_start3A_580] : memref<128x8x16x8x128xf32, #tpu.memory_space<hbm>> -> memref<1x1x16x8x128xf32, #tpu.memory_space<hbm>>
    %dma_start3A_582 = tpu.memref_squeeze %dma_start3A_581 : memref<1x1x16x8x128xf32, #tpu.memory_space<hbm>> -> memref<16x8x128xf32, #tpu.memory_space<hbm>>
    %dma_start3A_583 = tpu.memref_slice %arg6[%dma_start3A_572] : memref<6x!tpu.dma_semaphore, #tpu.memory_space<semaphore_mem>> -> memref<1x!tpu.dma_semaphore, #tpu.memory_space<semaphore_mem>>
    %dma_start3A_584 = tpu.memref_squeeze %dma_start3A_583 : memref<1x!tpu.dma_semaphore, #tpu.memory_space<semaphore_mem>> -> memref<!tpu.dma_semaphore, #tpu.memory_space<semaphore_mem>>
    %dma_start3A_585 = arith.constant 0 : i32
    %dma_start3A_586 = arith.constant 0 : i32
    %dma_start3A_587 = arith.constant 0 : i32
    %dma_start3A_588 = tpu.memref_slice %arg3[%add3A_569, %dma_start3A_571, %dma_start3A_585, %dma_start3A_586, %dma_start3A_587] : memref<128x8x16x8x128xf32, #tpu.memory_space<hbm>> -> memref<1x1x16x8x128xf32, #tpu.memory_space<hbm>>
    %dma_start3A_589 = tpu.memref_squeeze %dma_start3A_588 : memref<1x1x16x8x128xf32, #tpu.memory_space<hbm>> -> memref<16x8x128xf32, #tpu.memory_space<hbm>>
    %dma_start3A_590 = arith.constant 0 : i32
    %dma_start3A_591 = arith.constant 0 : i32
    %dma_start3A_592 = arith.constant 0 : i32
    %dma_start3A_593 = tpu.memref_slice %arg4[%dma_start3A_570, %dma_start3A_590, %dma_start3A_591, %dma_start3A_592] : memref<6x16x8x128xf32, #tpu.memory_space<vmem>> -> memref<1x16x8x128xf32, #tpu.memory_space<vmem>>
    %dma_start3A_594 = tpu.memref_squeeze %dma_start3A_593 : memref<1x16x8x128xf32, #tpu.memory_space<vmem>> -> memref<16x8x128xf32, #tpu.memory_space<vmem>>
    tpu.enqueue_dma source(%dma_start3A_594 : memref<16x8x128xf32, #tpu.memory_space<vmem>>) target(%dma_start3A_589 : memref<16x8x128xf32, #tpu.memory_space<hbm>>) target_semaphore(%dma_start3A_584 : memref<!tpu.dma_semaphore, #tpu.memory_space<semaphore_mem>>)
    %add3A_595 = arith.constant 0 : i32
    %add3A_596 = arith.addi %mul3A_2, %add3A_595 : i32
    %dma_wait3A_597 = arith.constant 2 : i32
    %dma_wait3A_598 = arith.constant 2 : i32
    %dma_wait3A_599 = arith.constant 2 : i32
    %dma_wait3A_600 = arith.constant 0 : i32
    %dma_wait3A_601 = arith.constant 0 : i32
    %dma_wait3A_602 = arith.constant 0 : i32
    %dma_wait3A_603 = tpu.memref_slice %arg4[%dma_wait3A_597, %dma_wait3A_600, %dma_wait3A_601, %dma_wait3A_602] : memref<6x16x8x128xf32, #tpu.memory_space<vmem>> -> memref<1x16x8x128xf32, #tpu.memory_space<vmem>>
    %dma_wait3A_604 = tpu.memref_squeeze %dma_wait3A_603 : memref<1x16x8x128xf32, #tpu.memory_space<vmem>> -> memref<16x8x128xf32, #tpu.memory_space<vmem>>
    %dma_wait3A_605 = arith.constant 0 : i32
    %dma_wait3A_606 = arith.constant 0 : i32
    %dma_wait3A_607 = arith.constant 0 : i32
    %dma_wait3A_608 = tpu.memref_slice %arg3[%add3A_596, %dma_wait3A_598, %dma_wait3A_605, %dma_wait3A_606, %dma_wait3A_607] : memref<128x8x16x8x128xf32, #tpu.memory_space<hbm>> -> memref<1x1x16x8x128xf32, #tpu.memory_space<hbm>>
    %dma_wait3A_609 = tpu.memref_squeeze %dma_wait3A_608 : memref<1x1x16x8x128xf32, #tpu.memory_space<hbm>> -> memref<16x8x128xf32, #tpu.memory_space<hbm>>
    %dma_wait3A_610 = tpu.memref_slice %arg6[%dma_wait3A_599] : memref<6x!tpu.dma_semaphore, #tpu.memory_space<semaphore_mem>> -> memref<1x!tpu.dma_semaphore, #tpu.memory_space<semaphore_mem>>
    %dma_wait3A_611 = tpu.memref_squeeze %dma_wait3A_610 : memref<1x!tpu.dma_semaphore, #tpu.memory_space<semaphore_mem>> -> memref<!tpu.dma_semaphore, #tpu.memory_space<semaphore_mem>>
    %dma_wait3A_612 = arith.constant 0 : i32
    %dma_wait3A_613 = arith.constant 0 : i32
    %dma_wait3A_614 = arith.constant 0 : i32
    %dma_wait3A_615 = tpu.memref_slice %arg3[%add3A_596, %dma_wait3A_598, %dma_wait3A_612, %dma_wait3A_613, %dma_wait3A_614] : memref<128x8x16x8x128xf32, #tpu.memory_space<hbm>> -> memref<1x1x16x8x128xf32, #tpu.memory_space<hbm>>
    %dma_wait3A_616 = tpu.memref_squeeze %dma_wait3A_615 : memref<1x1x16x8x128xf32, #tpu.memory_space<hbm>> -> memref<16x8x128xf32, #tpu.memory_space<hbm>>
    %dma_wait3A_617 = arith.constant 0 : i32
    %dma_wait3A_618 = arith.constant 0 : i32
    %dma_wait3A_619 = arith.constant 0 : i32
    %dma_wait3A_620 = tpu.memref_slice %arg4[%dma_wait3A_597, %dma_wait3A_617, %dma_wait3A_618, %dma_wait3A_619] : memref<6x16x8x128xf32, #tpu.memory_space<vmem>> -> memref<1x16x8x128xf32, #tpu.memory_space<vmem>>
    %dma_wait3A_621 = tpu.memref_squeeze %dma_wait3A_620 : memref<1x16x8x128xf32, #tpu.memory_space<vmem>> -> memref<16x8x128xf32, #tpu.memory_space<vmem>>
    tpu.wait_dma2 semaphore(%dma_wait3A_611 : memref<!tpu.dma_semaphore, #tpu.memory_space<semaphore_mem>>) src(%dma_wait3A_621 : memref<16x8x128xf32, #tpu.memory_space<vmem>>) dst(%dma_wait3A_616 : memref<16x8x128xf32, #tpu.memory_space<hbm>>)
    %add3A_622 = arith.constant 1 : i32
    %add3A_623 = arith.addi %mul3A_2, %add3A_622 : i32
    %dma_start3A_624 = arith.constant 0 : i32
    %dma_start3A_625 = arith.constant 2 : i32
    %dma_start3A_626 = arith.constant 2 : i32
    %dma_start3A_627 = arith.constant 0 : i32
    %dma_start3A_628 = arith.constant 0 : i32
    %dma_start3A_629 = arith.constant 0 : i32
    %dma_start3A_630 = tpu.memref_slice %arg4[%dma_start3A_625, %dma_start3A_627, %dma_start3A_628, %dma_start3A_629] : memref<6x16x8x128xf32, #tpu.memory_space<vmem>> -> memref<1x16x8x128xf32, #tpu.memory_space<vmem>>
    %dma_start3A_631 = tpu.memref_squeeze %dma_start3A_630 : memref<1x16x8x128xf32, #tpu.memory_space<vmem>> -> memref<16x8x128xf32, #tpu.memory_space<vmem>>
    %dma_start3A_632 = arith.constant 0 : i32
    %dma_start3A_633 = arith.constant 0 : i32
    %dma_start3A_634 = arith.constant 0 : i32
    %dma_start3A_635 = tpu.memref_slice %arg2[%add3A_623, %dma_start3A_624, %dma_start3A_632, %dma_start3A_633, %dma_start3A_634] : memref<128x8x16x8x128xf32, #tpu.memory_space<hbm>> -> memref<1x1x16x8x128xf32, #tpu.memory_space<hbm>>
    %dma_start3A_636 = tpu.memref_squeeze %dma_start3A_635 : memref<1x1x16x8x128xf32, #tpu.memory_space<hbm>> -> memref<16x8x128xf32, #tpu.memory_space<hbm>>
    %dma_start3A_637 = tpu.memref_slice %arg5[%dma_start3A_626] : memref<6x!tpu.dma_semaphore, #tpu.memory_space<semaphore_mem>> -> memref<1x!tpu.dma_semaphore, #tpu.memory_space<semaphore_mem>>
    %dma_start3A_638 = tpu.memref_squeeze %dma_start3A_637 : memref<1x!tpu.dma_semaphore, #tpu.memory_space<semaphore_mem>> -> memref<!tpu.dma_semaphore, #tpu.memory_space<semaphore_mem>>
    %dma_start3A_639 = arith.constant 0 : i32
    %dma_start3A_640 = arith.constant 0 : i32
    %dma_start3A_641 = arith.constant 0 : i32
    %dma_start3A_642 = tpu.memref_slice %arg4[%dma_start3A_625, %dma_start3A_639, %dma_start3A_640, %dma_start3A_641] : memref<6x16x8x128xf32, #tpu.memory_space<vmem>> -> memref<1x16x8x128xf32, #tpu.memory_space<vmem>>
    %dma_start3A_643 = tpu.memref_squeeze %dma_start3A_642 : memref<1x16x8x128xf32, #tpu.memory_space<vmem>> -> memref<16x8x128xf32, #tpu.memory_space<vmem>>
    %dma_start3A_644 = arith.constant 0 : i32
    %dma_start3A_645 = arith.constant 0 : i32
    %dma_start3A_646 = arith.constant 0 : i32
    %dma_start3A_647 = tpu.memref_slice %arg2[%add3A_623, %dma_start3A_624, %dma_start3A_644, %dma_start3A_645, %dma_start3A_646] : memref<128x8x16x8x128xf32, #tpu.memory_space<hbm>> -> memref<1x1x16x8x128xf32, #tpu.memory_space<hbm>>
    %dma_start3A_648 = tpu.memref_squeeze %dma_start3A_647 : memref<1x1x16x8x128xf32, #tpu.memory_space<hbm>> -> memref<16x8x128xf32, #tpu.memory_space<hbm>>
    tpu.enqueue_dma source(%dma_start3A_648 : memref<16x8x128xf32, #tpu.memory_space<hbm>>) target(%dma_start3A_643 : memref<16x8x128xf32, #tpu.memory_space<vmem>>) target_semaphore(%dma_start3A_638 : memref<!tpu.dma_semaphore, #tpu.memory_space<semaphore_mem>>)
    %add3A_649 = arith.constant 0 : i32
    %add3A_650 = arith.addi %mul3A_2, %add3A_649 : i32
    %dma_wait3A_651 = arith.constant 6 : i32
    %dma_wait3A_652 = arith.constant 0 : i32
    %dma_wait3A_653 = arith.constant 0 : i32
    %dma_wait3A_654 = arith.constant 0 : i32
    %dma_wait3A_655 = arith.constant 0 : i32
    %dma_wait3A_656 = arith.constant 0 : i32
    %dma_wait3A_657 = tpu.memref_slice %arg4[%dma_wait3A_652, %dma_wait3A_654, %dma_wait3A_655, %dma_wait3A_656] : memref<6x16x8x128xf32, #tpu.memory_space<vmem>> -> memref<1x16x8x128xf32, #tpu.memory_space<vmem>>
    %dma_wait3A_658 = tpu.memref_squeeze %dma_wait3A_657 : memref<1x16x8x128xf32, #tpu.memory_space<vmem>> -> memref<16x8x128xf32, #tpu.memory_space<vmem>>
    %dma_wait3A_659 = arith.constant 0 : i32
    %dma_wait3A_660 = arith.constant 0 : i32
    %dma_wait3A_661 = arith.constant 0 : i32
    %dma_wait3A_662 = tpu.memref_slice %arg2[%add3A_650, %dma_wait3A_651, %dma_wait3A_659, %dma_wait3A_660, %dma_wait3A_661] : memref<128x8x16x8x128xf32, #tpu.memory_space<hbm>> -> memref<1x1x16x8x128xf32, #tpu.memory_space<hbm>>
    %dma_wait3A_663 = tpu.memref_squeeze %dma_wait3A_662 : memref<1x1x16x8x128xf32, #tpu.memory_space<hbm>> -> memref<16x8x128xf32, #tpu.memory_space<hbm>>
    %dma_wait3A_664 = tpu.memref_slice %arg5[%dma_wait3A_653] : memref<6x!tpu.dma_semaphore, #tpu.memory_space<semaphore_mem>> -> memref<1x!tpu.dma_semaphore, #tpu.memory_space<semaphore_mem>>
    %dma_wait3A_665 = tpu.memref_squeeze %dma_wait3A_664 : memref<1x!tpu.dma_semaphore, #tpu.memory_space<semaphore_mem>> -> memref<!tpu.dma_semaphore, #tpu.memory_space<semaphore_mem>>
    %dma_wait3A_666 = arith.constant 0 : i32
    %dma_wait3A_667 = arith.constant 0 : i32
    %dma_wait3A_668 = arith.constant 0 : i32
    %dma_wait3A_669 = tpu.memref_slice %arg4[%dma_wait3A_652, %dma_wait3A_666, %dma_wait3A_667, %dma_wait3A_668] : memref<6x16x8x128xf32, #tpu.memory_space<vmem>> -> memref<1x16x8x128xf32, #tpu.memory_space<vmem>>
    %dma_wait3A_670 = tpu.memref_squeeze %dma_wait3A_669 : memref<1x16x8x128xf32, #tpu.memory_space<vmem>> -> memref<16x8x128xf32, #tpu.memory_space<vmem>>
    %dma_wait3A_671 = arith.constant 0 : i32
    %dma_wait3A_672 = arith.constant 0 : i32
    %dma_wait3A_673 = arith.constant 0 : i32
    %dma_wait3A_674 = tpu.memref_slice %arg2[%add3A_650, %dma_wait3A_651, %dma_wait3A_671, %dma_wait3A_672, %dma_wait3A_673] : memref<128x8x16x8x128xf32, #tpu.memory_space<hbm>> -> memref<1x1x16x8x128xf32, #tpu.memory_space<hbm>>
    %dma_wait3A_675 = tpu.memref_squeeze %dma_wait3A_674 : memref<1x1x16x8x128xf32, #tpu.memory_space<hbm>> -> memref<16x8x128xf32, #tpu.memory_space<hbm>>
    tpu.wait_dma2 semaphore(%dma_wait3A_665 : memref<!tpu.dma_semaphore, #tpu.memory_space<semaphore_mem>>) src(%dma_wait3A_675 : memref<16x8x128xf32, #tpu.memory_space<hbm>>) dst(%dma_wait3A_670 : memref<16x8x128xf32, #tpu.memory_space<vmem>>)
    %add3A_676 = arith.constant 0 : i32
    %add3A_677 = arith.addi %mul3A_2, %add3A_676 : i32
    %dma_start3A_678 = arith.constant 0 : i32
    %dma_start3A_679 = arith.constant 6 : i32
    %dma_start3A_680 = arith.constant 0 : i32
    %dma_start3A_681 = arith.constant 0 : i32
    %dma_start3A_682 = arith.constant 0 : i32
    %dma_start3A_683 = arith.constant 0 : i32
    %dma_start3A_684 = tpu.memref_slice %arg4[%dma_start3A_678, %dma_start3A_681, %dma_start3A_682, %dma_start3A_683] : memref<6x16x8x128xf32, #tpu.memory_space<vmem>> -> memref<1x16x8x128xf32, #tpu.memory_space<vmem>>
    %dma_start3A_685 = tpu.memref_squeeze %dma_start3A_684 : memref<1x16x8x128xf32, #tpu.memory_space<vmem>> -> memref<16x8x128xf32, #tpu.memory_space<vmem>>
    %dma_start3A_686 = arith.constant 0 : i32
    %dma_start3A_687 = arith.constant 0 : i32
    %dma_start3A_688 = arith.constant 0 : i32
    %dma_start3A_689 = tpu.memref_slice %arg3[%add3A_677, %dma_start3A_679, %dma_start3A_686, %dma_start3A_687, %dma_start3A_688] : memref<128x8x16x8x128xf32, #tpu.memory_space<hbm>> -> memref<1x1x16x8x128xf32, #tpu.memory_space<hbm>>
    %dma_start3A_690 = tpu.memref_squeeze %dma_start3A_689 : memref<1x1x16x8x128xf32, #tpu.memory_space<hbm>> -> memref<16x8x128xf32, #tpu.memory_space<hbm>>
    %dma_start3A_691 = tpu.memref_slice %arg6[%dma_start3A_680] : memref<6x!tpu.dma_semaphore, #tpu.memory_space<semaphore_mem>> -> memref<1x!tpu.dma_semaphore, #tpu.memory_space<semaphore_mem>>
    %dma_start3A_692 = tpu.memref_squeeze %dma_start3A_691 : memref<1x!tpu.dma_semaphore, #tpu.memory_space<semaphore_mem>> -> memref<!tpu.dma_semaphore, #tpu.memory_space<semaphore_mem>>
    %dma_start3A_693 = arith.constant 0 : i32
    %dma_start3A_694 = arith.constant 0 : i32
    %dma_start3A_695 = arith.constant 0 : i32
    %dma_start3A_696 = tpu.memref_slice %arg3[%add3A_677, %dma_start3A_679, %dma_start3A_693, %dma_start3A_694, %dma_start3A_695] : memref<128x8x16x8x128xf32, #tpu.memory_space<hbm>> -> memref<1x1x16x8x128xf32, #tpu.memory_space<hbm>>
    %dma_start3A_697 = tpu.memref_squeeze %dma_start3A_696 : memref<1x1x16x8x128xf32, #tpu.memory_space<hbm>> -> memref<16x8x128xf32, #tpu.memory_space<hbm>>
    %dma_start3A_698 = arith.constant 0 : i32
    %dma_start3A_699 = arith.constant 0 : i32
    %dma_start3A_700 = arith.constant 0 : i32
    %dma_start3A_701 = tpu.memref_slice %arg4[%dma_start3A_678, %dma_start3A_698, %dma_start3A_699, %dma_start3A_700] : memref<6x16x8x128xf32, #tpu.memory_space<vmem>> -> memref<1x16x8x128xf32, #tpu.memory_space<vmem>>
    %dma_start3A_702 = tpu.memref_squeeze %dma_start3A_701 : memref<1x16x8x128xf32, #tpu.memory_space<vmem>> -> memref<16x8x128xf32, #tpu.memory_space<vmem>>
    tpu.enqueue_dma source(%dma_start3A_702 : memref<16x8x128xf32, #tpu.memory_space<vmem>>) target(%dma_start3A_697 : memref<16x8x128xf32, #tpu.memory_space<hbm>>) target_semaphore(%dma_start3A_692 : memref<!tpu.dma_semaphore, #tpu.memory_space<semaphore_mem>>)
    %add3A_703 = arith.constant 0 : i32
    %add3A_704 = arith.addi %mul3A_2, %add3A_703 : i32
    %dma_wait3A_705 = arith.constant 3 : i32
    %dma_wait3A_706 = arith.constant 3 : i32
    %dma_wait3A_707 = arith.constant 3 : i32
    %dma_wait3A_708 = arith.constant 0 : i32
    %dma_wait3A_709 = arith.constant 0 : i32
    %dma_wait3A_710 = arith.constant 0 : i32
    %dma_wait3A_711 = tpu.memref_slice %arg4[%dma_wait3A_705, %dma_wait3A_708, %dma_wait3A_709, %dma_wait3A_710] : memref<6x16x8x128xf32, #tpu.memory_space<vmem>> -> memref<1x16x8x128xf32, #tpu.memory_space<vmem>>
    %dma_wait3A_712 = tpu.memref_squeeze %dma_wait3A_711 : memref<1x16x8x128xf32, #tpu.memory_space<vmem>> -> memref<16x8x128xf32, #tpu.memory_space<vmem>>
    %dma_wait3A_713 = arith.constant 0 : i32
    %dma_wait3A_714 = arith.constant 0 : i32
    %dma_wait3A_715 = arith.constant 0 : i32
    %dma_wait3A_716 = tpu.memref_slice %arg3[%add3A_704, %dma_wait3A_706, %dma_wait3A_713, %dma_wait3A_714, %dma_wait3A_715] : memref<128x8x16x8x128xf32, #tpu.memory_space<hbm>> -> memref<1x1x16x8x128xf32, #tpu.memory_space<hbm>>
    %dma_wait3A_717 = tpu.memref_squeeze %dma_wait3A_716 : memref<1x1x16x8x128xf32, #tpu.memory_space<hbm>> -> memref<16x8x128xf32, #tpu.memory_space<hbm>>
    %dma_wait3A_718 = tpu.memref_slice %arg6[%dma_wait3A_707] : memref<6x!tpu.dma_semaphore, #tpu.memory_space<semaphore_mem>> -> memref<1x!tpu.dma_semaphore, #tpu.memory_space<semaphore_mem>>
    %dma_wait3A_719 = tpu.memref_squeeze %dma_wait3A_718 : memref<1x!tpu.dma_semaphore, #tpu.memory_space<semaphore_mem>> -> memref<!tpu.dma_semaphore, #tpu.memory_space<semaphore_mem>>
    %dma_wait3A_720 = arith.constant 0 : i32
    %dma_wait3A_721 = arith.constant 0 : i32
    %dma_wait3A_722 = arith.constant 0 : i32
    %dma_wait3A_723 = tpu.memref_slice %arg3[%add3A_704, %dma_wait3A_706, %dma_wait3A_720, %dma_wait3A_721, %dma_wait3A_722] : memref<128x8x16x8x128xf32, #tpu.memory_space<hbm>> -> memref<1x1x16x8x128xf32, #tpu.memory_space<hbm>>
    %dma_wait3A_724 = tpu.memref_squeeze %dma_wait3A_723 : memref<1x1x16x8x128xf32, #tpu.memory_space<hbm>> -> memref<16x8x128xf32, #tpu.memory_space<hbm>>
    %dma_wait3A_725 = arith.constant 0 : i32
    %dma_wait3A_726 = arith.constant 0 : i32
    %dma_wait3A_727 = arith.constant 0 : i32
    %dma_wait3A_728 = tpu.memref_slice %arg4[%dma_wait3A_705, %dma_wait3A_725, %dma_wait3A_726, %dma_wait3A_727] : memref<6x16x8x128xf32, #tpu.memory_space<vmem>> -> memref<1x16x8x128xf32, #tpu.memory_space<vmem>>
    %dma_wait3A_729 = tpu.memref_squeeze %dma_wait3A_728 : memref<1x16x8x128xf32, #tpu.memory_space<vmem>> -> memref<16x8x128xf32, #tpu.memory_space<vmem>>
    tpu.wait_dma2 semaphore(%dma_wait3A_719 : memref<!tpu.dma_semaphore, #tpu.memory_space<semaphore_mem>>) src(%dma_wait3A_729 : memref<16x8x128xf32, #tpu.memory_space<vmem>>) dst(%dma_wait3A_724 : memref<16x8x128xf32, #tpu.memory_space<hbm>>)
    %add3A_730 = arith.constant 1 : i32
    %add3A_731 = arith.addi %mul3A_2, %add3A_730 : i32
    %dma_start3A_732 = arith.constant 1 : i32
    %dma_start3A_733 = arith.constant 3 : i32
    %dma_start3A_734 = arith.constant 3 : i32
    %dma_start3A_735 = arith.constant 0 : i32
    %dma_start3A_736 = arith.constant 0 : i32
    %dma_start3A_737 = arith.constant 0 : i32
    %dma_start3A_738 = tpu.memref_slice %arg4[%dma_start3A_733, %dma_start3A_735, %dma_start3A_736, %dma_start3A_737] : memref<6x16x8x128xf32, #tpu.memory_space<vmem>> -> memref<1x16x8x128xf32, #tpu.memory_space<vmem>>
    %dma_start3A_739 = tpu.memref_squeeze %dma_start3A_738 : memref<1x16x8x128xf32, #tpu.memory_space<vmem>> -> memref<16x8x128xf32, #tpu.memory_space<vmem>>
    %dma_start3A_740 = arith.constant 0 : i32
    %dma_start3A_741 = arith.constant 0 : i32
    %dma_start3A_742 = arith.constant 0 : i32
    %dma_start3A_743 = tpu.memref_slice %arg2[%add3A_731, %dma_start3A_732, %dma_start3A_740, %dma_start3A_741, %dma_start3A_742] : memref<128x8x16x8x128xf32, #tpu.memory_space<hbm>> -> memref<1x1x16x8x128xf32, #tpu.memory_space<hbm>>
    %dma_start3A_744 = tpu.memref_squeeze %dma_start3A_743 : memref<1x1x16x8x128xf32, #tpu.memory_space<hbm>> -> memref<16x8x128xf32, #tpu.memory_space<hbm>>
    %dma_start3A_745 = tpu.memref_slice %arg5[%dma_start3A_734] : memref<6x!tpu.dma_semaphore, #tpu.memory_space<semaphore_mem>> -> memref<1x!tpu.dma_semaphore, #tpu.memory_space<semaphore_mem>>
    %dma_start3A_746 = tpu.memref_squeeze %dma_start3A_745 : memref<1x!tpu.dma_semaphore, #tpu.memory_space<semaphore_mem>> -> memref<!tpu.dma_semaphore, #tpu.memory_space<semaphore_mem>>
    %dma_start3A_747 = arith.constant 0 : i32
    %dma_start3A_748 = arith.constant 0 : i32
    %dma_start3A_749 = arith.constant 0 : i32
    %dma_start3A_750 = tpu.memref_slice %arg4[%dma_start3A_733, %dma_start3A_747, %dma_start3A_748, %dma_start3A_749] : memref<6x16x8x128xf32, #tpu.memory_space<vmem>> -> memref<1x16x8x128xf32, #tpu.memory_space<vmem>>
    %dma_start3A_751 = tpu.memref_squeeze %dma_start3A_750 : memref<1x16x8x128xf32, #tpu.memory_space<vmem>> -> memref<16x8x128xf32, #tpu.memory_space<vmem>>
    %dma_start3A_752 = arith.constant 0 : i32
    %dma_start3A_753 = arith.constant 0 : i32
    %dma_start3A_754 = arith.constant 0 : i32
    %dma_start3A_755 = tpu.memref_slice %arg2[%add3A_731, %dma_start3A_732, %dma_start3A_752, %dma_start3A_753, %dma_start3A_754] : memref<128x8x16x8x128xf32, #tpu.memory_space<hbm>> -> memref<1x1x16x8x128xf32, #tpu.memory_space<hbm>>
    %dma_start3A_756 = tpu.memref_squeeze %dma_start3A_755 : memref<1x1x16x8x128xf32, #tpu.memory_space<hbm>> -> memref<16x8x128xf32, #tpu.memory_space<hbm>>
    tpu.enqueue_dma source(%dma_start3A_756 : memref<16x8x128xf32, #tpu.memory_space<hbm>>) target(%dma_start3A_751 : memref<16x8x128xf32, #tpu.memory_space<vmem>>) target_semaphore(%dma_start3A_746 : memref<!tpu.dma_semaphore, #tpu.memory_space<semaphore_mem>>)
    %add3A_757 = arith.constant 0 : i32
    %add3A_758 = arith.addi %mul3A_2, %add3A_757 : i32
    %dma_wait3A_759 = arith.constant 7 : i32
    %dma_wait3A_760 = arith.constant 1 : i32
    %dma_wait3A_761 = arith.constant 1 : i32
    %dma_wait3A_762 = arith.constant 0 : i32
    %dma_wait3A_763 = arith.constant 0 : i32
    %dma_wait3A_764 = arith.constant 0 : i32
    %dma_wait3A_765 = tpu.memref_slice %arg4[%dma_wait3A_760, %dma_wait3A_762, %dma_wait3A_763, %dma_wait3A_764] : memref<6x16x8x128xf32, #tpu.memory_space<vmem>> -> memref<1x16x8x128xf32, #tpu.memory_space<vmem>>
    %dma_wait3A_766 = tpu.memref_squeeze %dma_wait3A_765 : memref<1x16x8x128xf32, #tpu.memory_space<vmem>> -> memref<16x8x128xf32, #tpu.memory_space<vmem>>
    %dma_wait3A_767 = arith.constant 0 : i32
    %dma_wait3A_768 = arith.constant 0 : i32
    %dma_wait3A_769 = arith.constant 0 : i32
    %dma_wait3A_770 = tpu.memref_slice %arg2[%add3A_758, %dma_wait3A_759, %dma_wait3A_767, %dma_wait3A_768, %dma_wait3A_769] : memref<128x8x16x8x128xf32, #tpu.memory_space<hbm>> -> memref<1x1x16x8x128xf32, #tpu.memory_space<hbm>>
    %dma_wait3A_771 = tpu.memref_squeeze %dma_wait3A_770 : memref<1x1x16x8x128xf32, #tpu.memory_space<hbm>> -> memref<16x8x128xf32, #tpu.memory_space<hbm>>
    %dma_wait3A_772 = tpu.memref_slice %arg5[%dma_wait3A_761] : memref<6x!tpu.dma_semaphore, #tpu.memory_space<semaphore_mem>> -> memref<1x!tpu.dma_semaphore, #tpu.memory_space<semaphore_mem>>
    %dma_wait3A_773 = tpu.memref_squeeze %dma_wait3A_772 : memref<1x!tpu.dma_semaphore, #tpu.memory_space<semaphore_mem>> -> memref<!tpu.dma_semaphore, #tpu.memory_space<semaphore_mem>>
    %dma_wait3A_774 = arith.constant 0 : i32
    %dma_wait3A_775 = arith.constant 0 : i32
    %dma_wait3A_776 = arith.constant 0 : i32
    %dma_wait3A_777 = tpu.memref_slice %arg4[%dma_wait3A_760, %dma_wait3A_774, %dma_wait3A_775, %dma_wait3A_776] : memref<6x16x8x128xf32, #tpu.memory_space<vmem>> -> memref<1x16x8x128xf32, #tpu.memory_space<vmem>>
    %dma_wait3A_778 = tpu.memref_squeeze %dma_wait3A_777 : memref<1x16x8x128xf32, #tpu.memory_space<vmem>> -> memref<16x8x128xf32, #tpu.memory_space<vmem>>
    %dma_wait3A_779 = arith.constant 0 : i32
    %dma_wait3A_780 = arith.constant 0 : i32
    %dma_wait3A_781 = arith.constant 0 : i32
    %dma_wait3A_782 = tpu.memref_slice %arg2[%add3A_758, %dma_wait3A_759, %dma_wait3A_779, %dma_wait3A_780, %dma_wait3A_781] : memref<128x8x16x8x128xf32, #tpu.memory_space<hbm>> -> memref<1x1x16x8x128xf32, #tpu.memory_space<hbm>>
    %dma_wait3A_783 = tpu.memref_squeeze %dma_wait3A_782 : memref<1x1x16x8x128xf32, #tpu.memory_space<hbm>> -> memref<16x8x128xf32, #tpu.memory_space<hbm>>
    tpu.wait_dma2 semaphore(%dma_wait3A_773 : memref<!tpu.dma_semaphore, #tpu.memory_space<semaphore_mem>>) src(%dma_wait3A_783 : memref<16x8x128xf32, #tpu.memory_space<hbm>>) dst(%dma_wait3A_778 : memref<16x8x128xf32, #tpu.memory_space<vmem>>)
    %add3A_784 = arith.constant 0 : i32
    %add3A_785 = arith.addi %mul3A_2, %add3A_784 : i32
    %dma_start3A_786 = arith.constant 1 : i32
    %dma_start3A_787 = arith.constant 7 : i32
    %dma_start3A_788 = arith.constant 1 : i32
    %dma_start3A_789 = arith.constant 0 : i32
    %dma_start3A_790 = arith.constant 0 : i32
    %dma_start3A_791 = arith.constant 0 : i32
    %dma_start3A_792 = tpu.memref_slice %arg4[%dma_start3A_786, %dma_start3A_789, %dma_start3A_790, %dma_start3A_791] : memref<6x16x8x128xf32, #tpu.memory_space<vmem>> -> memref<1x16x8x128xf32, #tpu.memory_space<vmem>>
    %dma_start3A_793 = tpu.memref_squeeze %dma_start3A_792 : memref<1x16x8x128xf32, #tpu.memory_space<vmem>> -> memref<16x8x128xf32, #tpu.memory_space<vmem>>
    %dma_start3A_794 = arith.constant 0 : i32
    %dma_start3A_795 = arith.constant 0 : i32
    %dma_start3A_796 = arith.constant 0 : i32
    %dma_start3A_797 = tpu.memref_slice %arg3[%add3A_785, %dma_start3A_787, %dma_start3A_794, %dma_start3A_795, %dma_start3A_796] : memref<128x8x16x8x128xf32, #tpu.memory_space<hbm>> -> memref<1x1x16x8x128xf32, #tpu.memory_space<hbm>>
    %dma_start3A_798 = tpu.memref_squeeze %dma_start3A_797 : memref<1x1x16x8x128xf32, #tpu.memory_space<hbm>> -> memref<16x8x128xf32, #tpu.memory_space<hbm>>
    %dma_start3A_799 = tpu.memref_slice %arg6[%dma_start3A_788] : memref<6x!tpu.dma_semaphore, #tpu.memory_space<semaphore_mem>> -> memref<1x!tpu.dma_semaphore, #tpu.memory_space<semaphore_mem>>
    %dma_start3A_800 = tpu.memref_squeeze %dma_start3A_799 : memref<1x!tpu.dma_semaphore, #tpu.memory_space<semaphore_mem>> -> memref<!tpu.dma_semaphore, #tpu.memory_space<semaphore_mem>>
    %dma_start3A_801 = arith.constant 0 : i32
    %dma_start3A_802 = arith.constant 0 : i32
    %dma_start3A_803 = arith.constant 0 : i32
    %dma_start3A_804 = tpu.memref_slice %arg3[%add3A_785, %dma_start3A_787, %dma_start3A_801, %dma_start3A_802, %dma_start3A_803] : memref<128x8x16x8x128xf32, #tpu.memory_space<hbm>> -> memref<1x1x16x8x128xf32, #tpu.memory_space<hbm>>
    %dma_start3A_805 = tpu.memref_squeeze %dma_start3A_804 : memref<1x1x16x8x128xf32, #tpu.memory_space<hbm>> -> memref<16x8x128xf32, #tpu.memory_space<hbm>>
    %dma_start3A_806 = arith.constant 0 : i32
    %dma_start3A_807 = arith.constant 0 : i32
    %dma_start3A_808 = arith.constant 0 : i32
    %dma_start3A_809 = tpu.memref_slice %arg4[%dma_start3A_786, %dma_start3A_806, %dma_start3A_807, %dma_start3A_808] : memref<6x16x8x128xf32, #tpu.memory_space<vmem>> -> memref<1x16x8x128xf32, #tpu.memory_space<vmem>>
    %dma_start3A_810 = tpu.memref_squeeze %dma_start3A_809 : memref<1x16x8x128xf32, #tpu.memory_space<vmem>> -> memref<16x8x128xf32, #tpu.memory_space<vmem>>
    tpu.enqueue_dma source(%dma_start3A_810 : memref<16x8x128xf32, #tpu.memory_space<vmem>>) target(%dma_start3A_805 : memref<16x8x128xf32, #tpu.memory_space<hbm>>) target_semaphore(%dma_start3A_800 : memref<!tpu.dma_semaphore, #tpu.memory_space<semaphore_mem>>)
    %add3A_811 = arith.constant 0 : i32
    %add3A_812 = arith.addi %mul3A_2, %add3A_811 : i32
    %dma_wait3A_813 = arith.constant 4 : i32
    %dma_wait3A_814 = arith.constant 4 : i32
    %dma_wait3A_815 = arith.constant 4 : i32
    %dma_wait3A_816 = arith.constant 0 : i32
    %dma_wait3A_817 = arith.constant 0 : i32
    %dma_wait3A_818 = arith.constant 0 : i32
    %dma_wait3A_819 = tpu.memref_slice %arg4[%dma_wait3A_813, %dma_wait3A_816, %dma_wait3A_817, %dma_wait3A_818] : memref<6x16x8x128xf32, #tpu.memory_space<vmem>> -> memref<1x16x8x128xf32, #tpu.memory_space<vmem>>
    %dma_wait3A_820 = tpu.memref_squeeze %dma_wait3A_819 : memref<1x16x8x128xf32, #tpu.memory_space<vmem>> -> memref<16x8x128xf32, #tpu.memory_space<vmem>>
    %dma_wait3A_821 = arith.constant 0 : i32
    %dma_wait3A_822 = arith.constant 0 : i32
    %dma_wait3A_823 = arith.constant 0 : i32
    %dma_wait3A_824 = tpu.memref_slice %arg3[%add3A_812, %dma_wait3A_814, %dma_wait3A_821, %dma_wait3A_822, %dma_wait3A_823] : memref<128x8x16x8x128xf32, #tpu.memory_space<hbm>> -> memref<1x1x16x8x128xf32, #tpu.memory_space<hbm>>
    %dma_wait3A_825 = tpu.memref_squeeze %dma_wait3A_824 : memref<1x1x16x8x128xf32, #tpu.memory_space<hbm>> -> memref<16x8x128xf32, #tpu.memory_space<hbm>>
    %dma_wait3A_826 = tpu.memref_slice %arg6[%dma_wait3A_815] : memref<6x!tpu.dma_semaphore, #tpu.memory_space<semaphore_mem>> -> memref<1x!tpu.dma_semaphore, #tpu.memory_space<semaphore_mem>>
    %dma_wait3A_827 = tpu.memref_squeeze %dma_wait3A_826 : memref<1x!tpu.dma_semaphore, #tpu.memory_space<semaphore_mem>> -> memref<!tpu.dma_semaphore, #tpu.memory_space<semaphore_mem>>
    %dma_wait3A_828 = arith.constant 0 : i32
    %dma_wait3A_829 = arith.constant 0 : i32
    %dma_wait3A_830 = arith.constant 0 : i32
    %dma_wait3A_831 = tpu.memref_slice %arg3[%add3A_812, %dma_wait3A_814, %dma_wait3A_828, %dma_wait3A_829, %dma_wait3A_830] : memref<128x8x16x8x128xf32, #tpu.memory_space<hbm>> -> memref<1x1x16x8x128xf32, #tpu.memory_space<hbm>>
    %dma_wait3A_832 = tpu.memref_squeeze %dma_wait3A_831 : memref<1x1x16x8x128xf32, #tpu.memory_space<hbm>> -> memref<16x8x128xf32, #tpu.memory_space<hbm>>
    %dma_wait3A_833 = arith.constant 0 : i32
    %dma_wait3A_834 = arith.constant 0 : i32
    %dma_wait3A_835 = arith.constant 0 : i32
    %dma_wait3A_836 = tpu.memref_slice %arg4[%dma_wait3A_813, %dma_wait3A_833, %dma_wait3A_834, %dma_wait3A_835] : memref<6x16x8x128xf32, #tpu.memory_space<vmem>> -> memref<1x16x8x128xf32, #tpu.memory_space<vmem>>
    %dma_wait3A_837 = tpu.memref_squeeze %dma_wait3A_836 : memref<1x16x8x128xf32, #tpu.memory_space<vmem>> -> memref<16x8x128xf32, #tpu.memory_space<vmem>>
    tpu.wait_dma2 semaphore(%dma_wait3A_827 : memref<!tpu.dma_semaphore, #tpu.memory_space<semaphore_mem>>) src(%dma_wait3A_837 : memref<16x8x128xf32, #tpu.memory_space<vmem>>) dst(%dma_wait3A_832 : memref<16x8x128xf32, #tpu.memory_space<hbm>>)
    %add3A_838 = arith.constant 1 : i32
    %add3A_839 = arith.addi %mul3A_2, %add3A_838 : i32
    %dma_start3A_840 = arith.constant 2 : i32
    %dma_start3A_841 = arith.constant 4 : i32
    %dma_start3A_842 = arith.constant 4 : i32
    %dma_start3A_843 = arith.constant 0 : i32
    %dma_start3A_844 = arith.constant 0 : i32
    %dma_start3A_845 = arith.constant 0 : i32
    %dma_start3A_846 = tpu.memref_slice %arg4[%dma_start3A_841, %dma_start3A_843, %dma_start3A_844, %dma_start3A_845] : memref<6x16x8x128xf32, #tpu.memory_space<vmem>> -> memref<1x16x8x128xf32, #tpu.memory_space<vmem>>
    %dma_start3A_847 = tpu.memref_squeeze %dma_start3A_846 : memref<1x16x8x128xf32, #tpu.memory_space<vmem>> -> memref<16x8x128xf32, #tpu.memory_space<vmem>>
    %dma_start3A_848 = arith.constant 0 : i32
    %dma_start3A_849 = arith.constant 0 : i32
    %dma_start3A_850 = arith.constant 0 : i32
    %dma_start3A_851 = tpu.memref_slice %arg2[%add3A_839, %dma_start3A_840, %dma_start3A_848, %dma_start3A_849, %dma_start3A_850] : memref<128x8x16x8x128xf32, #tpu.memory_space<hbm>> -> memref<1x1x16x8x128xf32, #tpu.memory_space<hbm>>
    %dma_start3A_852 = tpu.memref_squeeze %dma_start3A_851 : memref<1x1x16x8x128xf32, #tpu.memory_space<hbm>> -> memref<16x8x128xf32, #tpu.memory_space<hbm>>
    %dma_start3A_853 = tpu.memref_slice %arg5[%dma_start3A_842] : memref<6x!tpu.dma_semaphore, #tpu.memory_space<semaphore_mem>> -> memref<1x!tpu.dma_semaphore, #tpu.memory_space<semaphore_mem>>
    %dma_start3A_854 = tpu.memref_squeeze %dma_start3A_853 : memref<1x!tpu.dma_semaphore, #tpu.memory_space<semaphore_mem>> -> memref<!tpu.dma_semaphore, #tpu.memory_space<semaphore_mem>>
    %dma_start3A_855 = arith.constant 0 : i32
    %dma_start3A_856 = arith.constant 0 : i32
    %dma_start3A_857 = arith.constant 0 : i32
    %dma_start3A_858 = tpu.memref_slice %arg4[%dma_start3A_841, %dma_start3A_855, %dma_start3A_856, %dma_start3A_857] : memref<6x16x8x128xf32, #tpu.memory_space<vmem>> -> memref<1x16x8x128xf32, #tpu.memory_space<vmem>>
    %dma_start3A_859 = tpu.memref_squeeze %dma_start3A_858 : memref<1x16x8x128xf32, #tpu.memory_space<vmem>> -> memref<16x8x128xf32, #tpu.memory_space<vmem>>
    %dma_start3A_860 = arith.constant 0 : i32
    %dma_start3A_861 = arith.constant 0 : i32
    %dma_start3A_862 = arith.constant 0 : i32
    %dma_start3A_863 = tpu.memref_slice %arg2[%add3A_839, %dma_start3A_840, %dma_start3A_860, %dma_start3A_861, %dma_start3A_862] : memref<128x8x16x8x128xf32, #tpu.memory_space<hbm>> -> memref<1x1x16x8x128xf32, #tpu.memory_space<hbm>>
    %dma_start3A_864 = tpu.memref_squeeze %dma_start3A_863 : memref<1x1x16x8x128xf32, #tpu.memory_space<hbm>> -> memref<16x8x128xf32, #tpu.memory_space<hbm>>
    tpu.enqueue_dma source(%dma_start3A_864 : memref<16x8x128xf32, #tpu.memory_space<hbm>>) target(%dma_start3A_859 : memref<16x8x128xf32, #tpu.memory_space<vmem>>) target_semaphore(%dma_start3A_854 : memref<!tpu.dma_semaphore, #tpu.memory_space<semaphore_mem>>)
    %add3A_865 = arith.constant 1 : i32
    %add3A_866 = arith.addi %mul3A_2, %add3A_865 : i32
    %dma_wait3A_867 = arith.constant 0 : i32
    %dma_wait3A_868 = arith.constant 2 : i32
    %dma_wait3A_869 = arith.constant 2 : i32
    %dma_wait3A_870 = arith.constant 0 : i32
    %dma_wait3A_871 = arith.constant 0 : i32
    %dma_wait3A_872 = arith.constant 0 : i32
    %dma_wait3A_873 = tpu.memref_slice %arg4[%dma_wait3A_868, %dma_wait3A_870, %dma_wait3A_871, %dma_wait3A_872] : memref<6x16x8x128xf32, #tpu.memory_space<vmem>> -> memref<1x16x8x128xf32, #tpu.memory_space<vmem>>
    %dma_wait3A_874 = tpu.memref_squeeze %dma_wait3A_873 : memref<1x16x8x128xf32, #tpu.memory_space<vmem>> -> memref<16x8x128xf32, #tpu.memory_space<vmem>>
    %dma_wait3A_875 = arith.constant 0 : i32
    %dma_wait3A_876 = arith.constant 0 : i32
    %dma_wait3A_877 = arith.constant 0 : i32
    %dma_wait3A_878 = tpu.memref_slice %arg2[%add3A_866, %dma_wait3A_867, %dma_wait3A_875, %dma_wait3A_876, %dma_wait3A_877] : memref<128x8x16x8x128xf32, #tpu.memory_space<hbm>> -> memref<1x1x16x8x128xf32, #tpu.memory_space<hbm>>
    %dma_wait3A_879 = tpu.memref_squeeze %dma_wait3A_878 : memref<1x1x16x8x128xf32, #tpu.memory_space<hbm>> -> memref<16x8x128xf32, #tpu.memory_space<hbm>>
    %dma_wait3A_880 = tpu.memref_slice %arg5[%dma_wait3A_869] : memref<6x!tpu.dma_semaphore, #tpu.memory_space<semaphore_mem>> -> memref<1x!tpu.dma_semaphore, #tpu.memory_space<semaphore_mem>>
    %dma_wait3A_881 = tpu.memref_squeeze %dma_wait3A_880 : memref<1x!tpu.dma_semaphore, #tpu.memory_space<semaphore_mem>> -> memref<!tpu.dma_semaphore, #tpu.memory_space<semaphore_mem>>
    %dma_wait3A_882 = arith.constant 0 : i32
    %dma_wait3A_883 = arith.constant 0 : i32
    %dma_wait3A_884 = arith.constant 0 : i32
    %dma_wait3A_885 = tpu.memref_slice %arg4[%dma_wait3A_868, %dma_wait3A_882, %dma_wait3A_883, %dma_wait3A_884] : memref<6x16x8x128xf32, #tpu.memory_space<vmem>> -> memref<1x16x8x128xf32, #tpu.memory_space<vmem>>
    %dma_wait3A_886 = tpu.memref_squeeze %dma_wait3A_885 : memref<1x16x8x128xf32, #tpu.memory_space<vmem>> -> memref<16x8x128xf32, #tpu.memory_space<vmem>>
    %dma_wait3A_887 = arith.constant 0 : i32
    %dma_wait3A_888 = arith.constant 0 : i32
    %dma_wait3A_889 = arith.constant 0 : i32
    %dma_wait3A_890 = tpu.memref_slice %arg2[%add3A_866, %dma_wait3A_867, %dma_wait3A_887, %dma_wait3A_888, %dma_wait3A_889] : memref<128x8x16x8x128xf32, #tpu.memory_space<hbm>> -> memref<1x1x16x8x128xf32, #tpu.memory_space<hbm>>
    %dma_wait3A_891 = tpu.memref_squeeze %dma_wait3A_890 : memref<1x1x16x8x128xf32, #tpu.memory_space<hbm>> -> memref<16x8x128xf32, #tpu.memory_space<hbm>>
    tpu.wait_dma2 semaphore(%dma_wait3A_881 : memref<!tpu.dma_semaphore, #tpu.memory_space<semaphore_mem>>) src(%dma_wait3A_891 : memref<16x8x128xf32, #tpu.memory_space<hbm>>) dst(%dma_wait3A_886 : memref<16x8x128xf32, #tpu.memory_space<vmem>>)
    %add3A_892 = arith.constant 1 : i32
    %add3A_893 = arith.addi %mul3A_2, %add3A_892 : i32
    %dma_start3A_894 = arith.constant 2 : i32
    %dma_start3A_895 = arith.constant 0 : i32
    %dma_start3A_896 = arith.constant 2 : i32
    %dma_start3A_897 = arith.constant 0 : i32
    %dma_start3A_898 = arith.constant 0 : i32
    %dma_start3A_899 = arith.constant 0 : i32
    %dma_start3A_900 = tpu.memref_slice %arg4[%dma_start3A_894, %dma_start3A_897, %dma_start3A_898, %dma_start3A_899] : memref<6x16x8x128xf32, #tpu.memory_space<vmem>> -> memref<1x16x8x128xf32, #tpu.memory_space<vmem>>
    %dma_start3A_901 = tpu.memref_squeeze %dma_start3A_900 : memref<1x16x8x128xf32, #tpu.memory_space<vmem>> -> memref<16x8x128xf32, #tpu.memory_space<vmem>>
    %dma_start3A_902 = arith.constant 0 : i32
    %dma_start3A_903 = arith.constant 0 : i32
    %dma_start3A_904 = arith.constant 0 : i32
    %dma_start3A_905 = tpu.memref_slice %arg3[%add3A_893, %dma_start3A_895, %dma_start3A_902, %dma_start3A_903, %dma_start3A_904] : memref<128x8x16x8x128xf32, #tpu.memory_space<hbm>> -> memref<1x1x16x8x128xf32, #tpu.memory_space<hbm>>
    %dma_start3A_906 = tpu.memref_squeeze %dma_start3A_905 : memref<1x1x16x8x128xf32, #tpu.memory_space<hbm>> -> memref<16x8x128xf32, #tpu.memory_space<hbm>>
    %dma_start3A_907 = tpu.memref_slice %arg6[%dma_start3A_896] : memref<6x!tpu.dma_semaphore, #tpu.memory_space<semaphore_mem>> -> memref<1x!tpu.dma_semaphore, #tpu.memory_space<semaphore_mem>>
    %dma_start3A_908 = tpu.memref_squeeze %dma_start3A_907 : memref<1x!tpu.dma_semaphore, #tpu.memory_space<semaphore_mem>> -> memref<!tpu.dma_semaphore, #tpu.memory_space<semaphore_mem>>
    %dma_start3A_909 = arith.constant 0 : i32
    %dma_start3A_910 = arith.constant 0 : i32
    %dma_start3A_911 = arith.constant 0 : i32
    %dma_start3A_912 = tpu.memref_slice %arg3[%add3A_893, %dma_start3A_895, %dma_start3A_909, %dma_start3A_910, %dma_start3A_911] : memref<128x8x16x8x128xf32, #tpu.memory_space<hbm>> -> memref<1x1x16x8x128xf32, #tpu.memory_space<hbm>>
    %dma_start3A_913 = tpu.memref_squeeze %dma_start3A_912 : memref<1x1x16x8x128xf32, #tpu.memory_space<hbm>> -> memref<16x8x128xf32, #tpu.memory_space<hbm>>
    %dma_start3A_914 = arith.constant 0 : i32
    %dma_start3A_915 = arith.constant 0 : i32
    %dma_start3A_916 = arith.constant 0 : i32
    %dma_start3A_917 = tpu.memref_slice %arg4[%dma_start3A_894, %dma_start3A_914, %dma_start3A_915, %dma_start3A_916] : memref<6x16x8x128xf32, #tpu.memory_space<vmem>> -> memref<1x16x8x128xf32, #tpu.memory_space<vmem>>
    %dma_start3A_918 = tpu.memref_squeeze %dma_start3A_917 : memref<1x16x8x128xf32, #tpu.memory_space<vmem>> -> memref<16x8x128xf32, #tpu.memory_space<vmem>>
    tpu.enqueue_dma source(%dma_start3A_918 : memref<16x8x128xf32, #tpu.memory_space<vmem>>) target(%dma_start3A_913 : memref<16x8x128xf32, #tpu.memory_space<hbm>>) target_semaphore(%dma_start3A_908 : memref<!tpu.dma_semaphore, #tpu.memory_space<semaphore_mem>>)
    %add3A_919 = arith.constant 0 : i32
    %add3A_920 = arith.addi %mul3A_2, %add3A_919 : i32
    %dma_wait3A_921 = arith.constant 5 : i32
    %dma_wait3A_922 = arith.constant 5 : i32
    %dma_wait3A_923 = arith.constant 5 : i32
    %dma_wait3A_924 = arith.constant 0 : i32
    %dma_wait3A_925 = arith.constant 0 : i32
    %dma_wait3A_926 = arith.constant 0 : i32
    %dma_wait3A_927 = tpu.memref_slice %arg4[%dma_wait3A_921, %dma_wait3A_924, %dma_wait3A_925, %dma_wait3A_926] : memref<6x16x8x128xf32, #tpu.memory_space<vmem>> -> memref<1x16x8x128xf32, #tpu.memory_space<vmem>>
    %dma_wait3A_928 = tpu.memref_squeeze %dma_wait3A_927 : memref<1x16x8x128xf32, #tpu.memory_space<vmem>> -> memref<16x8x128xf32, #tpu.memory_space<vmem>>
    %dma_wait3A_929 = arith.constant 0 : i32
    %dma_wait3A_930 = arith.constant 0 : i32
    %dma_wait3A_931 = arith.constant 0 : i32
    %dma_wait3A_932 = tpu.memref_slice %arg3[%add3A_920, %dma_wait3A_922, %dma_wait3A_929, %dma_wait3A_930, %dma_wait3A_931] : memref<128x8x16x8x128xf32, #tpu.memory_space<hbm>> -> memref<1x1x16x8x128xf32, #tpu.memory_space<hbm>>
    %dma_wait3A_933 = tpu.memref_squeeze %dma_wait3A_932 : memref<1x1x16x8x128xf32, #tpu.memory_space<hbm>> -> memref<16x8x128xf32, #tpu.memory_space<hbm>>
    %dma_wait3A_934 = tpu.memref_slice %arg6[%dma_wait3A_923] : memref<6x!tpu.dma_semaphore, #tpu.memory_space<semaphore_mem>> -> memref<1x!tpu.dma_semaphore, #tpu.memory_space<semaphore_mem>>
    %dma_wait3A_935 = tpu.memref_squeeze %dma_wait3A_934 : memref<1x!tpu.dma_semaphore, #tpu.memory_space<semaphore_mem>> -> memref<!tpu.dma_semaphore, #tpu.memory_space<semaphore_mem>>
    %dma_wait3A_936 = arith.constant 0 : i32
    %dma_wait3A_937 = arith.constant 0 : i32
    %dma_wait3A_938 = arith.constant 0 : i32
    %dma_wait3A_939 = tpu.memref_slice %arg3[%add3A_920, %dma_wait3A_922, %dma_wait3A_936, %dma_wait3A_937, %dma_wait3A_938] : memref<128x8x16x8x128xf32, #tpu.memory_space<hbm>> -> memref<1x1x16x8x128xf32, #tpu.memory_space<hbm>>
    %dma_wait3A_940 = tpu.memref_squeeze %dma_wait3A_939 : memref<1x1x16x8x128xf32, #tpu.memory_space<hbm>> -> memref<16x8x128xf32, #tpu.memory_space<hbm>>
    %dma_wait3A_941 = arith.constant 0 : i32
    %dma_wait3A_942 = arith.constant 0 : i32
    %dma_wait3A_943 = arith.constant 0 : i32
    %dma_wait3A_944 = tpu.memref_slice %arg4[%dma_wait3A_921, %dma_wait3A_941, %dma_wait3A_942, %dma_wait3A_943] : memref<6x16x8x128xf32, #tpu.memory_space<vmem>> -> memref<1x16x8x128xf32, #tpu.memory_space<vmem>>
    %dma_wait3A_945 = tpu.memref_squeeze %dma_wait3A_944 : memref<1x16x8x128xf32, #tpu.memory_space<vmem>> -> memref<16x8x128xf32, #tpu.memory_space<vmem>>
    tpu.wait_dma2 semaphore(%dma_wait3A_935 : memref<!tpu.dma_semaphore, #tpu.memory_space<semaphore_mem>>) src(%dma_wait3A_945 : memref<16x8x128xf32, #tpu.memory_space<vmem>>) dst(%dma_wait3A_940 : memref<16x8x128xf32, #tpu.memory_space<hbm>>)
    %add3A_946 = arith.constant 1 : i32
    %add3A_947 = arith.addi %mul3A_2, %add3A_946 : i32
    %dma_start3A_948 = arith.constant 3 : i32
    %dma_start3A_949 = arith.constant 5 : i32
    %dma_start3A_950 = arith.constant 5 : i32
    %dma_start3A_951 = arith.constant 0 : i32
    %dma_start3A_952 = arith.constant 0 : i32
    %dma_start3A_953 = arith.constant 0 : i32
    %dma_start3A_954 = tpu.memref_slice %arg4[%dma_start3A_949, %dma_start3A_951, %dma_start3A_952, %dma_start3A_953] : memref<6x16x8x128xf32, #tpu.memory_space<vmem>> -> memref<1x16x8x128xf32, #tpu.memory_space<vmem>>
    %dma_start3A_955 = tpu.memref_squeeze %dma_start3A_954 : memref<1x16x8x128xf32, #tpu.memory_space<vmem>> -> memref<16x8x128xf32, #tpu.memory_space<vmem>>
    %dma_start3A_956 = arith.constant 0 : i32
    %dma_start3A_957 = arith.constant 0 : i32
    %dma_start3A_958 = arith.constant 0 : i32
    %dma_start3A_959 = tpu.memref_slice %arg2[%add3A_947, %dma_start3A_948, %dma_start3A_956, %dma_start3A_957, %dma_start3A_958] : memref<128x8x16x8x128xf32, #tpu.memory_space<hbm>> -> memref<1x1x16x8x128xf32, #tpu.memory_space<hbm>>
    %dma_start3A_960 = tpu.memref_squeeze %dma_start3A_959 : memref<1x1x16x8x128xf32, #tpu.memory_space<hbm>> -> memref<16x8x128xf32, #tpu.memory_space<hbm>>
    %dma_start3A_961 = tpu.memref_slice %arg5[%dma_start3A_950] : memref<6x!tpu.dma_semaphore, #tpu.memory_space<semaphore_mem>> -> memref<1x!tpu.dma_semaphore, #tpu.memory_space<semaphore_mem>>
    %dma_start3A_962 = tpu.memref_squeeze %dma_start3A_961 : memref<1x!tpu.dma_semaphore, #tpu.memory_space<semaphore_mem>> -> memref<!tpu.dma_semaphore, #tpu.memory_space<semaphore_mem>>
    %dma_start3A_963 = arith.constant 0 : i32
    %dma_start3A_964 = arith.constant 0 : i32
    %dma_start3A_965 = arith.constant 0 : i32
    %dma_start3A_966 = tpu.memref_slice %arg4[%dma_start3A_949, %dma_start3A_963, %dma_start3A_964, %dma_start3A_965] : memref<6x16x8x128xf32, #tpu.memory_space<vmem>> -> memref<1x16x8x128xf32, #tpu.memory_space<vmem>>
    %dma_start3A_967 = tpu.memref_squeeze %dma_start3A_966 : memref<1x16x8x128xf32, #tpu.memory_space<vmem>> -> memref<16x8x128xf32, #tpu.memory_space<vmem>>
    %dma_start3A_968 = arith.constant 0 : i32
    %dma_start3A_969 = arith.constant 0 : i32
    %dma_start3A_970 = arith.constant 0 : i32
    %dma_start3A_971 = tpu.memref_slice %arg2[%add3A_947, %dma_start3A_948, %dma_start3A_968, %dma_start3A_969, %dma_start3A_970] : memref<128x8x16x8x128xf32, #tpu.memory_space<hbm>> -> memref<1x1x16x8x128xf32, #tpu.memory_space<hbm>>
    %dma_start3A_972 = tpu.memref_squeeze %dma_start3A_971 : memref<1x1x16x8x128xf32, #tpu.memory_space<hbm>> -> memref<16x8x128xf32, #tpu.memory_space<hbm>>
    tpu.enqueue_dma source(%dma_start3A_972 : memref<16x8x128xf32, #tpu.memory_space<hbm>>) target(%dma_start3A_967 : memref<16x8x128xf32, #tpu.memory_space<vmem>>) target_semaphore(%dma_start3A_962 : memref<!tpu.dma_semaphore, #tpu.memory_space<semaphore_mem>>)
    %add3A_973 = arith.constant 1 : i32
    %add3A_974 = arith.addi %mul3A_2, %add3A_973 : i32
    %dma_wait3A_975 = arith.constant 1 : i32
    %dma_wait3A_976 = arith.constant 3 : i32
    %dma_wait3A_977 = arith.constant 3 : i32
    %dma_wait3A_978 = arith.constant 0 : i32
    %dma_wait3A_979 = arith.constant 0 : i32
    %dma_wait3A_980 = arith.constant 0 : i32
    %dma_wait3A_981 = tpu.memref_slice %arg4[%dma_wait3A_976, %dma_wait3A_978, %dma_wait3A_979, %dma_wait3A_980] : memref<6x16x8x128xf32, #tpu.memory_space<vmem>> -> memref<1x16x8x128xf32, #tpu.memory_space<vmem>>
    %dma_wait3A_982 = tpu.memref_squeeze %dma_wait3A_981 : memref<1x16x8x128xf32, #tpu.memory_space<vmem>> -> memref<16x8x128xf32, #tpu.memory_space<vmem>>
    %dma_wait3A_983 = arith.constant 0 : i32
    %dma_wait3A_984 = arith.constant 0 : i32
    %dma_wait3A_985 = arith.constant 0 : i32
    %dma_wait3A_986 = tpu.memref_slice %arg2[%add3A_974, %dma_wait3A_975, %dma_wait3A_983, %dma_wait3A_984, %dma_wait3A_985] : memref<128x8x16x8x128xf32, #tpu.memory_space<hbm>> -> memref<1x1x16x8x128xf32, #tpu.memory_space<hbm>>
    %dma_wait3A_987 = tpu.memref_squeeze %dma_wait3A_986 : memref<1x1x16x8x128xf32, #tpu.memory_space<hbm>> -> memref<16x8x128xf32, #tpu.memory_space<hbm>>
    %dma_wait3A_988 = tpu.memref_slice %arg5[%dma_wait3A_977] : memref<6x!tpu.dma_semaphore, #tpu.memory_space<semaphore_mem>> -> memref<1x!tpu.dma_semaphore, #tpu.memory_space<semaphore_mem>>
    %dma_wait3A_989 = tpu.memref_squeeze %dma_wait3A_988 : memref<1x!tpu.dma_semaphore, #tpu.memory_space<semaphore_mem>> -> memref<!tpu.dma_semaphore, #tpu.memory_space<semaphore_mem>>
    %dma_wait3A_990 = arith.constant 0 : i32
    %dma_wait3A_991 = arith.constant 0 : i32
    %dma_wait3A_992 = arith.constant 0 : i32
    %dma_wait3A_993 = tpu.memref_slice %arg4[%dma_wait3A_976, %dma_wait3A_990, %dma_wait3A_991, %dma_wait3A_992] : memref<6x16x8x128xf32, #tpu.memory_space<vmem>> -> memref<1x16x8x128xf32, #tpu.memory_space<vmem>>
    %dma_wait3A_994 = tpu.memref_squeeze %dma_wait3A_993 : memref<1x16x8x128xf32, #tpu.memory_space<vmem>> -> memref<16x8x128xf32, #tpu.memory_space<vmem>>
    %dma_wait3A_995 = arith.constant 0 : i32
    %dma_wait3A_996 = arith.constant 0 : i32
    %dma_wait3A_997 = arith.constant 0 : i32
    %dma_wait3A_998 = tpu.memref_slice %arg2[%add3A_974, %dma_wait3A_975, %dma_wait3A_995, %dma_wait3A_996, %dma_wait3A_997] : memref<128x8x16x8x128xf32, #tpu.memory_space<hbm>> -> memref<1x1x16x8x128xf32, #tpu.memory_space<hbm>>
    %dma_wait3A_999 = tpu.memref_squeeze %dma_wait3A_998 : memref<1x1x16x8x128xf32, #tpu.memory_space<hbm>> -> memref<16x8x128xf32, #tpu.memory_space<hbm>>
    tpu.wait_dma2 semaphore(%dma_wait3A_989 : memref<!tpu.dma_semaphore, #tpu.memory_space<semaphore_mem>>) src(%dma_wait3A_999 : memref<16x8x128xf32, #tpu.memory_space<hbm>>) dst(%dma_wait3A_994 : memref<16x8x128xf32, #tpu.memory_space<vmem>>)
    %add3A_1000 = arith.constant 1 : i32
    %add3A_1001 = arith.addi %mul3A_2, %add3A_1000 : i32
    %dma_start3A_1002 = arith.constant 3 : i32
    %dma_start3A_1003 = arith.constant 1 : i32
    %dma_start3A_1004 = arith.constant 3 : i32
    %dma_start3A_1005 = arith.constant 0 : i32
    %dma_start3A_1006 = arith.constant 0 : i32
    %dma_start3A_1007 = arith.constant 0 : i32
    %dma_start3A_1008 = tpu.memref_slice %arg4[%dma_start3A_1002, %dma_start3A_1005, %dma_start3A_1006, %dma_start3A_1007] : memref<6x16x8x128xf32, #tpu.memory_space<vmem>> -> memref<1x16x8x128xf32, #tpu.memory_space<vmem>>
    %dma_start3A_1009 = tpu.memref_squeeze %dma_start3A_1008 : memref<1x16x8x128xf32, #tpu.memory_space<vmem>> -> memref<16x8x128xf32, #tpu.memory_space<vmem>>
    %dma_start3A_1010 = arith.constant 0 : i32
    %dma_start3A_1011 = arith.constant 0 : i32
    %dma_start3A_1012 = arith.constant 0 : i32
    %dma_start3A_1013 = tpu.memref_slice %arg3[%add3A_1001, %dma_start3A_1003, %dma_start3A_1010, %dma_start3A_1011, %dma_start3A_1012] : memref<128x8x16x8x128xf32, #tpu.memory_space<hbm>> -> memref<1x1x16x8x128xf32, #tpu.memory_space<hbm>>
    %dma_start3A_1014 = tpu.memref_squeeze %dma_start3A_1013 : memref<1x1x16x8x128xf32, #tpu.memory_space<hbm>> -> memref<16x8x128xf32, #tpu.memory_space<hbm>>
    %dma_start3A_1015 = tpu.memref_slice %arg6[%dma_start3A_1004] : memref<6x!tpu.dma_semaphore, #tpu.memory_space<semaphore_mem>> -> memref<1x!tpu.dma_semaphore, #tpu.memory_space<semaphore_mem>>
    %dma_start3A_1016 = tpu.memref_squeeze %dma_start3A_1015 : memref<1x!tpu.dma_semaphore, #tpu.memory_space<semaphore_mem>> -> memref<!tpu.dma_semaphore, #tpu.memory_space<semaphore_mem>>
    %dma_start3A_1017 = arith.constant 0 : i32
    %dma_start3A_1018 = arith.constant 0 : i32
    %dma_start3A_1019 = arith.constant 0 : i32
    %dma_start3A_1020 = tpu.memref_slice %arg3[%add3A_1001, %dma_start3A_1003, %dma_start3A_1017, %dma_start3A_1018, %dma_start3A_1019] : memref<128x8x16x8x128xf32, #tpu.memory_space<hbm>> -> memref<1x1x16x8x128xf32, #tpu.memory_space<hbm>>
    %dma_start3A_1021 = tpu.memref_squeeze %dma_start3A_1020 : memref<1x1x16x8x128xf32, #tpu.memory_space<hbm>> -> memref<16x8x128xf32, #tpu.memory_space<hbm>>
    %dma_start3A_1022 = arith.constant 0 : i32
    %dma_start3A_1023 = arith.constant 0 : i32
    %dma_start3A_1024 = arith.constant 0 : i32
    %dma_start3A_1025 = tpu.memref_slice %arg4[%dma_start3A_1002, %dma_start3A_1022, %dma_start3A_1023, %dma_start3A_1024] : memref<6x16x8x128xf32, #tpu.memory_space<vmem>> -> memref<1x16x8x128xf32, #tpu.memory_space<vmem>>
    %dma_start3A_1026 = tpu.memref_squeeze %dma_start3A_1025 : memref<1x16x8x128xf32, #tpu.memory_space<vmem>> -> memref<16x8x128xf32, #tpu.memory_space<vmem>>
    tpu.enqueue_dma source(%dma_start3A_1026 : memref<16x8x128xf32, #tpu.memory_space<vmem>>) target(%dma_start3A_1021 : memref<16x8x128xf32, #tpu.memory_space<hbm>>) target_semaphore(%dma_start3A_1016 : memref<!tpu.dma_semaphore, #tpu.memory_space<semaphore_mem>>)
    %add3A_1027 = arith.constant 0 : i32
    %add3A_1028 = arith.addi %mul3A_2, %add3A_1027 : i32
    %dma_wait3A_1029 = arith.constant 0 : i32
    %dma_wait3A_1030 = arith.constant 6 : i32
    %dma_wait3A_1031 = arith.constant 0 : i32
    %dma_wait3A_1032 = arith.constant 0 : i32
    %dma_wait3A_1033 = arith.constant 0 : i32
    %dma_wait3A_1034 = arith.constant 0 : i32
    %dma_wait3A_1035 = tpu.memref_slice %arg4[%dma_wait3A_1029, %dma_wait3A_1032, %dma_wait3A_1033, %dma_wait3A_1034] : memref<6x16x8x128xf32, #tpu.memory_space<vmem>> -> memref<1x16x8x128xf32, #tpu.memory_space<vmem>>
    %dma_wait3A_1036 = tpu.memref_squeeze %dma_wait3A_1035 : memref<1x16x8x128xf32, #tpu.memory_space<vmem>> -> memref<16x8x128xf32, #tpu.memory_space<vmem>>
    %dma_wait3A_1037 = arith.constant 0 : i32
    %dma_wait3A_1038 = arith.constant 0 : i32
    %dma_wait3A_1039 = arith.constant 0 : i32
    %dma_wait3A_1040 = tpu.memref_slice %arg3[%add3A_1028, %dma_wait3A_1030, %dma_wait3A_1037, %dma_wait3A_1038, %dma_wait3A_1039] : memref<128x8x16x8x128xf32, #tpu.memory_space<hbm>> -> memref<1x1x16x8x128xf32, #tpu.memory_space<hbm>>
    %dma_wait3A_1041 = tpu.memref_squeeze %dma_wait3A_1040 : memref<1x1x16x8x128xf32, #tpu.memory_space<hbm>> -> memref<16x8x128xf32, #tpu.memory_space<hbm>>
    %dma_wait3A_1042 = tpu.memref_slice %arg6[%dma_wait3A_1031] : memref<6x!tpu.dma_semaphore, #tpu.memory_space<semaphore_mem>> -> memref<1x!tpu.dma_semaphore, #tpu.memory_space<semaphore_mem>>
    %dma_wait3A_1043 = tpu.memref_squeeze %dma_wait3A_1042 : memref<1x!tpu.dma_semaphore, #tpu.memory_space<semaphore_mem>> -> memref<!tpu.dma_semaphore, #tpu.memory_space<semaphore_mem>>
    %dma_wait3A_1044 = arith.constant 0 : i32
    %dma_wait3A_1045 = arith.constant 0 : i32
    %dma_wait3A_1046 = arith.constant 0 : i32
    %dma_wait3A_1047 = tpu.memref_slice %arg3[%add3A_1028, %dma_wait3A_1030, %dma_wait3A_1044, %dma_wait3A_1045, %dma_wait3A_1046] : memref<128x8x16x8x128xf32, #tpu.memory_space<hbm>> -> memref<1x1x16x8x128xf32, #tpu.memory_space<hbm>>
    %dma_wait3A_1048 = tpu.memref_squeeze %dma_wait3A_1047 : memref<1x1x16x8x128xf32, #tpu.memory_space<hbm>> -> memref<16x8x128xf32, #tpu.memory_space<hbm>>
    %dma_wait3A_1049 = arith.constant 0 : i32
    %dma_wait3A_1050 = arith.constant 0 : i32
    %dma_wait3A_1051 = arith.constant 0 : i32
    %dma_wait3A_1052 = tpu.memref_slice %arg4[%dma_wait3A_1029, %dma_wait3A_1049, %dma_wait3A_1050, %dma_wait3A_1051] : memref<6x16x8x128xf32, #tpu.memory_space<vmem>> -> memref<1x16x8x128xf32, #tpu.memory_space<vmem>>
    %dma_wait3A_1053 = tpu.memref_squeeze %dma_wait3A_1052 : memref<1x16x8x128xf32, #tpu.memory_space<vmem>> -> memref<16x8x128xf32, #tpu.memory_space<vmem>>
    tpu.wait_dma2 semaphore(%dma_wait3A_1043 : memref<!tpu.dma_semaphore, #tpu.memory_space<semaphore_mem>>) src(%dma_wait3A_1053 : memref<16x8x128xf32, #tpu.memory_space<vmem>>) dst(%dma_wait3A_1048 : memref<16x8x128xf32, #tpu.memory_space<hbm>>)
    %add3A_1054 = arith.constant 1 : i32
    %add3A_1055 = arith.addi %mul3A_2, %add3A_1054 : i32
    %dma_start3A_1056 = arith.constant 4 : i32
    %dma_start3A_1057 = arith.constant 0 : i32
    %dma_start3A_1058 = arith.constant 0 : i32
    %dma_start3A_1059 = arith.constant 0 : i32
    %dma_start3A_1060 = arith.constant 0 : i32
    %dma_start3A_1061 = arith.constant 0 : i32
    %dma_start3A_1062 = tpu.memref_slice %arg4[%dma_start3A_1057, %dma_start3A_1059, %dma_start3A_1060, %dma_start3A_1061] : memref<6x16x8x128xf32, #tpu.memory_space<vmem>> -> memref<1x16x8x128xf32, #tpu.memory_space<vmem>>
    %dma_start3A_1063 = tpu.memref_squeeze %dma_start3A_1062 : memref<1x16x8x128xf32, #tpu.memory_space<vmem>> -> memref<16x8x128xf32, #tpu.memory_space<vmem>>
    %dma_start3A_1064 = arith.constant 0 : i32
    %dma_start3A_1065 = arith.constant 0 : i32
    %dma_start3A_1066 = arith.constant 0 : i32
    %dma_start3A_1067 = tpu.memref_slice %arg2[%add3A_1055, %dma_start3A_1056, %dma_start3A_1064, %dma_start3A_1065, %dma_start3A_1066] : memref<128x8x16x8x128xf32, #tpu.memory_space<hbm>> -> memref<1x1x16x8x128xf32, #tpu.memory_space<hbm>>
    %dma_start3A_1068 = tpu.memref_squeeze %dma_start3A_1067 : memref<1x1x16x8x128xf32, #tpu.memory_space<hbm>> -> memref<16x8x128xf32, #tpu.memory_space<hbm>>
    %dma_start3A_1069 = tpu.memref_slice %arg5[%dma_start3A_1058] : memref<6x!tpu.dma_semaphore, #tpu.memory_space<semaphore_mem>> -> memref<1x!tpu.dma_semaphore, #tpu.memory_space<semaphore_mem>>
    %dma_start3A_1070 = tpu.memref_squeeze %dma_start3A_1069 : memref<1x!tpu.dma_semaphore, #tpu.memory_space<semaphore_mem>> -> memref<!tpu.dma_semaphore, #tpu.memory_space<semaphore_mem>>
    %dma_start3A_1071 = arith.constant 0 : i32
    %dma_start3A_1072 = arith.constant 0 : i32
    %dma_start3A_1073 = arith.constant 0 : i32
    %dma_start3A_1074 = tpu.memref_slice %arg4[%dma_start3A_1057, %dma_start3A_1071, %dma_start3A_1072, %dma_start3A_1073] : memref<6x16x8x128xf32, #tpu.memory_space<vmem>> -> memref<1x16x8x128xf32, #tpu.memory_space<vmem>>
    %dma_start3A_1075 = tpu.memref_squeeze %dma_start3A_1074 : memref<1x16x8x128xf32, #tpu.memory_space<vmem>> -> memref<16x8x128xf32, #tpu.memory_space<vmem>>
    %dma_start3A_1076 = arith.constant 0 : i32
    %dma_start3A_1077 = arith.constant 0 : i32
    %dma_start3A_1078 = arith.constant 0 : i32
    %dma_start3A_1079 = tpu.memref_slice %arg2[%add3A_1055, %dma_start3A_1056, %dma_start3A_1076, %dma_start3A_1077, %dma_start3A_1078] : memref<128x8x16x8x128xf32, #tpu.memory_space<hbm>> -> memref<1x1x16x8x128xf32, #tpu.memory_space<hbm>>
    %dma_start3A_1080 = tpu.memref_squeeze %dma_start3A_1079 : memref<1x1x16x8x128xf32, #tpu.memory_space<hbm>> -> memref<16x8x128xf32, #tpu.memory_space<hbm>>
    tpu.enqueue_dma source(%dma_start3A_1080 : memref<16x8x128xf32, #tpu.memory_space<hbm>>) target(%dma_start3A_1075 : memref<16x8x128xf32, #tpu.memory_space<vmem>>) target_semaphore(%dma_start3A_1070 : memref<!tpu.dma_semaphore, #tpu.memory_space<semaphore_mem>>)
    %add3A_1081 = arith.constant 1 : i32
    %add3A_1082 = arith.addi %mul3A_2, %add3A_1081 : i32
    %dma_wait3A_1083 = arith.constant 2 : i32
    %dma_wait3A_1084 = arith.constant 4 : i32
    %dma_wait3A_1085 = arith.constant 4 : i32
    %dma_wait3A_1086 = arith.constant 0 : i32
    %dma_wait3A_1087 = arith.constant 0 : i32
    %dma_wait3A_1088 = arith.constant 0 : i32
    %dma_wait3A_1089 = tpu.memref_slice %arg4[%dma_wait3A_1084, %dma_wait3A_1086, %dma_wait3A_1087, %dma_wait3A_1088] : memref<6x16x8x128xf32, #tpu.memory_space<vmem>> -> memref<1x16x8x128xf32, #tpu.memory_space<vmem>>
    %dma_wait3A_1090 = tpu.memref_squeeze %dma_wait3A_1089 : memref<1x16x8x128xf32, #tpu.memory_space<vmem>> -> memref<16x8x128xf32, #tpu.memory_space<vmem>>
    %dma_wait3A_1091 = arith.constant 0 : i32
    %dma_wait3A_1092 = arith.constant 0 : i32
    %dma_wait3A_1093 = arith.constant 0 : i32
    %dma_wait3A_1094 = tpu.memref_slice %arg2[%add3A_1082, %dma_wait3A_1083, %dma_wait3A_1091, %dma_wait3A_1092, %dma_wait3A_1093] : memref<128x8x16x8x128xf32, #tpu.memory_space<hbm>> -> memref<1x1x16x8x128xf32, #tpu.memory_space<hbm>>
    %dma_wait3A_1095 = tpu.memref_squeeze %dma_wait3A_1094 : memref<1x1x16x8x128xf32, #tpu.memory_space<hbm>> -> memref<16x8x128xf32, #tpu.memory_space<hbm>>
    %dma_wait3A_1096 = tpu.memref_slice %arg5[%dma_wait3A_1085] : memref<6x!tpu.dma_semaphore, #tpu.memory_space<semaphore_mem>> -> memref<1x!tpu.dma_semaphore, #tpu.memory_space<semaphore_mem>>
    %dma_wait3A_1097 = tpu.memref_squeeze %dma_wait3A_1096 : memref<1x!tpu.dma_semaphore, #tpu.memory_space<semaphore_mem>> -> memref<!tpu.dma_semaphore, #tpu.memory_space<semaphore_mem>>
    %dma_wait3A_1098 = arith.constant 0 : i32
    %dma_wait3A_1099 = arith.constant 0 : i32
    %dma_wait3A_1100 = arith.constant 0 : i32
    %dma_wait3A_1101 = tpu.memref_slice %arg4[%dma_wait3A_1084, %dma_wait3A_1098, %dma_wait3A_1099, %dma_wait3A_1100] : memref<6x16x8x128xf32, #tpu.memory_space<vmem>> -> memref<1x16x8x128xf32, #tpu.memory_space<vmem>>
    %dma_wait3A_1102 = tpu.memref_squeeze %dma_wait3A_1101 : memref<1x16x8x128xf32, #tpu.memory_space<vmem>> -> memref<16x8x128xf32, #tpu.memory_space<vmem>>
    %dma_wait3A_1103 = arith.constant 0 : i32
    %dma_wait3A_1104 = arith.constant 0 : i32
    %dma_wait3A_1105 = arith.constant 0 : i32
    %dma_wait3A_1106 = tpu.memref_slice %arg2[%add3A_1082, %dma_wait3A_1083, %dma_wait3A_1103, %dma_wait3A_1104, %dma_wait3A_1105] : memref<128x8x16x8x128xf32, #tpu.memory_space<hbm>> -> memref<1x1x16x8x128xf32, #tpu.memory_space<hbm>>
    %dma_wait3A_1107 = tpu.memref_squeeze %dma_wait3A_1106 : memref<1x1x16x8x128xf32, #tpu.memory_space<hbm>> -> memref<16x8x128xf32, #tpu.memory_space<hbm>>
    tpu.wait_dma2 semaphore(%dma_wait3A_1097 : memref<!tpu.dma_semaphore, #tpu.memory_space<semaphore_mem>>) src(%dma_wait3A_1107 : memref<16x8x128xf32, #tpu.memory_space<hbm>>) dst(%dma_wait3A_1102 : memref<16x8x128xf32, #tpu.memory_space<vmem>>)
    %add3A_1108 = arith.constant 1 : i32
    %add3A_1109 = arith.addi %mul3A_2, %add3A_1108 : i32
    %dma_start3A_1110 = arith.constant 4 : i32
    %dma_start3A_1111 = arith.constant 2 : i32
    %dma_start3A_1112 = arith.constant 4 : i32
    %dma_start3A_1113 = arith.constant 0 : i32
    %dma_start3A_1114 = arith.constant 0 : i32
    %dma_start3A_1115 = arith.constant 0 : i32
    %dma_start3A_1116 = tpu.memref_slice %arg4[%dma_start3A_1110, %dma_start3A_1113, %dma_start3A_1114, %dma_start3A_1115] : memref<6x16x8x128xf32, #tpu.memory_space<vmem>> -> memref<1x16x8x128xf32, #tpu.memory_space<vmem>>
    %dma_start3A_1117 = tpu.memref_squeeze %dma_start3A_1116 : memref<1x16x8x128xf32, #tpu.memory_space<vmem>> -> memref<16x8x128xf32, #tpu.memory_space<vmem>>
    %dma_start3A_1118 = arith.constant 0 : i32
    %dma_start3A_1119 = arith.constant 0 : i32
    %dma_start3A_1120 = arith.constant 0 : i32
    %dma_start3A_1121 = tpu.memref_slice %arg3[%add3A_1109, %dma_start3A_1111, %dma_start3A_1118, %dma_start3A_1119, %dma_start3A_1120] : memref<128x8x16x8x128xf32, #tpu.memory_space<hbm>> -> memref<1x1x16x8x128xf32, #tpu.memory_space<hbm>>
    %dma_start3A_1122 = tpu.memref_squeeze %dma_start3A_1121 : memref<1x1x16x8x128xf32, #tpu.memory_space<hbm>> -> memref<16x8x128xf32, #tpu.memory_space<hbm>>
    %dma_start3A_1123 = tpu.memref_slice %arg6[%dma_start3A_1112] : memref<6x!tpu.dma_semaphore, #tpu.memory_space<semaphore_mem>> -> memref<1x!tpu.dma_semaphore, #tpu.memory_space<semaphore_mem>>
    %dma_start3A_1124 = tpu.memref_squeeze %dma_start3A_1123 : memref<1x!tpu.dma_semaphore, #tpu.memory_space<semaphore_mem>> -> memref<!tpu.dma_semaphore, #tpu.memory_space<semaphore_mem>>
    %dma_start3A_1125 = arith.constant 0 : i32
    %dma_start3A_1126 = arith.constant 0 : i32
    %dma_start3A_1127 = arith.constant 0 : i32
    %dma_start3A_1128 = tpu.memref_slice %arg3[%add3A_1109, %dma_start3A_1111, %dma_start3A_1125, %dma_start3A_1126, %dma_start3A_1127] : memref<128x8x16x8x128xf32, #tpu.memory_space<hbm>> -> memref<1x1x16x8x128xf32, #tpu.memory_space<hbm>>
    %dma_start3A_1129 = tpu.memref_squeeze %dma_start3A_1128 : memref<1x1x16x8x128xf32, #tpu.memory_space<hbm>> -> memref<16x8x128xf32, #tpu.memory_space<hbm>>
    %dma_start3A_1130 = arith.constant 0 : i32
    %dma_start3A_1131 = arith.constant 0 : i32
    %dma_start3A_1132 = arith.constant 0 : i32
    %dma_start3A_1133 = tpu.memref_slice %arg4[%dma_start3A_1110, %dma_start3A_1130, %dma_start3A_1131, %dma_start3A_1132] : memref<6x16x8x128xf32, #tpu.memory_space<vmem>> -> memref<1x16x8x128xf32, #tpu.memory_space<vmem>>
    %dma_start3A_1134 = tpu.memref_squeeze %dma_start3A_1133 : memref<1x16x8x128xf32, #tpu.memory_space<vmem>> -> memref<16x8x128xf32, #tpu.memory_space<vmem>>
    tpu.enqueue_dma source(%dma_start3A_1134 : memref<16x8x128xf32, #tpu.memory_space<vmem>>) target(%dma_start3A_1129 : memref<16x8x128xf32, #tpu.memory_space<hbm>>) target_semaphore(%dma_start3A_1124 : memref<!tpu.dma_semaphore, #tpu.memory_space<semaphore_mem>>)
    %add3A_1135 = arith.constant 0 : i32
    %add3A_1136 = arith.addi %mul3A_2, %add3A_1135 : i32
    %dma_wait3A_1137 = arith.constant 1 : i32
    %dma_wait3A_1138 = arith.constant 7 : i32
    %dma_wait3A_1139 = arith.constant 1 : i32
    %dma_wait3A_1140 = arith.constant 0 : i32
    %dma_wait3A_1141 = arith.constant 0 : i32
    %dma_wait3A_1142 = arith.constant 0 : i32
    %dma_wait3A_1143 = tpu.memref_slice %arg4[%dma_wait3A_1137, %dma_wait3A_1140, %dma_wait3A_1141, %dma_wait3A_1142] : memref<6x16x8x128xf32, #tpu.memory_space<vmem>> -> memref<1x16x8x128xf32, #tpu.memory_space<vmem>>
    %dma_wait3A_1144 = tpu.memref_squeeze %dma_wait3A_1143 : memref<1x16x8x128xf32, #tpu.memory_space<vmem>> -> memref<16x8x128xf32, #tpu.memory_space<vmem>>
    %dma_wait3A_1145 = arith.constant 0 : i32
    %dma_wait3A_1146 = arith.constant 0 : i32
    %dma_wait3A_1147 = arith.constant 0 : i32
    %dma_wait3A_1148 = tpu.memref_slice %arg3[%add3A_1136, %dma_wait3A_1138, %dma_wait3A_1145, %dma_wait3A_1146, %dma_wait3A_1147] : memref<128x8x16x8x128xf32, #tpu.memory_space<hbm>> -> memref<1x1x16x8x128xf32, #tpu.memory_space<hbm>>
    %dma_wait3A_1149 = tpu.memref_squeeze %dma_wait3A_1148 : memref<1x1x16x8x128xf32, #tpu.memory_space<hbm>> -> memref<16x8x128xf32, #tpu.memory_space<hbm>>
    %dma_wait3A_1150 = tpu.memref_slice %arg6[%dma_wait3A_1139] : memref<6x!tpu.dma_semaphore, #tpu.memory_space<semaphore_mem>> -> memref<1x!tpu.dma_semaphore, #tpu.memory_space<semaphore_mem>>
    %dma_wait3A_1151 = tpu.memref_squeeze %dma_wait3A_1150 : memref<1x!tpu.dma_semaphore, #tpu.memory_space<semaphore_mem>> -> memref<!tpu.dma_semaphore, #tpu.memory_space<semaphore_mem>>
    %dma_wait3A_1152 = arith.constant 0 : i32
    %dma_wait3A_1153 = arith.constant 0 : i32
    %dma_wait3A_1154 = arith.constant 0 : i32
    %dma_wait3A_1155 = tpu.memref_slice %arg3[%add3A_1136, %dma_wait3A_1138, %dma_wait3A_1152, %dma_wait3A_1153, %dma_wait3A_1154] : memref<128x8x16x8x128xf32, #tpu.memory_space<hbm>> -> memref<1x1x16x8x128xf32, #tpu.memory_space<hbm>>
    %dma_wait3A_1156 = tpu.memref_squeeze %dma_wait3A_1155 : memref<1x1x16x8x128xf32, #tpu.memory_space<hbm>> -> memref<16x8x128xf32, #tpu.memory_space<hbm>>
    %dma_wait3A_1157 = arith.constant 0 : i32
    %dma_wait3A_1158 = arith.constant 0 : i32
    %dma_wait3A_1159 = arith.constant 0 : i32
    %dma_wait3A_1160 = tpu.memref_slice %arg4[%dma_wait3A_1137, %dma_wait3A_1157, %dma_wait3A_1158, %dma_wait3A_1159] : memref<6x16x8x128xf32, #tpu.memory_space<vmem>> -> memref<1x16x8x128xf32, #tpu.memory_space<vmem>>
    %dma_wait3A_1161 = tpu.memref_squeeze %dma_wait3A_1160 : memref<1x16x8x128xf32, #tpu.memory_space<vmem>> -> memref<16x8x128xf32, #tpu.memory_space<vmem>>
    tpu.wait_dma2 semaphore(%dma_wait3A_1151 : memref<!tpu.dma_semaphore, #tpu.memory_space<semaphore_mem>>) src(%dma_wait3A_1161 : memref<16x8x128xf32, #tpu.memory_space<vmem>>) dst(%dma_wait3A_1156 : memref<16x8x128xf32, #tpu.memory_space<hbm>>)
    %add3A_1162 = arith.constant 1 : i32
    %add3A_1163 = arith.addi %mul3A_2, %add3A_1162 : i32
    %dma_start3A_1164 = arith.constant 5 : i32
    %dma_start3A_1165 = arith.constant 1 : i32
    %dma_start3A_1166 = arith.constant 1 : i32
    %dma_start3A_1167 = arith.constant 0 : i32
    %dma_start3A_1168 = arith.constant 0 : i32
    %dma_start3A_1169 = arith.constant 0 : i32
    %dma_start3A_1170 = tpu.memref_slice %arg4[%dma_start3A_1165, %dma_start3A_1167, %dma_start3A_1168, %dma_start3A_1169] : memref<6x16x8x128xf32, #tpu.memory_space<vmem>> -> memref<1x16x8x128xf32, #tpu.memory_space<vmem>>
    %dma_start3A_1171 = tpu.memref_squeeze %dma_start3A_1170 : memref<1x16x8x128xf32, #tpu.memory_space<vmem>> -> memref<16x8x128xf32, #tpu.memory_space<vmem>>
    %dma_start3A_1172 = arith.constant 0 : i32
    %dma_start3A_1173 = arith.constant 0 : i32
    %dma_start3A_1174 = arith.constant 0 : i32
    %dma_start3A_1175 = tpu.memref_slice %arg2[%add3A_1163, %dma_start3A_1164, %dma_start3A_1172, %dma_start3A_1173, %dma_start3A_1174] : memref<128x8x16x8x128xf32, #tpu.memory_space<hbm>> -> memref<1x1x16x8x128xf32, #tpu.memory_space<hbm>>
    %dma_start3A_1176 = tpu.memref_squeeze %dma_start3A_1175 : memref<1x1x16x8x128xf32, #tpu.memory_space<hbm>> -> memref<16x8x128xf32, #tpu.memory_space<hbm>>
    %dma_start3A_1177 = tpu.memref_slice %arg5[%dma_start3A_1166] : memref<6x!tpu.dma_semaphore, #tpu.memory_space<semaphore_mem>> -> memref<1x!tpu.dma_semaphore, #tpu.memory_space<semaphore_mem>>
    %dma_start3A_1178 = tpu.memref_squeeze %dma_start3A_1177 : memref<1x!tpu.dma_semaphore, #tpu.memory_space<semaphore_mem>> -> memref<!tpu.dma_semaphore, #tpu.memory_space<semaphore_mem>>
    %dma_start3A_1179 = arith.constant 0 : i32
    %dma_start3A_1180 = arith.constant 0 : i32
    %dma_start3A_1181 = arith.constant 0 : i32
    %dma_start3A_1182 = tpu.memref_slice %arg4[%dma_start3A_1165, %dma_start3A_1179, %dma_start3A_1180, %dma_start3A_1181] : memref<6x16x8x128xf32, #tpu.memory_space<vmem>> -> memref<1x16x8x128xf32, #tpu.memory_space<vmem>>
    %dma_start3A_1183 = tpu.memref_squeeze %dma_start3A_1182 : memref<1x16x8x128xf32, #tpu.memory_space<vmem>> -> memref<16x8x128xf32, #tpu.memory_space<vmem>>
    %dma_start3A_1184 = arith.constant 0 : i32
    %dma_start3A_1185 = arith.constant 0 : i32
    %dma_start3A_1186 = arith.constant 0 : i32
    %dma_start3A_1187 = tpu.memref_slice %arg2[%add3A_1163, %dma_start3A_1164, %dma_start3A_1184, %dma_start3A_1185, %dma_start3A_1186] : memref<128x8x16x8x128xf32, #tpu.memory_space<hbm>> -> memref<1x1x16x8x128xf32, #tpu.memory_space<hbm>>
    %dma_start3A_1188 = tpu.memref_squeeze %dma_start3A_1187 : memref<1x1x16x8x128xf32, #tpu.memory_space<hbm>> -> memref<16x8x128xf32, #tpu.memory_space<hbm>>
    tpu.enqueue_dma source(%dma_start3A_1188 : memref<16x8x128xf32, #tpu.memory_space<hbm>>) target(%dma_start3A_1183 : memref<16x8x128xf32, #tpu.memory_space<vmem>>) target_semaphore(%dma_start3A_1178 : memref<!tpu.dma_semaphore, #tpu.memory_space<semaphore_mem>>)
    %add3A_1189 = arith.constant 1 : i32
    %add3A_1190 = arith.addi %mul3A_2, %add3A_1189 : i32
    %dma_wait3A_1191 = arith.constant 3 : i32
    %dma_wait3A_1192 = arith.constant 5 : i32
    %dma_wait3A_1193 = arith.constant 5 : i32
    %dma_wait3A_1194 = arith.constant 0 : i32
    %dma_wait3A_1195 = arith.constant 0 : i32
    %dma_wait3A_1196 = arith.constant 0 : i32
    %dma_wait3A_1197 = tpu.memref_slice %arg4[%dma_wait3A_1192, %dma_wait3A_1194, %dma_wait3A_1195, %dma_wait3A_1196] : memref<6x16x8x128xf32, #tpu.memory_space<vmem>> -> memref<1x16x8x128xf32, #tpu.memory_space<vmem>>
    %dma_wait3A_1198 = tpu.memref_squeeze %dma_wait3A_1197 : memref<1x16x8x128xf32, #tpu.memory_space<vmem>> -> memref<16x8x128xf32, #tpu.memory_space<vmem>>
    %dma_wait3A_1199 = arith.constant 0 : i32
    %dma_wait3A_1200 = arith.constant 0 : i32
    %dma_wait3A_1201 = arith.constant 0 : i32
    %dma_wait3A_1202 = tpu.memref_slice %arg2[%add3A_1190, %dma_wait3A_1191, %dma_wait3A_1199, %dma_wait3A_1200, %dma_wait3A_1201] : memref<128x8x16x8x128xf32, #tpu.memory_space<hbm>> -> memref<1x1x16x8x128xf32, #tpu.memory_space<hbm>>
    %dma_wait3A_1203 = tpu.memref_squeeze %dma_wait3A_1202 : memref<1x1x16x8x128xf32, #tpu.memory_space<hbm>> -> memref<16x8x128xf32, #tpu.memory_space<hbm>>
    %dma_wait3A_1204 = tpu.memref_slice %arg5[%dma_wait3A_1193] : memref<6x!tpu.dma_semaphore, #tpu.memory_space<semaphore_mem>> -> memref<1x!tpu.dma_semaphore, #tpu.memory_space<semaphore_mem>>
    %dma_wait3A_1205 = tpu.memref_squeeze %dma_wait3A_1204 : memref<1x!tpu.dma_semaphore, #tpu.memory_space<semaphore_mem>> -> memref<!tpu.dma_semaphore, #tpu.memory_space<semaphore_mem>>
    %dma_wait3A_1206 = arith.constant 0 : i32
    %dma_wait3A_1207 = arith.constant 0 : i32
    %dma_wait3A_1208 = arith.constant 0 : i32
    %dma_wait3A_1209 = tpu.memref_slice %arg4[%dma_wait3A_1192, %dma_wait3A_1206, %dma_wait3A_1207, %dma_wait3A_1208] : memref<6x16x8x128xf32, #tpu.memory_space<vmem>> -> memref<1x16x8x128xf32, #tpu.memory_space<vmem>>
    %dma_wait3A_1210 = tpu.memref_squeeze %dma_wait3A_1209 : memref<1x16x8x128xf32, #tpu.memory_space<vmem>> -> memref<16x8x128xf32, #tpu.memory_space<vmem>>
    %dma_wait3A_1211 = arith.constant 0 : i32
    %dma_wait3A_1212 = arith.constant 0 : i32
    %dma_wait3A_1213 = arith.constant 0 : i32
    %dma_wait3A_1214 = tpu.memref_slice %arg2[%add3A_1190, %dma_wait3A_1191, %dma_wait3A_1211, %dma_wait3A_1212, %dma_wait3A_1213] : memref<128x8x16x8x128xf32, #tpu.memory_space<hbm>> -> memref<1x1x16x8x128xf32, #tpu.memory_space<hbm>>
    %dma_wait3A_1215 = tpu.memref_squeeze %dma_wait3A_1214 : memref<1x1x16x8x128xf32, #tpu.memory_space<hbm>> -> memref<16x8x128xf32, #tpu.memory_space<hbm>>
    tpu.wait_dma2 semaphore(%dma_wait3A_1205 : memref<!tpu.dma_semaphore, #tpu.memory_space<semaphore_mem>>) src(%dma_wait3A_1215 : memref<16x8x128xf32, #tpu.memory_space<hbm>>) dst(%dma_wait3A_1210 : memref<16x8x128xf32, #tpu.memory_space<vmem>>)
    %add3A_1216 = arith.constant 1 : i32
    %add3A_1217 = arith.addi %mul3A_2, %add3A_1216 : i32
    %dma_start3A_1218 = arith.constant 5 : i32
    %dma_start3A_1219 = arith.constant 3 : i32
    %dma_start3A_1220 = arith.constant 5 : i32
    %dma_start3A_1221 = arith.constant 0 : i32
    %dma_start3A_1222 = arith.constant 0 : i32
    %dma_start3A_1223 = arith.constant 0 : i32
    %dma_start3A_1224 = tpu.memref_slice %arg4[%dma_start3A_1218, %dma_start3A_1221, %dma_start3A_1222, %dma_start3A_1223] : memref<6x16x8x128xf32, #tpu.memory_space<vmem>> -> memref<1x16x8x128xf32, #tpu.memory_space<vmem>>
    %dma_start3A_1225 = tpu.memref_squeeze %dma_start3A_1224 : memref<1x16x8x128xf32, #tpu.memory_space<vmem>> -> memref<16x8x128xf32, #tpu.memory_space<vmem>>
    %dma_start3A_1226 = arith.constant 0 : i32
    %dma_start3A_1227 = arith.constant 0 : i32
    %dma_start3A_1228 = arith.constant 0 : i32
    %dma_start3A_1229 = tpu.memref_slice %arg3[%add3A_1217, %dma_start3A_1219, %dma_start3A_1226, %dma_start3A_1227, %dma_start3A_1228] : memref<128x8x16x8x128xf32, #tpu.memory_space<hbm>> -> memref<1x1x16x8x128xf32, #tpu.memory_space<hbm>>
    %dma_start3A_1230 = tpu.memref_squeeze %dma_start3A_1229 : memref<1x1x16x8x128xf32, #tpu.memory_space<hbm>> -> memref<16x8x128xf32, #tpu.memory_space<hbm>>
    %dma_start3A_1231 = tpu.memref_slice %arg6[%dma_start3A_1220] : memref<6x!tpu.dma_semaphore, #tpu.memory_space<semaphore_mem>> -> memref<1x!tpu.dma_semaphore, #tpu.memory_space<semaphore_mem>>
    %dma_start3A_1232 = tpu.memref_squeeze %dma_start3A_1231 : memref<1x!tpu.dma_semaphore, #tpu.memory_space<semaphore_mem>> -> memref<!tpu.dma_semaphore, #tpu.memory_space<semaphore_mem>>
    %dma_start3A_1233 = arith.constant 0 : i32
    %dma_start3A_1234 = arith.constant 0 : i32
    %dma_start3A_1235 = arith.constant 0 : i32
    %dma_start3A_1236 = tpu.memref_slice %arg3[%add3A_1217, %dma_start3A_1219, %dma_start3A_1233, %dma_start3A_1234, %dma_start3A_1235] : memref<128x8x16x8x128xf32, #tpu.memory_space<hbm>> -> memref<1x1x16x8x128xf32, #tpu.memory_space<hbm>>
    %dma_start3A_1237 = tpu.memref_squeeze %dma_start3A_1236 : memref<1x1x16x8x128xf32, #tpu.memory_space<hbm>> -> memref<16x8x128xf32, #tpu.memory_space<hbm>>
    %dma_start3A_1238 = arith.constant 0 : i32
    %dma_start3A_1239 = arith.constant 0 : i32
    %dma_start3A_1240 = arith.constant 0 : i32
    %dma_start3A_1241 = tpu.memref_slice %arg4[%dma_start3A_1218, %dma_start3A_1238, %dma_start3A_1239, %dma_start3A_1240] : memref<6x16x8x128xf32, #tpu.memory_space<vmem>> -> memref<1x16x8x128xf32, #tpu.memory_space<vmem>>
    %dma_start3A_1242 = tpu.memref_squeeze %dma_start3A_1241 : memref<1x16x8x128xf32, #tpu.memory_space<vmem>> -> memref<16x8x128xf32, #tpu.memory_space<vmem>>
    tpu.enqueue_dma source(%dma_start3A_1242 : memref<16x8x128xf32, #tpu.memory_space<vmem>>) target(%dma_start3A_1237 : memref<16x8x128xf32, #tpu.memory_space<hbm>>) target_semaphore(%dma_start3A_1232 : memref<!tpu.dma_semaphore, #tpu.memory_space<semaphore_mem>>)
    %add3A_1243 = arith.constant 1 : i32
    %add3A_1244 = arith.addi %mul3A_2, %add3A_1243 : i32
    %dma_wait3A_1245 = arith.constant 2 : i32
    %dma_wait3A_1246 = arith.constant 0 : i32
    %dma_wait3A_1247 = arith.constant 2 : i32
    %dma_wait3A_1248 = arith.constant 0 : i32
    %dma_wait3A_1249 = arith.constant 0 : i32
    %dma_wait3A_1250 = arith.constant 0 : i32
    %dma_wait3A_1251 = tpu.memref_slice %arg4[%dma_wait3A_1245, %dma_wait3A_1248, %dma_wait3A_1249, %dma_wait3A_1250] : memref<6x16x8x128xf32, #tpu.memory_space<vmem>> -> memref<1x16x8x128xf32, #tpu.memory_space<vmem>>
    %dma_wait3A_1252 = tpu.memref_squeeze %dma_wait3A_1251 : memref<1x16x8x128xf32, #tpu.memory_space<vmem>> -> memref<16x8x128xf32, #tpu.memory_space<vmem>>
    %dma_wait3A_1253 = arith.constant 0 : i32
    %dma_wait3A_1254 = arith.constant 0 : i32
    %dma_wait3A_1255 = arith.constant 0 : i32
    %dma_wait3A_1256 = tpu.memref_slice %arg3[%add3A_1244, %dma_wait3A_1246, %dma_wait3A_1253, %dma_wait3A_1254, %dma_wait3A_1255] : memref<128x8x16x8x128xf32, #tpu.memory_space<hbm>> -> memref<1x1x16x8x128xf32, #tpu.memory_space<hbm>>
    %dma_wait3A_1257 = tpu.memref_squeeze %dma_wait3A_1256 : memref<1x1x16x8x128xf32, #tpu.memory_space<hbm>> -> memref<16x8x128xf32, #tpu.memory_space<hbm>>
    %dma_wait3A_1258 = tpu.memref_slice %arg6[%dma_wait3A_1247] : memref<6x!tpu.dma_semaphore, #tpu.memory_space<semaphore_mem>> -> memref<1x!tpu.dma_semaphore, #tpu.memory_space<semaphore_mem>>
    %dma_wait3A_1259 = tpu.memref_squeeze %dma_wait3A_1258 : memref<1x!tpu.dma_semaphore, #tpu.memory_space<semaphore_mem>> -> memref<!tpu.dma_semaphore, #tpu.memory_space<semaphore_mem>>
    %dma_wait3A_1260 = arith.constant 0 : i32
    %dma_wait3A_1261 = arith.constant 0 : i32
    %dma_wait3A_1262 = arith.constant 0 : i32
    %dma_wait3A_1263 = tpu.memref_slice %arg3[%add3A_1244, %dma_wait3A_1246, %dma_wait3A_1260, %dma_wait3A_1261, %dma_wait3A_1262] : memref<128x8x16x8x128xf32, #tpu.memory_space<hbm>> -> memref<1x1x16x8x128xf32, #tpu.memory_space<hbm>>
    %dma_wait3A_1264 = tpu.memref_squeeze %dma_wait3A_1263 : memref<1x1x16x8x128xf32, #tpu.memory_space<hbm>> -> memref<16x8x128xf32, #tpu.memory_space<hbm>>
    %dma_wait3A_1265 = arith.constant 0 : i32
    %dma_wait3A_1266 = arith.constant 0 : i32
    %dma_wait3A_1267 = arith.constant 0 : i32
    %dma_wait3A_1268 = tpu.memref_slice %arg4[%dma_wait3A_1245, %dma_wait3A_1265, %dma_wait3A_1266, %dma_wait3A_1267] : memref<6x16x8x128xf32, #tpu.memory_space<vmem>> -> memref<1x16x8x128xf32, #tpu.memory_space<vmem>>
    %dma_wait3A_1269 = tpu.memref_squeeze %dma_wait3A_1268 : memref<1x16x8x128xf32, #tpu.memory_space<vmem>> -> memref<16x8x128xf32, #tpu.memory_space<vmem>>
    tpu.wait_dma2 semaphore(%dma_wait3A_1259 : memref<!tpu.dma_semaphore, #tpu.memory_space<semaphore_mem>>) src(%dma_wait3A_1269 : memref<16x8x128xf32, #tpu.memory_space<vmem>>) dst(%dma_wait3A_1264 : memref<16x8x128xf32, #tpu.memory_space<hbm>>)
    %add3A_1270 = arith.constant 1 : i32
    %add3A_1271 = arith.addi %mul3A_2, %add3A_1270 : i32
    %dma_start3A_1272 = arith.constant 6 : i32
    %dma_start3A_1273 = arith.constant 2 : i32
    %dma_start3A_1274 = arith.constant 2 : i32
    %dma_start3A_1275 = arith.constant 0 : i32
    %dma_start3A_1276 = arith.constant 0 : i32
    %dma_start3A_1277 = arith.constant 0 : i32
    %dma_start3A_1278 = tpu.memref_slice %arg4[%dma_start3A_1273, %dma_start3A_1275, %dma_start3A_1276, %dma_start3A_1277] : memref<6x16x8x128xf32, #tpu.memory_space<vmem>> -> memref<1x16x8x128xf32, #tpu.memory_space<vmem>>
    %dma_start3A_1279 = tpu.memref_squeeze %dma_start3A_1278 : memref<1x16x8x128xf32, #tpu.memory_space<vmem>> -> memref<16x8x128xf32, #tpu.memory_space<vmem>>
    %dma_start3A_1280 = arith.constant 0 : i32
    %dma_start3A_1281 = arith.constant 0 : i32
    %dma_start3A_1282 = arith.constant 0 : i32
    %dma_start3A_1283 = tpu.memref_slice %arg2[%add3A_1271, %dma_start3A_1272, %dma_start3A_1280, %dma_start3A_1281, %dma_start3A_1282] : memref<128x8x16x8x128xf32, #tpu.memory_space<hbm>> -> memref<1x1x16x8x128xf32, #tpu.memory_space<hbm>>
    %dma_start3A_1284 = tpu.memref_squeeze %dma_start3A_1283 : memref<1x1x16x8x128xf32, #tpu.memory_space<hbm>> -> memref<16x8x128xf32, #tpu.memory_space<hbm>>
    %dma_start3A_1285 = tpu.memref_slice %arg5[%dma_start3A_1274] : memref<6x!tpu.dma_semaphore, #tpu.memory_space<semaphore_mem>> -> memref<1x!tpu.dma_semaphore, #tpu.memory_space<semaphore_mem>>
    %dma_start3A_1286 = tpu.memref_squeeze %dma_start3A_1285 : memref<1x!tpu.dma_semaphore, #tpu.memory_space<semaphore_mem>> -> memref<!tpu.dma_semaphore, #tpu.memory_space<semaphore_mem>>
    %dma_start3A_1287 = arith.constant 0 : i32
    %dma_start3A_1288 = arith.constant 0 : i32
    %dma_start3A_1289 = arith.constant 0 : i32
    %dma_start3A_1290 = tpu.memref_slice %arg4[%dma_start3A_1273, %dma_start3A_1287, %dma_start3A_1288, %dma_start3A_1289] : memref<6x16x8x128xf32, #tpu.memory_space<vmem>> -> memref<1x16x8x128xf32, #tpu.memory_space<vmem>>
    %dma_start3A_1291 = tpu.memref_squeeze %dma_start3A_1290 : memref<1x16x8x128xf32, #tpu.memory_space<vmem>> -> memref<16x8x128xf32, #tpu.memory_space<vmem>>
    %dma_start3A_1292 = arith.constant 0 : i32
    %dma_start3A_1293 = arith.constant 0 : i32
    %dma_start3A_1294 = arith.constant 0 : i32
    %dma_start3A_1295 = tpu.memref_slice %arg2[%add3A_1271, %dma_start3A_1272, %dma_start3A_1292, %dma_start3A_1293, %dma_start3A_1294] : memref<128x8x16x8x128xf32, #tpu.memory_space<hbm>> -> memref<1x1x16x8x128xf32, #tpu.memory_space<hbm>>
    %dma_start3A_1296 = tpu.memref_squeeze %dma_start3A_1295 : memref<1x1x16x8x128xf32, #tpu.memory_space<hbm>> -> memref<16x8x128xf32, #tpu.memory_space<hbm>>
    tpu.enqueue_dma source(%dma_start3A_1296 : memref<16x8x128xf32, #tpu.memory_space<hbm>>) target(%dma_start3A_1291 : memref<16x8x128xf32, #tpu.memory_space<vmem>>) target_semaphore(%dma_start3A_1286 : memref<!tpu.dma_semaphore, #tpu.memory_space<semaphore_mem>>)
    %add3A_1297 = arith.constant 1 : i32
    %add3A_1298 = arith.addi %mul3A_2, %add3A_1297 : i32
    %dma_wait3A_1299 = arith.constant 4 : i32
    %dma_wait3A_1300 = arith.constant 0 : i32
    %dma_wait3A_1301 = arith.constant 0 : i32
    %dma_wait3A_1302 = arith.constant 0 : i32
    %dma_wait3A_1303 = arith.constant 0 : i32
    %dma_wait3A_1304 = arith.constant 0 : i32
    %dma_wait3A_1305 = tpu.memref_slice %arg4[%dma_wait3A_1300, %dma_wait3A_1302, %dma_wait3A_1303, %dma_wait3A_1304] : memref<6x16x8x128xf32, #tpu.memory_space<vmem>> -> memref<1x16x8x128xf32, #tpu.memory_space<vmem>>
    %dma_wait3A_1306 = tpu.memref_squeeze %dma_wait3A_1305 : memref<1x16x8x128xf32, #tpu.memory_space<vmem>> -> memref<16x8x128xf32, #tpu.memory_space<vmem>>
    %dma_wait3A_1307 = arith.constant 0 : i32
    %dma_wait3A_1308 = arith.constant 0 : i32
    %dma_wait3A_1309 = arith.constant 0 : i32
    %dma_wait3A_1310 = tpu.memref_slice %arg2[%add3A_1298, %dma_wait3A_1299, %dma_wait3A_1307, %dma_wait3A_1308, %dma_wait3A_1309] : memref<128x8x16x8x128xf32, #tpu.memory_space<hbm>> -> memref<1x1x16x8x128xf32, #tpu.memory_space<hbm>>
    %dma_wait3A_1311 = tpu.memref_squeeze %dma_wait3A_1310 : memref<1x1x16x8x128xf32, #tpu.memory_space<hbm>> -> memref<16x8x128xf32, #tpu.memory_space<hbm>>
    %dma_wait3A_1312 = tpu.memref_slice %arg5[%dma_wait3A_1301] : memref<6x!tpu.dma_semaphore, #tpu.memory_space<semaphore_mem>> -> memref<1x!tpu.dma_semaphore, #tpu.memory_space<semaphore_mem>>
    %dma_wait3A_1313 = tpu.memref_squeeze %dma_wait3A_1312 : memref<1x!tpu.dma_semaphore, #tpu.memory_space<semaphore_mem>> -> memref<!tpu.dma_semaphore, #tpu.memory_space<semaphore_mem>>
    %dma_wait3A_1314 = arith.constant 0 : i32
    %dma_wait3A_1315 = arith.constant 0 : i32
    %dma_wait3A_1316 = arith.constant 0 : i32
    %dma_wait3A_1317 = tpu.memref_slice %arg4[%dma_wait3A_1300, %dma_wait3A_1314, %dma_wait3A_1315, %dma_wait3A_1316] : memref<6x16x8x128xf32, #tpu.memory_space<vmem>> -> memref<1x16x8x128xf32, #tpu.memory_space<vmem>>
    %dma_wait3A_1318 = tpu.memref_squeeze %dma_wait3A_1317 : memref<1x16x8x128xf32, #tpu.memory_space<vmem>> -> memref<16x8x128xf32, #tpu.memory_space<vmem>>
    %dma_wait3A_1319 = arith.constant 0 : i32
    %dma_wait3A_1320 = arith.constant 0 : i32
    %dma_wait3A_1321 = arith.constant 0 : i32
    %dma_wait3A_1322 = tpu.memref_slice %arg2[%add3A_1298, %dma_wait3A_1299, %dma_wait3A_1319, %dma_wait3A_1320, %dma_wait3A_1321] : memref<128x8x16x8x128xf32, #tpu.memory_space<hbm>> -> memref<1x1x16x8x128xf32, #tpu.memory_space<hbm>>
    %dma_wait3A_1323 = tpu.memref_squeeze %dma_wait3A_1322 : memref<1x1x16x8x128xf32, #tpu.memory_space<hbm>> -> memref<16x8x128xf32, #tpu.memory_space<hbm>>
    tpu.wait_dma2 semaphore(%dma_wait3A_1313 : memref<!tpu.dma_semaphore, #tpu.memory_space<semaphore_mem>>) src(%dma_wait3A_1323 : memref<16x8x128xf32, #tpu.memory_space<hbm>>) dst(%dma_wait3A_1318 : memref<16x8x128xf32, #tpu.memory_space<vmem>>)
    %add3A_1324 = arith.constant 1 : i32
    %add3A_1325 = arith.addi %mul3A_2, %add3A_1324 : i32
    %dma_start3A_1326 = arith.constant 0 : i32
    %dma_start3A_1327 = arith.constant 4 : i32
    %dma_start3A_1328 = arith.constant 0 : i32
    %dma_start3A_1329 = arith.constant 0 : i32
    %dma_start3A_1330 = arith.constant 0 : i32
    %dma_start3A_1331 = arith.constant 0 : i32
    %dma_start3A_1332 = tpu.memref_slice %arg4[%dma_start3A_1326, %dma_start3A_1329, %dma_start3A_1330, %dma_start3A_1331] : memref<6x16x8x128xf32, #tpu.memory_space<vmem>> -> memref<1x16x8x128xf32, #tpu.memory_space<vmem>>
    %dma_start3A_1333 = tpu.memref_squeeze %dma_start3A_1332 : memref<1x16x8x128xf32, #tpu.memory_space<vmem>> -> memref<16x8x128xf32, #tpu.memory_space<vmem>>
    %dma_start3A_1334 = arith.constant 0 : i32
    %dma_start3A_1335 = arith.constant 0 : i32
    %dma_start3A_1336 = arith.constant 0 : i32
    %dma_start3A_1337 = tpu.memref_slice %arg3[%add3A_1325, %dma_start3A_1327, %dma_start3A_1334, %dma_start3A_1335, %dma_start3A_1336] : memref<128x8x16x8x128xf32, #tpu.memory_space<hbm>> -> memref<1x1x16x8x128xf32, #tpu.memory_space<hbm>>
    %dma_start3A_1338 = tpu.memref_squeeze %dma_start3A_1337 : memref<1x1x16x8x128xf32, #tpu.memory_space<hbm>> -> memref<16x8x128xf32, #tpu.memory_space<hbm>>
    %dma_start3A_1339 = tpu.memref_slice %arg6[%dma_start3A_1328] : memref<6x!tpu.dma_semaphore, #tpu.memory_space<semaphore_mem>> -> memref<1x!tpu.dma_semaphore, #tpu.memory_space<semaphore_mem>>
    %dma_start3A_1340 = tpu.memref_squeeze %dma_start3A_1339 : memref<1x!tpu.dma_semaphore, #tpu.memory_space<semaphore_mem>> -> memref<!tpu.dma_semaphore, #tpu.memory_space<semaphore_mem>>
    %dma_start3A_1341 = arith.constant 0 : i32
    %dma_start3A_1342 = arith.constant 0 : i32
    %dma_start3A_1343 = arith.constant 0 : i32
    %dma_start3A_1344 = tpu.memref_slice %arg3[%add3A_1325, %dma_start3A_1327, %dma_start3A_1341, %dma_start3A_1342, %dma_start3A_1343] : memref<128x8x16x8x128xf32, #tpu.memory_space<hbm>> -> memref<1x1x16x8x128xf32, #tpu.memory_space<hbm>>
    %dma_start3A_1345 = tpu.memref_squeeze %dma_start3A_1344 : memref<1x1x16x8x128xf32, #tpu.memory_space<hbm>> -> memref<16x8x128xf32, #tpu.memory_space<hbm>>
    %dma_start3A_1346 = arith.constant 0 : i32
    %dma_start3A_1347 = arith.constant 0 : i32
    %dma_start3A_1348 = arith.constant 0 : i32
    %dma_start3A_1349 = tpu.memref_slice %arg4[%dma_start3A_1326, %dma_start3A_1346, %dma_start3A_1347, %dma_start3A_1348] : memref<6x16x8x128xf32, #tpu.memory_space<vmem>> -> memref<1x16x8x128xf32, #tpu.memory_space<vmem>>
    %dma_start3A_1350 = tpu.memref_squeeze %dma_start3A_1349 : memref<1x16x8x128xf32, #tpu.memory_space<vmem>> -> memref<16x8x128xf32, #tpu.memory_space<vmem>>
    tpu.enqueue_dma source(%dma_start3A_1350 : memref<16x8x128xf32, #tpu.memory_space<vmem>>) target(%dma_start3A_1345 : memref<16x8x128xf32, #tpu.memory_space<hbm>>) target_semaphore(%dma_start3A_1340 : memref<!tpu.dma_semaphore, #tpu.memory_space<semaphore_mem>>)
    %add3A_1351 = arith.constant 1 : i32
    %add3A_1352 = arith.addi %mul3A_2, %add3A_1351 : i32
    %dma_wait3A_1353 = arith.constant 3 : i32
    %dma_wait3A_1354 = arith.constant 1 : i32
    %dma_wait3A_1355 = arith.constant 3 : i32
    %dma_wait3A_1356 = arith.constant 0 : i32
    %dma_wait3A_1357 = arith.constant 0 : i32
    %dma_wait3A_1358 = arith.constant 0 : i32
    %dma_wait3A_1359 = tpu.memref_slice %arg4[%dma_wait3A_1353, %dma_wait3A_1356, %dma_wait3A_1357, %dma_wait3A_1358] : memref<6x16x8x128xf32, #tpu.memory_space<vmem>> -> memref<1x16x8x128xf32, #tpu.memory_space<vmem>>
    %dma_wait3A_1360 = tpu.memref_squeeze %dma_wait3A_1359 : memref<1x16x8x128xf32, #tpu.memory_space<vmem>> -> memref<16x8x128xf32, #tpu.memory_space<vmem>>
    %dma_wait3A_1361 = arith.constant 0 : i32
    %dma_wait3A_1362 = arith.constant 0 : i32
    %dma_wait3A_1363 = arith.constant 0 : i32
    %dma_wait3A_1364 = tpu.memref_slice %arg3[%add3A_1352, %dma_wait3A_1354, %dma_wait3A_1361, %dma_wait3A_1362, %dma_wait3A_1363] : memref<128x8x16x8x128xf32, #tpu.memory_space<hbm>> -> memref<1x1x16x8x128xf32, #tpu.memory_space<hbm>>
    %dma_wait3A_1365 = tpu.memref_squeeze %dma_wait3A_1364 : memref<1x1x16x8x128xf32, #tpu.memory_space<hbm>> -> memref<16x8x128xf32, #tpu.memory_space<hbm>>
    %dma_wait3A_1366 = tpu.memref_slice %arg6[%dma_wait3A_1355] : memref<6x!tpu.dma_semaphore, #tpu.memory_space<semaphore_mem>> -> memref<1x!tpu.dma_semaphore, #tpu.memory_space<semaphore_mem>>
    %dma_wait3A_1367 = tpu.memref_squeeze %dma_wait3A_1366 : memref<1x!tpu.dma_semaphore, #tpu.memory_space<semaphore_mem>> -> memref<!tpu.dma_semaphore, #tpu.memory_space<semaphore_mem>>
    %dma_wait3A_1368 = arith.constant 0 : i32
    %dma_wait3A_1369 = arith.constant 0 : i32
    %dma_wait3A_1370 = arith.constant 0 : i32
    %dma_wait3A_1371 = tpu.memref_slice %arg3[%add3A_1352, %dma_wait3A_1354, %dma_wait3A_1368, %dma_wait3A_1369, %dma_wait3A_1370] : memref<128x8x16x8x128xf32, #tpu.memory_space<hbm>> -> memref<1x1x16x8x128xf32, #tpu.memory_space<hbm>>
    %dma_wait3A_1372 = tpu.memref_squeeze %dma_wait3A_1371 : memref<1x1x16x8x128xf32, #tpu.memory_space<hbm>> -> memref<16x8x128xf32, #tpu.memory_space<hbm>>
    %dma_wait3A_1373 = arith.constant 0 : i32
    %dma_wait3A_1374 = arith.constant 0 : i32
    %dma_wait3A_1375 = arith.constant 0 : i32
    %dma_wait3A_1376 = tpu.memref_slice %arg4[%dma_wait3A_1353, %dma_wait3A_1373, %dma_wait3A_1374, %dma_wait3A_1375] : memref<6x16x8x128xf32, #tpu.memory_space<vmem>> -> memref<1x16x8x128xf32, #tpu.memory_space<vmem>>
    %dma_wait3A_1377 = tpu.memref_squeeze %dma_wait3A_1376 : memref<1x16x8x128xf32, #tpu.memory_space<vmem>> -> memref<16x8x128xf32, #tpu.memory_space<vmem>>
    tpu.wait_dma2 semaphore(%dma_wait3A_1367 : memref<!tpu.dma_semaphore, #tpu.memory_space<semaphore_mem>>) src(%dma_wait3A_1377 : memref<16x8x128xf32, #tpu.memory_space<vmem>>) dst(%dma_wait3A_1372 : memref<16x8x128xf32, #tpu.memory_space<hbm>>)
    %add3A_1378 = arith.constant 1 : i32
    %add3A_1379 = arith.addi %mul3A_2, %add3A_1378 : i32
    %dma_start3A_1380 = arith.constant 7 : i32
    %dma_start3A_1381 = arith.constant 3 : i32
    %dma_start3A_1382 = arith.constant 3 : i32
    %dma_start3A_1383 = arith.constant 0 : i32
    %dma_start3A_1384 = arith.constant 0 : i32
    %dma_start3A_1385 = arith.constant 0 : i32
    %dma_start3A_1386 = tpu.memref_slice %arg4[%dma_start3A_1381, %dma_start3A_1383, %dma_start3A_1384, %dma_start3A_1385] : memref<6x16x8x128xf32, #tpu.memory_space<vmem>> -> memref<1x16x8x128xf32, #tpu.memory_space<vmem>>
    %dma_start3A_1387 = tpu.memref_squeeze %dma_start3A_1386 : memref<1x16x8x128xf32, #tpu.memory_space<vmem>> -> memref<16x8x128xf32, #tpu.memory_space<vmem>>
    %dma_start3A_1388 = arith.constant 0 : i32
    %dma_start3A_1389 = arith.constant 0 : i32
    %dma_start3A_1390 = arith.constant 0 : i32
    %dma_start3A_1391 = tpu.memref_slice %arg2[%add3A_1379, %dma_start3A_1380, %dma_start3A_1388, %dma_start3A_1389, %dma_start3A_1390] : memref<128x8x16x8x128xf32, #tpu.memory_space<hbm>> -> memref<1x1x16x8x128xf32, #tpu.memory_space<hbm>>
    %dma_start3A_1392 = tpu.memref_squeeze %dma_start3A_1391 : memref<1x1x16x8x128xf32, #tpu.memory_space<hbm>> -> memref<16x8x128xf32, #tpu.memory_space<hbm>>
    %dma_start3A_1393 = tpu.memref_slice %arg5[%dma_start3A_1382] : memref<6x!tpu.dma_semaphore, #tpu.memory_space<semaphore_mem>> -> memref<1x!tpu.dma_semaphore, #tpu.memory_space<semaphore_mem>>
    %dma_start3A_1394 = tpu.memref_squeeze %dma_start3A_1393 : memref<1x!tpu.dma_semaphore, #tpu.memory_space<semaphore_mem>> -> memref<!tpu.dma_semaphore, #tpu.memory_space<semaphore_mem>>
    %dma_start3A_1395 = arith.constant 0 : i32
    %dma_start3A_1396 = arith.constant 0 : i32
    %dma_start3A_1397 = arith.constant 0 : i32
    %dma_start3A_1398 = tpu.memref_slice %arg4[%dma_start3A_1381, %dma_start3A_1395, %dma_start3A_1396, %dma_start3A_1397] : memref<6x16x8x128xf32, #tpu.memory_space<vmem>> -> memref<1x16x8x128xf32, #tpu.memory_space<vmem>>
    %dma_start3A_1399 = tpu.memref_squeeze %dma_start3A_1398 : memref<1x16x8x128xf32, #tpu.memory_space<vmem>> -> memref<16x8x128xf32, #tpu.memory_space<vmem>>
    %dma_start3A_1400 = arith.constant 0 : i32
    %dma_start3A_1401 = arith.constant 0 : i32
    %dma_start3A_1402 = arith.constant 0 : i32
    %dma_start3A_1403 = tpu.memref_slice %arg2[%add3A_1379, %dma_start3A_1380, %dma_start3A_1400, %dma_start3A_1401, %dma_start3A_1402] : memref<128x8x16x8x128xf32, #tpu.memory_space<hbm>> -> memref<1x1x16x8x128xf32, #tpu.memory_space<hbm>>
    %dma_start3A_1404 = tpu.memref_squeeze %dma_start3A_1403 : memref<1x1x16x8x128xf32, #tpu.memory_space<hbm>> -> memref<16x8x128xf32, #tpu.memory_space<hbm>>
    tpu.enqueue_dma source(%dma_start3A_1404 : memref<16x8x128xf32, #tpu.memory_space<hbm>>) target(%dma_start3A_1399 : memref<16x8x128xf32, #tpu.memory_space<vmem>>) target_semaphore(%dma_start3A_1394 : memref<!tpu.dma_semaphore, #tpu.memory_space<semaphore_mem>>)
    %add3A_1405 = arith.constant 1 : i32
    %add3A_1406 = arith.addi %mul3A_2, %add3A_1405 : i32
    %dma_wait3A_1407 = arith.constant 5 : i32
    %dma_wait3A_1408 = arith.constant 1 : i32
    %dma_wait3A_1409 = arith.constant 1 : i32
    %dma_wait3A_1410 = arith.constant 0 : i32
    %dma_wait3A_1411 = arith.constant 0 : i32
    %dma_wait3A_1412 = arith.constant 0 : i32
    %dma_wait3A_1413 = tpu.memref_slice %arg4[%dma_wait3A_1408, %dma_wait3A_1410, %dma_wait3A_1411, %dma_wait3A_1412] : memref<6x16x8x128xf32, #tpu.memory_space<vmem>> -> memref<1x16x8x128xf32, #tpu.memory_space<vmem>>
    %dma_wait3A_1414 = tpu.memref_squeeze %dma_wait3A_1413 : memref<1x16x8x128xf32, #tpu.memory_space<vmem>> -> memref<16x8x128xf32, #tpu.memory_space<vmem>>
    %dma_wait3A_1415 = arith.constant 0 : i32
    %dma_wait3A_1416 = arith.constant 0 : i32
    %dma_wait3A_1417 = arith.constant 0 : i32
    %dma_wait3A_1418 = tpu.memref_slice %arg2[%add3A_1406, %dma_wait3A_1407, %dma_wait3A_1415, %dma_wait3A_1416, %dma_wait3A_1417] : memref<128x8x16x8x128xf32, #tpu.memory_space<hbm>> -> memref<1x1x16x8x128xf32, #tpu.memory_space<hbm>>
    %dma_wait3A_1419 = tpu.memref_squeeze %dma_wait3A_1418 : memref<1x1x16x8x128xf32, #tpu.memory_space<hbm>> -> memref<16x8x128xf32, #tpu.memory_space<hbm>>
    %dma_wait3A_1420 = tpu.memref_slice %arg5[%dma_wait3A_1409] : memref<6x!tpu.dma_semaphore, #tpu.memory_space<semaphore_mem>> -> memref<1x!tpu.dma_semaphore, #tpu.memory_space<semaphore_mem>>
    %dma_wait3A_1421 = tpu.memref_squeeze %dma_wait3A_1420 : memref<1x!tpu.dma_semaphore, #tpu.memory_space<semaphore_mem>> -> memref<!tpu.dma_semaphore, #tpu.memory_space<semaphore_mem>>
    %dma_wait3A_1422 = arith.constant 0 : i32
    %dma_wait3A_1423 = arith.constant 0 : i32
    %dma_wait3A_1424 = arith.constant 0 : i32
    %dma_wait3A_1425 = tpu.memref_slice %arg4[%dma_wait3A_1408, %dma_wait3A_1422, %dma_wait3A_1423, %dma_wait3A_1424] : memref<6x16x8x128xf32, #tpu.memory_space<vmem>> -> memref<1x16x8x128xf32, #tpu.memory_space<vmem>>
    %dma_wait3A_1426 = tpu.memref_squeeze %dma_wait3A_1425 : memref<1x16x8x128xf32, #tpu.memory_space<vmem>> -> memref<16x8x128xf32, #tpu.memory_space<vmem>>
    %dma_wait3A_1427 = arith.constant 0 : i32
    %dma_wait3A_1428 = arith.constant 0 : i32
    %dma_wait3A_1429 = arith.constant 0 : i32
    %dma_wait3A_1430 = tpu.memref_slice %arg2[%add3A_1406, %dma_wait3A_1407, %dma_wait3A_1427, %dma_wait3A_1428, %dma_wait3A_1429] : memref<128x8x16x8x128xf32, #tpu.memory_space<hbm>> -> memref<1x1x16x8x128xf32, #tpu.memory_space<hbm>>
    %dma_wait3A_1431 = tpu.memref_squeeze %dma_wait3A_1430 : memref<1x1x16x8x128xf32, #tpu.memory_space<hbm>> -> memref<16x8x128xf32, #tpu.memory_space<hbm>>
    tpu.wait_dma2 semaphore(%dma_wait3A_1421 : memref<!tpu.dma_semaphore, #tpu.memory_space<semaphore_mem>>) src(%dma_wait3A_1431 : memref<16x8x128xf32, #tpu.memory_space<hbm>>) dst(%dma_wait3A_1426 : memref<16x8x128xf32, #tpu.memory_space<vmem>>)
    %add3A_1432 = arith.constant 1 : i32
    %add3A_1433 = arith.addi %mul3A_2, %add3A_1432 : i32
    %dma_start3A_1434 = arith.constant 1 : i32
    %dma_start3A_1435 = arith.constant 5 : i32
    %dma_start3A_1436 = arith.constant 1 : i32
    %dma_start3A_1437 = arith.constant 0 : i32
    %dma_start3A_1438 = arith.constant 0 : i32
    %dma_start3A_1439 = arith.constant 0 : i32
    %dma_start3A_1440 = tpu.memref_slice %arg4[%dma_start3A_1434, %dma_start3A_1437, %dma_start3A_1438, %dma_start3A_1439] : memref<6x16x8x128xf32, #tpu.memory_space<vmem>> -> memref<1x16x8x128xf32, #tpu.memory_space<vmem>>
    %dma_start3A_1441 = tpu.memref_squeeze %dma_start3A_1440 : memref<1x16x8x128xf32, #tpu.memory_space<vmem>> -> memref<16x8x128xf32, #tpu.memory_space<vmem>>
    %dma_start3A_1442 = arith.constant 0 : i32
    %dma_start3A_1443 = arith.constant 0 : i32
    %dma_start3A_1444 = arith.constant 0 : i32
    %dma_start3A_1445 = tpu.memref_slice %arg3[%add3A_1433, %dma_start3A_1435, %dma_start3A_1442, %dma_start3A_1443, %dma_start3A_1444] : memref<128x8x16x8x128xf32, #tpu.memory_space<hbm>> -> memref<1x1x16x8x128xf32, #tpu.memory_space<hbm>>
    %dma_start3A_1446 = tpu.memref_squeeze %dma_start3A_1445 : memref<1x1x16x8x128xf32, #tpu.memory_space<hbm>> -> memref<16x8x128xf32, #tpu.memory_space<hbm>>
    %dma_start3A_1447 = tpu.memref_slice %arg6[%dma_start3A_1436] : memref<6x!tpu.dma_semaphore, #tpu.memory_space<semaphore_mem>> -> memref<1x!tpu.dma_semaphore, #tpu.memory_space<semaphore_mem>>
    %dma_start3A_1448 = tpu.memref_squeeze %dma_start3A_1447 : memref<1x!tpu.dma_semaphore, #tpu.memory_space<semaphore_mem>> -> memref<!tpu.dma_semaphore, #tpu.memory_space<semaphore_mem>>
    %dma_start3A_1449 = arith.constant 0 : i32
    %dma_start3A_1450 = arith.constant 0 : i32
    %dma_start3A_1451 = arith.constant 0 : i32
    %dma_start3A_1452 = tpu.memref_slice %arg3[%add3A_1433, %dma_start3A_1435, %dma_start3A_1449, %dma_start3A_1450, %dma_start3A_1451] : memref<128x8x16x8x128xf32, #tpu.memory_space<hbm>> -> memref<1x1x16x8x128xf32, #tpu.memory_space<hbm>>
    %dma_start3A_1453 = tpu.memref_squeeze %dma_start3A_1452 : memref<1x1x16x8x128xf32, #tpu.memory_space<hbm>> -> memref<16x8x128xf32, #tpu.memory_space<hbm>>
    %dma_start3A_1454 = arith.constant 0 : i32
    %dma_start3A_1455 = arith.constant 0 : i32
    %dma_start3A_1456 = arith.constant 0 : i32
    %dma_start3A_1457 = tpu.memref_slice %arg4[%dma_start3A_1434, %dma_start3A_1454, %dma_start3A_1455, %dma_start3A_1456] : memref<6x16x8x128xf32, #tpu.memory_space<vmem>> -> memref<1x16x8x128xf32, #tpu.memory_space<vmem>>
    %dma_start3A_1458 = tpu.memref_squeeze %dma_start3A_1457 : memref<1x16x8x128xf32, #tpu.memory_space<vmem>> -> memref<16x8x128xf32, #tpu.memory_space<vmem>>
    tpu.enqueue_dma source(%dma_start3A_1458 : memref<16x8x128xf32, #tpu.memory_space<vmem>>) target(%dma_start3A_1453 : memref<16x8x128xf32, #tpu.memory_space<hbm>>) target_semaphore(%dma_start3A_1448 : memref<!tpu.dma_semaphore, #tpu.memory_space<semaphore_mem>>)
    %add3A_1459 = arith.constant 1 : i32
    %add3A_1460 = arith.addi %mul3A_2, %add3A_1459 : i32
    %dma_wait3A_1461 = arith.constant 4 : i32
    %dma_wait3A_1462 = arith.constant 2 : i32
    %dma_wait3A_1463 = arith.constant 4 : i32
    %dma_wait3A_1464 = arith.constant 0 : i32
    %dma_wait3A_1465 = arith.constant 0 : i32
    %dma_wait3A_1466 = arith.constant 0 : i32
    %dma_wait3A_1467 = tpu.memref_slice %arg4[%dma_wait3A_1461, %dma_wait3A_1464, %dma_wait3A_1465, %dma_wait3A_1466] : memref<6x16x8x128xf32, #tpu.memory_space<vmem>> -> memref<1x16x8x128xf32, #tpu.memory_space<vmem>>
    %dma_wait3A_1468 = tpu.memref_squeeze %dma_wait3A_1467 : memref<1x16x8x128xf32, #tpu.memory_space<vmem>> -> memref<16x8x128xf32, #tpu.memory_space<vmem>>
    %dma_wait3A_1469 = arith.constant 0 : i32
    %dma_wait3A_1470 = arith.constant 0 : i32
    %dma_wait3A_1471 = arith.constant 0 : i32
    %dma_wait3A_1472 = tpu.memref_slice %arg3[%add3A_1460, %dma_wait3A_1462, %dma_wait3A_1469, %dma_wait3A_1470, %dma_wait3A_1471] : memref<128x8x16x8x128xf32, #tpu.memory_space<hbm>> -> memref<1x1x16x8x128xf32, #tpu.memory_space<hbm>>
    %dma_wait3A_1473 = tpu.memref_squeeze %dma_wait3A_1472 : memref<1x1x16x8x128xf32, #tpu.memory_space<hbm>> -> memref<16x8x128xf32, #tpu.memory_space<hbm>>
    %dma_wait3A_1474 = tpu.memref_slice %arg6[%dma_wait3A_1463] : memref<6x!tpu.dma_semaphore, #tpu.memory_space<semaphore_mem>> -> memref<1x!tpu.dma_semaphore, #tpu.memory_space<semaphore_mem>>
    %dma_wait3A_1475 = tpu.memref_squeeze %dma_wait3A_1474 : memref<1x!tpu.dma_semaphore, #tpu.memory_space<semaphore_mem>> -> memref<!tpu.dma_semaphore, #tpu.memory_space<semaphore_mem>>
    %dma_wait3A_1476 = arith.constant 0 : i32
    %dma_wait3A_1477 = arith.constant 0 : i32
    %dma_wait3A_1478 = arith.constant 0 : i32
    %dma_wait3A_1479 = tpu.memref_slice %arg3[%add3A_1460, %dma_wait3A_1462, %dma_wait3A_1476, %dma_wait3A_1477, %dma_wait3A_1478] : memref<128x8x16x8x128xf32, #tpu.memory_space<hbm>> -> memref<1x1x16x8x128xf32, #tpu.memory_space<hbm>>
    %dma_wait3A_1480 = tpu.memref_squeeze %dma_wait3A_1479 : memref<1x1x16x8x128xf32, #tpu.memory_space<hbm>> -> memref<16x8x128xf32, #tpu.memory_space<hbm>>
    %dma_wait3A_1481 = arith.constant 0 : i32
    %dma_wait3A_1482 = arith.constant 0 : i32
    %dma_wait3A_1483 = arith.constant 0 : i32
    %dma_wait3A_1484 = tpu.memref_slice %arg4[%dma_wait3A_1461, %dma_wait3A_1481, %dma_wait3A_1482, %dma_wait3A_1483] : memref<6x16x8x128xf32, #tpu.memory_space<vmem>> -> memref<1x16x8x128xf32, #tpu.memory_space<vmem>>
    %dma_wait3A_1485 = tpu.memref_squeeze %dma_wait3A_1484 : memref<1x16x8x128xf32, #tpu.memory_space<vmem>> -> memref<16x8x128xf32, #tpu.memory_space<vmem>>
    tpu.wait_dma2 semaphore(%dma_wait3A_1475 : memref<!tpu.dma_semaphore, #tpu.memory_space<semaphore_mem>>) src(%dma_wait3A_1485 : memref<16x8x128xf32, #tpu.memory_space<vmem>>) dst(%dma_wait3A_1480 : memref<16x8x128xf32, #tpu.memory_space<hbm>>)
    %add3A_1486 = arith.constant 2 : i32
    %add3A_1487 = arith.addi %mul3A_2, %add3A_1486 : i32
    %dma_start3A_1488 = arith.constant 0 : i32
    %dma_start3A_1489 = arith.constant 4 : i32
    %dma_start3A_1490 = arith.constant 4 : i32
    %dma_start3A_1491 = arith.constant 0 : i32
    %dma_start3A_1492 = arith.constant 0 : i32
    %dma_start3A_1493 = arith.constant 0 : i32
    %dma_start3A_1494 = tpu.memref_slice %arg4[%dma_start3A_1489, %dma_start3A_1491, %dma_start3A_1492, %dma_start3A_1493] : memref<6x16x8x128xf32, #tpu.memory_space<vmem>> -> memref<1x16x8x128xf32, #tpu.memory_space<vmem>>
    %dma_start3A_1495 = tpu.memref_squeeze %dma_start3A_1494 : memref<1x16x8x128xf32, #tpu.memory_space<vmem>> -> memref<16x8x128xf32, #tpu.memory_space<vmem>>
    %dma_start3A_1496 = arith.constant 0 : i32
    %dma_start3A_1497 = arith.constant 0 : i32
    %dma_start3A_1498 = arith.constant 0 : i32
    %dma_start3A_1499 = tpu.memref_slice %arg2[%add3A_1487, %dma_start3A_1488, %dma_start3A_1496, %dma_start3A_1497, %dma_start3A_1498] : memref<128x8x16x8x128xf32, #tpu.memory_space<hbm>> -> memref<1x1x16x8x128xf32, #tpu.memory_space<hbm>>
    %dma_start3A_1500 = tpu.memref_squeeze %dma_start3A_1499 : memref<1x1x16x8x128xf32, #tpu.memory_space<hbm>> -> memref<16x8x128xf32, #tpu.memory_space<hbm>>
    %dma_start3A_1501 = tpu.memref_slice %arg5[%dma_start3A_1490] : memref<6x!tpu.dma_semaphore, #tpu.memory_space<semaphore_mem>> -> memref<1x!tpu.dma_semaphore, #tpu.memory_space<semaphore_mem>>
    %dma_start3A_1502 = tpu.memref_squeeze %dma_start3A_1501 : memref<1x!tpu.dma_semaphore, #tpu.memory_space<semaphore_mem>> -> memref<!tpu.dma_semaphore, #tpu.memory_space<semaphore_mem>>
    %dma_start3A_1503 = arith.constant 0 : i32
    %dma_start3A_1504 = arith.constant 0 : i32
    %dma_start3A_1505 = arith.constant 0 : i32
    %dma_start3A_1506 = tpu.memref_slice %arg4[%dma_start3A_1489, %dma_start3A_1503, %dma_start3A_1504, %dma_start3A_1505] : memref<6x16x8x128xf32, #tpu.memory_space<vmem>> -> memref<1x16x8x128xf32, #tpu.memory_space<vmem>>
    %dma_start3A_1507 = tpu.memref_squeeze %dma_start3A_1506 : memref<1x16x8x128xf32, #tpu.memory_space<vmem>> -> memref<16x8x128xf32, #tpu.memory_space<vmem>>
    %dma_start3A_1508 = arith.constant 0 : i32
    %dma_start3A_1509 = arith.constant 0 : i32
    %dma_start3A_1510 = arith.constant 0 : i32
    %dma_start3A_1511 = tpu.memref_slice %arg2[%add3A_1487, %dma_start3A_1488, %dma_start3A_1508, %dma_start3A_1509, %dma_start3A_1510] : memref<128x8x16x8x128xf32, #tpu.memory_space<hbm>> -> memref<1x1x16x8x128xf32, #tpu.memory_space<hbm>>
    %dma_start3A_1512 = tpu.memref_squeeze %dma_start3A_1511 : memref<1x1x16x8x128xf32, #tpu.memory_space<hbm>> -> memref<16x8x128xf32, #tpu.memory_space<hbm>>
    tpu.enqueue_dma source(%dma_start3A_1512 : memref<16x8x128xf32, #tpu.memory_space<hbm>>) target(%dma_start3A_1507 : memref<16x8x128xf32, #tpu.memory_space<vmem>>) target_semaphore(%dma_start3A_1502 : memref<!tpu.dma_semaphore, #tpu.memory_space<semaphore_mem>>)
    %add3A_1513 = arith.constant 1 : i32
    %add3A_1514 = arith.addi %mul3A_2, %add3A_1513 : i32
    %dma_wait3A_1515 = arith.constant 6 : i32
    %dma_wait3A_1516 = arith.constant 2 : i32
    %dma_wait3A_1517 = arith.constant 2 : i32
    %dma_wait3A_1518 = arith.constant 0 : i32
    %dma_wait3A_1519 = arith.constant 0 : i32
    %dma_wait3A_1520 = arith.constant 0 : i32
    %dma_wait3A_1521 = tpu.memref_slice %arg4[%dma_wait3A_1516, %dma_wait3A_1518, %dma_wait3A_1519, %dma_wait3A_1520] : memref<6x16x8x128xf32, #tpu.memory_space<vmem>> -> memref<1x16x8x128xf32, #tpu.memory_space<vmem>>
    %dma_wait3A_1522 = tpu.memref_squeeze %dma_wait3A_1521 : memref<1x16x8x128xf32, #tpu.memory_space<vmem>> -> memref<16x8x128xf32, #tpu.memory_space<vmem>>
    %dma_wait3A_1523 = arith.constant 0 : i32
    %dma_wait3A_1524 = arith.constant 0 : i32
    %dma_wait3A_1525 = arith.constant 0 : i32
    %dma_wait3A_1526 = tpu.memref_slice %arg2[%add3A_1514, %dma_wait3A_1515, %dma_wait3A_1523, %dma_wait3A_1524, %dma_wait3A_1525] : memref<128x8x16x8x128xf32, #tpu.memory_space<hbm>> -> memref<1x1x16x8x128xf32, #tpu.memory_space<hbm>>
    %dma_wait3A_1527 = tpu.memref_squeeze %dma_wait3A_1526 : memref<1x1x16x8x128xf32, #tpu.memory_space<hbm>> -> memref<16x8x128xf32, #tpu.memory_space<hbm>>
    %dma_wait3A_1528 = tpu.memref_slice %arg5[%dma_wait3A_1517] : memref<6x!tpu.dma_semaphore, #tpu.memory_space<semaphore_mem>> -> memref<1x!tpu.dma_semaphore, #tpu.memory_space<semaphore_mem>>
    %dma_wait3A_1529 = tpu.memref_squeeze %dma_wait3A_1528 : memref<1x!tpu.dma_semaphore, #tpu.memory_space<semaphore_mem>> -> memref<!tpu.dma_semaphore, #tpu.memory_space<semaphore_mem>>
    %dma_wait3A_1530 = arith.constant 0 : i32
    %dma_wait3A_1531 = arith.constant 0 : i32
    %dma_wait3A_1532 = arith.constant 0 : i32
    %dma_wait3A_1533 = tpu.memref_slice %arg4[%dma_wait3A_1516, %dma_wait3A_1530, %dma_wait3A_1531, %dma_wait3A_1532] : memref<6x16x8x128xf32, #tpu.memory_space<vmem>> -> memref<1x16x8x128xf32, #tpu.memory_space<vmem>>
    %dma_wait3A_1534 = tpu.memref_squeeze %dma_wait3A_1533 : memref<1x16x8x128xf32, #tpu.memory_space<vmem>> -> memref<16x8x128xf32, #tpu.memory_space<vmem>>
    %dma_wait3A_1535 = arith.constant 0 : i32
    %dma_wait3A_1536 = arith.constant 0 : i32
    %dma_wait3A_1537 = arith.constant 0 : i32
    %dma_wait3A_1538 = tpu.memref_slice %arg2[%add3A_1514, %dma_wait3A_1515, %dma_wait3A_1535, %dma_wait3A_1536, %dma_wait3A_1537] : memref<128x8x16x8x128xf32, #tpu.memory_space<hbm>> -> memref<1x1x16x8x128xf32, #tpu.memory_space<hbm>>
    %dma_wait3A_1539 = tpu.memref_squeeze %dma_wait3A_1538 : memref<1x1x16x8x128xf32, #tpu.memory_space<hbm>> -> memref<16x8x128xf32, #tpu.memory_space<hbm>>
    tpu.wait_dma2 semaphore(%dma_wait3A_1529 : memref<!tpu.dma_semaphore, #tpu.memory_space<semaphore_mem>>) src(%dma_wait3A_1539 : memref<16x8x128xf32, #tpu.memory_space<hbm>>) dst(%dma_wait3A_1534 : memref<16x8x128xf32, #tpu.memory_space<vmem>>)
    %add3A_1540 = arith.constant 1 : i32
    %add3A_1541 = arith.addi %mul3A_2, %add3A_1540 : i32
    %dma_start3A_1542 = arith.constant 2 : i32
    %dma_start3A_1543 = arith.constant 6 : i32
    %dma_start3A_1544 = arith.constant 2 : i32
    %dma_start3A_1545 = arith.constant 0 : i32
    %dma_start3A_1546 = arith.constant 0 : i32
    %dma_start3A_1547 = arith.constant 0 : i32
    %dma_start3A_1548 = tpu.memref_slice %arg4[%dma_start3A_1542, %dma_start3A_1545, %dma_start3A_1546, %dma_start3A_1547] : memref<6x16x8x128xf32, #tpu.memory_space<vmem>> -> memref<1x16x8x128xf32, #tpu.memory_space<vmem>>
    %dma_start3A_1549 = tpu.memref_squeeze %dma_start3A_1548 : memref<1x16x8x128xf32, #tpu.memory_space<vmem>> -> memref<16x8x128xf32, #tpu.memory_space<vmem>>
    %dma_start3A_1550 = arith.constant 0 : i32
    %dma_start3A_1551 = arith.constant 0 : i32
    %dma_start3A_1552 = arith.constant 0 : i32
    %dma_start3A_1553 = tpu.memref_slice %arg3[%add3A_1541, %dma_start3A_1543, %dma_start3A_1550, %dma_start3A_1551, %dma_start3A_1552] : memref<128x8x16x8x128xf32, #tpu.memory_space<hbm>> -> memref<1x1x16x8x128xf32, #tpu.memory_space<hbm>>
    %dma_start3A_1554 = tpu.memref_squeeze %dma_start3A_1553 : memref<1x1x16x8x128xf32, #tpu.memory_space<hbm>> -> memref<16x8x128xf32, #tpu.memory_space<hbm>>
    %dma_start3A_1555 = tpu.memref_slice %arg6[%dma_start3A_1544] : memref<6x!tpu.dma_semaphore, #tpu.memory_space<semaphore_mem>> -> memref<1x!tpu.dma_semaphore, #tpu.memory_space<semaphore_mem>>
    %dma_start3A_1556 = tpu.memref_squeeze %dma_start3A_1555 : memref<1x!tpu.dma_semaphore, #tpu.memory_space<semaphore_mem>> -> memref<!tpu.dma_semaphore, #tpu.memory_space<semaphore_mem>>
    %dma_start3A_1557 = arith.constant 0 : i32
    %dma_start3A_1558 = arith.constant 0 : i32
    %dma_start3A_1559 = arith.constant 0 : i32
    %dma_start3A_1560 = tpu.memref_slice %arg3[%add3A_1541, %dma_start3A_1543, %dma_start3A_1557, %dma_start3A_1558, %dma_start3A_1559] : memref<128x8x16x8x128xf32, #tpu.memory_space<hbm>> -> memref<1x1x16x8x128xf32, #tpu.memory_space<hbm>>
    %dma_start3A_1561 = tpu.memref_squeeze %dma_start3A_1560 : memref<1x1x16x8x128xf32, #tpu.memory_space<hbm>> -> memref<16x8x128xf32, #tpu.memory_space<hbm>>
    %dma_start3A_1562 = arith.constant 0 : i32
    %dma_start3A_1563 = arith.constant 0 : i32
    %dma_start3A_1564 = arith.constant 0 : i32
    %dma_start3A_1565 = tpu.memref_slice %arg4[%dma_start3A_1542, %dma_start3A_1562, %dma_start3A_1563, %dma_start3A_1564] : memref<6x16x8x128xf32, #tpu.memory_space<vmem>> -> memref<1x16x8x128xf32, #tpu.memory_space<vmem>>
    %dma_start3A_1566 = tpu.memref_squeeze %dma_start3A_1565 : memref<1x16x8x128xf32, #tpu.memory_space<vmem>> -> memref<16x8x128xf32, #tpu.memory_space<vmem>>
    tpu.enqueue_dma source(%dma_start3A_1566 : memref<16x8x128xf32, #tpu.memory_space<vmem>>) target(%dma_start3A_1561 : memref<16x8x128xf32, #tpu.memory_space<hbm>>) target_semaphore(%dma_start3A_1556 : memref<!tpu.dma_semaphore, #tpu.memory_space<semaphore_mem>>)
    %add3A_1567 = arith.constant 1 : i32
    %add3A_1568 = arith.addi %mul3A_2, %add3A_1567 : i32
    %dma_wait3A_1569 = arith.constant 5 : i32
    %dma_wait3A_1570 = arith.constant 3 : i32
    %dma_wait3A_1571 = arith.constant 5 : i32
    %dma_wait3A_1572 = arith.constant 0 : i32
    %dma_wait3A_1573 = arith.constant 0 : i32
    %dma_wait3A_1574 = arith.constant 0 : i32
    %dma_wait3A_1575 = tpu.memref_slice %arg4[%dma_wait3A_1569, %dma_wait3A_1572, %dma_wait3A_1573, %dma_wait3A_1574] : memref<6x16x8x128xf32, #tpu.memory_space<vmem>> -> memref<1x16x8x128xf32, #tpu.memory_space<vmem>>
    %dma_wait3A_1576 = tpu.memref_squeeze %dma_wait3A_1575 : memref<1x16x8x128xf32, #tpu.memory_space<vmem>> -> memref<16x8x128xf32, #tpu.memory_space<vmem>>
    %dma_wait3A_1577 = arith.constant 0 : i32
    %dma_wait3A_1578 = arith.constant 0 : i32
    %dma_wait3A_1579 = arith.constant 0 : i32
    %dma_wait3A_1580 = tpu.memref_slice %arg3[%add3A_1568, %dma_wait3A_1570, %dma_wait3A_1577, %dma_wait3A_1578, %dma_wait3A_1579] : memref<128x8x16x8x128xf32, #tpu.memory_space<hbm>> -> memref<1x1x16x8x128xf32, #tpu.memory_space<hbm>>
    %dma_wait3A_1581 = tpu.memref_squeeze %dma_wait3A_1580 : memref<1x1x16x8x128xf32, #tpu.memory_space<hbm>> -> memref<16x8x128xf32, #tpu.memory_space<hbm>>
    %dma_wait3A_1582 = tpu.memref_slice %arg6[%dma_wait3A_1571] : memref<6x!tpu.dma_semaphore, #tpu.memory_space<semaphore_mem>> -> memref<1x!tpu.dma_semaphore, #tpu.memory_space<semaphore_mem>>
    %dma_wait3A_1583 = tpu.memref_squeeze %dma_wait3A_1582 : memref<1x!tpu.dma_semaphore, #tpu.memory_space<semaphore_mem>> -> memref<!tpu.dma_semaphore, #tpu.memory_space<semaphore_mem>>
    %dma_wait3A_1584 = arith.constant 0 : i32
    %dma_wait3A_1585 = arith.constant 0 : i32
    %dma_wait3A_1586 = arith.constant 0 : i32
    %dma_wait3A_1587 = tpu.memref_slice %arg3[%add3A_1568, %dma_wait3A_1570, %dma_wait3A_1584, %dma_wait3A_1585, %dma_wait3A_1586] : memref<128x8x16x8x128xf32, #tpu.memory_space<hbm>> -> memref<1x1x16x8x128xf32, #tpu.memory_space<hbm>>
    %dma_wait3A_1588 = tpu.memref_squeeze %dma_wait3A_1587 : memref<1x1x16x8x128xf32, #tpu.memory_space<hbm>> -> memref<16x8x128xf32, #tpu.memory_space<hbm>>
    %dma_wait3A_1589 = arith.constant 0 : i32
    %dma_wait3A_1590 = arith.constant 0 : i32
    %dma_wait3A_1591 = arith.constant 0 : i32
    %dma_wait3A_1592 = tpu.memref_slice %arg4[%dma_wait3A_1569, %dma_wait3A_1589, %dma_wait3A_1590, %dma_wait3A_1591] : memref<6x16x8x128xf32, #tpu.memory_space<vmem>> -> memref<1x16x8x128xf32, #tpu.memory_space<vmem>>
    %dma_wait3A_1593 = tpu.memref_squeeze %dma_wait3A_1592 : memref<1x16x8x128xf32, #tpu.memory_space<vmem>> -> memref<16x8x128xf32, #tpu.memory_space<vmem>>
    tpu.wait_dma2 semaphore(%dma_wait3A_1583 : memref<!tpu.dma_semaphore, #tpu.memory_space<semaphore_mem>>) src(%dma_wait3A_1593 : memref<16x8x128xf32, #tpu.memory_space<vmem>>) dst(%dma_wait3A_1588 : memref<16x8x128xf32, #tpu.memory_space<hbm>>)
    %add3A_1594 = arith.constant 2 : i32
    %add3A_1595 = arith.addi %mul3A_2, %add3A_1594 : i32
    %dma_start3A_1596 = arith.constant 1 : i32
    %dma_start3A_1597 = arith.constant 5 : i32
    %dma_start3A_1598 = arith.constant 5 : i32
    %dma_start3A_1599 = arith.constant 0 : i32
    %dma_start3A_1600 = arith.constant 0 : i32
    %dma_start3A_1601 = arith.constant 0 : i32
    %dma_start3A_1602 = tpu.memref_slice %arg4[%dma_start3A_1597, %dma_start3A_1599, %dma_start3A_1600, %dma_start3A_1601] : memref<6x16x8x128xf32, #tpu.memory_space<vmem>> -> memref<1x16x8x128xf32, #tpu.memory_space<vmem>>
    %dma_start3A_1603 = tpu.memref_squeeze %dma_start3A_1602 : memref<1x16x8x128xf32, #tpu.memory_space<vmem>> -> memref<16x8x128xf32, #tpu.memory_space<vmem>>
    %dma_start3A_1604 = arith.constant 0 : i32
    %dma_start3A_1605 = arith.constant 0 : i32
    %dma_start3A_1606 = arith.constant 0 : i32
    %dma_start3A_1607 = tpu.memref_slice %arg2[%add3A_1595, %dma_start3A_1596, %dma_start3A_1604, %dma_start3A_1605, %dma_start3A_1606] : memref<128x8x16x8x128xf32, #tpu.memory_space<hbm>> -> memref<1x1x16x8x128xf32, #tpu.memory_space<hbm>>
    %dma_start3A_1608 = tpu.memref_squeeze %dma_start3A_1607 : memref<1x1x16x8x128xf32, #tpu.memory_space<hbm>> -> memref<16x8x128xf32, #tpu.memory_space<hbm>>
    %dma_start3A_1609 = tpu.memref_slice %arg5[%dma_start3A_1598] : memref<6x!tpu.dma_semaphore, #tpu.memory_space<semaphore_mem>> -> memref<1x!tpu.dma_semaphore, #tpu.memory_space<semaphore_mem>>
    %dma_start3A_1610 = tpu.memref_squeeze %dma_start3A_1609 : memref<1x!tpu.dma_semaphore, #tpu.memory_space<semaphore_mem>> -> memref<!tpu.dma_semaphore, #tpu.memory_space<semaphore_mem>>
    %dma_start3A_1611 = arith.constant 0 : i32
    %dma_start3A_1612 = arith.constant 0 : i32
    %dma_start3A_1613 = arith.constant 0 : i32
    %dma_start3A_1614 = tpu.memref_slice %arg4[%dma_start3A_1597, %dma_start3A_1611, %dma_start3A_1612, %dma_start3A_1613] : memref<6x16x8x128xf32, #tpu.memory_space<vmem>> -> memref<1x16x8x128xf32, #tpu.memory_space<vmem>>
    %dma_start3A_1615 = tpu.memref_squeeze %dma_start3A_1614 : memref<1x16x8x128xf32, #tpu.memory_space<vmem>> -> memref<16x8x128xf32, #tpu.memory_space<vmem>>
    %dma_start3A_1616 = arith.constant 0 : i32
    %dma_start3A_1617 = arith.constant 0 : i32
    %dma_start3A_1618 = arith.constant 0 : i32
    %dma_start3A_1619 = tpu.memref_slice %arg2[%add3A_1595, %dma_start3A_1596, %dma_start3A_1616, %dma_start3A_1617, %dma_start3A_1618] : memref<128x8x16x8x128xf32, #tpu.memory_space<hbm>> -> memref<1x1x16x8x128xf32, #tpu.memory_space<hbm>>
    %dma_start3A_1620 = tpu.memref_squeeze %dma_start3A_1619 : memref<1x1x16x8x128xf32, #tpu.memory_space<hbm>> -> memref<16x8x128xf32, #tpu.memory_space<hbm>>
    tpu.enqueue_dma source(%dma_start3A_1620 : memref<16x8x128xf32, #tpu.memory_space<hbm>>) target(%dma_start3A_1615 : memref<16x8x128xf32, #tpu.memory_space<vmem>>) target_semaphore(%dma_start3A_1610 : memref<!tpu.dma_semaphore, #tpu.memory_space<semaphore_mem>>)
    %add3A_1621 = arith.constant 1 : i32
    %add3A_1622 = arith.addi %mul3A_2, %add3A_1621 : i32
    %dma_wait3A_1623 = arith.constant 7 : i32
    %dma_wait3A_1624 = arith.constant 3 : i32
    %dma_wait3A_1625 = arith.constant 3 : i32
    %dma_wait3A_1626 = arith.constant 0 : i32
    %dma_wait3A_1627 = arith.constant 0 : i32
    %dma_wait3A_1628 = arith.constant 0 : i32
    %dma_wait3A_1629 = tpu.memref_slice %arg4[%dma_wait3A_1624, %dma_wait3A_1626, %dma_wait3A_1627, %dma_wait3A_1628] : memref<6x16x8x128xf32, #tpu.memory_space<vmem>> -> memref<1x16x8x128xf32, #tpu.memory_space<vmem>>
    %dma_wait3A_1630 = tpu.memref_squeeze %dma_wait3A_1629 : memref<1x16x8x128xf32, #tpu.memory_space<vmem>> -> memref<16x8x128xf32, #tpu.memory_space<vmem>>
    %dma_wait3A_1631 = arith.constant 0 : i32
    %dma_wait3A_1632 = arith.constant 0 : i32
    %dma_wait3A_1633 = arith.constant 0 : i32
    %dma_wait3A_1634 = tpu.memref_slice %arg2[%add3A_1622, %dma_wait3A_1623, %dma_wait3A_1631, %dma_wait3A_1632, %dma_wait3A_1633] : memref<128x8x16x8x128xf32, #tpu.memory_space<hbm>> -> memref<1x1x16x8x128xf32, #tpu.memory_space<hbm>>
    %dma_wait3A_1635 = tpu.memref_squeeze %dma_wait3A_1634 : memref<1x1x16x8x128xf32, #tpu.memory_space<hbm>> -> memref<16x8x128xf32, #tpu.memory_space<hbm>>
    %dma_wait3A_1636 = tpu.memref_slice %arg5[%dma_wait3A_1625] : memref<6x!tpu.dma_semaphore, #tpu.memory_space<semaphore_mem>> -> memref<1x!tpu.dma_semaphore, #tpu.memory_space<semaphore_mem>>
    %dma_wait3A_1637 = tpu.memref_squeeze %dma_wait3A_1636 : memref<1x!tpu.dma_semaphore, #tpu.memory_space<semaphore_mem>> -> memref<!tpu.dma_semaphore, #tpu.memory_space<semaphore_mem>>
    %dma_wait3A_1638 = arith.constant 0 : i32
    %dma_wait3A_1639 = arith.constant 0 : i32
    %dma_wait3A_1640 = arith.constant 0 : i32
    %dma_wait3A_1641 = tpu.memref_slice %arg4[%dma_wait3A_1624, %dma_wait3A_1638, %dma_wait3A_1639, %dma_wait3A_1640] : memref<6x16x8x128xf32, #tpu.memory_space<vmem>> -> memref<1x16x8x128xf32, #tpu.memory_space<vmem>>
    %dma_wait3A_1642 = tpu.memref_squeeze %dma_wait3A_1641 : memref<1x16x8x128xf32, #tpu.memory_space<vmem>> -> memref<16x8x128xf32, #tpu.memory_space<vmem>>
    %dma_wait3A_1643 = arith.constant 0 : i32
    %dma_wait3A_1644 = arith.constant 0 : i32
    %dma_wait3A_1645 = arith.constant 0 : i32
    %dma_wait3A_1646 = tpu.memref_slice %arg2[%add3A_1622, %dma_wait3A_1623, %dma_wait3A_1643, %dma_wait3A_1644, %dma_wait3A_1645] : memref<128x8x16x8x128xf32, #tpu.memory_space<hbm>> -> memref<1x1x16x8x128xf32, #tpu.memory_space<hbm>>
    %dma_wait3A_1647 = tpu.memref_squeeze %dma_wait3A_1646 : memref<1x1x16x8x128xf32, #tpu.memory_space<hbm>> -> memref<16x8x128xf32, #tpu.memory_space<hbm>>
    tpu.wait_dma2 semaphore(%dma_wait3A_1637 : memref<!tpu.dma_semaphore, #tpu.memory_space<semaphore_mem>>) src(%dma_wait3A_1647 : memref<16x8x128xf32, #tpu.memory_space<hbm>>) dst(%dma_wait3A_1642 : memref<16x8x128xf32, #tpu.memory_space<vmem>>)
    %add3A_1648 = arith.constant 1 : i32
    %add3A_1649 = arith.addi %mul3A_2, %add3A_1648 : i32
    %dma_start3A_1650 = arith.constant 3 : i32
    %dma_start3A_1651 = arith.constant 7 : i32
    %dma_start3A_1652 = arith.constant 3 : i32
    %dma_start3A_1653 = arith.constant 0 : i32
    %dma_start3A_1654 = arith.constant 0 : i32
    %dma_start3A_1655 = arith.constant 0 : i32
    %dma_start3A_1656 = tpu.memref_slice %arg4[%dma_start3A_1650, %dma_start3A_1653, %dma_start3A_1654, %dma_start3A_1655] : memref<6x16x8x128xf32, #tpu.memory_space<vmem>> -> memref<1x16x8x128xf32, #tpu.memory_space<vmem>>
    %dma_start3A_1657 = tpu.memref_squeeze %dma_start3A_1656 : memref<1x16x8x128xf32, #tpu.memory_space<vmem>> -> memref<16x8x128xf32, #tpu.memory_space<vmem>>
    %dma_start3A_1658 = arith.constant 0 : i32
    %dma_start3A_1659 = arith.constant 0 : i32
    %dma_start3A_1660 = arith.constant 0 : i32
    %dma_start3A_1661 = tpu.memref_slice %arg3[%add3A_1649, %dma_start3A_1651, %dma_start3A_1658, %dma_start3A_1659, %dma_start3A_1660] : memref<128x8x16x8x128xf32, #tpu.memory_space<hbm>> -> memref<1x1x16x8x128xf32, #tpu.memory_space<hbm>>
    %dma_start3A_1662 = tpu.memref_squeeze %dma_start3A_1661 : memref<1x1x16x8x128xf32, #tpu.memory_space<hbm>> -> memref<16x8x128xf32, #tpu.memory_space<hbm>>
    %dma_start3A_1663 = tpu.memref_slice %arg6[%dma_start3A_1652] : memref<6x!tpu.dma_semaphore, #tpu.memory_space<semaphore_mem>> -> memref<1x!tpu.dma_semaphore, #tpu.memory_space<semaphore_mem>>
    %dma_start3A_1664 = tpu.memref_squeeze %dma_start3A_1663 : memref<1x!tpu.dma_semaphore, #tpu.memory_space<semaphore_mem>> -> memref<!tpu.dma_semaphore, #tpu.memory_space<semaphore_mem>>
    %dma_start3A_1665 = arith.constant 0 : i32
    %dma_start3A_1666 = arith.constant 0 : i32
    %dma_start3A_1667 = arith.constant 0 : i32
    %dma_start3A_1668 = tpu.memref_slice %arg3[%add3A_1649, %dma_start3A_1651, %dma_start3A_1665, %dma_start3A_1666, %dma_start3A_1667] : memref<128x8x16x8x128xf32, #tpu.memory_space<hbm>> -> memref<1x1x16x8x128xf32, #tpu.memory_space<hbm>>
    %dma_start3A_1669 = tpu.memref_squeeze %dma_start3A_1668 : memref<1x1x16x8x128xf32, #tpu.memory_space<hbm>> -> memref<16x8x128xf32, #tpu.memory_space<hbm>>
    %dma_start3A_1670 = arith.constant 0 : i32
    %dma_start3A_1671 = arith.constant 0 : i32
    %dma_start3A_1672 = arith.constant 0 : i32
    %dma_start3A_1673 = tpu.memref_slice %arg4[%dma_start3A_1650, %dma_start3A_1670, %dma_start3A_1671, %dma_start3A_1672] : memref<6x16x8x128xf32, #tpu.memory_space<vmem>> -> memref<1x16x8x128xf32, #tpu.memory_space<vmem>>
    %dma_start3A_1674 = tpu.memref_squeeze %dma_start3A_1673 : memref<1x16x8x128xf32, #tpu.memory_space<vmem>> -> memref<16x8x128xf32, #tpu.memory_space<vmem>>
    tpu.enqueue_dma source(%dma_start3A_1674 : memref<16x8x128xf32, #tpu.memory_space<vmem>>) target(%dma_start3A_1669 : memref<16x8x128xf32, #tpu.memory_space<hbm>>) target_semaphore(%dma_start3A_1664 : memref<!tpu.dma_semaphore, #tpu.memory_space<semaphore_mem>>)
    %add3A_1675 = arith.constant 1 : i32
    %add3A_1676 = arith.addi %mul3A_2, %add3A_1675 : i32
    %dma_wait3A_1677 = arith.constant 0 : i32
    %dma_wait3A_1678 = arith.constant 4 : i32
    %dma_wait3A_1679 = arith.constant 0 : i32
    %dma_wait3A_1680 = arith.constant 0 : i32
    %dma_wait3A_1681 = arith.constant 0 : i32
    %dma_wait3A_1682 = arith.constant 0 : i32
    %dma_wait3A_1683 = tpu.memref_slice %arg4[%dma_wait3A_1677, %dma_wait3A_1680, %dma_wait3A_1681, %dma_wait3A_1682] : memref<6x16x8x128xf32, #tpu.memory_space<vmem>> -> memref<1x16x8x128xf32, #tpu.memory_space<vmem>>
    %dma_wait3A_1684 = tpu.memref_squeeze %dma_wait3A_1683 : memref<1x16x8x128xf32, #tpu.memory_space<vmem>> -> memref<16x8x128xf32, #tpu.memory_space<vmem>>
    %dma_wait3A_1685 = arith.constant 0 : i32
    %dma_wait3A_1686 = arith.constant 0 : i32
    %dma_wait3A_1687 = arith.constant 0 : i32
    %dma_wait3A_1688 = tpu.memref_slice %arg3[%add3A_1676, %dma_wait3A_1678, %dma_wait3A_1685, %dma_wait3A_1686, %dma_wait3A_1687] : memref<128x8x16x8x128xf32, #tpu.memory_space<hbm>> -> memref<1x1x16x8x128xf32, #tpu.memory_space<hbm>>
    %dma_wait3A_1689 = tpu.memref_squeeze %dma_wait3A_1688 : memref<1x1x16x8x128xf32, #tpu.memory_space<hbm>> -> memref<16x8x128xf32, #tpu.memory_space<hbm>>
    %dma_wait3A_1690 = tpu.memref_slice %arg6[%dma_wait3A_1679] : memref<6x!tpu.dma_semaphore, #tpu.memory_space<semaphore_mem>> -> memref<1x!tpu.dma_semaphore, #tpu.memory_space<semaphore_mem>>
    %dma_wait3A_1691 = tpu.memref_squeeze %dma_wait3A_1690 : memref<1x!tpu.dma_semaphore, #tpu.memory_space<semaphore_mem>> -> memref<!tpu.dma_semaphore, #tpu.memory_space<semaphore_mem>>
    %dma_wait3A_1692 = arith.constant 0 : i32
    %dma_wait3A_1693 = arith.constant 0 : i32
    %dma_wait3A_1694 = arith.constant 0 : i32
    %dma_wait3A_1695 = tpu.memref_slice %arg3[%add3A_1676, %dma_wait3A_1678, %dma_wait3A_1692, %dma_wait3A_1693, %dma_wait3A_1694] : memref<128x8x16x8x128xf32, #tpu.memory_space<hbm>> -> memref<1x1x16x8x128xf32, #tpu.memory_space<hbm>>
    %dma_wait3A_1696 = tpu.memref_squeeze %dma_wait3A_1695 : memref<1x1x16x8x128xf32, #tpu.memory_space<hbm>> -> memref<16x8x128xf32, #tpu.memory_space<hbm>>
    %dma_wait3A_1697 = arith.constant 0 : i32
    %dma_wait3A_1698 = arith.constant 0 : i32
    %dma_wait3A_1699 = arith.constant 0 : i32
    %dma_wait3A_1700 = tpu.memref_slice %arg4[%dma_wait3A_1677, %dma_wait3A_1697, %dma_wait3A_1698, %dma_wait3A_1699] : memref<6x16x8x128xf32, #tpu.memory_space<vmem>> -> memref<1x16x8x128xf32, #tpu.memory_space<vmem>>
    %dma_wait3A_1701 = tpu.memref_squeeze %dma_wait3A_1700 : memref<1x16x8x128xf32, #tpu.memory_space<vmem>> -> memref<16x8x128xf32, #tpu.memory_space<vmem>>
    tpu.wait_dma2 semaphore(%dma_wait3A_1691 : memref<!tpu.dma_semaphore, #tpu.memory_space<semaphore_mem>>) src(%dma_wait3A_1701 : memref<16x8x128xf32, #tpu.memory_space<vmem>>) dst(%dma_wait3A_1696 : memref<16x8x128xf32, #tpu.memory_space<hbm>>)
    %add3A_1702 = arith.constant 2 : i32
    %add3A_1703 = arith.addi %mul3A_2, %add3A_1702 : i32
    %dma_start3A_1704 = arith.constant 2 : i32
    %dma_start3A_1705 = arith.constant 0 : i32
    %dma_start3A_1706 = arith.constant 0 : i32
    %dma_start3A_1707 = arith.constant 0 : i32
    %dma_start3A_1708 = arith.constant 0 : i32
    %dma_start3A_1709 = arith.constant 0 : i32
    %dma_start3A_1710 = tpu.memref_slice %arg4[%dma_start3A_1705, %dma_start3A_1707, %dma_start3A_1708, %dma_start3A_1709] : memref<6x16x8x128xf32, #tpu.memory_space<vmem>> -> memref<1x16x8x128xf32, #tpu.memory_space<vmem>>
    %dma_start3A_1711 = tpu.memref_squeeze %dma_start3A_1710 : memref<1x16x8x128xf32, #tpu.memory_space<vmem>> -> memref<16x8x128xf32, #tpu.memory_space<vmem>>
    %dma_start3A_1712 = arith.constant 0 : i32
    %dma_start3A_1713 = arith.constant 0 : i32
    %dma_start3A_1714 = arith.constant 0 : i32
    %dma_start3A_1715 = tpu.memref_slice %arg2[%add3A_1703, %dma_start3A_1704, %dma_start3A_1712, %dma_start3A_1713, %dma_start3A_1714] : memref<128x8x16x8x128xf32, #tpu.memory_space<hbm>> -> memref<1x1x16x8x128xf32, #tpu.memory_space<hbm>>
    %dma_start3A_1716 = tpu.memref_squeeze %dma_start3A_1715 : memref<1x1x16x8x128xf32, #tpu.memory_space<hbm>> -> memref<16x8x128xf32, #tpu.memory_space<hbm>>
    %dma_start3A_1717 = tpu.memref_slice %arg5[%dma_start3A_1706] : memref<6x!tpu.dma_semaphore, #tpu.memory_space<semaphore_mem>> -> memref<1x!tpu.dma_semaphore, #tpu.memory_space<semaphore_mem>>
    %dma_start3A_1718 = tpu.memref_squeeze %dma_start3A_1717 : memref<1x!tpu.dma_semaphore, #tpu.memory_space<semaphore_mem>> -> memref<!tpu.dma_semaphore, #tpu.memory_space<semaphore_mem>>
    %dma_start3A_1719 = arith.constant 0 : i32
    %dma_start3A_1720 = arith.constant 0 : i32
    %dma_start3A_1721 = arith.constant 0 : i32
    %dma_start3A_1722 = tpu.memref_slice %arg4[%dma_start3A_1705, %dma_start3A_1719, %dma_start3A_1720, %dma_start3A_1721] : memref<6x16x8x128xf32, #tpu.memory_space<vmem>> -> memref<1x16x8x128xf32, #tpu.memory_space<vmem>>
    %dma_start3A_1723 = tpu.memref_squeeze %dma_start3A_1722 : memref<1x16x8x128xf32, #tpu.memory_space<vmem>> -> memref<16x8x128xf32, #tpu.memory_space<vmem>>
    %dma_start3A_1724 = arith.constant 0 : i32
    %dma_start3A_1725 = arith.constant 0 : i32
    %dma_start3A_1726 = arith.constant 0 : i32
    %dma_start3A_1727 = tpu.memref_slice %arg2[%add3A_1703, %dma_start3A_1704, %dma_start3A_1724, %dma_start3A_1725, %dma_start3A_1726] : memref<128x8x16x8x128xf32, #tpu.memory_space<hbm>> -> memref<1x1x16x8x128xf32, #tpu.memory_space<hbm>>
    %dma_start3A_1728 = tpu.memref_squeeze %dma_start3A_1727 : memref<1x1x16x8x128xf32, #tpu.memory_space<hbm>> -> memref<16x8x128xf32, #tpu.memory_space<hbm>>
    tpu.enqueue_dma source(%dma_start3A_1728 : memref<16x8x128xf32, #tpu.memory_space<hbm>>) target(%dma_start3A_1723 : memref<16x8x128xf32, #tpu.memory_space<vmem>>) target_semaphore(%dma_start3A_1718 : memref<!tpu.dma_semaphore, #tpu.memory_space<semaphore_mem>>)
    %add3A_1729 = arith.constant 2 : i32
    %add3A_1730 = arith.addi %mul3A_2, %add3A_1729 : i32
    %dma_wait3A_1731 = arith.constant 0 : i32
    %dma_wait3A_1732 = arith.constant 4 : i32
    %dma_wait3A_1733 = arith.constant 4 : i32
    %dma_wait3A_1734 = arith.constant 0 : i32
    %dma_wait3A_1735 = arith.constant 0 : i32
    %dma_wait3A_1736 = arith.constant 0 : i32
    %dma_wait3A_1737 = tpu.memref_slice %arg4[%dma_wait3A_1732, %dma_wait3A_1734, %dma_wait3A_1735, %dma_wait3A_1736] : memref<6x16x8x128xf32, #tpu.memory_space<vmem>> -> memref<1x16x8x128xf32, #tpu.memory_space<vmem>>
    %dma_wait3A_1738 = tpu.memref_squeeze %dma_wait3A_1737 : memref<1x16x8x128xf32, #tpu.memory_space<vmem>> -> memref<16x8x128xf32, #tpu.memory_space<vmem>>
    %dma_wait3A_1739 = arith.constant 0 : i32
    %dma_wait3A_1740 = arith.constant 0 : i32
    %dma_wait3A_1741 = arith.constant 0 : i32
    %dma_wait3A_1742 = tpu.memref_slice %arg2[%add3A_1730, %dma_wait3A_1731, %dma_wait3A_1739, %dma_wait3A_1740, %dma_wait3A_1741] : memref<128x8x16x8x128xf32, #tpu.memory_space<hbm>> -> memref<1x1x16x8x128xf32, #tpu.memory_space<hbm>>
    %dma_wait3A_1743 = tpu.memref_squeeze %dma_wait3A_1742 : memref<1x1x16x8x128xf32, #tpu.memory_space<hbm>> -> memref<16x8x128xf32, #tpu.memory_space<hbm>>
    %dma_wait3A_1744 = tpu.memref_slice %arg5[%dma_wait3A_1733] : memref<6x!tpu.dma_semaphore, #tpu.memory_space<semaphore_mem>> -> memref<1x!tpu.dma_semaphore, #tpu.memory_space<semaphore_mem>>
    %dma_wait3A_1745 = tpu.memref_squeeze %dma_wait3A_1744 : memref<1x!tpu.dma_semaphore, #tpu.memory_space<semaphore_mem>> -> memref<!tpu.dma_semaphore, #tpu.memory_space<semaphore_mem>>
    %dma_wait3A_1746 = arith.constant 0 : i32
    %dma_wait3A_1747 = arith.constant 0 : i32
    %dma_wait3A_1748 = arith.constant 0 : i32
    %dma_wait3A_1749 = tpu.memref_slice %arg4[%dma_wait3A_1732, %dma_wait3A_1746, %dma_wait3A_1747, %dma_wait3A_1748] : memref<6x16x8x128xf32, #tpu.memory_space<vmem>> -> memref<1x16x8x128xf32, #tpu.memory_space<vmem>>
    %dma_wait3A_1750 = tpu.memref_squeeze %dma_wait3A_1749 : memref<1x16x8x128xf32, #tpu.memory_space<vmem>> -> memref<16x8x128xf32, #tpu.memory_space<vmem>>
    %dma_wait3A_1751 = arith.constant 0 : i32
    %dma_wait3A_1752 = arith.constant 0 : i32
    %dma_wait3A_1753 = arith.constant 0 : i32
    %dma_wait3A_1754 = tpu.memref_slice %arg2[%add3A_1730, %dma_wait3A_1731, %dma_wait3A_1751, %dma_wait3A_1752, %dma_wait3A_1753] : memref<128x8x16x8x128xf32, #tpu.memory_space<hbm>> -> memref<1x1x16x8x128xf32, #tpu.memory_space<hbm>>
    %dma_wait3A_1755 = tpu.memref_squeeze %dma_wait3A_1754 : memref<1x1x16x8x128xf32, #tpu.memory_space<hbm>> -> memref<16x8x128xf32, #tpu.memory_space<hbm>>
    tpu.wait_dma2 semaphore(%dma_wait3A_1745 : memref<!tpu.dma_semaphore, #tpu.memory_space<semaphore_mem>>) src(%dma_wait3A_1755 : memref<16x8x128xf32, #tpu.memory_space<hbm>>) dst(%dma_wait3A_1750 : memref<16x8x128xf32, #tpu.memory_space<vmem>>)
    %add3A_1756 = arith.constant 2 : i32
    %add3A_1757 = arith.addi %mul3A_2, %add3A_1756 : i32
    %dma_start3A_1758 = arith.constant 4 : i32
    %dma_start3A_1759 = arith.constant 0 : i32
    %dma_start3A_1760 = arith.constant 4 : i32
    %dma_start3A_1761 = arith.constant 0 : i32
    %dma_start3A_1762 = arith.constant 0 : i32
    %dma_start3A_1763 = arith.constant 0 : i32
    %dma_start3A_1764 = tpu.memref_slice %arg4[%dma_start3A_1758, %dma_start3A_1761, %dma_start3A_1762, %dma_start3A_1763] : memref<6x16x8x128xf32, #tpu.memory_space<vmem>> -> memref<1x16x8x128xf32, #tpu.memory_space<vmem>>
    %dma_start3A_1765 = tpu.memref_squeeze %dma_start3A_1764 : memref<1x16x8x128xf32, #tpu.memory_space<vmem>> -> memref<16x8x128xf32, #tpu.memory_space<vmem>>
    %dma_start3A_1766 = arith.constant 0 : i32
    %dma_start3A_1767 = arith.constant 0 : i32
    %dma_start3A_1768 = arith.constant 0 : i32
    %dma_start3A_1769 = tpu.memref_slice %arg3[%add3A_1757, %dma_start3A_1759, %dma_start3A_1766, %dma_start3A_1767, %dma_start3A_1768] : memref<128x8x16x8x128xf32, #tpu.memory_space<hbm>> -> memref<1x1x16x8x128xf32, #tpu.memory_space<hbm>>
    %dma_start3A_1770 = tpu.memref_squeeze %dma_start3A_1769 : memref<1x1x16x8x128xf32, #tpu.memory_space<hbm>> -> memref<16x8x128xf32, #tpu.memory_space<hbm>>
    %dma_start3A_1771 = tpu.memref_slice %arg6[%dma_start3A_1760] : memref<6x!tpu.dma_semaphore, #tpu.memory_space<semaphore_mem>> -> memref<1x!tpu.dma_semaphore, #tpu.memory_space<semaphore_mem>>
    %dma_start3A_1772 = tpu.memref_squeeze %dma_start3A_1771 : memref<1x!tpu.dma_semaphore, #tpu.memory_space<semaphore_mem>> -> memref<!tpu.dma_semaphore, #tpu.memory_space<semaphore_mem>>
    %dma_start3A_1773 = arith.constant 0 : i32
    %dma_start3A_1774 = arith.constant 0 : i32
    %dma_start3A_1775 = arith.constant 0 : i32
    %dma_start3A_1776 = tpu.memref_slice %arg3[%add3A_1757, %dma_start3A_1759, %dma_start3A_1773, %dma_start3A_1774, %dma_start3A_1775] : memref<128x8x16x8x128xf32, #tpu.memory_space<hbm>> -> memref<1x1x16x8x128xf32, #tpu.memory_space<hbm>>
    %dma_start3A_1777 = tpu.memref_squeeze %dma_start3A_1776 : memref<1x1x16x8x128xf32, #tpu.memory_space<hbm>> -> memref<16x8x128xf32, #tpu.memory_space<hbm>>
    %dma_start3A_1778 = arith.constant 0 : i32
    %dma_start3A_1779 = arith.constant 0 : i32
    %dma_start3A_1780 = arith.constant 0 : i32
    %dma_start3A_1781 = tpu.memref_slice %arg4[%dma_start3A_1758, %dma_start3A_1778, %dma_start3A_1779, %dma_start3A_1780] : memref<6x16x8x128xf32, #tpu.memory_space<vmem>> -> memref<1x16x8x128xf32, #tpu.memory_space<vmem>>
    %dma_start3A_1782 = tpu.memref_squeeze %dma_start3A_1781 : memref<1x16x8x128xf32, #tpu.memory_space<vmem>> -> memref<16x8x128xf32, #tpu.memory_space<vmem>>
    tpu.enqueue_dma source(%dma_start3A_1782 : memref<16x8x128xf32, #tpu.memory_space<vmem>>) target(%dma_start3A_1777 : memref<16x8x128xf32, #tpu.memory_space<hbm>>) target_semaphore(%dma_start3A_1772 : memref<!tpu.dma_semaphore, #tpu.memory_space<semaphore_mem>>)
    %add3A_1783 = arith.constant 1 : i32
    %add3A_1784 = arith.addi %mul3A_2, %add3A_1783 : i32
    %dma_wait3A_1785 = arith.constant 1 : i32
    %dma_wait3A_1786 = arith.constant 5 : i32
    %dma_wait3A_1787 = arith.constant 1 : i32
    %dma_wait3A_1788 = arith.constant 0 : i32
    %dma_wait3A_1789 = arith.constant 0 : i32
    %dma_wait3A_1790 = arith.constant 0 : i32
    %dma_wait3A_1791 = tpu.memref_slice %arg4[%dma_wait3A_1785, %dma_wait3A_1788, %dma_wait3A_1789, %dma_wait3A_1790] : memref<6x16x8x128xf32, #tpu.memory_space<vmem>> -> memref<1x16x8x128xf32, #tpu.memory_space<vmem>>
    %dma_wait3A_1792 = tpu.memref_squeeze %dma_wait3A_1791 : memref<1x16x8x128xf32, #tpu.memory_space<vmem>> -> memref<16x8x128xf32, #tpu.memory_space<vmem>>
    %dma_wait3A_1793 = arith.constant 0 : i32
    %dma_wait3A_1794 = arith.constant 0 : i32
    %dma_wait3A_1795 = arith.constant 0 : i32
    %dma_wait3A_1796 = tpu.memref_slice %arg3[%add3A_1784, %dma_wait3A_1786, %dma_wait3A_1793, %dma_wait3A_1794, %dma_wait3A_1795] : memref<128x8x16x8x128xf32, #tpu.memory_space<hbm>> -> memref<1x1x16x8x128xf32, #tpu.memory_space<hbm>>
    %dma_wait3A_1797 = tpu.memref_squeeze %dma_wait3A_1796 : memref<1x1x16x8x128xf32, #tpu.memory_space<hbm>> -> memref<16x8x128xf32, #tpu.memory_space<hbm>>
    %dma_wait3A_1798 = tpu.memref_slice %arg6[%dma_wait3A_1787] : memref<6x!tpu.dma_semaphore, #tpu.memory_space<semaphore_mem>> -> memref<1x!tpu.dma_semaphore, #tpu.memory_space<semaphore_mem>>
    %dma_wait3A_1799 = tpu.memref_squeeze %dma_wait3A_1798 : memref<1x!tpu.dma_semaphore, #tpu.memory_space<semaphore_mem>> -> memref<!tpu.dma_semaphore, #tpu.memory_space<semaphore_mem>>
    %dma_wait3A_1800 = arith.constant 0 : i32
    %dma_wait3A_1801 = arith.constant 0 : i32
    %dma_wait3A_1802 = arith.constant 0 : i32
    %dma_wait3A_1803 = tpu.memref_slice %arg3[%add3A_1784, %dma_wait3A_1786, %dma_wait3A_1800, %dma_wait3A_1801, %dma_wait3A_1802] : memref<128x8x16x8x128xf32, #tpu.memory_space<hbm>> -> memref<1x1x16x8x128xf32, #tpu.memory_space<hbm>>
    %dma_wait3A_1804 = tpu.memref_squeeze %dma_wait3A_1803 : memref<1x1x16x8x128xf32, #tpu.memory_space<hbm>> -> memref<16x8x128xf32, #tpu.memory_space<hbm>>
    %dma_wait3A_1805 = arith.constant 0 : i32
    %dma_wait3A_1806 = arith.constant 0 : i32
    %dma_wait3A_1807 = arith.constant 0 : i32
    %dma_wait3A_1808 = tpu.memref_slice %arg4[%dma_wait3A_1785, %dma_wait3A_1805, %dma_wait3A_1806, %dma_wait3A_1807] : memref<6x16x8x128xf32, #tpu.memory_space<vmem>> -> memref<1x16x8x128xf32, #tpu.memory_space<vmem>>
    %dma_wait3A_1809 = tpu.memref_squeeze %dma_wait3A_1808 : memref<1x16x8x128xf32, #tpu.memory_space<vmem>> -> memref<16x8x128xf32, #tpu.memory_space<vmem>>
    tpu.wait_dma2 semaphore(%dma_wait3A_1799 : memref<!tpu.dma_semaphore, #tpu.memory_space<semaphore_mem>>) src(%dma_wait3A_1809 : memref<16x8x128xf32, #tpu.memory_space<vmem>>) dst(%dma_wait3A_1804 : memref<16x8x128xf32, #tpu.memory_space<hbm>>)
    %add3A_1810 = arith.constant 2 : i32
    %add3A_1811 = arith.addi %mul3A_2, %add3A_1810 : i32
    %dma_start3A_1812 = arith.constant 3 : i32
    %dma_start3A_1813 = arith.constant 1 : i32
    %dma_start3A_1814 = arith.constant 1 : i32
    %dma_start3A_1815 = arith.constant 0 : i32
    %dma_start3A_1816 = arith.constant 0 : i32
    %dma_start3A_1817 = arith.constant 0 : i32
    %dma_start3A_1818 = tpu.memref_slice %arg4[%dma_start3A_1813, %dma_start3A_1815, %dma_start3A_1816, %dma_start3A_1817] : memref<6x16x8x128xf32, #tpu.memory_space<vmem>> -> memref<1x16x8x128xf32, #tpu.memory_space<vmem>>
    %dma_start3A_1819 = tpu.memref_squeeze %dma_start3A_1818 : memref<1x16x8x128xf32, #tpu.memory_space<vmem>> -> memref<16x8x128xf32, #tpu.memory_space<vmem>>
    %dma_start3A_1820 = arith.constant 0 : i32
    %dma_start3A_1821 = arith.constant 0 : i32
    %dma_start3A_1822 = arith.constant 0 : i32
    %dma_start3A_1823 = tpu.memref_slice %arg2[%add3A_1811, %dma_start3A_1812, %dma_start3A_1820, %dma_start3A_1821, %dma_start3A_1822] : memref<128x8x16x8x128xf32, #tpu.memory_space<hbm>> -> memref<1x1x16x8x128xf32, #tpu.memory_space<hbm>>
    %dma_start3A_1824 = tpu.memref_squeeze %dma_start3A_1823 : memref<1x1x16x8x128xf32, #tpu.memory_space<hbm>> -> memref<16x8x128xf32, #tpu.memory_space<hbm>>
    %dma_start3A_1825 = tpu.memref_slice %arg5[%dma_start3A_1814] : memref<6x!tpu.dma_semaphore, #tpu.memory_space<semaphore_mem>> -> memref<1x!tpu.dma_semaphore, #tpu.memory_space<semaphore_mem>>
    %dma_start3A_1826 = tpu.memref_squeeze %dma_start3A_1825 : memref<1x!tpu.dma_semaphore, #tpu.memory_space<semaphore_mem>> -> memref<!tpu.dma_semaphore, #tpu.memory_space<semaphore_mem>>
    %dma_start3A_1827 = arith.constant 0 : i32
    %dma_start3A_1828 = arith.constant 0 : i32
    %dma_start3A_1829 = arith.constant 0 : i32
    %dma_start3A_1830 = tpu.memref_slice %arg4[%dma_start3A_1813, %dma_start3A_1827, %dma_start3A_1828, %dma_start3A_1829] : memref<6x16x8x128xf32, #tpu.memory_space<vmem>> -> memref<1x16x8x128xf32, #tpu.memory_space<vmem>>
    %dma_start3A_1831 = tpu.memref_squeeze %dma_start3A_1830 : memref<1x16x8x128xf32, #tpu.memory_space<vmem>> -> memref<16x8x128xf32, #tpu.memory_space<vmem>>
    %dma_start3A_1832 = arith.constant 0 : i32
    %dma_start3A_1833 = arith.constant 0 : i32
    %dma_start3A_1834 = arith.constant 0 : i32
    %dma_start3A_1835 = tpu.memref_slice %arg2[%add3A_1811, %dma_start3A_1812, %dma_start3A_1832, %dma_start3A_1833, %dma_start3A_1834] : memref<128x8x16x8x128xf32, #tpu.memory_space<hbm>> -> memref<1x1x16x8x128xf32, #tpu.memory_space<hbm>>
    %dma_start3A_1836 = tpu.memref_squeeze %dma_start3A_1835 : memref<1x1x16x8x128xf32, #tpu.memory_space<hbm>> -> memref<16x8x128xf32, #tpu.memory_space<hbm>>
    tpu.enqueue_dma source(%dma_start3A_1836 : memref<16x8x128xf32, #tpu.memory_space<hbm>>) target(%dma_start3A_1831 : memref<16x8x128xf32, #tpu.memory_space<vmem>>) target_semaphore(%dma_start3A_1826 : memref<!tpu.dma_semaphore, #tpu.memory_space<semaphore_mem>>)
    %add3A_1837 = arith.constant 2 : i32
    %add3A_1838 = arith.addi %mul3A_2, %add3A_1837 : i32
    %dma_wait3A_1839 = arith.constant 1 : i32
    %dma_wait3A_1840 = arith.constant 5 : i32
    %dma_wait3A_1841 = arith.constant 5 : i32
    %dma_wait3A_1842 = arith.constant 0 : i32
    %dma_wait3A_1843 = arith.constant 0 : i32
    %dma_wait3A_1844 = arith.constant 0 : i32
    %dma_wait3A_1845 = tpu.memref_slice %arg4[%dma_wait3A_1840, %dma_wait3A_1842, %dma_wait3A_1843, %dma_wait3A_1844] : memref<6x16x8x128xf32, #tpu.memory_space<vmem>> -> memref<1x16x8x128xf32, #tpu.memory_space<vmem>>
    %dma_wait3A_1846 = tpu.memref_squeeze %dma_wait3A_1845 : memref<1x16x8x128xf32, #tpu.memory_space<vmem>> -> memref<16x8x128xf32, #tpu.memory_space<vmem>>
    %dma_wait3A_1847 = arith.constant 0 : i32
    %dma_wait3A_1848 = arith.constant 0 : i32
    %dma_wait3A_1849 = arith.constant 0 : i32
    %dma_wait3A_1850 = tpu.memref_slice %arg2[%add3A_1838, %dma_wait3A_1839, %dma_wait3A_1847, %dma_wait3A_1848, %dma_wait3A_1849] : memref<128x8x16x8x128xf32, #tpu.memory_space<hbm>> -> memref<1x1x16x8x128xf32, #tpu.memory_space<hbm>>
    %dma_wait3A_1851 = tpu.memref_squeeze %dma_wait3A_1850 : memref<1x1x16x8x128xf32, #tpu.memory_space<hbm>> -> memref<16x8x128xf32, #tpu.memory_space<hbm>>
    %dma_wait3A_1852 = tpu.memref_slice %arg5[%dma_wait3A_1841] : memref<6x!tpu.dma_semaphore, #tpu.memory_space<semaphore_mem>> -> memref<1x!tpu.dma_semaphore, #tpu.memory_space<semaphore_mem>>
    %dma_wait3A_1853 = tpu.memref_squeeze %dma_wait3A_1852 : memref<1x!tpu.dma_semaphore, #tpu.memory_space<semaphore_mem>> -> memref<!tpu.dma_semaphore, #tpu.memory_space<semaphore_mem>>
    %dma_wait3A_1854 = arith.constant 0 : i32
    %dma_wait3A_1855 = arith.constant 0 : i32
    %dma_wait3A_1856 = arith.constant 0 : i32
    %dma_wait3A_1857 = tpu.memref_slice %arg4[%dma_wait3A_1840, %dma_wait3A_1854, %dma_wait3A_1855, %dma_wait3A_1856] : memref<6x16x8x128xf32, #tpu.memory_space<vmem>> -> memref<1x16x8x128xf32, #tpu.memory_space<vmem>>
    %dma_wait3A_1858 = tpu.memref_squeeze %dma_wait3A_1857 : memref<1x16x8x128xf32, #tpu.memory_space<vmem>> -> memref<16x8x128xf32, #tpu.memory_space<vmem>>
    %dma_wait3A_1859 = arith.constant 0 : i32
    %dma_wait3A_1860 = arith.constant 0 : i32
    %dma_wait3A_1861 = arith.constant 0 : i32
    %dma_wait3A_1862 = tpu.memref_slice %arg2[%add3A_1838, %dma_wait3A_1839, %dma_wait3A_1859, %dma_wait3A_1860, %dma_wait3A_1861] : memref<128x8x16x8x128xf32, #tpu.memory_space<hbm>> -> memref<1x1x16x8x128xf32, #tpu.memory_space<hbm>>
    %dma_wait3A_1863 = tpu.memref_squeeze %dma_wait3A_1862 : memref<1x1x16x8x128xf32, #tpu.memory_space<hbm>> -> memref<16x8x128xf32, #tpu.memory_space<hbm>>
    tpu.wait_dma2 semaphore(%dma_wait3A_1853 : memref<!tpu.dma_semaphore, #tpu.memory_space<semaphore_mem>>) src(%dma_wait3A_1863 : memref<16x8x128xf32, #tpu.memory_space<hbm>>) dst(%dma_wait3A_1858 : memref<16x8x128xf32, #tpu.memory_space<vmem>>)
    %add3A_1864 = arith.constant 2 : i32
    %add3A_1865 = arith.addi %mul3A_2, %add3A_1864 : i32
    %dma_start3A_1866 = arith.constant 5 : i32
    %dma_start3A_1867 = arith.constant 1 : i32
    %dma_start3A_1868 = arith.constant 5 : i32
    %dma_start3A_1869 = arith.constant 0 : i32
    %dma_start3A_1870 = arith.constant 0 : i32
    %dma_start3A_1871 = arith.constant 0 : i32
    %dma_start3A_1872 = tpu.memref_slice %arg4[%dma_start3A_1866, %dma_start3A_1869, %dma_start3A_1870, %dma_start3A_1871] : memref<6x16x8x128xf32, #tpu.memory_space<vmem>> -> memref<1x16x8x128xf32, #tpu.memory_space<vmem>>
    %dma_start3A_1873 = tpu.memref_squeeze %dma_start3A_1872 : memref<1x16x8x128xf32, #tpu.memory_space<vmem>> -> memref<16x8x128xf32, #tpu.memory_space<vmem>>
    %dma_start3A_1874 = arith.constant 0 : i32
    %dma_start3A_1875 = arith.constant 0 : i32
    %dma_start3A_1876 = arith.constant 0 : i32
    %dma_start3A_1877 = tpu.memref_slice %arg3[%add3A_1865, %dma_start3A_1867, %dma_start3A_1874, %dma_start3A_1875, %dma_start3A_1876] : memref<128x8x16x8x128xf32, #tpu.memory_space<hbm>> -> memref<1x1x16x8x128xf32, #tpu.memory_space<hbm>>
    %dma_start3A_1878 = tpu.memref_squeeze %dma_start3A_1877 : memref<1x1x16x8x128xf32, #tpu.memory_space<hbm>> -> memref<16x8x128xf32, #tpu.memory_space<hbm>>
    %dma_start3A_1879 = tpu.memref_slice %arg6[%dma_start3A_1868] : memref<6x!tpu.dma_semaphore, #tpu.memory_space<semaphore_mem>> -> memref<1x!tpu.dma_semaphore, #tpu.memory_space<semaphore_mem>>
    %dma_start3A_1880 = tpu.memref_squeeze %dma_start3A_1879 : memref<1x!tpu.dma_semaphore, #tpu.memory_space<semaphore_mem>> -> memref<!tpu.dma_semaphore, #tpu.memory_space<semaphore_mem>>
    %dma_start3A_1881 = arith.constant 0 : i32
    %dma_start3A_1882 = arith.constant 0 : i32
    %dma_start3A_1883 = arith.constant 0 : i32
    %dma_start3A_1884 = tpu.memref_slice %arg3[%add3A_1865, %dma_start3A_1867, %dma_start3A_1881, %dma_start3A_1882, %dma_start3A_1883] : memref<128x8x16x8x128xf32, #tpu.memory_space<hbm>> -> memref<1x1x16x8x128xf32, #tpu.memory_space<hbm>>
    %dma_start3A_1885 = tpu.memref_squeeze %dma_start3A_1884 : memref<1x1x16x8x128xf32, #tpu.memory_space<hbm>> -> memref<16x8x128xf32, #tpu.memory_space<hbm>>
    %dma_start3A_1886 = arith.constant 0 : i32
    %dma_start3A_1887 = arith.constant 0 : i32
    %dma_start3A_1888 = arith.constant 0 : i32
    %dma_start3A_1889 = tpu.memref_slice %arg4[%dma_start3A_1866, %dma_start3A_1886, %dma_start3A_1887, %dma_start3A_1888] : memref<6x16x8x128xf32, #tpu.memory_space<vmem>> -> memref<1x16x8x128xf32, #tpu.memory_space<vmem>>
    %dma_start3A_1890 = tpu.memref_squeeze %dma_start3A_1889 : memref<1x16x8x128xf32, #tpu.memory_space<vmem>> -> memref<16x8x128xf32, #tpu.memory_space<vmem>>
    tpu.enqueue_dma source(%dma_start3A_1890 : memref<16x8x128xf32, #tpu.memory_space<vmem>>) target(%dma_start3A_1885 : memref<16x8x128xf32, #tpu.memory_space<hbm>>) target_semaphore(%dma_start3A_1880 : memref<!tpu.dma_semaphore, #tpu.memory_space<semaphore_mem>>)
    %add3A_1891 = arith.constant 1 : i32
    %add3A_1892 = arith.addi %mul3A_2, %add3A_1891 : i32
    %dma_wait3A_1893 = arith.constant 2 : i32
    %dma_wait3A_1894 = arith.constant 6 : i32
    %dma_wait3A_1895 = arith.constant 2 : i32
    %dma_wait3A_1896 = arith.constant 0 : i32
    %dma_wait3A_1897 = arith.constant 0 : i32
    %dma_wait3A_1898 = arith.constant 0 : i32
    %dma_wait3A_1899 = tpu.memref_slice %arg4[%dma_wait3A_1893, %dma_wait3A_1896, %dma_wait3A_1897, %dma_wait3A_1898] : memref<6x16x8x128xf32, #tpu.memory_space<vmem>> -> memref<1x16x8x128xf32, #tpu.memory_space<vmem>>
    %dma_wait3A_1900 = tpu.memref_squeeze %dma_wait3A_1899 : memref<1x16x8x128xf32, #tpu.memory_space<vmem>> -> memref<16x8x128xf32, #tpu.memory_space<vmem>>
    %dma_wait3A_1901 = arith.constant 0 : i32
    %dma_wait3A_1902 = arith.constant 0 : i32
    %dma_wait3A_1903 = arith.constant 0 : i32
    %dma_wait3A_1904 = tpu.memref_slice %arg3[%add3A_1892, %dma_wait3A_1894, %dma_wait3A_1901, %dma_wait3A_1902, %dma_wait3A_1903] : memref<128x8x16x8x128xf32, #tpu.memory_space<hbm>> -> memref<1x1x16x8x128xf32, #tpu.memory_space<hbm>>
    %dma_wait3A_1905 = tpu.memref_squeeze %dma_wait3A_1904 : memref<1x1x16x8x128xf32, #tpu.memory_space<hbm>> -> memref<16x8x128xf32, #tpu.memory_space<hbm>>
    %dma_wait3A_1906 = tpu.memref_slice %arg6[%dma_wait3A_1895] : memref<6x!tpu.dma_semaphore, #tpu.memory_space<semaphore_mem>> -> memref<1x!tpu.dma_semaphore, #tpu.memory_space<semaphore_mem>>
    %dma_wait3A_1907 = tpu.memref_squeeze %dma_wait3A_1906 : memref<1x!tpu.dma_semaphore, #tpu.memory_space<semaphore_mem>> -> memref<!tpu.dma_semaphore, #tpu.memory_space<semaphore_mem>>
    %dma_wait3A_1908 = arith.constant 0 : i32
    %dma_wait3A_1909 = arith.constant 0 : i32
    %dma_wait3A_1910 = arith.constant 0 : i32
    %dma_wait3A_1911 = tpu.memref_slice %arg3[%add3A_1892, %dma_wait3A_1894, %dma_wait3A_1908, %dma_wait3A_1909, %dma_wait3A_1910] : memref<128x8x16x8x128xf32, #tpu.memory_space<hbm>> -> memref<1x1x16x8x128xf32, #tpu.memory_space<hbm>>
    %dma_wait3A_1912 = tpu.memref_squeeze %dma_wait3A_1911 : memref<1x1x16x8x128xf32, #tpu.memory_space<hbm>> -> memref<16x8x128xf32, #tpu.memory_space<hbm>>
    %dma_wait3A_1913 = arith.constant 0 : i32
    %dma_wait3A_1914 = arith.constant 0 : i32
    %dma_wait3A_1915 = arith.constant 0 : i32
    %dma_wait3A_1916 = tpu.memref_slice %arg4[%dma_wait3A_1893, %dma_wait3A_1913, %dma_wait3A_1914, %dma_wait3A_1915] : memref<6x16x8x128xf32, #tpu.memory_space<vmem>> -> memref<1x16x8x128xf32, #tpu.memory_space<vmem>>
    %dma_wait3A_1917 = tpu.memref_squeeze %dma_wait3A_1916 : memref<1x16x8x128xf32, #tpu.memory_space<vmem>> -> memref<16x8x128xf32, #tpu.memory_space<vmem>>
    tpu.wait_dma2 semaphore(%dma_wait3A_1907 : memref<!tpu.dma_semaphore, #tpu.memory_space<semaphore_mem>>) src(%dma_wait3A_1917 : memref<16x8x128xf32, #tpu.memory_space<vmem>>) dst(%dma_wait3A_1912 : memref<16x8x128xf32, #tpu.memory_space<hbm>>)
    %add3A_1918 = arith.constant 2 : i32
    %add3A_1919 = arith.addi %mul3A_2, %add3A_1918 : i32
    %dma_start3A_1920 = arith.constant 4 : i32
    %dma_start3A_1921 = arith.constant 2 : i32
    %dma_start3A_1922 = arith.constant 2 : i32
    %dma_start3A_1923 = arith.constant 0 : i32
    %dma_start3A_1924 = arith.constant 0 : i32
    %dma_start3A_1925 = arith.constant 0 : i32
    %dma_start3A_1926 = tpu.memref_slice %arg4[%dma_start3A_1921, %dma_start3A_1923, %dma_start3A_1924, %dma_start3A_1925] : memref<6x16x8x128xf32, #tpu.memory_space<vmem>> -> memref<1x16x8x128xf32, #tpu.memory_space<vmem>>
    %dma_start3A_1927 = tpu.memref_squeeze %dma_start3A_1926 : memref<1x16x8x128xf32, #tpu.memory_space<vmem>> -> memref<16x8x128xf32, #tpu.memory_space<vmem>>
    %dma_start3A_1928 = arith.constant 0 : i32
    %dma_start3A_1929 = arith.constant 0 : i32
    %dma_start3A_1930 = arith.constant 0 : i32
    %dma_start3A_1931 = tpu.memref_slice %arg2[%add3A_1919, %dma_start3A_1920, %dma_start3A_1928, %dma_start3A_1929, %dma_start3A_1930] : memref<128x8x16x8x128xf32, #tpu.memory_space<hbm>> -> memref<1x1x16x8x128xf32, #tpu.memory_space<hbm>>
    %dma_start3A_1932 = tpu.memref_squeeze %dma_start3A_1931 : memref<1x1x16x8x128xf32, #tpu.memory_space<hbm>> -> memref<16x8x128xf32, #tpu.memory_space<hbm>>
    %dma_start3A_1933 = tpu.memref_slice %arg5[%dma_start3A_1922] : memref<6x!tpu.dma_semaphore, #tpu.memory_space<semaphore_mem>> -> memref<1x!tpu.dma_semaphore, #tpu.memory_space<semaphore_mem>>
    %dma_start3A_1934 = tpu.memref_squeeze %dma_start3A_1933 : memref<1x!tpu.dma_semaphore, #tpu.memory_space<semaphore_mem>> -> memref<!tpu.dma_semaphore, #tpu.memory_space<semaphore_mem>>
    %dma_start3A_1935 = arith.constant 0 : i32
    %dma_start3A_1936 = arith.constant 0 : i32
    %dma_start3A_1937 = arith.constant 0 : i32
    %dma_start3A_1938 = tpu.memref_slice %arg4[%dma_start3A_1921, %dma_start3A_1935, %dma_start3A_1936, %dma_start3A_1937] : memref<6x16x8x128xf32, #tpu.memory_space<vmem>> -> memref<1x16x8x128xf32, #tpu.memory_space<vmem>>
    %dma_start3A_1939 = tpu.memref_squeeze %dma_start3A_1938 : memref<1x16x8x128xf32, #tpu.memory_space<vmem>> -> memref<16x8x128xf32, #tpu.memory_space<vmem>>
    %dma_start3A_1940 = arith.constant 0 : i32
    %dma_start3A_1941 = arith.constant 0 : i32
    %dma_start3A_1942 = arith.constant 0 : i32
    %dma_start3A_1943 = tpu.memref_slice %arg2[%add3A_1919, %dma_start3A_1920, %dma_start3A_1940, %dma_start3A_1941, %dma_start3A_1942] : memref<128x8x16x8x128xf32, #tpu.memory_space<hbm>> -> memref<1x1x16x8x128xf32, #tpu.memory_space<hbm>>
    %dma_start3A_1944 = tpu.memref_squeeze %dma_start3A_1943 : memref<1x1x16x8x128xf32, #tpu.memory_space<hbm>> -> memref<16x8x128xf32, #tpu.memory_space<hbm>>
    tpu.enqueue_dma source(%dma_start3A_1944 : memref<16x8x128xf32, #tpu.memory_space<hbm>>) target(%dma_start3A_1939 : memref<16x8x128xf32, #tpu.memory_space<vmem>>) target_semaphore(%dma_start3A_1934 : memref<!tpu.dma_semaphore, #tpu.memory_space<semaphore_mem>>)
    %add3A_1945 = arith.constant 2 : i32
    %add3A_1946 = arith.addi %mul3A_2, %add3A_1945 : i32
    %dma_wait3A_1947 = arith.constant 2 : i32
    %dma_wait3A_1948 = arith.constant 0 : i32
    %dma_wait3A_1949 = arith.constant 0 : i32
    %dma_wait3A_1950 = arith.constant 0 : i32
    %dma_wait3A_1951 = arith.constant 0 : i32
    %dma_wait3A_1952 = arith.constant 0 : i32
    %dma_wait3A_1953 = tpu.memref_slice %arg4[%dma_wait3A_1948, %dma_wait3A_1950, %dma_wait3A_1951, %dma_wait3A_1952] : memref<6x16x8x128xf32, #tpu.memory_space<vmem>> -> memref<1x16x8x128xf32, #tpu.memory_space<vmem>>
    %dma_wait3A_1954 = tpu.memref_squeeze %dma_wait3A_1953 : memref<1x16x8x128xf32, #tpu.memory_space<vmem>> -> memref<16x8x128xf32, #tpu.memory_space<vmem>>
    %dma_wait3A_1955 = arith.constant 0 : i32
    %dma_wait3A_1956 = arith.constant 0 : i32
    %dma_wait3A_1957 = arith.constant 0 : i32
    %dma_wait3A_1958 = tpu.memref_slice %arg2[%add3A_1946, %dma_wait3A_1947, %dma_wait3A_1955, %dma_wait3A_1956, %dma_wait3A_1957] : memref<128x8x16x8x128xf32, #tpu.memory_space<hbm>> -> memref<1x1x16x8x128xf32, #tpu.memory_space<hbm>>
    %dma_wait3A_1959 = tpu.memref_squeeze %dma_wait3A_1958 : memref<1x1x16x8x128xf32, #tpu.memory_space<hbm>> -> memref<16x8x128xf32, #tpu.memory_space<hbm>>
    %dma_wait3A_1960 = tpu.memref_slice %arg5[%dma_wait3A_1949] : memref<6x!tpu.dma_semaphore, #tpu.memory_space<semaphore_mem>> -> memref<1x!tpu.dma_semaphore, #tpu.memory_space<semaphore_mem>>
    %dma_wait3A_1961 = tpu.memref_squeeze %dma_wait3A_1960 : memref<1x!tpu.dma_semaphore, #tpu.memory_space<semaphore_mem>> -> memref<!tpu.dma_semaphore, #tpu.memory_space<semaphore_mem>>
    %dma_wait3A_1962 = arith.constant 0 : i32
    %dma_wait3A_1963 = arith.constant 0 : i32
    %dma_wait3A_1964 = arith.constant 0 : i32
    %dma_wait3A_1965 = tpu.memref_slice %arg4[%dma_wait3A_1948, %dma_wait3A_1962, %dma_wait3A_1963, %dma_wait3A_1964] : memref<6x16x8x128xf32, #tpu.memory_space<vmem>> -> memref<1x16x8x128xf32, #tpu.memory_space<vmem>>
    %dma_wait3A_1966 = tpu.memref_squeeze %dma_wait3A_1965 : memref<1x16x8x128xf32, #tpu.memory_space<vmem>> -> memref<16x8x128xf32, #tpu.memory_space<vmem>>
    %dma_wait3A_1967 = arith.constant 0 : i32
    %dma_wait3A_1968 = arith.constant 0 : i32
    %dma_wait3A_1969 = arith.constant 0 : i32
    %dma_wait3A_1970 = tpu.memref_slice %arg2[%add3A_1946, %dma_wait3A_1947, %dma_wait3A_1967, %dma_wait3A_1968, %dma_wait3A_1969] : memref<128x8x16x8x128xf32, #tpu.memory_space<hbm>> -> memref<1x1x16x8x128xf32, #tpu.memory_space<hbm>>
    %dma_wait3A_1971 = tpu.memref_squeeze %dma_wait3A_1970 : memref<1x1x16x8x128xf32, #tpu.memory_space<hbm>> -> memref<16x8x128xf32, #tpu.memory_space<hbm>>
    tpu.wait_dma2 semaphore(%dma_wait3A_1961 : memref<!tpu.dma_semaphore, #tpu.memory_space<semaphore_mem>>) src(%dma_wait3A_1971 : memref<16x8x128xf32, #tpu.memory_space<hbm>>) dst(%dma_wait3A_1966 : memref<16x8x128xf32, #tpu.memory_space<vmem>>)
    %add3A_1972 = arith.constant 2 : i32
    %add3A_1973 = arith.addi %mul3A_2, %add3A_1972 : i32
    %dma_start3A_1974 = arith.constant 0 : i32
    %dma_start3A_1975 = arith.constant 2 : i32
    %dma_start3A_1976 = arith.constant 0 : i32
    %dma_start3A_1977 = arith.constant 0 : i32
    %dma_start3A_1978 = arith.constant 0 : i32
    %dma_start3A_1979 = arith.constant 0 : i32
    %dma_start3A_1980 = tpu.memref_slice %arg4[%dma_start3A_1974, %dma_start3A_1977, %dma_start3A_1978, %dma_start3A_1979] : memref<6x16x8x128xf32, #tpu.memory_space<vmem>> -> memref<1x16x8x128xf32, #tpu.memory_space<vmem>>
    %dma_start3A_1981 = tpu.memref_squeeze %dma_start3A_1980 : memref<1x16x8x128xf32, #tpu.memory_space<vmem>> -> memref<16x8x128xf32, #tpu.memory_space<vmem>>
    %dma_start3A_1982 = arith.constant 0 : i32
    %dma_start3A_1983 = arith.constant 0 : i32
    %dma_start3A_1984 = arith.constant 0 : i32
    %dma_start3A_1985 = tpu.memref_slice %arg3[%add3A_1973, %dma_start3A_1975, %dma_start3A_1982, %dma_start3A_1983, %dma_start3A_1984] : memref<128x8x16x8x128xf32, #tpu.memory_space<hbm>> -> memref<1x1x16x8x128xf32, #tpu.memory_space<hbm>>
    %dma_start3A_1986 = tpu.memref_squeeze %dma_start3A_1985 : memref<1x1x16x8x128xf32, #tpu.memory_space<hbm>> -> memref<16x8x128xf32, #tpu.memory_space<hbm>>
    %dma_start3A_1987 = tpu.memref_slice %arg6[%dma_start3A_1976] : memref<6x!tpu.dma_semaphore, #tpu.memory_space<semaphore_mem>> -> memref<1x!tpu.dma_semaphore, #tpu.memory_space<semaphore_mem>>
    %dma_start3A_1988 = tpu.memref_squeeze %dma_start3A_1987 : memref<1x!tpu.dma_semaphore, #tpu.memory_space<semaphore_mem>> -> memref<!tpu.dma_semaphore, #tpu.memory_space<semaphore_mem>>
    %dma_start3A_1989 = arith.constant 0 : i32
    %dma_start3A_1990 = arith.constant 0 : i32
    %dma_start3A_1991 = arith.constant 0 : i32
    %dma_start3A_1992 = tpu.memref_slice %arg3[%add3A_1973, %dma_start3A_1975, %dma_start3A_1989, %dma_start3A_1990, %dma_start3A_1991] : memref<128x8x16x8x128xf32, #tpu.memory_space<hbm>> -> memref<1x1x16x8x128xf32, #tpu.memory_space<hbm>>
    %dma_start3A_1993 = tpu.memref_squeeze %dma_start3A_1992 : memref<1x1x16x8x128xf32, #tpu.memory_space<hbm>> -> memref<16x8x128xf32, #tpu.memory_space<hbm>>
    %dma_start3A_1994 = arith.constant 0 : i32
    %dma_start3A_1995 = arith.constant 0 : i32
    %dma_start3A_1996 = arith.constant 0 : i32
    %dma_start3A_1997 = tpu.memref_slice %arg4[%dma_start3A_1974, %dma_start3A_1994, %dma_start3A_1995, %dma_start3A_1996] : memref<6x16x8x128xf32, #tpu.memory_space<vmem>> -> memref<1x16x8x128xf32, #tpu.memory_space<vmem>>
    %dma_start3A_1998 = tpu.memref_squeeze %dma_start3A_1997 : memref<1x16x8x128xf32, #tpu.memory_space<vmem>> -> memref<16x8x128xf32, #tpu.memory_space<vmem>>
    tpu.enqueue_dma source(%dma_start3A_1998 : memref<16x8x128xf32, #tpu.memory_space<vmem>>) target(%dma_start3A_1993 : memref<16x8x128xf32, #tpu.memory_space<hbm>>) target_semaphore(%dma_start3A_1988 : memref<!tpu.dma_semaphore, #tpu.memory_space<semaphore_mem>>)
    %add3A_1999 = arith.constant 1 : i32
    %add3A_2000 = arith.addi %mul3A_2, %add3A_1999 : i32
    %dma_wait3A_2001 = arith.constant 3 : i32
    %dma_wait3A_2002 = arith.constant 7 : i32
    %dma_wait3A_2003 = arith.constant 3 : i32
    %dma_wait3A_2004 = arith.constant 0 : i32
    %dma_wait3A_2005 = arith.constant 0 : i32
    %dma_wait3A_2006 = arith.constant 0 : i32
    %dma_wait3A_2007 = tpu.memref_slice %arg4[%dma_wait3A_2001, %dma_wait3A_2004, %dma_wait3A_2005, %dma_wait3A_2006] : memref<6x16x8x128xf32, #tpu.memory_space<vmem>> -> memref<1x16x8x128xf32, #tpu.memory_space<vmem>>
    %dma_wait3A_2008 = tpu.memref_squeeze %dma_wait3A_2007 : memref<1x16x8x128xf32, #tpu.memory_space<vmem>> -> memref<16x8x128xf32, #tpu.memory_space<vmem>>
    %dma_wait3A_2009 = arith.constant 0 : i32
    %dma_wait3A_2010 = arith.constant 0 : i32
    %dma_wait3A_2011 = arith.constant 0 : i32
    %dma_wait3A_2012 = tpu.memref_slice %arg3[%add3A_2000, %dma_wait3A_2002, %dma_wait3A_2009, %dma_wait3A_2010, %dma_wait3A_2011] : memref<128x8x16x8x128xf32, #tpu.memory_space<hbm>> -> memref<1x1x16x8x128xf32, #tpu.memory_space<hbm>>
    %dma_wait3A_2013 = tpu.memref_squeeze %dma_wait3A_2012 : memref<1x1x16x8x128xf32, #tpu.memory_space<hbm>> -> memref<16x8x128xf32, #tpu.memory_space<hbm>>
    %dma_wait3A_2014 = tpu.memref_slice %arg6[%dma_wait3A_2003] : memref<6x!tpu.dma_semaphore, #tpu.memory_space<semaphore_mem>> -> memref<1x!tpu.dma_semaphore, #tpu.memory_space<semaphore_mem>>
    %dma_wait3A_2015 = tpu.memref_squeeze %dma_wait3A_2014 : memref<1x!tpu.dma_semaphore, #tpu.memory_space<semaphore_mem>> -> memref<!tpu.dma_semaphore, #tpu.memory_space<semaphore_mem>>
    %dma_wait3A_2016 = arith.constant 0 : i32
    %dma_wait3A_2017 = arith.constant 0 : i32
    %dma_wait3A_2018 = arith.constant 0 : i32
    %dma_wait3A_2019 = tpu.memref_slice %arg3[%add3A_2000, %dma_wait3A_2002, %dma_wait3A_2016, %dma_wait3A_2017, %dma_wait3A_2018] : memref<128x8x16x8x128xf32, #tpu.memory_space<hbm>> -> memref<1x1x16x8x128xf32, #tpu.memory_space<hbm>>
    %dma_wait3A_2020 = tpu.memref_squeeze %dma_wait3A_2019 : memref<1x1x16x8x128xf32, #tpu.memory_space<hbm>> -> memref<16x8x128xf32, #tpu.memory_space<hbm>>
    %dma_wait3A_2021 = arith.constant 0 : i32
    %dma_wait3A_2022 = arith.constant 0 : i32
    %dma_wait3A_2023 = arith.constant 0 : i32
    %dma_wait3A_2024 = tpu.memref_slice %arg4[%dma_wait3A_2001, %dma_wait3A_2021, %dma_wait3A_2022, %dma_wait3A_2023] : memref<6x16x8x128xf32, #tpu.memory_space<vmem>> -> memref<1x16x8x128xf32, #tpu.memory_space<vmem>>
    %dma_wait3A_2025 = tpu.memref_squeeze %dma_wait3A_2024 : memref<1x16x8x128xf32, #tpu.memory_space<vmem>> -> memref<16x8x128xf32, #tpu.memory_space<vmem>>
    tpu.wait_dma2 semaphore(%dma_wait3A_2015 : memref<!tpu.dma_semaphore, #tpu.memory_space<semaphore_mem>>) src(%dma_wait3A_2025 : memref<16x8x128xf32, #tpu.memory_space<vmem>>) dst(%dma_wait3A_2020 : memref<16x8x128xf32, #tpu.memory_space<hbm>>)
    %add3A_2026 = arith.constant 2 : i32
    %add3A_2027 = arith.addi %mul3A_2, %add3A_2026 : i32
    %dma_start3A_2028 = arith.constant 5 : i32
    %dma_start3A_2029 = arith.constant 3 : i32
    %dma_start3A_2030 = arith.constant 3 : i32
    %dma_start3A_2031 = arith.constant 0 : i32
    %dma_start3A_2032 = arith.constant 0 : i32
    %dma_start3A_2033 = arith.constant 0 : i32
    %dma_start3A_2034 = tpu.memref_slice %arg4[%dma_start3A_2029, %dma_start3A_2031, %dma_start3A_2032, %dma_start3A_2033] : memref<6x16x8x128xf32, #tpu.memory_space<vmem>> -> memref<1x16x8x128xf32, #tpu.memory_space<vmem>>
    %dma_start3A_2035 = tpu.memref_squeeze %dma_start3A_2034 : memref<1x16x8x128xf32, #tpu.memory_space<vmem>> -> memref<16x8x128xf32, #tpu.memory_space<vmem>>
    %dma_start3A_2036 = arith.constant 0 : i32
    %dma_start3A_2037 = arith.constant 0 : i32
    %dma_start3A_2038 = arith.constant 0 : i32
    %dma_start3A_2039 = tpu.memref_slice %arg2[%add3A_2027, %dma_start3A_2028, %dma_start3A_2036, %dma_start3A_2037, %dma_start3A_2038] : memref<128x8x16x8x128xf32, #tpu.memory_space<hbm>> -> memref<1x1x16x8x128xf32, #tpu.memory_space<hbm>>
    %dma_start3A_2040 = tpu.memref_squeeze %dma_start3A_2039 : memref<1x1x16x8x128xf32, #tpu.memory_space<hbm>> -> memref<16x8x128xf32, #tpu.memory_space<hbm>>
    %dma_start3A_2041 = tpu.memref_slice %arg5[%dma_start3A_2030] : memref<6x!tpu.dma_semaphore, #tpu.memory_space<semaphore_mem>> -> memref<1x!tpu.dma_semaphore, #tpu.memory_space<semaphore_mem>>
    %dma_start3A_2042 = tpu.memref_squeeze %dma_start3A_2041 : memref<1x!tpu.dma_semaphore, #tpu.memory_space<semaphore_mem>> -> memref<!tpu.dma_semaphore, #tpu.memory_space<semaphore_mem>>
    %dma_start3A_2043 = arith.constant 0 : i32
    %dma_start3A_2044 = arith.constant 0 : i32
    %dma_start3A_2045 = arith.constant 0 : i32
    %dma_start3A_2046 = tpu.memref_slice %arg4[%dma_start3A_2029, %dma_start3A_2043, %dma_start3A_2044, %dma_start3A_2045] : memref<6x16x8x128xf32, #tpu.memory_space<vmem>> -> memref<1x16x8x128xf32, #tpu.memory_space<vmem>>
    %dma_start3A_2047 = tpu.memref_squeeze %dma_start3A_2046 : memref<1x16x8x128xf32, #tpu.memory_space<vmem>> -> memref<16x8x128xf32, #tpu.memory_space<vmem>>
    %dma_start3A_2048 = arith.constant 0 : i32
    %dma_start3A_2049 = arith.constant 0 : i32
    %dma_start3A_2050 = arith.constant 0 : i32
    %dma_start3A_2051 = tpu.memref_slice %arg2[%add3A_2027, %dma_start3A_2028, %dma_start3A_2048, %dma_start3A_2049, %dma_start3A_2050] : memref<128x8x16x8x128xf32, #tpu.memory_space<hbm>> -> memref<1x1x16x8x128xf32, #tpu.memory_space<hbm>>
    %dma_start3A_2052 = tpu.memref_squeeze %dma_start3A_2051 : memref<1x1x16x8x128xf32, #tpu.memory_space<hbm>> -> memref<16x8x128xf32, #tpu.memory_space<hbm>>
    tpu.enqueue_dma source(%dma_start3A_2052 : memref<16x8x128xf32, #tpu.memory_space<hbm>>) target(%dma_start3A_2047 : memref<16x8x128xf32, #tpu.memory_space<vmem>>) target_semaphore(%dma_start3A_2042 : memref<!tpu.dma_semaphore, #tpu.memory_space<semaphore_mem>>)
    %add3A_2053 = arith.constant 2 : i32
    %add3A_2054 = arith.addi %mul3A_2, %add3A_2053 : i32
    %dma_wait3A_2055 = arith.constant 3 : i32
    %dma_wait3A_2056 = arith.constant 1 : i32
    %dma_wait3A_2057 = arith.constant 1 : i32
    %dma_wait3A_2058 = arith.constant 0 : i32
    %dma_wait3A_2059 = arith.constant 0 : i32
    %dma_wait3A_2060 = arith.constant 0 : i32
    %dma_wait3A_2061 = tpu.memref_slice %arg4[%dma_wait3A_2056, %dma_wait3A_2058, %dma_wait3A_2059, %dma_wait3A_2060] : memref<6x16x8x128xf32, #tpu.memory_space<vmem>> -> memref<1x16x8x128xf32, #tpu.memory_space<vmem>>
    %dma_wait3A_2062 = tpu.memref_squeeze %dma_wait3A_2061 : memref<1x16x8x128xf32, #tpu.memory_space<vmem>> -> memref<16x8x128xf32, #tpu.memory_space<vmem>>
    %dma_wait3A_2063 = arith.constant 0 : i32
    %dma_wait3A_2064 = arith.constant 0 : i32
    %dma_wait3A_2065 = arith.constant 0 : i32
    %dma_wait3A_2066 = tpu.memref_slice %arg2[%add3A_2054, %dma_wait3A_2055, %dma_wait3A_2063, %dma_wait3A_2064, %dma_wait3A_2065] : memref<128x8x16x8x128xf32, #tpu.memory_space<hbm>> -> memref<1x1x16x8x128xf32, #tpu.memory_space<hbm>>
    %dma_wait3A_2067 = tpu.memref_squeeze %dma_wait3A_2066 : memref<1x1x16x8x128xf32, #tpu.memory_space<hbm>> -> memref<16x8x128xf32, #tpu.memory_space<hbm>>
    %dma_wait3A_2068 = tpu.memref_slice %arg5[%dma_wait3A_2057] : memref<6x!tpu.dma_semaphore, #tpu.memory_space<semaphore_mem>> -> memref<1x!tpu.dma_semaphore, #tpu.memory_space<semaphore_mem>>
    %dma_wait3A_2069 = tpu.memref_squeeze %dma_wait3A_2068 : memref<1x!tpu.dma_semaphore, #tpu.memory_space<semaphore_mem>> -> memref<!tpu.dma_semaphore, #tpu.memory_space<semaphore_mem>>
    %dma_wait3A_2070 = arith.constant 0 : i32
    %dma_wait3A_2071 = arith.constant 0 : i32
    %dma_wait3A_2072 = arith.constant 0 : i32
    %dma_wait3A_2073 = tpu.memref_slice %arg4[%dma_wait3A_2056, %dma_wait3A_2070, %dma_wait3A_2071, %dma_wait3A_2072] : memref<6x16x8x128xf32, #tpu.memory_space<vmem>> -> memref<1x16x8x128xf32, #tpu.memory_space<vmem>>
    %dma_wait3A_2074 = tpu.memref_squeeze %dma_wait3A_2073 : memref<1x16x8x128xf32, #tpu.memory_space<vmem>> -> memref<16x8x128xf32, #tpu.memory_space<vmem>>
    %dma_wait3A_2075 = arith.constant 0 : i32
    %dma_wait3A_2076 = arith.constant 0 : i32
    %dma_wait3A_2077 = arith.constant 0 : i32
    %dma_wait3A_2078 = tpu.memref_slice %arg2[%add3A_2054, %dma_wait3A_2055, %dma_wait3A_2075, %dma_wait3A_2076, %dma_wait3A_2077] : memref<128x8x16x8x128xf32, #tpu.memory_space<hbm>> -> memref<1x1x16x8x128xf32, #tpu.memory_space<hbm>>
    %dma_wait3A_2079 = tpu.memref_squeeze %dma_wait3A_2078 : memref<1x1x16x8x128xf32, #tpu.memory_space<hbm>> -> memref<16x8x128xf32, #tpu.memory_space<hbm>>
    tpu.wait_dma2 semaphore(%dma_wait3A_2069 : memref<!tpu.dma_semaphore, #tpu.memory_space<semaphore_mem>>) src(%dma_wait3A_2079 : memref<16x8x128xf32, #tpu.memory_space<hbm>>) dst(%dma_wait3A_2074 : memref<16x8x128xf32, #tpu.memory_space<vmem>>)
    %add3A_2080 = arith.constant 2 : i32
    %add3A_2081 = arith.addi %mul3A_2, %add3A_2080 : i32
    %dma_start3A_2082 = arith.constant 1 : i32
    %dma_start3A_2083 = arith.constant 3 : i32
    %dma_start3A_2084 = arith.constant 1 : i32
    %dma_start3A_2085 = arith.constant 0 : i32
    %dma_start3A_2086 = arith.constant 0 : i32
    %dma_start3A_2087 = arith.constant 0 : i32
    %dma_start3A_2088 = tpu.memref_slice %arg4[%dma_start3A_2082, %dma_start3A_2085, %dma_start3A_2086, %dma_start3A_2087] : memref<6x16x8x128xf32, #tpu.memory_space<vmem>> -> memref<1x16x8x128xf32, #tpu.memory_space<vmem>>
    %dma_start3A_2089 = tpu.memref_squeeze %dma_start3A_2088 : memref<1x16x8x128xf32, #tpu.memory_space<vmem>> -> memref<16x8x128xf32, #tpu.memory_space<vmem>>
    %dma_start3A_2090 = arith.constant 0 : i32
    %dma_start3A_2091 = arith.constant 0 : i32
    %dma_start3A_2092 = arith.constant 0 : i32
    %dma_start3A_2093 = tpu.memref_slice %arg3[%add3A_2081, %dma_start3A_2083, %dma_start3A_2090, %dma_start3A_2091, %dma_start3A_2092] : memref<128x8x16x8x128xf32, #tpu.memory_space<hbm>> -> memref<1x1x16x8x128xf32, #tpu.memory_space<hbm>>
    %dma_start3A_2094 = tpu.memref_squeeze %dma_start3A_2093 : memref<1x1x16x8x128xf32, #tpu.memory_space<hbm>> -> memref<16x8x128xf32, #tpu.memory_space<hbm>>
    %dma_start3A_2095 = tpu.memref_slice %arg6[%dma_start3A_2084] : memref<6x!tpu.dma_semaphore, #tpu.memory_space<semaphore_mem>> -> memref<1x!tpu.dma_semaphore, #tpu.memory_space<semaphore_mem>>
    %dma_start3A_2096 = tpu.memref_squeeze %dma_start3A_2095 : memref<1x!tpu.dma_semaphore, #tpu.memory_space<semaphore_mem>> -> memref<!tpu.dma_semaphore, #tpu.memory_space<semaphore_mem>>
    %dma_start3A_2097 = arith.constant 0 : i32
    %dma_start3A_2098 = arith.constant 0 : i32
    %dma_start3A_2099 = arith.constant 0 : i32
    %dma_start3A_2100 = tpu.memref_slice %arg3[%add3A_2081, %dma_start3A_2083, %dma_start3A_2097, %dma_start3A_2098, %dma_start3A_2099] : memref<128x8x16x8x128xf32, #tpu.memory_space<hbm>> -> memref<1x1x16x8x128xf32, #tpu.memory_space<hbm>>
    %dma_start3A_2101 = tpu.memref_squeeze %dma_start3A_2100 : memref<1x1x16x8x128xf32, #tpu.memory_space<hbm>> -> memref<16x8x128xf32, #tpu.memory_space<hbm>>
    %dma_start3A_2102 = arith.constant 0 : i32
    %dma_start3A_2103 = arith.constant 0 : i32
    %dma_start3A_2104 = arith.constant 0 : i32
    %dma_start3A_2105 = tpu.memref_slice %arg4[%dma_start3A_2082, %dma_start3A_2102, %dma_start3A_2103, %dma_start3A_2104] : memref<6x16x8x128xf32, #tpu.memory_space<vmem>> -> memref<1x16x8x128xf32, #tpu.memory_space<vmem>>
    %dma_start3A_2106 = tpu.memref_squeeze %dma_start3A_2105 : memref<1x16x8x128xf32, #tpu.memory_space<vmem>> -> memref<16x8x128xf32, #tpu.memory_space<vmem>>
    tpu.enqueue_dma source(%dma_start3A_2106 : memref<16x8x128xf32, #tpu.memory_space<vmem>>) target(%dma_start3A_2101 : memref<16x8x128xf32, #tpu.memory_space<hbm>>) target_semaphore(%dma_start3A_2096 : memref<!tpu.dma_semaphore, #tpu.memory_space<semaphore_mem>>)
    %add3A_2107 = arith.constant 2 : i32
    %add3A_2108 = arith.addi %mul3A_2, %add3A_2107 : i32
    %dma_wait3A_2109 = arith.constant 4 : i32
    %dma_wait3A_2110 = arith.constant 0 : i32
    %dma_wait3A_2111 = arith.constant 4 : i32
    %dma_wait3A_2112 = arith.constant 0 : i32
    %dma_wait3A_2113 = arith.constant 0 : i32
    %dma_wait3A_2114 = arith.constant 0 : i32
    %dma_wait3A_2115 = tpu.memref_slice %arg4[%dma_wait3A_2109, %dma_wait3A_2112, %dma_wait3A_2113, %dma_wait3A_2114] : memref<6x16x8x128xf32, #tpu.memory_space<vmem>> -> memref<1x16x8x128xf32, #tpu.memory_space<vmem>>
    %dma_wait3A_2116 = tpu.memref_squeeze %dma_wait3A_2115 : memref<1x16x8x128xf32, #tpu.memory_space<vmem>> -> memref<16x8x128xf32, #tpu.memory_space<vmem>>
    %dma_wait3A_2117 = arith.constant 0 : i32
    %dma_wait3A_2118 = arith.constant 0 : i32
    %dma_wait3A_2119 = arith.constant 0 : i32
    %dma_wait3A_2120 = tpu.memref_slice %arg3[%add3A_2108, %dma_wait3A_2110, %dma_wait3A_2117, %dma_wait3A_2118, %dma_wait3A_2119] : memref<128x8x16x8x128xf32, #tpu.memory_space<hbm>> -> memref<1x1x16x8x128xf32, #tpu.memory_space<hbm>>
    %dma_wait3A_2121 = tpu.memref_squeeze %dma_wait3A_2120 : memref<1x1x16x8x128xf32, #tpu.memory_space<hbm>> -> memref<16x8x128xf32, #tpu.memory_space<hbm>>
    %dma_wait3A_2122 = tpu.memref_slice %arg6[%dma_wait3A_2111] : memref<6x!tpu.dma_semaphore, #tpu.memory_space<semaphore_mem>> -> memref<1x!tpu.dma_semaphore, #tpu.memory_space<semaphore_mem>>
    %dma_wait3A_2123 = tpu.memref_squeeze %dma_wait3A_2122 : memref<1x!tpu.dma_semaphore, #tpu.memory_space<semaphore_mem>> -> memref<!tpu.dma_semaphore, #tpu.memory_space<semaphore_mem>>
    %dma_wait3A_2124 = arith.constant 0 : i32
    %dma_wait3A_2125 = arith.constant 0 : i32
    %dma_wait3A_2126 = arith.constant 0 : i32
    %dma_wait3A_2127 = tpu.memref_slice %arg3[%add3A_2108, %dma_wait3A_2110, %dma_wait3A_2124, %dma_wait3A_2125, %dma_wait3A_2126] : memref<128x8x16x8x128xf32, #tpu.memory_space<hbm>> -> memref<1x1x16x8x128xf32, #tpu.memory_space<hbm>>
    %dma_wait3A_2128 = tpu.memref_squeeze %dma_wait3A_2127 : memref<1x1x16x8x128xf32, #tpu.memory_space<hbm>> -> memref<16x8x128xf32, #tpu.memory_space<hbm>>
    %dma_wait3A_2129 = arith.constant 0 : i32
    %dma_wait3A_2130 = arith.constant 0 : i32
    %dma_wait3A_2131 = arith.constant 0 : i32
    %dma_wait3A_2132 = tpu.memref_slice %arg4[%dma_wait3A_2109, %dma_wait3A_2129, %dma_wait3A_2130, %dma_wait3A_2131] : memref<6x16x8x128xf32, #tpu.memory_space<vmem>> -> memref<1x16x8x128xf32, #tpu.memory_space<vmem>>
    %dma_wait3A_2133 = tpu.memref_squeeze %dma_wait3A_2132 : memref<1x16x8x128xf32, #tpu.memory_space<vmem>> -> memref<16x8x128xf32, #tpu.memory_space<vmem>>
    tpu.wait_dma2 semaphore(%dma_wait3A_2123 : memref<!tpu.dma_semaphore, #tpu.memory_space<semaphore_mem>>) src(%dma_wait3A_2133 : memref<16x8x128xf32, #tpu.memory_space<vmem>>) dst(%dma_wait3A_2128 : memref<16x8x128xf32, #tpu.memory_space<hbm>>)
    %add3A_2134 = arith.constant 2 : i32
    %add3A_2135 = arith.addi %mul3A_2, %add3A_2134 : i32
    %dma_start3A_2136 = arith.constant 6 : i32
    %dma_start3A_2137 = arith.constant 4 : i32
    %dma_start3A_2138 = arith.constant 4 : i32
    %dma_start3A_2139 = arith.constant 0 : i32
    %dma_start3A_2140 = arith.constant 0 : i32
    %dma_start3A_2141 = arith.constant 0 : i32
    %dma_start3A_2142 = tpu.memref_slice %arg4[%dma_start3A_2137, %dma_start3A_2139, %dma_start3A_2140, %dma_start3A_2141] : memref<6x16x8x128xf32, #tpu.memory_space<vmem>> -> memref<1x16x8x128xf32, #tpu.memory_space<vmem>>
    %dma_start3A_2143 = tpu.memref_squeeze %dma_start3A_2142 : memref<1x16x8x128xf32, #tpu.memory_space<vmem>> -> memref<16x8x128xf32, #tpu.memory_space<vmem>>
    %dma_start3A_2144 = arith.constant 0 : i32
    %dma_start3A_2145 = arith.constant 0 : i32
    %dma_start3A_2146 = arith.constant 0 : i32
    %dma_start3A_2147 = tpu.memref_slice %arg2[%add3A_2135, %dma_start3A_2136, %dma_start3A_2144, %dma_start3A_2145, %dma_start3A_2146] : memref<128x8x16x8x128xf32, #tpu.memory_space<hbm>> -> memref<1x1x16x8x128xf32, #tpu.memory_space<hbm>>
    %dma_start3A_2148 = tpu.memref_squeeze %dma_start3A_2147 : memref<1x1x16x8x128xf32, #tpu.memory_space<hbm>> -> memref<16x8x128xf32, #tpu.memory_space<hbm>>
    %dma_start3A_2149 = tpu.memref_slice %arg5[%dma_start3A_2138] : memref<6x!tpu.dma_semaphore, #tpu.memory_space<semaphore_mem>> -> memref<1x!tpu.dma_semaphore, #tpu.memory_space<semaphore_mem>>
    %dma_start3A_2150 = tpu.memref_squeeze %dma_start3A_2149 : memref<1x!tpu.dma_semaphore, #tpu.memory_space<semaphore_mem>> -> memref<!tpu.dma_semaphore, #tpu.memory_space<semaphore_mem>>
    %dma_start3A_2151 = arith.constant 0 : i32
    %dma_start3A_2152 = arith.constant 0 : i32
    %dma_start3A_2153 = arith.constant 0 : i32
    %dma_start3A_2154 = tpu.memref_slice %arg4[%dma_start3A_2137, %dma_start3A_2151, %dma_start3A_2152, %dma_start3A_2153] : memref<6x16x8x128xf32, #tpu.memory_space<vmem>> -> memref<1x16x8x128xf32, #tpu.memory_space<vmem>>
    %dma_start3A_2155 = tpu.memref_squeeze %dma_start3A_2154 : memref<1x16x8x128xf32, #tpu.memory_space<vmem>> -> memref<16x8x128xf32, #tpu.memory_space<vmem>>
    %dma_start3A_2156 = arith.constant 0 : i32
    %dma_start3A_2157 = arith.constant 0 : i32
    %dma_start3A_2158 = arith.constant 0 : i32
    %dma_start3A_2159 = tpu.memref_slice %arg2[%add3A_2135, %dma_start3A_2136, %dma_start3A_2156, %dma_start3A_2157, %dma_start3A_2158] : memref<128x8x16x8x128xf32, #tpu.memory_space<hbm>> -> memref<1x1x16x8x128xf32, #tpu.memory_space<hbm>>
    %dma_start3A_2160 = tpu.memref_squeeze %dma_start3A_2159 : memref<1x1x16x8x128xf32, #tpu.memory_space<hbm>> -> memref<16x8x128xf32, #tpu.memory_space<hbm>>
    tpu.enqueue_dma source(%dma_start3A_2160 : memref<16x8x128xf32, #tpu.memory_space<hbm>>) target(%dma_start3A_2155 : memref<16x8x128xf32, #tpu.memory_space<vmem>>) target_semaphore(%dma_start3A_2150 : memref<!tpu.dma_semaphore, #tpu.memory_space<semaphore_mem>>)
    %add3A_2161 = arith.constant 2 : i32
    %add3A_2162 = arith.addi %mul3A_2, %add3A_2161 : i32
    %dma_wait3A_2163 = arith.constant 4 : i32
    %dma_wait3A_2164 = arith.constant 2 : i32
    %dma_wait3A_2165 = arith.constant 2 : i32
    %dma_wait3A_2166 = arith.constant 0 : i32
    %dma_wait3A_2167 = arith.constant 0 : i32
    %dma_wait3A_2168 = arith.constant 0 : i32
    %dma_wait3A_2169 = tpu.memref_slice %arg4[%dma_wait3A_2164, %dma_wait3A_2166, %dma_wait3A_2167, %dma_wait3A_2168] : memref<6x16x8x128xf32, #tpu.memory_space<vmem>> -> memref<1x16x8x128xf32, #tpu.memory_space<vmem>>
    %dma_wait3A_2170 = tpu.memref_squeeze %dma_wait3A_2169 : memref<1x16x8x128xf32, #tpu.memory_space<vmem>> -> memref<16x8x128xf32, #tpu.memory_space<vmem>>
    %dma_wait3A_2171 = arith.constant 0 : i32
    %dma_wait3A_2172 = arith.constant 0 : i32
    %dma_wait3A_2173 = arith.constant 0 : i32
    %dma_wait3A_2174 = tpu.memref_slice %arg2[%add3A_2162, %dma_wait3A_2163, %dma_wait3A_2171, %dma_wait3A_2172, %dma_wait3A_2173] : memref<128x8x16x8x128xf32, #tpu.memory_space<hbm>> -> memref<1x1x16x8x128xf32, #tpu.memory_space<hbm>>
    %dma_wait3A_2175 = tpu.memref_squeeze %dma_wait3A_2174 : memref<1x1x16x8x128xf32, #tpu.memory_space<hbm>> -> memref<16x8x128xf32, #tpu.memory_space<hbm>>
    %dma_wait3A_2176 = tpu.memref_slice %arg5[%dma_wait3A_2165] : memref<6x!tpu.dma_semaphore, #tpu.memory_space<semaphore_mem>> -> memref<1x!tpu.dma_semaphore, #tpu.memory_space<semaphore_mem>>
    %dma_wait3A_2177 = tpu.memref_squeeze %dma_wait3A_2176 : memref<1x!tpu.dma_semaphore, #tpu.memory_space<semaphore_mem>> -> memref<!tpu.dma_semaphore, #tpu.memory_space<semaphore_mem>>
    %dma_wait3A_2178 = arith.constant 0 : i32
    %dma_wait3A_2179 = arith.constant 0 : i32
    %dma_wait3A_2180 = arith.constant 0 : i32
    %dma_wait3A_2181 = tpu.memref_slice %arg4[%dma_wait3A_2164, %dma_wait3A_2178, %dma_wait3A_2179, %dma_wait3A_2180] : memref<6x16x8x128xf32, #tpu.memory_space<vmem>> -> memref<1x16x8x128xf32, #tpu.memory_space<vmem>>
    %dma_wait3A_2182 = tpu.memref_squeeze %dma_wait3A_2181 : memref<1x16x8x128xf32, #tpu.memory_space<vmem>> -> memref<16x8x128xf32, #tpu.memory_space<vmem>>
    %dma_wait3A_2183 = arith.constant 0 : i32
    %dma_wait3A_2184 = arith.constant 0 : i32
    %dma_wait3A_2185 = arith.constant 0 : i32
    %dma_wait3A_2186 = tpu.memref_slice %arg2[%add3A_2162, %dma_wait3A_2163, %dma_wait3A_2183, %dma_wait3A_2184, %dma_wait3A_2185] : memref<128x8x16x8x128xf32, #tpu.memory_space<hbm>> -> memref<1x1x16x8x128xf32, #tpu.memory_space<hbm>>
    %dma_wait3A_2187 = tpu.memref_squeeze %dma_wait3A_2186 : memref<1x1x16x8x128xf32, #tpu.memory_space<hbm>> -> memref<16x8x128xf32, #tpu.memory_space<hbm>>
    tpu.wait_dma2 semaphore(%dma_wait3A_2177 : memref<!tpu.dma_semaphore, #tpu.memory_space<semaphore_mem>>) src(%dma_wait3A_2187 : memref<16x8x128xf32, #tpu.memory_space<hbm>>) dst(%dma_wait3A_2182 : memref<16x8x128xf32, #tpu.memory_space<vmem>>)
    %add3A_2188 = arith.constant 2 : i32
    %add3A_2189 = arith.addi %mul3A_2, %add3A_2188 : i32
    %dma_start3A_2190 = arith.constant 2 : i32
    %dma_start3A_2191 = arith.constant 4 : i32
    %dma_start3A_2192 = arith.constant 2 : i32
    %dma_start3A_2193 = arith.constant 0 : i32
    %dma_start3A_2194 = arith.constant 0 : i32
    %dma_start3A_2195 = arith.constant 0 : i32
    %dma_start3A_2196 = tpu.memref_slice %arg4[%dma_start3A_2190, %dma_start3A_2193, %dma_start3A_2194, %dma_start3A_2195] : memref<6x16x8x128xf32, #tpu.memory_space<vmem>> -> memref<1x16x8x128xf32, #tpu.memory_space<vmem>>
    %dma_start3A_2197 = tpu.memref_squeeze %dma_start3A_2196 : memref<1x16x8x128xf32, #tpu.memory_space<vmem>> -> memref<16x8x128xf32, #tpu.memory_space<vmem>>
    %dma_start3A_2198 = arith.constant 0 : i32
    %dma_start3A_2199 = arith.constant 0 : i32
    %dma_start3A_2200 = arith.constant 0 : i32
    %dma_start3A_2201 = tpu.memref_slice %arg3[%add3A_2189, %dma_start3A_2191, %dma_start3A_2198, %dma_start3A_2199, %dma_start3A_2200] : memref<128x8x16x8x128xf32, #tpu.memory_space<hbm>> -> memref<1x1x16x8x128xf32, #tpu.memory_space<hbm>>
    %dma_start3A_2202 = tpu.memref_squeeze %dma_start3A_2201 : memref<1x1x16x8x128xf32, #tpu.memory_space<hbm>> -> memref<16x8x128xf32, #tpu.memory_space<hbm>>
    %dma_start3A_2203 = tpu.memref_slice %arg6[%dma_start3A_2192] : memref<6x!tpu.dma_semaphore, #tpu.memory_space<semaphore_mem>> -> memref<1x!tpu.dma_semaphore, #tpu.memory_space<semaphore_mem>>
    %dma_start3A_2204 = tpu.memref_squeeze %dma_start3A_2203 : memref<1x!tpu.dma_semaphore, #tpu.memory_space<semaphore_mem>> -> memref<!tpu.dma_semaphore, #tpu.memory_space<semaphore_mem>>
    %dma_start3A_2205 = arith.constant 0 : i32
    %dma_start3A_2206 = arith.constant 0 : i32
    %dma_start3A_2207 = arith.constant 0 : i32
    %dma_start3A_2208 = tpu.memref_slice %arg3[%add3A_2189, %dma_start3A_2191, %dma_start3A_2205, %dma_start3A_2206, %dma_start3A_2207] : memref<128x8x16x8x128xf32, #tpu.memory_space<hbm>> -> memref<1x1x16x8x128xf32, #tpu.memory_space<hbm>>
    %dma_start3A_2209 = tpu.memref_squeeze %dma_start3A_2208 : memref<1x1x16x8x128xf32, #tpu.memory_space<hbm>> -> memref<16x8x128xf32, #tpu.memory_space<hbm>>
    %dma_start3A_2210 = arith.constant 0 : i32
    %dma_start3A_2211 = arith.constant 0 : i32
    %dma_start3A_2212 = arith.constant 0 : i32
    %dma_start3A_2213 = tpu.memref_slice %arg4[%dma_start3A_2190, %dma_start3A_2210, %dma_start3A_2211, %dma_start3A_2212] : memref<6x16x8x128xf32, #tpu.memory_space<vmem>> -> memref<1x16x8x128xf32, #tpu.memory_space<vmem>>
    %dma_start3A_2214 = tpu.memref_squeeze %dma_start3A_2213 : memref<1x16x8x128xf32, #tpu.memory_space<vmem>> -> memref<16x8x128xf32, #tpu.memory_space<vmem>>
    tpu.enqueue_dma source(%dma_start3A_2214 : memref<16x8x128xf32, #tpu.memory_space<vmem>>) target(%dma_start3A_2209 : memref<16x8x128xf32, #tpu.memory_space<hbm>>) target_semaphore(%dma_start3A_2204 : memref<!tpu.dma_semaphore, #tpu.memory_space<semaphore_mem>>)
    %add3A_2215 = arith.constant 2 : i32
    %add3A_2216 = arith.addi %mul3A_2, %add3A_2215 : i32
    %dma_wait3A_2217 = arith.constant 5 : i32
    %dma_wait3A_2218 = arith.constant 1 : i32
    %dma_wait3A_2219 = arith.constant 5 : i32
    %dma_wait3A_2220 = arith.constant 0 : i32
    %dma_wait3A_2221 = arith.constant 0 : i32
    %dma_wait3A_2222 = arith.constant 0 : i32
    %dma_wait3A_2223 = tpu.memref_slice %arg4[%dma_wait3A_2217, %dma_wait3A_2220, %dma_wait3A_2221, %dma_wait3A_2222] : memref<6x16x8x128xf32, #tpu.memory_space<vmem>> -> memref<1x16x8x128xf32, #tpu.memory_space<vmem>>
    %dma_wait3A_2224 = tpu.memref_squeeze %dma_wait3A_2223 : memref<1x16x8x128xf32, #tpu.memory_space<vmem>> -> memref<16x8x128xf32, #tpu.memory_space<vmem>>
    %dma_wait3A_2225 = arith.constant 0 : i32
    %dma_wait3A_2226 = arith.constant 0 : i32
    %dma_wait3A_2227 = arith.constant 0 : i32
    %dma_wait3A_2228 = tpu.memref_slice %arg3[%add3A_2216, %dma_wait3A_2218, %dma_wait3A_2225, %dma_wait3A_2226, %dma_wait3A_2227] : memref<128x8x16x8x128xf32, #tpu.memory_space<hbm>> -> memref<1x1x16x8x128xf32, #tpu.memory_space<hbm>>
    %dma_wait3A_2229 = tpu.memref_squeeze %dma_wait3A_2228 : memref<1x1x16x8x128xf32, #tpu.memory_space<hbm>> -> memref<16x8x128xf32, #tpu.memory_space<hbm>>
    %dma_wait3A_2230 = tpu.memref_slice %arg6[%dma_wait3A_2219] : memref<6x!tpu.dma_semaphore, #tpu.memory_space<semaphore_mem>> -> memref<1x!tpu.dma_semaphore, #tpu.memory_space<semaphore_mem>>
    %dma_wait3A_2231 = tpu.memref_squeeze %dma_wait3A_2230 : memref<1x!tpu.dma_semaphore, #tpu.memory_space<semaphore_mem>> -> memref<!tpu.dma_semaphore, #tpu.memory_space<semaphore_mem>>
    %dma_wait3A_2232 = arith.constant 0 : i32
    %dma_wait3A_2233 = arith.constant 0 : i32
    %dma_wait3A_2234 = arith.constant 0 : i32
    %dma_wait3A_2235 = tpu.memref_slice %arg3[%add3A_2216, %dma_wait3A_2218, %dma_wait3A_2232, %dma_wait3A_2233, %dma_wait3A_2234] : memref<128x8x16x8x128xf32, #tpu.memory_space<hbm>> -> memref<1x1x16x8x128xf32, #tpu.memory_space<hbm>>
    %dma_wait3A_2236 = tpu.memref_squeeze %dma_wait3A_2235 : memref<1x1x16x8x128xf32, #tpu.memory_space<hbm>> -> memref<16x8x128xf32, #tpu.memory_space<hbm>>
    %dma_wait3A_2237 = arith.constant 0 : i32
    %dma_wait3A_2238 = arith.constant 0 : i32
    %dma_wait3A_2239 = arith.constant 0 : i32
    %dma_wait3A_2240 = tpu.memref_slice %arg4[%dma_wait3A_2217, %dma_wait3A_2237, %dma_wait3A_2238, %dma_wait3A_2239] : memref<6x16x8x128xf32, #tpu.memory_space<vmem>> -> memref<1x16x8x128xf32, #tpu.memory_space<vmem>>
    %dma_wait3A_2241 = tpu.memref_squeeze %dma_wait3A_2240 : memref<1x16x8x128xf32, #tpu.memory_space<vmem>> -> memref<16x8x128xf32, #tpu.memory_space<vmem>>
    tpu.wait_dma2 semaphore(%dma_wait3A_2231 : memref<!tpu.dma_semaphore, #tpu.memory_space<semaphore_mem>>) src(%dma_wait3A_2241 : memref<16x8x128xf32, #tpu.memory_space<vmem>>) dst(%dma_wait3A_2236 : memref<16x8x128xf32, #tpu.memory_space<hbm>>)
    %add3A_2242 = arith.constant 2 : i32
    %add3A_2243 = arith.addi %mul3A_2, %add3A_2242 : i32
    %dma_start3A_2244 = arith.constant 7 : i32
    %dma_start3A_2245 = arith.constant 5 : i32
    %dma_start3A_2246 = arith.constant 5 : i32
    %dma_start3A_2247 = arith.constant 0 : i32
    %dma_start3A_2248 = arith.constant 0 : i32
    %dma_start3A_2249 = arith.constant 0 : i32
    %dma_start3A_2250 = tpu.memref_slice %arg4[%dma_start3A_2245, %dma_start3A_2247, %dma_start3A_2248, %dma_start3A_2249] : memref<6x16x8x128xf32, #tpu.memory_space<vmem>> -> memref<1x16x8x128xf32, #tpu.memory_space<vmem>>
    %dma_start3A_2251 = tpu.memref_squeeze %dma_start3A_2250 : memref<1x16x8x128xf32, #tpu.memory_space<vmem>> -> memref<16x8x128xf32, #tpu.memory_space<vmem>>
    %dma_start3A_2252 = arith.constant 0 : i32
    %dma_start3A_2253 = arith.constant 0 : i32
    %dma_start3A_2254 = arith.constant 0 : i32
    %dma_start3A_2255 = tpu.memref_slice %arg2[%add3A_2243, %dma_start3A_2244, %dma_start3A_2252, %dma_start3A_2253, %dma_start3A_2254] : memref<128x8x16x8x128xf32, #tpu.memory_space<hbm>> -> memref<1x1x16x8x128xf32, #tpu.memory_space<hbm>>
    %dma_start3A_2256 = tpu.memref_squeeze %dma_start3A_2255 : memref<1x1x16x8x128xf32, #tpu.memory_space<hbm>> -> memref<16x8x128xf32, #tpu.memory_space<hbm>>
    %dma_start3A_2257 = tpu.memref_slice %arg5[%dma_start3A_2246] : memref<6x!tpu.dma_semaphore, #tpu.memory_space<semaphore_mem>> -> memref<1x!tpu.dma_semaphore, #tpu.memory_space<semaphore_mem>>
    %dma_start3A_2258 = tpu.memref_squeeze %dma_start3A_2257 : memref<1x!tpu.dma_semaphore, #tpu.memory_space<semaphore_mem>> -> memref<!tpu.dma_semaphore, #tpu.memory_space<semaphore_mem>>
    %dma_start3A_2259 = arith.constant 0 : i32
    %dma_start3A_2260 = arith.constant 0 : i32
    %dma_start3A_2261 = arith.constant 0 : i32
    %dma_start3A_2262 = tpu.memref_slice %arg4[%dma_start3A_2245, %dma_start3A_2259, %dma_start3A_2260, %dma_start3A_2261] : memref<6x16x8x128xf32, #tpu.memory_space<vmem>> -> memref<1x16x8x128xf32, #tpu.memory_space<vmem>>
    %dma_start3A_2263 = tpu.memref_squeeze %dma_start3A_2262 : memref<1x16x8x128xf32, #tpu.memory_space<vmem>> -> memref<16x8x128xf32, #tpu.memory_space<vmem>>
    %dma_start3A_2264 = arith.constant 0 : i32
    %dma_start3A_2265 = arith.constant 0 : i32
    %dma_start3A_2266 = arith.constant 0 : i32
    %dma_start3A_2267 = tpu.memref_slice %arg2[%add3A_2243, %dma_start3A_2244, %dma_start3A_2264, %dma_start3A_2265, %dma_start3A_2266] : memref<128x8x16x8x128xf32, #tpu.memory_space<hbm>> -> memref<1x1x16x8x128xf32, #tpu.memory_space<hbm>>
    %dma_start3A_2268 = tpu.memref_squeeze %dma_start3A_2267 : memref<1x1x16x8x128xf32, #tpu.memory_space<hbm>> -> memref<16x8x128xf32, #tpu.memory_space<hbm>>
    tpu.enqueue_dma source(%dma_start3A_2268 : memref<16x8x128xf32, #tpu.memory_space<hbm>>) target(%dma_start3A_2263 : memref<16x8x128xf32, #tpu.memory_space<vmem>>) target_semaphore(%dma_start3A_2258 : memref<!tpu.dma_semaphore, #tpu.memory_space<semaphore_mem>>)
    %add3A_2269 = arith.constant 2 : i32
    %add3A_2270 = arith.addi %mul3A_2, %add3A_2269 : i32
    %dma_wait3A_2271 = arith.constant 5 : i32
    %dma_wait3A_2272 = arith.constant 3 : i32
    %dma_wait3A_2273 = arith.constant 3 : i32
    %dma_wait3A_2274 = arith.constant 0 : i32
    %dma_wait3A_2275 = arith.constant 0 : i32
    %dma_wait3A_2276 = arith.constant 0 : i32
    %dma_wait3A_2277 = tpu.memref_slice %arg4[%dma_wait3A_2272, %dma_wait3A_2274, %dma_wait3A_2275, %dma_wait3A_2276] : memref<6x16x8x128xf32, #tpu.memory_space<vmem>> -> memref<1x16x8x128xf32, #tpu.memory_space<vmem>>
    %dma_wait3A_2278 = tpu.memref_squeeze %dma_wait3A_2277 : memref<1x16x8x128xf32, #tpu.memory_space<vmem>> -> memref<16x8x128xf32, #tpu.memory_space<vmem>>
    %dma_wait3A_2279 = arith.constant 0 : i32
    %dma_wait3A_2280 = arith.constant 0 : i32
    %dma_wait3A_2281 = arith.constant 0 : i32
    %dma_wait3A_2282 = tpu.memref_slice %arg2[%add3A_2270, %dma_wait3A_2271, %dma_wait3A_2279, %dma_wait3A_2280, %dma_wait3A_2281] : memref<128x8x16x8x128xf32, #tpu.memory_space<hbm>> -> memref<1x1x16x8x128xf32, #tpu.memory_space<hbm>>
    %dma_wait3A_2283 = tpu.memref_squeeze %dma_wait3A_2282 : memref<1x1x16x8x128xf32, #tpu.memory_space<hbm>> -> memref<16x8x128xf32, #tpu.memory_space<hbm>>
    %dma_wait3A_2284 = tpu.memref_slice %arg5[%dma_wait3A_2273] : memref<6x!tpu.dma_semaphore, #tpu.memory_space<semaphore_mem>> -> memref<1x!tpu.dma_semaphore, #tpu.memory_space<semaphore_mem>>
    %dma_wait3A_2285 = tpu.memref_squeeze %dma_wait3A_2284 : memref<1x!tpu.dma_semaphore, #tpu.memory_space<semaphore_mem>> -> memref<!tpu.dma_semaphore, #tpu.memory_space<semaphore_mem>>
    %dma_wait3A_2286 = arith.constant 0 : i32
    %dma_wait3A_2287 = arith.constant 0 : i32
    %dma_wait3A_2288 = arith.constant 0 : i32
    %dma_wait3A_2289 = tpu.memref_slice %arg4[%dma_wait3A_2272, %dma_wait3A_2286, %dma_wait3A_2287, %dma_wait3A_2288] : memref<6x16x8x128xf32, #tpu.memory_space<vmem>> -> memref<1x16x8x128xf32, #tpu.memory_space<vmem>>
    %dma_wait3A_2290 = tpu.memref_squeeze %dma_wait3A_2289 : memref<1x16x8x128xf32, #tpu.memory_space<vmem>> -> memref<16x8x128xf32, #tpu.memory_space<vmem>>
    %dma_wait3A_2291 = arith.constant 0 : i32
    %dma_wait3A_2292 = arith.constant 0 : i32
    %dma_wait3A_2293 = arith.constant 0 : i32
    %dma_wait3A_2294 = tpu.memref_slice %arg2[%add3A_2270, %dma_wait3A_2271, %dma_wait3A_2291, %dma_wait3A_2292, %dma_wait3A_2293] : memref<128x8x16x8x128xf32, #tpu.memory_space<hbm>> -> memref<1x1x16x8x128xf32, #tpu.memory_space<hbm>>
    %dma_wait3A_2295 = tpu.memref_squeeze %dma_wait3A_2294 : memref<1x1x16x8x128xf32, #tpu.memory_space<hbm>> -> memref<16x8x128xf32, #tpu.memory_space<hbm>>
    tpu.wait_dma2 semaphore(%dma_wait3A_2285 : memref<!tpu.dma_semaphore, #tpu.memory_space<semaphore_mem>>) src(%dma_wait3A_2295 : memref<16x8x128xf32, #tpu.memory_space<hbm>>) dst(%dma_wait3A_2290 : memref<16x8x128xf32, #tpu.memory_space<vmem>>)
    %add3A_2296 = arith.constant 2 : i32
    %add3A_2297 = arith.addi %mul3A_2, %add3A_2296 : i32
    %dma_start3A_2298 = arith.constant 3 : i32
    %dma_start3A_2299 = arith.constant 5 : i32
    %dma_start3A_2300 = arith.constant 3 : i32
    %dma_start3A_2301 = arith.constant 0 : i32
    %dma_start3A_2302 = arith.constant 0 : i32
    %dma_start3A_2303 = arith.constant 0 : i32
    %dma_start3A_2304 = tpu.memref_slice %arg4[%dma_start3A_2298, %dma_start3A_2301, %dma_start3A_2302, %dma_start3A_2303] : memref<6x16x8x128xf32, #tpu.memory_space<vmem>> -> memref<1x16x8x128xf32, #tpu.memory_space<vmem>>
    %dma_start3A_2305 = tpu.memref_squeeze %dma_start3A_2304 : memref<1x16x8x128xf32, #tpu.memory_space<vmem>> -> memref<16x8x128xf32, #tpu.memory_space<vmem>>
    %dma_start3A_2306 = arith.constant 0 : i32
    %dma_start3A_2307 = arith.constant 0 : i32
    %dma_start3A_2308 = arith.constant 0 : i32
    %dma_start3A_2309 = tpu.memref_slice %arg3[%add3A_2297, %dma_start3A_2299, %dma_start3A_2306, %dma_start3A_2307, %dma_start3A_2308] : memref<128x8x16x8x128xf32, #tpu.memory_space<hbm>> -> memref<1x1x16x8x128xf32, #tpu.memory_space<hbm>>
    %dma_start3A_2310 = tpu.memref_squeeze %dma_start3A_2309 : memref<1x1x16x8x128xf32, #tpu.memory_space<hbm>> -> memref<16x8x128xf32, #tpu.memory_space<hbm>>
    %dma_start3A_2311 = tpu.memref_slice %arg6[%dma_start3A_2300] : memref<6x!tpu.dma_semaphore, #tpu.memory_space<semaphore_mem>> -> memref<1x!tpu.dma_semaphore, #tpu.memory_space<semaphore_mem>>
    %dma_start3A_2312 = tpu.memref_squeeze %dma_start3A_2311 : memref<1x!tpu.dma_semaphore, #tpu.memory_space<semaphore_mem>> -> memref<!tpu.dma_semaphore, #tpu.memory_space<semaphore_mem>>
    %dma_start3A_2313 = arith.constant 0 : i32
    %dma_start3A_2314 = arith.constant 0 : i32
    %dma_start3A_2315 = arith.constant 0 : i32
    %dma_start3A_2316 = tpu.memref_slice %arg3[%add3A_2297, %dma_start3A_2299, %dma_start3A_2313, %dma_start3A_2314, %dma_start3A_2315] : memref<128x8x16x8x128xf32, #tpu.memory_space<hbm>> -> memref<1x1x16x8x128xf32, #tpu.memory_space<hbm>>
    %dma_start3A_2317 = tpu.memref_squeeze %dma_start3A_2316 : memref<1x1x16x8x128xf32, #tpu.memory_space<hbm>> -> memref<16x8x128xf32, #tpu.memory_space<hbm>>
    %dma_start3A_2318 = arith.constant 0 : i32
    %dma_start3A_2319 = arith.constant 0 : i32
    %dma_start3A_2320 = arith.constant 0 : i32
    %dma_start3A_2321 = tpu.memref_slice %arg4[%dma_start3A_2298, %dma_start3A_2318, %dma_start3A_2319, %dma_start3A_2320] : memref<6x16x8x128xf32, #tpu.memory_space<vmem>> -> memref<1x16x8x128xf32, #tpu.memory_space<vmem>>
    %dma_start3A_2322 = tpu.memref_squeeze %dma_start3A_2321 : memref<1x16x8x128xf32, #tpu.memory_space<vmem>> -> memref<16x8x128xf32, #tpu.memory_space<vmem>>
    tpu.enqueue_dma source(%dma_start3A_2322 : memref<16x8x128xf32, #tpu.memory_space<vmem>>) target(%dma_start3A_2317 : memref<16x8x128xf32, #tpu.memory_space<hbm>>) target_semaphore(%dma_start3A_2312 : memref<!tpu.dma_semaphore, #tpu.memory_space<semaphore_mem>>)
    %add3A_2323 = arith.constant 2 : i32
    %add3A_2324 = arith.addi %mul3A_2, %add3A_2323 : i32
    %dma_wait3A_2325 = arith.constant 0 : i32
    %dma_wait3A_2326 = arith.constant 2 : i32
    %dma_wait3A_2327 = arith.constant 0 : i32
    %dma_wait3A_2328 = arith.constant 0 : i32
    %dma_wait3A_2329 = arith.constant 0 : i32
    %dma_wait3A_2330 = arith.constant 0 : i32
    %dma_wait3A_2331 = tpu.memref_slice %arg4[%dma_wait3A_2325, %dma_wait3A_2328, %dma_wait3A_2329, %dma_wait3A_2330] : memref<6x16x8x128xf32, #tpu.memory_space<vmem>> -> memref<1x16x8x128xf32, #tpu.memory_space<vmem>>
    %dma_wait3A_2332 = tpu.memref_squeeze %dma_wait3A_2331 : memref<1x16x8x128xf32, #tpu.memory_space<vmem>> -> memref<16x8x128xf32, #tpu.memory_space<vmem>>
    %dma_wait3A_2333 = arith.constant 0 : i32
    %dma_wait3A_2334 = arith.constant 0 : i32
    %dma_wait3A_2335 = arith.constant 0 : i32
    %dma_wait3A_2336 = tpu.memref_slice %arg3[%add3A_2324, %dma_wait3A_2326, %dma_wait3A_2333, %dma_wait3A_2334, %dma_wait3A_2335] : memref<128x8x16x8x128xf32, #tpu.memory_space<hbm>> -> memref<1x1x16x8x128xf32, #tpu.memory_space<hbm>>
    %dma_wait3A_2337 = tpu.memref_squeeze %dma_wait3A_2336 : memref<1x1x16x8x128xf32, #tpu.memory_space<hbm>> -> memref<16x8x128xf32, #tpu.memory_space<hbm>>
    %dma_wait3A_2338 = tpu.memref_slice %arg6[%dma_wait3A_2327] : memref<6x!tpu.dma_semaphore, #tpu.memory_space<semaphore_mem>> -> memref<1x!tpu.dma_semaphore, #tpu.memory_space<semaphore_mem>>
    %dma_wait3A_2339 = tpu.memref_squeeze %dma_wait3A_2338 : memref<1x!tpu.dma_semaphore, #tpu.memory_space<semaphore_mem>> -> memref<!tpu.dma_semaphore, #tpu.memory_space<semaphore_mem>>
    %dma_wait3A_2340 = arith.constant 0 : i32
    %dma_wait3A_2341 = arith.constant 0 : i32
    %dma_wait3A_2342 = arith.constant 0 : i32
    %dma_wait3A_2343 = tpu.memref_slice %arg3[%add3A_2324, %dma_wait3A_2326, %dma_wait3A_2340, %dma_wait3A_2341, %dma_wait3A_2342] : memref<128x8x16x8x128xf32, #tpu.memory_space<hbm>> -> memref<1x1x16x8x128xf32, #tpu.memory_space<hbm>>
    %dma_wait3A_2344 = tpu.memref_squeeze %dma_wait3A_2343 : memref<1x1x16x8x128xf32, #tpu.memory_space<hbm>> -> memref<16x8x128xf32, #tpu.memory_space<hbm>>
    %dma_wait3A_2345 = arith.constant 0 : i32
    %dma_wait3A_2346 = arith.constant 0 : i32
    %dma_wait3A_2347 = arith.constant 0 : i32
    %dma_wait3A_2348 = tpu.memref_slice %arg4[%dma_wait3A_2325, %dma_wait3A_2345, %dma_wait3A_2346, %dma_wait3A_2347] : memref<6x16x8x128xf32, #tpu.memory_space<vmem>> -> memref<1x16x8x128xf32, #tpu.memory_space<vmem>>
    %dma_wait3A_2349 = tpu.memref_squeeze %dma_wait3A_2348 : memref<1x16x8x128xf32, #tpu.memory_space<vmem>> -> memref<16x8x128xf32, #tpu.memory_space<vmem>>
    tpu.wait_dma2 semaphore(%dma_wait3A_2339 : memref<!tpu.dma_semaphore, #tpu.memory_space<semaphore_mem>>) src(%dma_wait3A_2349 : memref<16x8x128xf32, #tpu.memory_space<vmem>>) dst(%dma_wait3A_2344 : memref<16x8x128xf32, #tpu.memory_space<hbm>>)
    %add3A_2350 = arith.constant 3 : i32
    %add3A_2351 = arith.addi %mul3A_2, %add3A_2350 : i32
    %dma_start3A_2352 = arith.constant 0 : i32
    %dma_start3A_2353 = arith.constant 0 : i32
    %dma_start3A_2354 = arith.constant 0 : i32
    %dma_start3A_2355 = arith.constant 0 : i32
    %dma_start3A_2356 = arith.constant 0 : i32
    %dma_start3A_2357 = arith.constant 0 : i32
    %dma_start3A_2358 = tpu.memref_slice %arg4[%dma_start3A_2353, %dma_start3A_2355, %dma_start3A_2356, %dma_start3A_2357] : memref<6x16x8x128xf32, #tpu.memory_space<vmem>> -> memref<1x16x8x128xf32, #tpu.memory_space<vmem>>
    %dma_start3A_2359 = tpu.memref_squeeze %dma_start3A_2358 : memref<1x16x8x128xf32, #tpu.memory_space<vmem>> -> memref<16x8x128xf32, #tpu.memory_space<vmem>>
    %dma_start3A_2360 = arith.constant 0 : i32
    %dma_start3A_2361 = arith.constant 0 : i32
    %dma_start3A_2362 = arith.constant 0 : i32
    %dma_start3A_2363 = tpu.memref_slice %arg2[%add3A_2351, %dma_start3A_2352, %dma_start3A_2360, %dma_start3A_2361, %dma_start3A_2362] : memref<128x8x16x8x128xf32, #tpu.memory_space<hbm>> -> memref<1x1x16x8x128xf32, #tpu.memory_space<hbm>>
    %dma_start3A_2364 = tpu.memref_squeeze %dma_start3A_2363 : memref<1x1x16x8x128xf32, #tpu.memory_space<hbm>> -> memref<16x8x128xf32, #tpu.memory_space<hbm>>
    %dma_start3A_2365 = tpu.memref_slice %arg5[%dma_start3A_2354] : memref<6x!tpu.dma_semaphore, #tpu.memory_space<semaphore_mem>> -> memref<1x!tpu.dma_semaphore, #tpu.memory_space<semaphore_mem>>
    %dma_start3A_2366 = tpu.memref_squeeze %dma_start3A_2365 : memref<1x!tpu.dma_semaphore, #tpu.memory_space<semaphore_mem>> -> memref<!tpu.dma_semaphore, #tpu.memory_space<semaphore_mem>>
    %dma_start3A_2367 = arith.constant 0 : i32
    %dma_start3A_2368 = arith.constant 0 : i32
    %dma_start3A_2369 = arith.constant 0 : i32
    %dma_start3A_2370 = tpu.memref_slice %arg4[%dma_start3A_2353, %dma_start3A_2367, %dma_start3A_2368, %dma_start3A_2369] : memref<6x16x8x128xf32, #tpu.memory_space<vmem>> -> memref<1x16x8x128xf32, #tpu.memory_space<vmem>>
    %dma_start3A_2371 = tpu.memref_squeeze %dma_start3A_2370 : memref<1x16x8x128xf32, #tpu.memory_space<vmem>> -> memref<16x8x128xf32, #tpu.memory_space<vmem>>
    %dma_start3A_2372 = arith.constant 0 : i32
    %dma_start3A_2373 = arith.constant 0 : i32
    %dma_start3A_2374 = arith.constant 0 : i32
    %dma_start3A_2375 = tpu.memref_slice %arg2[%add3A_2351, %dma_start3A_2352, %dma_start3A_2372, %dma_start3A_2373, %dma_start3A_2374] : memref<128x8x16x8x128xf32, #tpu.memory_space<hbm>> -> memref<1x1x16x8x128xf32, #tpu.memory_space<hbm>>
    %dma_start3A_2376 = tpu.memref_squeeze %dma_start3A_2375 : memref<1x1x16x8x128xf32, #tpu.memory_space<hbm>> -> memref<16x8x128xf32, #tpu.memory_space<hbm>>
    tpu.enqueue_dma source(%dma_start3A_2376 : memref<16x8x128xf32, #tpu.memory_space<hbm>>) target(%dma_start3A_2371 : memref<16x8x128xf32, #tpu.memory_space<vmem>>) target_semaphore(%dma_start3A_2366 : memref<!tpu.dma_semaphore, #tpu.memory_space<semaphore_mem>>)
    %add3A_2377 = arith.constant 2 : i32
    %add3A_2378 = arith.addi %mul3A_2, %add3A_2377 : i32
    %dma_wait3A_2379 = arith.constant 6 : i32
    %dma_wait3A_2380 = arith.constant 4 : i32
    %dma_wait3A_2381 = arith.constant 4 : i32
    %dma_wait3A_2382 = arith.constant 0 : i32
    %dma_wait3A_2383 = arith.constant 0 : i32
    %dma_wait3A_2384 = arith.constant 0 : i32
    %dma_wait3A_2385 = tpu.memref_slice %arg4[%dma_wait3A_2380, %dma_wait3A_2382, %dma_wait3A_2383, %dma_wait3A_2384] : memref<6x16x8x128xf32, #tpu.memory_space<vmem>> -> memref<1x16x8x128xf32, #tpu.memory_space<vmem>>
    %dma_wait3A_2386 = tpu.memref_squeeze %dma_wait3A_2385 : memref<1x16x8x128xf32, #tpu.memory_space<vmem>> -> memref<16x8x128xf32, #tpu.memory_space<vmem>>
    %dma_wait3A_2387 = arith.constant 0 : i32
    %dma_wait3A_2388 = arith.constant 0 : i32
    %dma_wait3A_2389 = arith.constant 0 : i32
    %dma_wait3A_2390 = tpu.memref_slice %arg2[%add3A_2378, %dma_wait3A_2379, %dma_wait3A_2387, %dma_wait3A_2388, %dma_wait3A_2389] : memref<128x8x16x8x128xf32, #tpu.memory_space<hbm>> -> memref<1x1x16x8x128xf32, #tpu.memory_space<hbm>>
    %dma_wait3A_2391 = tpu.memref_squeeze %dma_wait3A_2390 : memref<1x1x16x8x128xf32, #tpu.memory_space<hbm>> -> memref<16x8x128xf32, #tpu.memory_space<hbm>>
    %dma_wait3A_2392 = tpu.memref_slice %arg5[%dma_wait3A_2381] : memref<6x!tpu.dma_semaphore, #tpu.memory_space<semaphore_mem>> -> memref<1x!tpu.dma_semaphore, #tpu.memory_space<semaphore_mem>>
    %dma_wait3A_2393 = tpu.memref_squeeze %dma_wait3A_2392 : memref<1x!tpu.dma_semaphore, #tpu.memory_space<semaphore_mem>> -> memref<!tpu.dma_semaphore, #tpu.memory_space<semaphore_mem>>
    %dma_wait3A_2394 = arith.constant 0 : i32
    %dma_wait3A_2395 = arith.constant 0 : i32
    %dma_wait3A_2396 = arith.constant 0 : i32
    %dma_wait3A_2397 = tpu.memref_slice %arg4[%dma_wait3A_2380, %dma_wait3A_2394, %dma_wait3A_2395, %dma_wait3A_2396] : memref<6x16x8x128xf32, #tpu.memory_space<vmem>> -> memref<1x16x8x128xf32, #tpu.memory_space<vmem>>
    %dma_wait3A_2398 = tpu.memref_squeeze %dma_wait3A_2397 : memref<1x16x8x128xf32, #tpu.memory_space<vmem>> -> memref<16x8x128xf32, #tpu.memory_space<vmem>>
    %dma_wait3A_2399 = arith.constant 0 : i32
    %dma_wait3A_2400 = arith.constant 0 : i32
    %dma_wait3A_2401 = arith.constant 0 : i32
    %dma_wait3A_2402 = tpu.memref_slice %arg2[%add3A_2378, %dma_wait3A_2379, %dma_wait3A_2399, %dma_wait3A_2400, %dma_wait3A_2401] : memref<128x8x16x8x128xf32, #tpu.memory_space<hbm>> -> memref<1x1x16x8x128xf32, #tpu.memory_space<hbm>>
    %dma_wait3A_2403 = tpu.memref_squeeze %dma_wait3A_2402 : memref<1x1x16x8x128xf32, #tpu.memory_space<hbm>> -> memref<16x8x128xf32, #tpu.memory_space<hbm>>
    tpu.wait_dma2 semaphore(%dma_wait3A_2393 : memref<!tpu.dma_semaphore, #tpu.memory_space<semaphore_mem>>) src(%dma_wait3A_2403 : memref<16x8x128xf32, #tpu.memory_space<hbm>>) dst(%dma_wait3A_2398 : memref<16x8x128xf32, #tpu.memory_space<vmem>>)
    %add3A_2404 = arith.constant 2 : i32
    %add3A_2405 = arith.addi %mul3A_2, %add3A_2404 : i32
    %dma_start3A_2406 = arith.constant 4 : i32
    %dma_start3A_2407 = arith.constant 6 : i32
    %dma_start3A_2408 = arith.constant 4 : i32
    %dma_start3A_2409 = arith.constant 0 : i32
    %dma_start3A_2410 = arith.constant 0 : i32
    %dma_start3A_2411 = arith.constant 0 : i32
    %dma_start3A_2412 = tpu.memref_slice %arg4[%dma_start3A_2406, %dma_start3A_2409, %dma_start3A_2410, %dma_start3A_2411] : memref<6x16x8x128xf32, #tpu.memory_space<vmem>> -> memref<1x16x8x128xf32, #tpu.memory_space<vmem>>
    %dma_start3A_2413 = tpu.memref_squeeze %dma_start3A_2412 : memref<1x16x8x128xf32, #tpu.memory_space<vmem>> -> memref<16x8x128xf32, #tpu.memory_space<vmem>>
    %dma_start3A_2414 = arith.constant 0 : i32
    %dma_start3A_2415 = arith.constant 0 : i32
    %dma_start3A_2416 = arith.constant 0 : i32
    %dma_start3A_2417 = tpu.memref_slice %arg3[%add3A_2405, %dma_start3A_2407, %dma_start3A_2414, %dma_start3A_2415, %dma_start3A_2416] : memref<128x8x16x8x128xf32, #tpu.memory_space<hbm>> -> memref<1x1x16x8x128xf32, #tpu.memory_space<hbm>>
    %dma_start3A_2418 = tpu.memref_squeeze %dma_start3A_2417 : memref<1x1x16x8x128xf32, #tpu.memory_space<hbm>> -> memref<16x8x128xf32, #tpu.memory_space<hbm>>
    %dma_start3A_2419 = tpu.memref_slice %arg6[%dma_start3A_2408] : memref<6x!tpu.dma_semaphore, #tpu.memory_space<semaphore_mem>> -> memref<1x!tpu.dma_semaphore, #tpu.memory_space<semaphore_mem>>
    %dma_start3A_2420 = tpu.memref_squeeze %dma_start3A_2419 : memref<1x!tpu.dma_semaphore, #tpu.memory_space<semaphore_mem>> -> memref<!tpu.dma_semaphore, #tpu.memory_space<semaphore_mem>>
    %dma_start3A_2421 = arith.constant 0 : i32
    %dma_start3A_2422 = arith.constant 0 : i32
    %dma_start3A_2423 = arith.constant 0 : i32
    %dma_start3A_2424 = tpu.memref_slice %arg3[%add3A_2405, %dma_start3A_2407, %dma_start3A_2421, %dma_start3A_2422, %dma_start3A_2423] : memref<128x8x16x8x128xf32, #tpu.memory_space<hbm>> -> memref<1x1x16x8x128xf32, #tpu.memory_space<hbm>>
    %dma_start3A_2425 = tpu.memref_squeeze %dma_start3A_2424 : memref<1x1x16x8x128xf32, #tpu.memory_space<hbm>> -> memref<16x8x128xf32, #tpu.memory_space<hbm>>
    %dma_start3A_2426 = arith.constant 0 : i32
    %dma_start3A_2427 = arith.constant 0 : i32
    %dma_start3A_2428 = arith.constant 0 : i32
    %dma_start3A_2429 = tpu.memref_slice %arg4[%dma_start3A_2406, %dma_start3A_2426, %dma_start3A_2427, %dma_start3A_2428] : memref<6x16x8x128xf32, #tpu.memory_space<vmem>> -> memref<1x16x8x128xf32, #tpu.memory_space<vmem>>
    %dma_start3A_2430 = tpu.memref_squeeze %dma_start3A_2429 : memref<1x16x8x128xf32, #tpu.memory_space<vmem>> -> memref<16x8x128xf32, #tpu.memory_space<vmem>>
    tpu.enqueue_dma source(%dma_start3A_2430 : memref<16x8x128xf32, #tpu.memory_space<vmem>>) target(%dma_start3A_2425 : memref<16x8x128xf32, #tpu.memory_space<hbm>>) target_semaphore(%dma_start3A_2420 : memref<!tpu.dma_semaphore, #tpu.memory_space<semaphore_mem>>)
    %add3A_2431 = arith.constant 2 : i32
    %add3A_2432 = arith.addi %mul3A_2, %add3A_2431 : i32
    %dma_wait3A_2433 = arith.constant 1 : i32
    %dma_wait3A_2434 = arith.constant 3 : i32
    %dma_wait3A_2435 = arith.constant 1 : i32
    %dma_wait3A_2436 = arith.constant 0 : i32
    %dma_wait3A_2437 = arith.constant 0 : i32
    %dma_wait3A_2438 = arith.constant 0 : i32
    %dma_wait3A_2439 = tpu.memref_slice %arg4[%dma_wait3A_2433, %dma_wait3A_2436, %dma_wait3A_2437, %dma_wait3A_2438] : memref<6x16x8x128xf32, #tpu.memory_space<vmem>> -> memref<1x16x8x128xf32, #tpu.memory_space<vmem>>
    %dma_wait3A_2440 = tpu.memref_squeeze %dma_wait3A_2439 : memref<1x16x8x128xf32, #tpu.memory_space<vmem>> -> memref<16x8x128xf32, #tpu.memory_space<vmem>>
    %dma_wait3A_2441 = arith.constant 0 : i32
    %dma_wait3A_2442 = arith.constant 0 : i32
    %dma_wait3A_2443 = arith.constant 0 : i32
    %dma_wait3A_2444 = tpu.memref_slice %arg3[%add3A_2432, %dma_wait3A_2434, %dma_wait3A_2441, %dma_wait3A_2442, %dma_wait3A_2443] : memref<128x8x16x8x128xf32, #tpu.memory_space<hbm>> -> memref<1x1x16x8x128xf32, #tpu.memory_space<hbm>>
    %dma_wait3A_2445 = tpu.memref_squeeze %dma_wait3A_2444 : memref<1x1x16x8x128xf32, #tpu.memory_space<hbm>> -> memref<16x8x128xf32, #tpu.memory_space<hbm>>
    %dma_wait3A_2446 = tpu.memref_slice %arg6[%dma_wait3A_2435] : memref<6x!tpu.dma_semaphore, #tpu.memory_space<semaphore_mem>> -> memref<1x!tpu.dma_semaphore, #tpu.memory_space<semaphore_mem>>
    %dma_wait3A_2447 = tpu.memref_squeeze %dma_wait3A_2446 : memref<1x!tpu.dma_semaphore, #tpu.memory_space<semaphore_mem>> -> memref<!tpu.dma_semaphore, #tpu.memory_space<semaphore_mem>>
    %dma_wait3A_2448 = arith.constant 0 : i32
    %dma_wait3A_2449 = arith.constant 0 : i32
    %dma_wait3A_2450 = arith.constant 0 : i32
    %dma_wait3A_2451 = tpu.memref_slice %arg3[%add3A_2432, %dma_wait3A_2434, %dma_wait3A_2448, %dma_wait3A_2449, %dma_wait3A_2450] : memref<128x8x16x8x128xf32, #tpu.memory_space<hbm>> -> memref<1x1x16x8x128xf32, #tpu.memory_space<hbm>>
    %dma_wait3A_2452 = tpu.memref_squeeze %dma_wait3A_2451 : memref<1x1x16x8x128xf32, #tpu.memory_space<hbm>> -> memref<16x8x128xf32, #tpu.memory_space<hbm>>
    %dma_wait3A_2453 = arith.constant 0 : i32
    %dma_wait3A_2454 = arith.constant 0 : i32
    %dma_wait3A_2455 = arith.constant 0 : i32
    %dma_wait3A_2456 = tpu.memref_slice %arg4[%dma_wait3A_2433, %dma_wait3A_2453, %dma_wait3A_2454, %dma_wait3A_2455] : memref<6x16x8x128xf32, #tpu.memory_space<vmem>> -> memref<1x16x8x128xf32, #tpu.memory_space<vmem>>
    %dma_wait3A_2457 = tpu.memref_squeeze %dma_wait3A_2456 : memref<1x16x8x128xf32, #tpu.memory_space<vmem>> -> memref<16x8x128xf32, #tpu.memory_space<vmem>>
    tpu.wait_dma2 semaphore(%dma_wait3A_2447 : memref<!tpu.dma_semaphore, #tpu.memory_space<semaphore_mem>>) src(%dma_wait3A_2457 : memref<16x8x128xf32, #tpu.memory_space<vmem>>) dst(%dma_wait3A_2452 : memref<16x8x128xf32, #tpu.memory_space<hbm>>)
    %add3A_2458 = arith.constant 3 : i32
    %add3A_2459 = arith.addi %mul3A_2, %add3A_2458 : i32
    %dma_start3A_2460 = arith.constant 1 : i32
    %dma_start3A_2461 = arith.constant 1 : i32
    %dma_start3A_2462 = arith.constant 1 : i32
    %dma_start3A_2463 = arith.constant 0 : i32
    %dma_start3A_2464 = arith.constant 0 : i32
    %dma_start3A_2465 = arith.constant 0 : i32
    %dma_start3A_2466 = tpu.memref_slice %arg4[%dma_start3A_2461, %dma_start3A_2463, %dma_start3A_2464, %dma_start3A_2465] : memref<6x16x8x128xf32, #tpu.memory_space<vmem>> -> memref<1x16x8x128xf32, #tpu.memory_space<vmem>>
    %dma_start3A_2467 = tpu.memref_squeeze %dma_start3A_2466 : memref<1x16x8x128xf32, #tpu.memory_space<vmem>> -> memref<16x8x128xf32, #tpu.memory_space<vmem>>
    %dma_start3A_2468 = arith.constant 0 : i32
    %dma_start3A_2469 = arith.constant 0 : i32
    %dma_start3A_2470 = arith.constant 0 : i32
    %dma_start3A_2471 = tpu.memref_slice %arg2[%add3A_2459, %dma_start3A_2460, %dma_start3A_2468, %dma_start3A_2469, %dma_start3A_2470] : memref<128x8x16x8x128xf32, #tpu.memory_space<hbm>> -> memref<1x1x16x8x128xf32, #tpu.memory_space<hbm>>
    %dma_start3A_2472 = tpu.memref_squeeze %dma_start3A_2471 : memref<1x1x16x8x128xf32, #tpu.memory_space<hbm>> -> memref<16x8x128xf32, #tpu.memory_space<hbm>>
    %dma_start3A_2473 = tpu.memref_slice %arg5[%dma_start3A_2462] : memref<6x!tpu.dma_semaphore, #tpu.memory_space<semaphore_mem>> -> memref<1x!tpu.dma_semaphore, #tpu.memory_space<semaphore_mem>>
    %dma_start3A_2474 = tpu.memref_squeeze %dma_start3A_2473 : memref<1x!tpu.dma_semaphore, #tpu.memory_space<semaphore_mem>> -> memref<!tpu.dma_semaphore, #tpu.memory_space<semaphore_mem>>
    %dma_start3A_2475 = arith.constant 0 : i32
    %dma_start3A_2476 = arith.constant 0 : i32
    %dma_start3A_2477 = arith.constant 0 : i32
    %dma_start3A_2478 = tpu.memref_slice %arg4[%dma_start3A_2461, %dma_start3A_2475, %dma_start3A_2476, %dma_start3A_2477] : memref<6x16x8x128xf32, #tpu.memory_space<vmem>> -> memref<1x16x8x128xf32, #tpu.memory_space<vmem>>
    %dma_start3A_2479 = tpu.memref_squeeze %dma_start3A_2478 : memref<1x16x8x128xf32, #tpu.memory_space<vmem>> -> memref<16x8x128xf32, #tpu.memory_space<vmem>>
    %dma_start3A_2480 = arith.constant 0 : i32
    %dma_start3A_2481 = arith.constant 0 : i32
    %dma_start3A_2482 = arith.constant 0 : i32
    %dma_start3A_2483 = tpu.memref_slice %arg2[%add3A_2459, %dma_start3A_2460, %dma_start3A_2480, %dma_start3A_2481, %dma_start3A_2482] : memref<128x8x16x8x128xf32, #tpu.memory_space<hbm>> -> memref<1x1x16x8x128xf32, #tpu.memory_space<hbm>>
    %dma_start3A_2484 = tpu.memref_squeeze %dma_start3A_2483 : memref<1x1x16x8x128xf32, #tpu.memory_space<hbm>> -> memref<16x8x128xf32, #tpu.memory_space<hbm>>
    tpu.enqueue_dma source(%dma_start3A_2484 : memref<16x8x128xf32, #tpu.memory_space<hbm>>) target(%dma_start3A_2479 : memref<16x8x128xf32, #tpu.memory_space<vmem>>) target_semaphore(%dma_start3A_2474 : memref<!tpu.dma_semaphore, #tpu.memory_space<semaphore_mem>>)
    %add3A_2485 = arith.constant 2 : i32
    %add3A_2486 = arith.addi %mul3A_2, %add3A_2485 : i32
    %dma_wait3A_2487 = arith.constant 7 : i32
    %dma_wait3A_2488 = arith.constant 5 : i32
    %dma_wait3A_2489 = arith.constant 5 : i32
    %dma_wait3A_2490 = arith.constant 0 : i32
    %dma_wait3A_2491 = arith.constant 0 : i32
    %dma_wait3A_2492 = arith.constant 0 : i32
    %dma_wait3A_2493 = tpu.memref_slice %arg4[%dma_wait3A_2488, %dma_wait3A_2490, %dma_wait3A_2491, %dma_wait3A_2492] : memref<6x16x8x128xf32, #tpu.memory_space<vmem>> -> memref<1x16x8x128xf32, #tpu.memory_space<vmem>>
    %dma_wait3A_2494 = tpu.memref_squeeze %dma_wait3A_2493 : memref<1x16x8x128xf32, #tpu.memory_space<vmem>> -> memref<16x8x128xf32, #tpu.memory_space<vmem>>
    %dma_wait3A_2495 = arith.constant 0 : i32
    %dma_wait3A_2496 = arith.constant 0 : i32
    %dma_wait3A_2497 = arith.constant 0 : i32
    %dma_wait3A_2498 = tpu.memref_slice %arg2[%add3A_2486, %dma_wait3A_2487, %dma_wait3A_2495, %dma_wait3A_2496, %dma_wait3A_2497] : memref<128x8x16x8x128xf32, #tpu.memory_space<hbm>> -> memref<1x1x16x8x128xf32, #tpu.memory_space<hbm>>
    %dma_wait3A_2499 = tpu.memref_squeeze %dma_wait3A_2498 : memref<1x1x16x8x128xf32, #tpu.memory_space<hbm>> -> memref<16x8x128xf32, #tpu.memory_space<hbm>>
    %dma_wait3A_2500 = tpu.memref_slice %arg5[%dma_wait3A_2489] : memref<6x!tpu.dma_semaphore, #tpu.memory_space<semaphore_mem>> -> memref<1x!tpu.dma_semaphore, #tpu.memory_space<semaphore_mem>>
    %dma_wait3A_2501 = tpu.memref_squeeze %dma_wait3A_2500 : memref<1x!tpu.dma_semaphore, #tpu.memory_space<semaphore_mem>> -> memref<!tpu.dma_semaphore, #tpu.memory_space<semaphore_mem>>
    %dma_wait3A_2502 = arith.constant 0 : i32
    %dma_wait3A_2503 = arith.constant 0 : i32
    %dma_wait3A_2504 = arith.constant 0 : i32
    %dma_wait3A_2505 = tpu.memref_slice %arg4[%dma_wait3A_2488, %dma_wait3A_2502, %dma_wait3A_2503, %dma_wait3A_2504] : memref<6x16x8x128xf32, #tpu.memory_space<vmem>> -> memref<1x16x8x128xf32, #tpu.memory_space<vmem>>
    %dma_wait3A_2506 = tpu.memref_squeeze %dma_wait3A_2505 : memref<1x16x8x128xf32, #tpu.memory_space<vmem>> -> memref<16x8x128xf32, #tpu.memory_space<vmem>>
    %dma_wait3A_2507 = arith.constant 0 : i32
    %dma_wait3A_2508 = arith.constant 0 : i32
    %dma_wait3A_2509 = arith.constant 0 : i32
    %dma_wait3A_2510 = tpu.memref_slice %arg2[%add3A_2486, %dma_wait3A_2487, %dma_wait3A_2507, %dma_wait3A_2508, %dma_wait3A_2509] : memref<128x8x16x8x128xf32, #tpu.memory_space<hbm>> -> memref<1x1x16x8x128xf32, #tpu.memory_space<hbm>>
    %dma_wait3A_2511 = tpu.memref_squeeze %dma_wait3A_2510 : memref<1x1x16x8x128xf32, #tpu.memory_space<hbm>> -> memref<16x8x128xf32, #tpu.memory_space<hbm>>
    tpu.wait_dma2 semaphore(%dma_wait3A_2501 : memref<!tpu.dma_semaphore, #tpu.memory_space<semaphore_mem>>) src(%dma_wait3A_2511 : memref<16x8x128xf32, #tpu.memory_space<hbm>>) dst(%dma_wait3A_2506 : memref<16x8x128xf32, #tpu.memory_space<vmem>>)
    %add3A_2512 = arith.constant 2 : i32
    %add3A_2513 = arith.addi %mul3A_2, %add3A_2512 : i32
    %dma_start3A_2514 = arith.constant 5 : i32
    %dma_start3A_2515 = arith.constant 7 : i32
    %dma_start3A_2516 = arith.constant 5 : i32
    %dma_start3A_2517 = arith.constant 0 : i32
    %dma_start3A_2518 = arith.constant 0 : i32
    %dma_start3A_2519 = arith.constant 0 : i32
    %dma_start3A_2520 = tpu.memref_slice %arg4[%dma_start3A_2514, %dma_start3A_2517, %dma_start3A_2518, %dma_start3A_2519] : memref<6x16x8x128xf32, #tpu.memory_space<vmem>> -> memref<1x16x8x128xf32, #tpu.memory_space<vmem>>
    %dma_start3A_2521 = tpu.memref_squeeze %dma_start3A_2520 : memref<1x16x8x128xf32, #tpu.memory_space<vmem>> -> memref<16x8x128xf32, #tpu.memory_space<vmem>>
    %dma_start3A_2522 = arith.constant 0 : i32
    %dma_start3A_2523 = arith.constant 0 : i32
    %dma_start3A_2524 = arith.constant 0 : i32
    %dma_start3A_2525 = tpu.memref_slice %arg3[%add3A_2513, %dma_start3A_2515, %dma_start3A_2522, %dma_start3A_2523, %dma_start3A_2524] : memref<128x8x16x8x128xf32, #tpu.memory_space<hbm>> -> memref<1x1x16x8x128xf32, #tpu.memory_space<hbm>>
    %dma_start3A_2526 = tpu.memref_squeeze %dma_start3A_2525 : memref<1x1x16x8x128xf32, #tpu.memory_space<hbm>> -> memref<16x8x128xf32, #tpu.memory_space<hbm>>
    %dma_start3A_2527 = tpu.memref_slice %arg6[%dma_start3A_2516] : memref<6x!tpu.dma_semaphore, #tpu.memory_space<semaphore_mem>> -> memref<1x!tpu.dma_semaphore, #tpu.memory_space<semaphore_mem>>
    %dma_start3A_2528 = tpu.memref_squeeze %dma_start3A_2527 : memref<1x!tpu.dma_semaphore, #tpu.memory_space<semaphore_mem>> -> memref<!tpu.dma_semaphore, #tpu.memory_space<semaphore_mem>>
    %dma_start3A_2529 = arith.constant 0 : i32
    %dma_start3A_2530 = arith.constant 0 : i32
    %dma_start3A_2531 = arith.constant 0 : i32
    %dma_start3A_2532 = tpu.memref_slice %arg3[%add3A_2513, %dma_start3A_2515, %dma_start3A_2529, %dma_start3A_2530, %dma_start3A_2531] : memref<128x8x16x8x128xf32, #tpu.memory_space<hbm>> -> memref<1x1x16x8x128xf32, #tpu.memory_space<hbm>>
    %dma_start3A_2533 = tpu.memref_squeeze %dma_start3A_2532 : memref<1x1x16x8x128xf32, #tpu.memory_space<hbm>> -> memref<16x8x128xf32, #tpu.memory_space<hbm>>
    %dma_start3A_2534 = arith.constant 0 : i32
    %dma_start3A_2535 = arith.constant 0 : i32
    %dma_start3A_2536 = arith.constant 0 : i32
    %dma_start3A_2537 = tpu.memref_slice %arg4[%dma_start3A_2514, %dma_start3A_2534, %dma_start3A_2535, %dma_start3A_2536] : memref<6x16x8x128xf32, #tpu.memory_space<vmem>> -> memref<1x16x8x128xf32, #tpu.memory_space<vmem>>
    %dma_start3A_2538 = tpu.memref_squeeze %dma_start3A_2537 : memref<1x16x8x128xf32, #tpu.memory_space<vmem>> -> memref<16x8x128xf32, #tpu.memory_space<vmem>>
    tpu.enqueue_dma source(%dma_start3A_2538 : memref<16x8x128xf32, #tpu.memory_space<vmem>>) target(%dma_start3A_2533 : memref<16x8x128xf32, #tpu.memory_space<hbm>>) target_semaphore(%dma_start3A_2528 : memref<!tpu.dma_semaphore, #tpu.memory_space<semaphore_mem>>)
    %add3A_2539 = arith.constant 2 : i32
    %add3A_2540 = arith.addi %mul3A_2, %add3A_2539 : i32
    %dma_wait3A_2541 = arith.constant 2 : i32
    %dma_wait3A_2542 = arith.constant 4 : i32
    %dma_wait3A_2543 = arith.constant 2 : i32
    %dma_wait3A_2544 = arith.constant 0 : i32
    %dma_wait3A_2545 = arith.constant 0 : i32
    %dma_wait3A_2546 = arith.constant 0 : i32
    %dma_wait3A_2547 = tpu.memref_slice %arg4[%dma_wait3A_2541, %dma_wait3A_2544, %dma_wait3A_2545, %dma_wait3A_2546] : memref<6x16x8x128xf32, #tpu.memory_space<vmem>> -> memref<1x16x8x128xf32, #tpu.memory_space<vmem>>
    %dma_wait3A_2548 = tpu.memref_squeeze %dma_wait3A_2547 : memref<1x16x8x128xf32, #tpu.memory_space<vmem>> -> memref<16x8x128xf32, #tpu.memory_space<vmem>>
    %dma_wait3A_2549 = arith.constant 0 : i32
    %dma_wait3A_2550 = arith.constant 0 : i32
    %dma_wait3A_2551 = arith.constant 0 : i32
    %dma_wait3A_2552 = tpu.memref_slice %arg3[%add3A_2540, %dma_wait3A_2542, %dma_wait3A_2549, %dma_wait3A_2550, %dma_wait3A_2551] : memref<128x8x16x8x128xf32, #tpu.memory_space<hbm>> -> memref<1x1x16x8x128xf32, #tpu.memory_space<hbm>>
    %dma_wait3A_2553 = tpu.memref_squeeze %dma_wait3A_2552 : memref<1x1x16x8x128xf32, #tpu.memory_space<hbm>> -> memref<16x8x128xf32, #tpu.memory_space<hbm>>
    %dma_wait3A_2554 = tpu.memref_slice %arg6[%dma_wait3A_2543] : memref<6x!tpu.dma_semaphore, #tpu.memory_space<semaphore_mem>> -> memref<1x!tpu.dma_semaphore, #tpu.memory_space<semaphore_mem>>
    %dma_wait3A_2555 = tpu.memref_squeeze %dma_wait3A_2554 : memref<1x!tpu.dma_semaphore, #tpu.memory_space<semaphore_mem>> -> memref<!tpu.dma_semaphore, #tpu.memory_space<semaphore_mem>>
    %dma_wait3A_2556 = arith.constant 0 : i32
    %dma_wait3A_2557 = arith.constant 0 : i32
    %dma_wait3A_2558 = arith.constant 0 : i32
    %dma_wait3A_2559 = tpu.memref_slice %arg3[%add3A_2540, %dma_wait3A_2542, %dma_wait3A_2556, %dma_wait3A_2557, %dma_wait3A_2558] : memref<128x8x16x8x128xf32, #tpu.memory_space<hbm>> -> memref<1x1x16x8x128xf32, #tpu.memory_space<hbm>>
    %dma_wait3A_2560 = tpu.memref_squeeze %dma_wait3A_2559 : memref<1x1x16x8x128xf32, #tpu.memory_space<hbm>> -> memref<16x8x128xf32, #tpu.memory_space<hbm>>
    %dma_wait3A_2561 = arith.constant 0 : i32
    %dma_wait3A_2562 = arith.constant 0 : i32
    %dma_wait3A_2563 = arith.constant 0 : i32
    %dma_wait3A_2564 = tpu.memref_slice %arg4[%dma_wait3A_2541, %dma_wait3A_2561, %dma_wait3A_2562, %dma_wait3A_2563] : memref<6x16x8x128xf32, #tpu.memory_space<vmem>> -> memref<1x16x8x128xf32, #tpu.memory_space<vmem>>
    %dma_wait3A_2565 = tpu.memref_squeeze %dma_wait3A_2564 : memref<1x16x8x128xf32, #tpu.memory_space<vmem>> -> memref<16x8x128xf32, #tpu.memory_space<vmem>>
    tpu.wait_dma2 semaphore(%dma_wait3A_2555 : memref<!tpu.dma_semaphore, #tpu.memory_space<semaphore_mem>>) src(%dma_wait3A_2565 : memref<16x8x128xf32, #tpu.memory_space<vmem>>) dst(%dma_wait3A_2560 : memref<16x8x128xf32, #tpu.memory_space<hbm>>)
    %add3A_2566 = arith.constant 3 : i32
    %add3A_2567 = arith.addi %mul3A_2, %add3A_2566 : i32
    %dma_start3A_2568 = arith.constant 2 : i32
    %dma_start3A_2569 = arith.constant 2 : i32
    %dma_start3A_2570 = arith.constant 2 : i32
    %dma_start3A_2571 = arith.constant 0 : i32
    %dma_start3A_2572 = arith.constant 0 : i32
    %dma_start3A_2573 = arith.constant 0 : i32
    %dma_start3A_2574 = tpu.memref_slice %arg4[%dma_start3A_2569, %dma_start3A_2571, %dma_start3A_2572, %dma_start3A_2573] : memref<6x16x8x128xf32, #tpu.memory_space<vmem>> -> memref<1x16x8x128xf32, #tpu.memory_space<vmem>>
    %dma_start3A_2575 = tpu.memref_squeeze %dma_start3A_2574 : memref<1x16x8x128xf32, #tpu.memory_space<vmem>> -> memref<16x8x128xf32, #tpu.memory_space<vmem>>
    %dma_start3A_2576 = arith.constant 0 : i32
    %dma_start3A_2577 = arith.constant 0 : i32
    %dma_start3A_2578 = arith.constant 0 : i32
    %dma_start3A_2579 = tpu.memref_slice %arg2[%add3A_2567, %dma_start3A_2568, %dma_start3A_2576, %dma_start3A_2577, %dma_start3A_2578] : memref<128x8x16x8x128xf32, #tpu.memory_space<hbm>> -> memref<1x1x16x8x128xf32, #tpu.memory_space<hbm>>
    %dma_start3A_2580 = tpu.memref_squeeze %dma_start3A_2579 : memref<1x1x16x8x128xf32, #tpu.memory_space<hbm>> -> memref<16x8x128xf32, #tpu.memory_space<hbm>>
    %dma_start3A_2581 = tpu.memref_slice %arg5[%dma_start3A_2570] : memref<6x!tpu.dma_semaphore, #tpu.memory_space<semaphore_mem>> -> memref<1x!tpu.dma_semaphore, #tpu.memory_space<semaphore_mem>>
    %dma_start3A_2582 = tpu.memref_squeeze %dma_start3A_2581 : memref<1x!tpu.dma_semaphore, #tpu.memory_space<semaphore_mem>> -> memref<!tpu.dma_semaphore, #tpu.memory_space<semaphore_mem>>
    %dma_start3A_2583 = arith.constant 0 : i32
    %dma_start3A_2584 = arith.constant 0 : i32
    %dma_start3A_2585 = arith.constant 0 : i32
    %dma_start3A_2586 = tpu.memref_slice %arg4[%dma_start3A_2569, %dma_start3A_2583, %dma_start3A_2584, %dma_start3A_2585] : memref<6x16x8x128xf32, #tpu.memory_space<vmem>> -> memref<1x16x8x128xf32, #tpu.memory_space<vmem>>
    %dma_start3A_2587 = tpu.memref_squeeze %dma_start3A_2586 : memref<1x16x8x128xf32, #tpu.memory_space<vmem>> -> memref<16x8x128xf32, #tpu.memory_space<vmem>>
    %dma_start3A_2588 = arith.constant 0 : i32
    %dma_start3A_2589 = arith.constant 0 : i32
    %dma_start3A_2590 = arith.constant 0 : i32
    %dma_start3A_2591 = tpu.memref_slice %arg2[%add3A_2567, %dma_start3A_2568, %dma_start3A_2588, %dma_start3A_2589, %dma_start3A_2590] : memref<128x8x16x8x128xf32, #tpu.memory_space<hbm>> -> memref<1x1x16x8x128xf32, #tpu.memory_space<hbm>>
    %dma_start3A_2592 = tpu.memref_squeeze %dma_start3A_2591 : memref<1x1x16x8x128xf32, #tpu.memory_space<hbm>> -> memref<16x8x128xf32, #tpu.memory_space<hbm>>
    tpu.enqueue_dma source(%dma_start3A_2592 : memref<16x8x128xf32, #tpu.memory_space<hbm>>) target(%dma_start3A_2587 : memref<16x8x128xf32, #tpu.memory_space<vmem>>) target_semaphore(%dma_start3A_2582 : memref<!tpu.dma_semaphore, #tpu.memory_space<semaphore_mem>>)
    %add3A_2593 = arith.constant 3 : i32
    %add3A_2594 = arith.addi %mul3A_2, %add3A_2593 : i32
    %dma_wait3A_2595 = arith.constant 0 : i32
    %dma_wait3A_2596 = arith.constant 0 : i32
    %dma_wait3A_2597 = arith.constant 0 : i32
    %dma_wait3A_2598 = arith.constant 0 : i32
    %dma_wait3A_2599 = arith.constant 0 : i32
    %dma_wait3A_2600 = arith.constant 0 : i32
    %dma_wait3A_2601 = tpu.memref_slice %arg4[%dma_wait3A_2596, %dma_wait3A_2598, %dma_wait3A_2599, %dma_wait3A_2600] : memref<6x16x8x128xf32, #tpu.memory_space<vmem>> -> memref<1x16x8x128xf32, #tpu.memory_space<vmem>>
    %dma_wait3A_2602 = tpu.memref_squeeze %dma_wait3A_2601 : memref<1x16x8x128xf32, #tpu.memory_space<vmem>> -> memref<16x8x128xf32, #tpu.memory_space<vmem>>
    %dma_wait3A_2603 = arith.constant 0 : i32
    %dma_wait3A_2604 = arith.constant 0 : i32
    %dma_wait3A_2605 = arith.constant 0 : i32
    %dma_wait3A_2606 = tpu.memref_slice %arg2[%add3A_2594, %dma_wait3A_2595, %dma_wait3A_2603, %dma_wait3A_2604, %dma_wait3A_2605] : memref<128x8x16x8x128xf32, #tpu.memory_space<hbm>> -> memref<1x1x16x8x128xf32, #tpu.memory_space<hbm>>
    %dma_wait3A_2607 = tpu.memref_squeeze %dma_wait3A_2606 : memref<1x1x16x8x128xf32, #tpu.memory_space<hbm>> -> memref<16x8x128xf32, #tpu.memory_space<hbm>>
    %dma_wait3A_2608 = tpu.memref_slice %arg5[%dma_wait3A_2597] : memref<6x!tpu.dma_semaphore, #tpu.memory_space<semaphore_mem>> -> memref<1x!tpu.dma_semaphore, #tpu.memory_space<semaphore_mem>>
    %dma_wait3A_2609 = tpu.memref_squeeze %dma_wait3A_2608 : memref<1x!tpu.dma_semaphore, #tpu.memory_space<semaphore_mem>> -> memref<!tpu.dma_semaphore, #tpu.memory_space<semaphore_mem>>
    %dma_wait3A_2610 = arith.constant 0 : i32
    %dma_wait3A_2611 = arith.constant 0 : i32
    %dma_wait3A_2612 = arith.constant 0 : i32
    %dma_wait3A_2613 = tpu.memref_slice %arg4[%dma_wait3A_2596, %dma_wait3A_2610, %dma_wait3A_2611, %dma_wait3A_2612] : memref<6x16x8x128xf32, #tpu.memory_space<vmem>> -> memref<1x16x8x128xf32, #tpu.memory_space<vmem>>
    %dma_wait3A_2614 = tpu.memref_squeeze %dma_wait3A_2613 : memref<1x16x8x128xf32, #tpu.memory_space<vmem>> -> memref<16x8x128xf32, #tpu.memory_space<vmem>>
    %dma_wait3A_2615 = arith.constant 0 : i32
    %dma_wait3A_2616 = arith.constant 0 : i32
    %dma_wait3A_2617 = arith.constant 0 : i32
    %dma_wait3A_2618 = tpu.memref_slice %arg2[%add3A_2594, %dma_wait3A_2595, %dma_wait3A_2615, %dma_wait3A_2616, %dma_wait3A_2617] : memref<128x8x16x8x128xf32, #tpu.memory_space<hbm>> -> memref<1x1x16x8x128xf32, #tpu.memory_space<hbm>>
    %dma_wait3A_2619 = tpu.memref_squeeze %dma_wait3A_2618 : memref<1x1x16x8x128xf32, #tpu.memory_space<hbm>> -> memref<16x8x128xf32, #tpu.memory_space<hbm>>
    tpu.wait_dma2 semaphore(%dma_wait3A_2609 : memref<!tpu.dma_semaphore, #tpu.memory_space<semaphore_mem>>) src(%dma_wait3A_2619 : memref<16x8x128xf32, #tpu.memory_space<hbm>>) dst(%dma_wait3A_2614 : memref<16x8x128xf32, #tpu.memory_space<vmem>>)
    %add3A_2620 = arith.constant 3 : i32
    %add3A_2621 = arith.addi %mul3A_2, %add3A_2620 : i32
    %dma_start3A_2622 = arith.constant 0 : i32
    %dma_start3A_2623 = arith.constant 0 : i32
    %dma_start3A_2624 = arith.constant 0 : i32
    %dma_start3A_2625 = arith.constant 0 : i32
    %dma_start3A_2626 = arith.constant 0 : i32
    %dma_start3A_2627 = arith.constant 0 : i32
    %dma_start3A_2628 = tpu.memref_slice %arg4[%dma_start3A_2622, %dma_start3A_2625, %dma_start3A_2626, %dma_start3A_2627] : memref<6x16x8x128xf32, #tpu.memory_space<vmem>> -> memref<1x16x8x128xf32, #tpu.memory_space<vmem>>
    %dma_start3A_2629 = tpu.memref_squeeze %dma_start3A_2628 : memref<1x16x8x128xf32, #tpu.memory_space<vmem>> -> memref<16x8x128xf32, #tpu.memory_space<vmem>>
    %dma_start3A_2630 = arith.constant 0 : i32
    %dma_start3A_2631 = arith.constant 0 : i32
    %dma_start3A_2632 = arith.constant 0 : i32
    %dma_start3A_2633 = tpu.memref_slice %arg3[%add3A_2621, %dma_start3A_2623, %dma_start3A_2630, %dma_start3A_2631, %dma_start3A_2632] : memref<128x8x16x8x128xf32, #tpu.memory_space<hbm>> -> memref<1x1x16x8x128xf32, #tpu.memory_space<hbm>>
    %dma_start3A_2634 = tpu.memref_squeeze %dma_start3A_2633 : memref<1x1x16x8x128xf32, #tpu.memory_space<hbm>> -> memref<16x8x128xf32, #tpu.memory_space<hbm>>
    %dma_start3A_2635 = tpu.memref_slice %arg6[%dma_start3A_2624] : memref<6x!tpu.dma_semaphore, #tpu.memory_space<semaphore_mem>> -> memref<1x!tpu.dma_semaphore, #tpu.memory_space<semaphore_mem>>
    %dma_start3A_2636 = tpu.memref_squeeze %dma_start3A_2635 : memref<1x!tpu.dma_semaphore, #tpu.memory_space<semaphore_mem>> -> memref<!tpu.dma_semaphore, #tpu.memory_space<semaphore_mem>>
    %dma_start3A_2637 = arith.constant 0 : i32
    %dma_start3A_2638 = arith.constant 0 : i32
    %dma_start3A_2639 = arith.constant 0 : i32
    %dma_start3A_2640 = tpu.memref_slice %arg3[%add3A_2621, %dma_start3A_2623, %dma_start3A_2637, %dma_start3A_2638, %dma_start3A_2639] : memref<128x8x16x8x128xf32, #tpu.memory_space<hbm>> -> memref<1x1x16x8x128xf32, #tpu.memory_space<hbm>>
    %dma_start3A_2641 = tpu.memref_squeeze %dma_start3A_2640 : memref<1x1x16x8x128xf32, #tpu.memory_space<hbm>> -> memref<16x8x128xf32, #tpu.memory_space<hbm>>
    %dma_start3A_2642 = arith.constant 0 : i32
    %dma_start3A_2643 = arith.constant 0 : i32
    %dma_start3A_2644 = arith.constant 0 : i32
    %dma_start3A_2645 = tpu.memref_slice %arg4[%dma_start3A_2622, %dma_start3A_2642, %dma_start3A_2643, %dma_start3A_2644] : memref<6x16x8x128xf32, #tpu.memory_space<vmem>> -> memref<1x16x8x128xf32, #tpu.memory_space<vmem>>
    %dma_start3A_2646 = tpu.memref_squeeze %dma_start3A_2645 : memref<1x16x8x128xf32, #tpu.memory_space<vmem>> -> memref<16x8x128xf32, #tpu.memory_space<vmem>>
    tpu.enqueue_dma source(%dma_start3A_2646 : memref<16x8x128xf32, #tpu.memory_space<vmem>>) target(%dma_start3A_2641 : memref<16x8x128xf32, #tpu.memory_space<hbm>>) target_semaphore(%dma_start3A_2636 : memref<!tpu.dma_semaphore, #tpu.memory_space<semaphore_mem>>)
    %add3A_2647 = arith.constant 2 : i32
    %add3A_2648 = arith.addi %mul3A_2, %add3A_2647 : i32
    %dma_wait3A_2649 = arith.constant 3 : i32
    %dma_wait3A_2650 = arith.constant 5 : i32
    %dma_wait3A_2651 = arith.constant 3 : i32
    %dma_wait3A_2652 = arith.constant 0 : i32
    %dma_wait3A_2653 = arith.constant 0 : i32
    %dma_wait3A_2654 = arith.constant 0 : i32
    %dma_wait3A_2655 = tpu.memref_slice %arg4[%dma_wait3A_2649, %dma_wait3A_2652, %dma_wait3A_2653, %dma_wait3A_2654] : memref<6x16x8x128xf32, #tpu.memory_space<vmem>> -> memref<1x16x8x128xf32, #tpu.memory_space<vmem>>
    %dma_wait3A_2656 = tpu.memref_squeeze %dma_wait3A_2655 : memref<1x16x8x128xf32, #tpu.memory_space<vmem>> -> memref<16x8x128xf32, #tpu.memory_space<vmem>>
    %dma_wait3A_2657 = arith.constant 0 : i32
    %dma_wait3A_2658 = arith.constant 0 : i32
    %dma_wait3A_2659 = arith.constant 0 : i32
    %dma_wait3A_2660 = tpu.memref_slice %arg3[%add3A_2648, %dma_wait3A_2650, %dma_wait3A_2657, %dma_wait3A_2658, %dma_wait3A_2659] : memref<128x8x16x8x128xf32, #tpu.memory_space<hbm>> -> memref<1x1x16x8x128xf32, #tpu.memory_space<hbm>>
    %dma_wait3A_2661 = tpu.memref_squeeze %dma_wait3A_2660 : memref<1x1x16x8x128xf32, #tpu.memory_space<hbm>> -> memref<16x8x128xf32, #tpu.memory_space<hbm>>
    %dma_wait3A_2662 = tpu.memref_slice %arg6[%dma_wait3A_2651] : memref<6x!tpu.dma_semaphore, #tpu.memory_space<semaphore_mem>> -> memref<1x!tpu.dma_semaphore, #tpu.memory_space<semaphore_mem>>
    %dma_wait3A_2663 = tpu.memref_squeeze %dma_wait3A_2662 : memref<1x!tpu.dma_semaphore, #tpu.memory_space<semaphore_mem>> -> memref<!tpu.dma_semaphore, #tpu.memory_space<semaphore_mem>>
    %dma_wait3A_2664 = arith.constant 0 : i32
    %dma_wait3A_2665 = arith.constant 0 : i32
    %dma_wait3A_2666 = arith.constant 0 : i32
    %dma_wait3A_2667 = tpu.memref_slice %arg3[%add3A_2648, %dma_wait3A_2650, %dma_wait3A_2664, %dma_wait3A_2665, %dma_wait3A_2666] : memref<128x8x16x8x128xf32, #tpu.memory_space<hbm>> -> memref<1x1x16x8x128xf32, #tpu.memory_space<hbm>>
    %dma_wait3A_2668 = tpu.memref_squeeze %dma_wait3A_2667 : memref<1x1x16x8x128xf32, #tpu.memory_space<hbm>> -> memref<16x8x128xf32, #tpu.memory_space<hbm>>
    %dma_wait3A_2669 = arith.constant 0 : i32
    %dma_wait3A_2670 = arith.constant 0 : i32
    %dma_wait3A_2671 = arith.constant 0 : i32
    %dma_wait3A_2672 = tpu.memref_slice %arg4[%dma_wait3A_2649, %dma_wait3A_2669, %dma_wait3A_2670, %dma_wait3A_2671] : memref<6x16x8x128xf32, #tpu.memory_space<vmem>> -> memref<1x16x8x128xf32, #tpu.memory_space<vmem>>
    %dma_wait3A_2673 = tpu.memref_squeeze %dma_wait3A_2672 : memref<1x16x8x128xf32, #tpu.memory_space<vmem>> -> memref<16x8x128xf32, #tpu.memory_space<vmem>>
    tpu.wait_dma2 semaphore(%dma_wait3A_2663 : memref<!tpu.dma_semaphore, #tpu.memory_space<semaphore_mem>>) src(%dma_wait3A_2673 : memref<16x8x128xf32, #tpu.memory_space<vmem>>) dst(%dma_wait3A_2668 : memref<16x8x128xf32, #tpu.memory_space<hbm>>)
    %add3A_2674 = arith.constant 3 : i32
    %add3A_2675 = arith.addi %mul3A_2, %add3A_2674 : i32
    %dma_start3A_2676 = arith.constant 3 : i32
    %dma_start3A_2677 = arith.constant 3 : i32
    %dma_start3A_2678 = arith.constant 3 : i32
    %dma_start3A_2679 = arith.constant 0 : i32
    %dma_start3A_2680 = arith.constant 0 : i32
    %dma_start3A_2681 = arith.constant 0 : i32
    %dma_start3A_2682 = tpu.memref_slice %arg4[%dma_start3A_2677, %dma_start3A_2679, %dma_start3A_2680, %dma_start3A_2681] : memref<6x16x8x128xf32, #tpu.memory_space<vmem>> -> memref<1x16x8x128xf32, #tpu.memory_space<vmem>>
    %dma_start3A_2683 = tpu.memref_squeeze %dma_start3A_2682 : memref<1x16x8x128xf32, #tpu.memory_space<vmem>> -> memref<16x8x128xf32, #tpu.memory_space<vmem>>
    %dma_start3A_2684 = arith.constant 0 : i32
    %dma_start3A_2685 = arith.constant 0 : i32
    %dma_start3A_2686 = arith.constant 0 : i32
    %dma_start3A_2687 = tpu.memref_slice %arg2[%add3A_2675, %dma_start3A_2676, %dma_start3A_2684, %dma_start3A_2685, %dma_start3A_2686] : memref<128x8x16x8x128xf32, #tpu.memory_space<hbm>> -> memref<1x1x16x8x128xf32, #tpu.memory_space<hbm>>
    %dma_start3A_2688 = tpu.memref_squeeze %dma_start3A_2687 : memref<1x1x16x8x128xf32, #tpu.memory_space<hbm>> -> memref<16x8x128xf32, #tpu.memory_space<hbm>>
    %dma_start3A_2689 = tpu.memref_slice %arg5[%dma_start3A_2678] : memref<6x!tpu.dma_semaphore, #tpu.memory_space<semaphore_mem>> -> memref<1x!tpu.dma_semaphore, #tpu.memory_space<semaphore_mem>>
    %dma_start3A_2690 = tpu.memref_squeeze %dma_start3A_2689 : memref<1x!tpu.dma_semaphore, #tpu.memory_space<semaphore_mem>> -> memref<!tpu.dma_semaphore, #tpu.memory_space<semaphore_mem>>
    %dma_start3A_2691 = arith.constant 0 : i32
    %dma_start3A_2692 = arith.constant 0 : i32
    %dma_start3A_2693 = arith.constant 0 : i32
    %dma_start3A_2694 = tpu.memref_slice %arg4[%dma_start3A_2677, %dma_start3A_2691, %dma_start3A_2692, %dma_start3A_2693] : memref<6x16x8x128xf32, #tpu.memory_space<vmem>> -> memref<1x16x8x128xf32, #tpu.memory_space<vmem>>
    %dma_start3A_2695 = tpu.memref_squeeze %dma_start3A_2694 : memref<1x16x8x128xf32, #tpu.memory_space<vmem>> -> memref<16x8x128xf32, #tpu.memory_space<vmem>>
    %dma_start3A_2696 = arith.constant 0 : i32
    %dma_start3A_2697 = arith.constant 0 : i32
    %dma_start3A_2698 = arith.constant 0 : i32
    %dma_start3A_2699 = tpu.memref_slice %arg2[%add3A_2675, %dma_start3A_2676, %dma_start3A_2696, %dma_start3A_2697, %dma_start3A_2698] : memref<128x8x16x8x128xf32, #tpu.memory_space<hbm>> -> memref<1x1x16x8x128xf32, #tpu.memory_space<hbm>>
    %dma_start3A_2700 = tpu.memref_squeeze %dma_start3A_2699 : memref<1x1x16x8x128xf32, #tpu.memory_space<hbm>> -> memref<16x8x128xf32, #tpu.memory_space<hbm>>
    tpu.enqueue_dma source(%dma_start3A_2700 : memref<16x8x128xf32, #tpu.memory_space<hbm>>) target(%dma_start3A_2695 : memref<16x8x128xf32, #tpu.memory_space<vmem>>) target_semaphore(%dma_start3A_2690 : memref<!tpu.dma_semaphore, #tpu.memory_space<semaphore_mem>>)
    %add3A_2701 = arith.constant 3 : i32
    %add3A_2702 = arith.addi %mul3A_2, %add3A_2701 : i32
    %dma_wait3A_2703 = arith.constant 1 : i32
    %dma_wait3A_2704 = arith.constant 1 : i32
    %dma_wait3A_2705 = arith.constant 1 : i32
    %dma_wait3A_2706 = arith.constant 0 : i32
    %dma_wait3A_2707 = arith.constant 0 : i32
    %dma_wait3A_2708 = arith.constant 0 : i32
    %dma_wait3A_2709 = tpu.memref_slice %arg4[%dma_wait3A_2704, %dma_wait3A_2706, %dma_wait3A_2707, %dma_wait3A_2708] : memref<6x16x8x128xf32, #tpu.memory_space<vmem>> -> memref<1x16x8x128xf32, #tpu.memory_space<vmem>>
    %dma_wait3A_2710 = tpu.memref_squeeze %dma_wait3A_2709 : memref<1x16x8x128xf32, #tpu.memory_space<vmem>> -> memref<16x8x128xf32, #tpu.memory_space<vmem>>
    %dma_wait3A_2711 = arith.constant 0 : i32
    %dma_wait3A_2712 = arith.constant 0 : i32
    %dma_wait3A_2713 = arith.constant 0 : i32
    %dma_wait3A_2714 = tpu.memref_slice %arg2[%add3A_2702, %dma_wait3A_2703, %dma_wait3A_2711, %dma_wait3A_2712, %dma_wait3A_2713] : memref<128x8x16x8x128xf32, #tpu.memory_space<hbm>> -> memref<1x1x16x8x128xf32, #tpu.memory_space<hbm>>
    %dma_wait3A_2715 = tpu.memref_squeeze %dma_wait3A_2714 : memref<1x1x16x8x128xf32, #tpu.memory_space<hbm>> -> memref<16x8x128xf32, #tpu.memory_space<hbm>>
    %dma_wait3A_2716 = tpu.memref_slice %arg5[%dma_wait3A_2705] : memref<6x!tpu.dma_semaphore, #tpu.memory_space<semaphore_mem>> -> memref<1x!tpu.dma_semaphore, #tpu.memory_space<semaphore_mem>>
    %dma_wait3A_2717 = tpu.memref_squeeze %dma_wait3A_2716 : memref<1x!tpu.dma_semaphore, #tpu.memory_space<semaphore_mem>> -> memref<!tpu.dma_semaphore, #tpu.memory_space<semaphore_mem>>
    %dma_wait3A_2718 = arith.constant 0 : i32
    %dma_wait3A_2719 = arith.constant 0 : i32
    %dma_wait3A_2720 = arith.constant 0 : i32
    %dma_wait3A_2721 = tpu.memref_slice %arg4[%dma_wait3A_2704, %dma_wait3A_2718, %dma_wait3A_2719, %dma_wait3A_2720] : memref<6x16x8x128xf32, #tpu.memory_space<vmem>> -> memref<1x16x8x128xf32, #tpu.memory_space<vmem>>
    %dma_wait3A_2722 = tpu.memref_squeeze %dma_wait3A_2721 : memref<1x16x8x128xf32, #tpu.memory_space<vmem>> -> memref<16x8x128xf32, #tpu.memory_space<vmem>>
    %dma_wait3A_2723 = arith.constant 0 : i32
    %dma_wait3A_2724 = arith.constant 0 : i32
    %dma_wait3A_2725 = arith.constant 0 : i32
    %dma_wait3A_2726 = tpu.memref_slice %arg2[%add3A_2702, %dma_wait3A_2703, %dma_wait3A_2723, %dma_wait3A_2724, %dma_wait3A_2725] : memref<128x8x16x8x128xf32, #tpu.memory_space<hbm>> -> memref<1x1x16x8x128xf32, #tpu.memory_space<hbm>>
    %dma_wait3A_2727 = tpu.memref_squeeze %dma_wait3A_2726 : memref<1x1x16x8x128xf32, #tpu.memory_space<hbm>> -> memref<16x8x128xf32, #tpu.memory_space<hbm>>
    tpu.wait_dma2 semaphore(%dma_wait3A_2717 : memref<!tpu.dma_semaphore, #tpu.memory_space<semaphore_mem>>) src(%dma_wait3A_2727 : memref<16x8x128xf32, #tpu.memory_space<hbm>>) dst(%dma_wait3A_2722 : memref<16x8x128xf32, #tpu.memory_space<vmem>>)
    %add3A_2728 = arith.constant 3 : i32
    %add3A_2729 = arith.addi %mul3A_2, %add3A_2728 : i32
    %dma_start3A_2730 = arith.constant 1 : i32
    %dma_start3A_2731 = arith.constant 1 : i32
    %dma_start3A_2732 = arith.constant 1 : i32
    %dma_start3A_2733 = arith.constant 0 : i32
    %dma_start3A_2734 = arith.constant 0 : i32
    %dma_start3A_2735 = arith.constant 0 : i32
    %dma_start3A_2736 = tpu.memref_slice %arg4[%dma_start3A_2730, %dma_start3A_2733, %dma_start3A_2734, %dma_start3A_2735] : memref<6x16x8x128xf32, #tpu.memory_space<vmem>> -> memref<1x16x8x128xf32, #tpu.memory_space<vmem>>
    %dma_start3A_2737 = tpu.memref_squeeze %dma_start3A_2736 : memref<1x16x8x128xf32, #tpu.memory_space<vmem>> -> memref<16x8x128xf32, #tpu.memory_space<vmem>>
    %dma_start3A_2738 = arith.constant 0 : i32
    %dma_start3A_2739 = arith.constant 0 : i32
    %dma_start3A_2740 = arith.constant 0 : i32
    %dma_start3A_2741 = tpu.memref_slice %arg3[%add3A_2729, %dma_start3A_2731, %dma_start3A_2738, %dma_start3A_2739, %dma_start3A_2740] : memref<128x8x16x8x128xf32, #tpu.memory_space<hbm>> -> memref<1x1x16x8x128xf32, #tpu.memory_space<hbm>>
    %dma_start3A_2742 = tpu.memref_squeeze %dma_start3A_2741 : memref<1x1x16x8x128xf32, #tpu.memory_space<hbm>> -> memref<16x8x128xf32, #tpu.memory_space<hbm>>
    %dma_start3A_2743 = tpu.memref_slice %arg6[%dma_start3A_2732] : memref<6x!tpu.dma_semaphore, #tpu.memory_space<semaphore_mem>> -> memref<1x!tpu.dma_semaphore, #tpu.memory_space<semaphore_mem>>
    %dma_start3A_2744 = tpu.memref_squeeze %dma_start3A_2743 : memref<1x!tpu.dma_semaphore, #tpu.memory_space<semaphore_mem>> -> memref<!tpu.dma_semaphore, #tpu.memory_space<semaphore_mem>>
    %dma_start3A_2745 = arith.constant 0 : i32
    %dma_start3A_2746 = arith.constant 0 : i32
    %dma_start3A_2747 = arith.constant 0 : i32
    %dma_start3A_2748 = tpu.memref_slice %arg3[%add3A_2729, %dma_start3A_2731, %dma_start3A_2745, %dma_start3A_2746, %dma_start3A_2747] : memref<128x8x16x8x128xf32, #tpu.memory_space<hbm>> -> memref<1x1x16x8x128xf32, #tpu.memory_space<hbm>>
    %dma_start3A_2749 = tpu.memref_squeeze %dma_start3A_2748 : memref<1x1x16x8x128xf32, #tpu.memory_space<hbm>> -> memref<16x8x128xf32, #tpu.memory_space<hbm>>
    %dma_start3A_2750 = arith.constant 0 : i32
    %dma_start3A_2751 = arith.constant 0 : i32
    %dma_start3A_2752 = arith.constant 0 : i32
    %dma_start3A_2753 = tpu.memref_slice %arg4[%dma_start3A_2730, %dma_start3A_2750, %dma_start3A_2751, %dma_start3A_2752] : memref<6x16x8x128xf32, #tpu.memory_space<vmem>> -> memref<1x16x8x128xf32, #tpu.memory_space<vmem>>
    %dma_start3A_2754 = tpu.memref_squeeze %dma_start3A_2753 : memref<1x16x8x128xf32, #tpu.memory_space<vmem>> -> memref<16x8x128xf32, #tpu.memory_space<vmem>>
    tpu.enqueue_dma source(%dma_start3A_2754 : memref<16x8x128xf32, #tpu.memory_space<vmem>>) target(%dma_start3A_2749 : memref<16x8x128xf32, #tpu.memory_space<hbm>>) target_semaphore(%dma_start3A_2744 : memref<!tpu.dma_semaphore, #tpu.memory_space<semaphore_mem>>)
    %add3A_2755 = arith.constant 2 : i32
    %add3A_2756 = arith.addi %mul3A_2, %add3A_2755 : i32
    %dma_wait3A_2757 = arith.constant 4 : i32
    %dma_wait3A_2758 = arith.constant 6 : i32
    %dma_wait3A_2759 = arith.constant 4 : i32
    %dma_wait3A_2760 = arith.constant 0 : i32
    %dma_wait3A_2761 = arith.constant 0 : i32
    %dma_wait3A_2762 = arith.constant 0 : i32
    %dma_wait3A_2763 = tpu.memref_slice %arg4[%dma_wait3A_2757, %dma_wait3A_2760, %dma_wait3A_2761, %dma_wait3A_2762] : memref<6x16x8x128xf32, #tpu.memory_space<vmem>> -> memref<1x16x8x128xf32, #tpu.memory_space<vmem>>
    %dma_wait3A_2764 = tpu.memref_squeeze %dma_wait3A_2763 : memref<1x16x8x128xf32, #tpu.memory_space<vmem>> -> memref<16x8x128xf32, #tpu.memory_space<vmem>>
    %dma_wait3A_2765 = arith.constant 0 : i32
    %dma_wait3A_2766 = arith.constant 0 : i32
    %dma_wait3A_2767 = arith.constant 0 : i32
    %dma_wait3A_2768 = tpu.memref_slice %arg3[%add3A_2756, %dma_wait3A_2758, %dma_wait3A_2765, %dma_wait3A_2766, %dma_wait3A_2767] : memref<128x8x16x8x128xf32, #tpu.memory_space<hbm>> -> memref<1x1x16x8x128xf32, #tpu.memory_space<hbm>>
    %dma_wait3A_2769 = tpu.memref_squeeze %dma_wait3A_2768 : memref<1x1x16x8x128xf32, #tpu.memory_space<hbm>> -> memref<16x8x128xf32, #tpu.memory_space<hbm>>
    %dma_wait3A_2770 = tpu.memref_slice %arg6[%dma_wait3A_2759] : memref<6x!tpu.dma_semaphore, #tpu.memory_space<semaphore_mem>> -> memref<1x!tpu.dma_semaphore, #tpu.memory_space<semaphore_mem>>
    %dma_wait3A_2771 = tpu.memref_squeeze %dma_wait3A_2770 : memref<1x!tpu.dma_semaphore, #tpu.memory_space<semaphore_mem>> -> memref<!tpu.dma_semaphore, #tpu.memory_space<semaphore_mem>>
    %dma_wait3A_2772 = arith.constant 0 : i32
    %dma_wait3A_2773 = arith.constant 0 : i32
    %dma_wait3A_2774 = arith.constant 0 : i32
    %dma_wait3A_2775 = tpu.memref_slice %arg3[%add3A_2756, %dma_wait3A_2758, %dma_wait3A_2772, %dma_wait3A_2773, %dma_wait3A_2774] : memref<128x8x16x8x128xf32, #tpu.memory_space<hbm>> -> memref<1x1x16x8x128xf32, #tpu.memory_space<hbm>>
    %dma_wait3A_2776 = tpu.memref_squeeze %dma_wait3A_2775 : memref<1x1x16x8x128xf32, #tpu.memory_space<hbm>> -> memref<16x8x128xf32, #tpu.memory_space<hbm>>
    %dma_wait3A_2777 = arith.constant 0 : i32
    %dma_wait3A_2778 = arith.constant 0 : i32
    %dma_wait3A_2779 = arith.constant 0 : i32
    %dma_wait3A_2780 = tpu.memref_slice %arg4[%dma_wait3A_2757, %dma_wait3A_2777, %dma_wait3A_2778, %dma_wait3A_2779] : memref<6x16x8x128xf32, #tpu.memory_space<vmem>> -> memref<1x16x8x128xf32, #tpu.memory_space<vmem>>
    %dma_wait3A_2781 = tpu.memref_squeeze %dma_wait3A_2780 : memref<1x16x8x128xf32, #tpu.memory_space<vmem>> -> memref<16x8x128xf32, #tpu.memory_space<vmem>>
    tpu.wait_dma2 semaphore(%dma_wait3A_2771 : memref<!tpu.dma_semaphore, #tpu.memory_space<semaphore_mem>>) src(%dma_wait3A_2781 : memref<16x8x128xf32, #tpu.memory_space<vmem>>) dst(%dma_wait3A_2776 : memref<16x8x128xf32, #tpu.memory_space<hbm>>)
    %add3A_2782 = arith.constant 3 : i32
    %add3A_2783 = arith.addi %mul3A_2, %add3A_2782 : i32
    %dma_start3A_2784 = arith.constant 4 : i32
    %dma_start3A_2785 = arith.constant 4 : i32
    %dma_start3A_2786 = arith.constant 4 : i32
    %dma_start3A_2787 = arith.constant 0 : i32
    %dma_start3A_2788 = arith.constant 0 : i32
    %dma_start3A_2789 = arith.constant 0 : i32
    %dma_start3A_2790 = tpu.memref_slice %arg4[%dma_start3A_2785, %dma_start3A_2787, %dma_start3A_2788, %dma_start3A_2789] : memref<6x16x8x128xf32, #tpu.memory_space<vmem>> -> memref<1x16x8x128xf32, #tpu.memory_space<vmem>>
    %dma_start3A_2791 = tpu.memref_squeeze %dma_start3A_2790 : memref<1x16x8x128xf32, #tpu.memory_space<vmem>> -> memref<16x8x128xf32, #tpu.memory_space<vmem>>
    %dma_start3A_2792 = arith.constant 0 : i32
    %dma_start3A_2793 = arith.constant 0 : i32
    %dma_start3A_2794 = arith.constant 0 : i32
    %dma_start3A_2795 = tpu.memref_slice %arg2[%add3A_2783, %dma_start3A_2784, %dma_start3A_2792, %dma_start3A_2793, %dma_start3A_2794] : memref<128x8x16x8x128xf32, #tpu.memory_space<hbm>> -> memref<1x1x16x8x128xf32, #tpu.memory_space<hbm>>
    %dma_start3A_2796 = tpu.memref_squeeze %dma_start3A_2795 : memref<1x1x16x8x128xf32, #tpu.memory_space<hbm>> -> memref<16x8x128xf32, #tpu.memory_space<hbm>>
    %dma_start3A_2797 = tpu.memref_slice %arg5[%dma_start3A_2786] : memref<6x!tpu.dma_semaphore, #tpu.memory_space<semaphore_mem>> -> memref<1x!tpu.dma_semaphore, #tpu.memory_space<semaphore_mem>>
    %dma_start3A_2798 = tpu.memref_squeeze %dma_start3A_2797 : memref<1x!tpu.dma_semaphore, #tpu.memory_space<semaphore_mem>> -> memref<!tpu.dma_semaphore, #tpu.memory_space<semaphore_mem>>
    %dma_start3A_2799 = arith.constant 0 : i32
    %dma_start3A_2800 = arith.constant 0 : i32
    %dma_start3A_2801 = arith.constant 0 : i32
    %dma_start3A_2802 = tpu.memref_slice %arg4[%dma_start3A_2785, %dma_start3A_2799, %dma_start3A_2800, %dma_start3A_2801] : memref<6x16x8x128xf32, #tpu.memory_space<vmem>> -> memref<1x16x8x128xf32, #tpu.memory_space<vmem>>
    %dma_start3A_2803 = tpu.memref_squeeze %dma_start3A_2802 : memref<1x16x8x128xf32, #tpu.memory_space<vmem>> -> memref<16x8x128xf32, #tpu.memory_space<vmem>>
    %dma_start3A_2804 = arith.constant 0 : i32
    %dma_start3A_2805 = arith.constant 0 : i32
    %dma_start3A_2806 = arith.constant 0 : i32
    %dma_start3A_2807 = tpu.memref_slice %arg2[%add3A_2783, %dma_start3A_2784, %dma_start3A_2804, %dma_start3A_2805, %dma_start3A_2806] : memref<128x8x16x8x128xf32, #tpu.memory_space<hbm>> -> memref<1x1x16x8x128xf32, #tpu.memory_space<hbm>>
    %dma_start3A_2808 = tpu.memref_squeeze %dma_start3A_2807 : memref<1x1x16x8x128xf32, #tpu.memory_space<hbm>> -> memref<16x8x128xf32, #tpu.memory_space<hbm>>
    tpu.enqueue_dma source(%dma_start3A_2808 : memref<16x8x128xf32, #tpu.memory_space<hbm>>) target(%dma_start3A_2803 : memref<16x8x128xf32, #tpu.memory_space<vmem>>) target_semaphore(%dma_start3A_2798 : memref<!tpu.dma_semaphore, #tpu.memory_space<semaphore_mem>>)
    %add3A_2809 = arith.constant 3 : i32
    %add3A_2810 = arith.addi %mul3A_2, %add3A_2809 : i32
    %dma_wait3A_2811 = arith.constant 2 : i32
    %dma_wait3A_2812 = arith.constant 2 : i32
    %dma_wait3A_2813 = arith.constant 2 : i32
    %dma_wait3A_2814 = arith.constant 0 : i32
    %dma_wait3A_2815 = arith.constant 0 : i32
    %dma_wait3A_2816 = arith.constant 0 : i32
    %dma_wait3A_2817 = tpu.memref_slice %arg4[%dma_wait3A_2812, %dma_wait3A_2814, %dma_wait3A_2815, %dma_wait3A_2816] : memref<6x16x8x128xf32, #tpu.memory_space<vmem>> -> memref<1x16x8x128xf32, #tpu.memory_space<vmem>>
    %dma_wait3A_2818 = tpu.memref_squeeze %dma_wait3A_2817 : memref<1x16x8x128xf32, #tpu.memory_space<vmem>> -> memref<16x8x128xf32, #tpu.memory_space<vmem>>
    %dma_wait3A_2819 = arith.constant 0 : i32
    %dma_wait3A_2820 = arith.constant 0 : i32
    %dma_wait3A_2821 = arith.constant 0 : i32
    %dma_wait3A_2822 = tpu.memref_slice %arg2[%add3A_2810, %dma_wait3A_2811, %dma_wait3A_2819, %dma_wait3A_2820, %dma_wait3A_2821] : memref<128x8x16x8x128xf32, #tpu.memory_space<hbm>> -> memref<1x1x16x8x128xf32, #tpu.memory_space<hbm>>
    %dma_wait3A_2823 = tpu.memref_squeeze %dma_wait3A_2822 : memref<1x1x16x8x128xf32, #tpu.memory_space<hbm>> -> memref<16x8x128xf32, #tpu.memory_space<hbm>>
    %dma_wait3A_2824 = tpu.memref_slice %arg5[%dma_wait3A_2813] : memref<6x!tpu.dma_semaphore, #tpu.memory_space<semaphore_mem>> -> memref<1x!tpu.dma_semaphore, #tpu.memory_space<semaphore_mem>>
    %dma_wait3A_2825 = tpu.memref_squeeze %dma_wait3A_2824 : memref<1x!tpu.dma_semaphore, #tpu.memory_space<semaphore_mem>> -> memref<!tpu.dma_semaphore, #tpu.memory_space<semaphore_mem>>
    %dma_wait3A_2826 = arith.constant 0 : i32
    %dma_wait3A_2827 = arith.constant 0 : i32
    %dma_wait3A_2828 = arith.constant 0 : i32
    %dma_wait3A_2829 = tpu.memref_slice %arg4[%dma_wait3A_2812, %dma_wait3A_2826, %dma_wait3A_2827, %dma_wait3A_2828] : memref<6x16x8x128xf32, #tpu.memory_space<vmem>> -> memref<1x16x8x128xf32, #tpu.memory_space<vmem>>
    %dma_wait3A_2830 = tpu.memref_squeeze %dma_wait3A_2829 : memref<1x16x8x128xf32, #tpu.memory_space<vmem>> -> memref<16x8x128xf32, #tpu.memory_space<vmem>>
    %dma_wait3A_2831 = arith.constant 0 : i32
    %dma_wait3A_2832 = arith.constant 0 : i32
    %dma_wait3A_2833 = arith.constant 0 : i32
    %dma_wait3A_2834 = tpu.memref_slice %arg2[%add3A_2810, %dma_wait3A_2811, %dma_wait3A_2831, %dma_wait3A_2832, %dma_wait3A_2833] : memref<128x8x16x8x128xf32, #tpu.memory_space<hbm>> -> memref<1x1x16x8x128xf32, #tpu.memory_space<hbm>>
    %dma_wait3A_2835 = tpu.memref_squeeze %dma_wait3A_2834 : memref<1x1x16x8x128xf32, #tpu.memory_space<hbm>> -> memref<16x8x128xf32, #tpu.memory_space<hbm>>
    tpu.wait_dma2 semaphore(%dma_wait3A_2825 : memref<!tpu.dma_semaphore, #tpu.memory_space<semaphore_mem>>) src(%dma_wait3A_2835 : memref<16x8x128xf32, #tpu.memory_space<hbm>>) dst(%dma_wait3A_2830 : memref<16x8x128xf32, #tpu.memory_space<vmem>>)
    %add3A_2836 = arith.constant 3 : i32
    %add3A_2837 = arith.addi %mul3A_2, %add3A_2836 : i32
    %dma_start3A_2838 = arith.constant 2 : i32
    %dma_start3A_2839 = arith.constant 2 : i32
    %dma_start3A_2840 = arith.constant 2 : i32
    %dma_start3A_2841 = arith.constant 0 : i32
    %dma_start3A_2842 = arith.constant 0 : i32
    %dma_start3A_2843 = arith.constant 0 : i32
    %dma_start3A_2844 = tpu.memref_slice %arg4[%dma_start3A_2838, %dma_start3A_2841, %dma_start3A_2842, %dma_start3A_2843] : memref<6x16x8x128xf32, #tpu.memory_space<vmem>> -> memref<1x16x8x128xf32, #tpu.memory_space<vmem>>
    %dma_start3A_2845 = tpu.memref_squeeze %dma_start3A_2844 : memref<1x16x8x128xf32, #tpu.memory_space<vmem>> -> memref<16x8x128xf32, #tpu.memory_space<vmem>>
    %dma_start3A_2846 = arith.constant 0 : i32
    %dma_start3A_2847 = arith.constant 0 : i32
    %dma_start3A_2848 = arith.constant 0 : i32
    %dma_start3A_2849 = tpu.memref_slice %arg3[%add3A_2837, %dma_start3A_2839, %dma_start3A_2846, %dma_start3A_2847, %dma_start3A_2848] : memref<128x8x16x8x128xf32, #tpu.memory_space<hbm>> -> memref<1x1x16x8x128xf32, #tpu.memory_space<hbm>>
    %dma_start3A_2850 = tpu.memref_squeeze %dma_start3A_2849 : memref<1x1x16x8x128xf32, #tpu.memory_space<hbm>> -> memref<16x8x128xf32, #tpu.memory_space<hbm>>
    %dma_start3A_2851 = tpu.memref_slice %arg6[%dma_start3A_2840] : memref<6x!tpu.dma_semaphore, #tpu.memory_space<semaphore_mem>> -> memref<1x!tpu.dma_semaphore, #tpu.memory_space<semaphore_mem>>
    %dma_start3A_2852 = tpu.memref_squeeze %dma_start3A_2851 : memref<1x!tpu.dma_semaphore, #tpu.memory_space<semaphore_mem>> -> memref<!tpu.dma_semaphore, #tpu.memory_space<semaphore_mem>>
    %dma_start3A_2853 = arith.constant 0 : i32
    %dma_start3A_2854 = arith.constant 0 : i32
    %dma_start3A_2855 = arith.constant 0 : i32
    %dma_start3A_2856 = tpu.memref_slice %arg3[%add3A_2837, %dma_start3A_2839, %dma_start3A_2853, %dma_start3A_2854, %dma_start3A_2855] : memref<128x8x16x8x128xf32, #tpu.memory_space<hbm>> -> memref<1x1x16x8x128xf32, #tpu.memory_space<hbm>>
    %dma_start3A_2857 = tpu.memref_squeeze %dma_start3A_2856 : memref<1x1x16x8x128xf32, #tpu.memory_space<hbm>> -> memref<16x8x128xf32, #tpu.memory_space<hbm>>
    %dma_start3A_2858 = arith.constant 0 : i32
    %dma_start3A_2859 = arith.constant 0 : i32
    %dma_start3A_2860 = arith.constant 0 : i32
    %dma_start3A_2861 = tpu.memref_slice %arg4[%dma_start3A_2838, %dma_start3A_2858, %dma_start3A_2859, %dma_start3A_2860] : memref<6x16x8x128xf32, #tpu.memory_space<vmem>> -> memref<1x16x8x128xf32, #tpu.memory_space<vmem>>
    %dma_start3A_2862 = tpu.memref_squeeze %dma_start3A_2861 : memref<1x16x8x128xf32, #tpu.memory_space<vmem>> -> memref<16x8x128xf32, #tpu.memory_space<vmem>>
    tpu.enqueue_dma source(%dma_start3A_2862 : memref<16x8x128xf32, #tpu.memory_space<vmem>>) target(%dma_start3A_2857 : memref<16x8x128xf32, #tpu.memory_space<hbm>>) target_semaphore(%dma_start3A_2852 : memref<!tpu.dma_semaphore, #tpu.memory_space<semaphore_mem>>)
    %add3A_2863 = arith.constant 2 : i32
    %add3A_2864 = arith.addi %mul3A_2, %add3A_2863 : i32
    %dma_wait3A_2865 = arith.constant 5 : i32
    %dma_wait3A_2866 = arith.constant 7 : i32
    %dma_wait3A_2867 = arith.constant 5 : i32
    %dma_wait3A_2868 = arith.constant 0 : i32
    %dma_wait3A_2869 = arith.constant 0 : i32
    %dma_wait3A_2870 = arith.constant 0 : i32
    %dma_wait3A_2871 = tpu.memref_slice %arg4[%dma_wait3A_2865, %dma_wait3A_2868, %dma_wait3A_2869, %dma_wait3A_2870] : memref<6x16x8x128xf32, #tpu.memory_space<vmem>> -> memref<1x16x8x128xf32, #tpu.memory_space<vmem>>
    %dma_wait3A_2872 = tpu.memref_squeeze %dma_wait3A_2871 : memref<1x16x8x128xf32, #tpu.memory_space<vmem>> -> memref<16x8x128xf32, #tpu.memory_space<vmem>>
    %dma_wait3A_2873 = arith.constant 0 : i32
    %dma_wait3A_2874 = arith.constant 0 : i32
    %dma_wait3A_2875 = arith.constant 0 : i32
    %dma_wait3A_2876 = tpu.memref_slice %arg3[%add3A_2864, %dma_wait3A_2866, %dma_wait3A_2873, %dma_wait3A_2874, %dma_wait3A_2875] : memref<128x8x16x8x128xf32, #tpu.memory_space<hbm>> -> memref<1x1x16x8x128xf32, #tpu.memory_space<hbm>>
    %dma_wait3A_2877 = tpu.memref_squeeze %dma_wait3A_2876 : memref<1x1x16x8x128xf32, #tpu.memory_space<hbm>> -> memref<16x8x128xf32, #tpu.memory_space<hbm>>
    %dma_wait3A_2878 = tpu.memref_slice %arg6[%dma_wait3A_2867] : memref<6x!tpu.dma_semaphore, #tpu.memory_space<semaphore_mem>> -> memref<1x!tpu.dma_semaphore, #tpu.memory_space<semaphore_mem>>
    %dma_wait3A_2879 = tpu.memref_squeeze %dma_wait3A_2878 : memref<1x!tpu.dma_semaphore, #tpu.memory_space<semaphore_mem>> -> memref<!tpu.dma_semaphore, #tpu.memory_space<semaphore_mem>>
    %dma_wait3A_2880 = arith.constant 0 : i32
    %dma_wait3A_2881 = arith.constant 0 : i32
    %dma_wait3A_2882 = arith.constant 0 : i32
    %dma_wait3A_2883 = tpu.memref_slice %arg3[%add3A_2864, %dma_wait3A_2866, %dma_wait3A_2880, %dma_wait3A_2881, %dma_wait3A_2882] : memref<128x8x16x8x128xf32, #tpu.memory_space<hbm>> -> memref<1x1x16x8x128xf32, #tpu.memory_space<hbm>>
    %dma_wait3A_2884 = tpu.memref_squeeze %dma_wait3A_2883 : memref<1x1x16x8x128xf32, #tpu.memory_space<hbm>> -> memref<16x8x128xf32, #tpu.memory_space<hbm>>
    %dma_wait3A_2885 = arith.constant 0 : i32
    %dma_wait3A_2886 = arith.constant 0 : i32
    %dma_wait3A_2887 = arith.constant 0 : i32
    %dma_wait3A_2888 = tpu.memref_slice %arg4[%dma_wait3A_2865, %dma_wait3A_2885, %dma_wait3A_2886, %dma_wait3A_2887] : memref<6x16x8x128xf32, #tpu.memory_space<vmem>> -> memref<1x16x8x128xf32, #tpu.memory_space<vmem>>
    %dma_wait3A_2889 = tpu.memref_squeeze %dma_wait3A_2888 : memref<1x16x8x128xf32, #tpu.memory_space<vmem>> -> memref<16x8x128xf32, #tpu.memory_space<vmem>>
    tpu.wait_dma2 semaphore(%dma_wait3A_2879 : memref<!tpu.dma_semaphore, #tpu.memory_space<semaphore_mem>>) src(%dma_wait3A_2889 : memref<16x8x128xf32, #tpu.memory_space<vmem>>) dst(%dma_wait3A_2884 : memref<16x8x128xf32, #tpu.memory_space<hbm>>)
    %add3A_2890 = arith.constant 3 : i32
    %add3A_2891 = arith.addi %mul3A_2, %add3A_2890 : i32
    %dma_start3A_2892 = arith.constant 5 : i32
    %dma_start3A_2893 = arith.constant 5 : i32
    %dma_start3A_2894 = arith.constant 5 : i32
    %dma_start3A_2895 = arith.constant 0 : i32
    %dma_start3A_2896 = arith.constant 0 : i32
    %dma_start3A_2897 = arith.constant 0 : i32
    %dma_start3A_2898 = tpu.memref_slice %arg4[%dma_start3A_2893, %dma_start3A_2895, %dma_start3A_2896, %dma_start3A_2897] : memref<6x16x8x128xf32, #tpu.memory_space<vmem>> -> memref<1x16x8x128xf32, #tpu.memory_space<vmem>>
    %dma_start3A_2899 = tpu.memref_squeeze %dma_start3A_2898 : memref<1x16x8x128xf32, #tpu.memory_space<vmem>> -> memref<16x8x128xf32, #tpu.memory_space<vmem>>
    %dma_start3A_2900 = arith.constant 0 : i32
    %dma_start3A_2901 = arith.constant 0 : i32
    %dma_start3A_2902 = arith.constant 0 : i32
    %dma_start3A_2903 = tpu.memref_slice %arg2[%add3A_2891, %dma_start3A_2892, %dma_start3A_2900, %dma_start3A_2901, %dma_start3A_2902] : memref<128x8x16x8x128xf32, #tpu.memory_space<hbm>> -> memref<1x1x16x8x128xf32, #tpu.memory_space<hbm>>
    %dma_start3A_2904 = tpu.memref_squeeze %dma_start3A_2903 : memref<1x1x16x8x128xf32, #tpu.memory_space<hbm>> -> memref<16x8x128xf32, #tpu.memory_space<hbm>>
    %dma_start3A_2905 = tpu.memref_slice %arg5[%dma_start3A_2894] : memref<6x!tpu.dma_semaphore, #tpu.memory_space<semaphore_mem>> -> memref<1x!tpu.dma_semaphore, #tpu.memory_space<semaphore_mem>>
    %dma_start3A_2906 = tpu.memref_squeeze %dma_start3A_2905 : memref<1x!tpu.dma_semaphore, #tpu.memory_space<semaphore_mem>> -> memref<!tpu.dma_semaphore, #tpu.memory_space<semaphore_mem>>
    %dma_start3A_2907 = arith.constant 0 : i32
    %dma_start3A_2908 = arith.constant 0 : i32
    %dma_start3A_2909 = arith.constant 0 : i32
    %dma_start3A_2910 = tpu.memref_slice %arg4[%dma_start3A_2893, %dma_start3A_2907, %dma_start3A_2908, %dma_start3A_2909] : memref<6x16x8x128xf32, #tpu.memory_space<vmem>> -> memref<1x16x8x128xf32, #tpu.memory_space<vmem>>
    %dma_start3A_2911 = tpu.memref_squeeze %dma_start3A_2910 : memref<1x16x8x128xf32, #tpu.memory_space<vmem>> -> memref<16x8x128xf32, #tpu.memory_space<vmem>>
    %dma_start3A_2912 = arith.constant 0 : i32
    %dma_start3A_2913 = arith.constant 0 : i32
    %dma_start3A_2914 = arith.constant 0 : i32
    %dma_start3A_2915 = tpu.memref_slice %arg2[%add3A_2891, %dma_start3A_2892, %dma_start3A_2912, %dma_start3A_2913, %dma_start3A_2914] : memref<128x8x16x8x128xf32, #tpu.memory_space<hbm>> -> memref<1x1x16x8x128xf32, #tpu.memory_space<hbm>>
    %dma_start3A_2916 = tpu.memref_squeeze %dma_start3A_2915 : memref<1x1x16x8x128xf32, #tpu.memory_space<hbm>> -> memref<16x8x128xf32, #tpu.memory_space<hbm>>
    tpu.enqueue_dma source(%dma_start3A_2916 : memref<16x8x128xf32, #tpu.memory_space<hbm>>) target(%dma_start3A_2911 : memref<16x8x128xf32, #tpu.memory_space<vmem>>) target_semaphore(%dma_start3A_2906 : memref<!tpu.dma_semaphore, #tpu.memory_space<semaphore_mem>>)
    %add3A_2917 = arith.constant 3 : i32
    %add3A_2918 = arith.addi %mul3A_2, %add3A_2917 : i32
    %dma_wait3A_2919 = arith.constant 3 : i32
    %dma_wait3A_2920 = arith.constant 3 : i32
    %dma_wait3A_2921 = arith.constant 3 : i32
    %dma_wait3A_2922 = arith.constant 0 : i32
    %dma_wait3A_2923 = arith.constant 0 : i32
    %dma_wait3A_2924 = arith.constant 0 : i32
    %dma_wait3A_2925 = tpu.memref_slice %arg4[%dma_wait3A_2920, %dma_wait3A_2922, %dma_wait3A_2923, %dma_wait3A_2924] : memref<6x16x8x128xf32, #tpu.memory_space<vmem>> -> memref<1x16x8x128xf32, #tpu.memory_space<vmem>>
    %dma_wait3A_2926 = tpu.memref_squeeze %dma_wait3A_2925 : memref<1x16x8x128xf32, #tpu.memory_space<vmem>> -> memref<16x8x128xf32, #tpu.memory_space<vmem>>
    %dma_wait3A_2927 = arith.constant 0 : i32
    %dma_wait3A_2928 = arith.constant 0 : i32
    %dma_wait3A_2929 = arith.constant 0 : i32
    %dma_wait3A_2930 = tpu.memref_slice %arg2[%add3A_2918, %dma_wait3A_2919, %dma_wait3A_2927, %dma_wait3A_2928, %dma_wait3A_2929] : memref<128x8x16x8x128xf32, #tpu.memory_space<hbm>> -> memref<1x1x16x8x128xf32, #tpu.memory_space<hbm>>
    %dma_wait3A_2931 = tpu.memref_squeeze %dma_wait3A_2930 : memref<1x1x16x8x128xf32, #tpu.memory_space<hbm>> -> memref<16x8x128xf32, #tpu.memory_space<hbm>>
    %dma_wait3A_2932 = tpu.memref_slice %arg5[%dma_wait3A_2921] : memref<6x!tpu.dma_semaphore, #tpu.memory_space<semaphore_mem>> -> memref<1x!tpu.dma_semaphore, #tpu.memory_space<semaphore_mem>>
    %dma_wait3A_2933 = tpu.memref_squeeze %dma_wait3A_2932 : memref<1x!tpu.dma_semaphore, #tpu.memory_space<semaphore_mem>> -> memref<!tpu.dma_semaphore, #tpu.memory_space<semaphore_mem>>
    %dma_wait3A_2934 = arith.constant 0 : i32
    %dma_wait3A_2935 = arith.constant 0 : i32
    %dma_wait3A_2936 = arith.constant 0 : i32
    %dma_wait3A_2937 = tpu.memref_slice %arg4[%dma_wait3A_2920, %dma_wait3A_2934, %dma_wait3A_2935, %dma_wait3A_2936] : memref<6x16x8x128xf32, #tpu.memory_space<vmem>> -> memref<1x16x8x128xf32, #tpu.memory_space<vmem>>
    %dma_wait3A_2938 = tpu.memref_squeeze %dma_wait3A_2937 : memref<1x16x8x128xf32, #tpu.memory_space<vmem>> -> memref<16x8x128xf32, #tpu.memory_space<vmem>>
    %dma_wait3A_2939 = arith.constant 0 : i32
    %dma_wait3A_2940 = arith.constant 0 : i32
    %dma_wait3A_2941 = arith.constant 0 : i32
    %dma_wait3A_2942 = tpu.memref_slice %arg2[%add3A_2918, %dma_wait3A_2919, %dma_wait3A_2939, %dma_wait3A_2940, %dma_wait3A_2941] : memref<128x8x16x8x128xf32, #tpu.memory_space<hbm>> -> memref<1x1x16x8x128xf32, #tpu.memory_space<hbm>>
    %dma_wait3A_2943 = tpu.memref_squeeze %dma_wait3A_2942 : memref<1x1x16x8x128xf32, #tpu.memory_space<hbm>> -> memref<16x8x128xf32, #tpu.memory_space<hbm>>
    tpu.wait_dma2 semaphore(%dma_wait3A_2933 : memref<!tpu.dma_semaphore, #tpu.memory_space<semaphore_mem>>) src(%dma_wait3A_2943 : memref<16x8x128xf32, #tpu.memory_space<hbm>>) dst(%dma_wait3A_2938 : memref<16x8x128xf32, #tpu.memory_space<vmem>>)
    %add3A_2944 = arith.constant 3 : i32
    %add3A_2945 = arith.addi %mul3A_2, %add3A_2944 : i32
    %dma_start3A_2946 = arith.constant 3 : i32
    %dma_start3A_2947 = arith.constant 3 : i32
    %dma_start3A_2948 = arith.constant 3 : i32
    %dma_start3A_2949 = arith.constant 0 : i32
    %dma_start3A_2950 = arith.constant 0 : i32
    %dma_start3A_2951 = arith.constant 0 : i32
    %dma_start3A_2952 = tpu.memref_slice %arg4[%dma_start3A_2946, %dma_start3A_2949, %dma_start3A_2950, %dma_start3A_2951] : memref<6x16x8x128xf32, #tpu.memory_space<vmem>> -> memref<1x16x8x128xf32, #tpu.memory_space<vmem>>
    %dma_start3A_2953 = tpu.memref_squeeze %dma_start3A_2952 : memref<1x16x8x128xf32, #tpu.memory_space<vmem>> -> memref<16x8x128xf32, #tpu.memory_space<vmem>>
    %dma_start3A_2954 = arith.constant 0 : i32
    %dma_start3A_2955 = arith.constant 0 : i32
    %dma_start3A_2956 = arith.constant 0 : i32
    %dma_start3A_2957 = tpu.memref_slice %arg3[%add3A_2945, %dma_start3A_2947, %dma_start3A_2954, %dma_start3A_2955, %dma_start3A_2956] : memref<128x8x16x8x128xf32, #tpu.memory_space<hbm>> -> memref<1x1x16x8x128xf32, #tpu.memory_space<hbm>>
    %dma_start3A_2958 = tpu.memref_squeeze %dma_start3A_2957 : memref<1x1x16x8x128xf32, #tpu.memory_space<hbm>> -> memref<16x8x128xf32, #tpu.memory_space<hbm>>
    %dma_start3A_2959 = tpu.memref_slice %arg6[%dma_start3A_2948] : memref<6x!tpu.dma_semaphore, #tpu.memory_space<semaphore_mem>> -> memref<1x!tpu.dma_semaphore, #tpu.memory_space<semaphore_mem>>
    %dma_start3A_2960 = tpu.memref_squeeze %dma_start3A_2959 : memref<1x!tpu.dma_semaphore, #tpu.memory_space<semaphore_mem>> -> memref<!tpu.dma_semaphore, #tpu.memory_space<semaphore_mem>>
    %dma_start3A_2961 = arith.constant 0 : i32
    %dma_start3A_2962 = arith.constant 0 : i32
    %dma_start3A_2963 = arith.constant 0 : i32
    %dma_start3A_2964 = tpu.memref_slice %arg3[%add3A_2945, %dma_start3A_2947, %dma_start3A_2961, %dma_start3A_2962, %dma_start3A_2963] : memref<128x8x16x8x128xf32, #tpu.memory_space<hbm>> -> memref<1x1x16x8x128xf32, #tpu.memory_space<hbm>>
    %dma_start3A_2965 = tpu.memref_squeeze %dma_start3A_2964 : memref<1x1x16x8x128xf32, #tpu.memory_space<hbm>> -> memref<16x8x128xf32, #tpu.memory_space<hbm>>
    %dma_start3A_2966 = arith.constant 0 : i32
    %dma_start3A_2967 = arith.constant 0 : i32
    %dma_start3A_2968 = arith.constant 0 : i32
    %dma_start3A_2969 = tpu.memref_slice %arg4[%dma_start3A_2946, %dma_start3A_2966, %dma_start3A_2967, %dma_start3A_2968] : memref<6x16x8x128xf32, #tpu.memory_space<vmem>> -> memref<1x16x8x128xf32, #tpu.memory_space<vmem>>
    %dma_start3A_2970 = tpu.memref_squeeze %dma_start3A_2969 : memref<1x16x8x128xf32, #tpu.memory_space<vmem>> -> memref<16x8x128xf32, #tpu.memory_space<vmem>>
    tpu.enqueue_dma source(%dma_start3A_2970 : memref<16x8x128xf32, #tpu.memory_space<vmem>>) target(%dma_start3A_2965 : memref<16x8x128xf32, #tpu.memory_space<hbm>>) target_semaphore(%dma_start3A_2960 : memref<!tpu.dma_semaphore, #tpu.memory_space<semaphore_mem>>)
    %add3A_2971 = arith.constant 3 : i32
    %add3A_2972 = arith.addi %mul3A_2, %add3A_2971 : i32
    %dma_wait3A_2973 = arith.constant 0 : i32
    %dma_wait3A_2974 = arith.constant 0 : i32
    %dma_wait3A_2975 = arith.constant 0 : i32
    %dma_wait3A_2976 = arith.constant 0 : i32
    %dma_wait3A_2977 = arith.constant 0 : i32
    %dma_wait3A_2978 = arith.constant 0 : i32
    %dma_wait3A_2979 = tpu.memref_slice %arg4[%dma_wait3A_2973, %dma_wait3A_2976, %dma_wait3A_2977, %dma_wait3A_2978] : memref<6x16x8x128xf32, #tpu.memory_space<vmem>> -> memref<1x16x8x128xf32, #tpu.memory_space<vmem>>
    %dma_wait3A_2980 = tpu.memref_squeeze %dma_wait3A_2979 : memref<1x16x8x128xf32, #tpu.memory_space<vmem>> -> memref<16x8x128xf32, #tpu.memory_space<vmem>>
    %dma_wait3A_2981 = arith.constant 0 : i32
    %dma_wait3A_2982 = arith.constant 0 : i32
    %dma_wait3A_2983 = arith.constant 0 : i32
    %dma_wait3A_2984 = tpu.memref_slice %arg3[%add3A_2972, %dma_wait3A_2974, %dma_wait3A_2981, %dma_wait3A_2982, %dma_wait3A_2983] : memref<128x8x16x8x128xf32, #tpu.memory_space<hbm>> -> memref<1x1x16x8x128xf32, #tpu.memory_space<hbm>>
    %dma_wait3A_2985 = tpu.memref_squeeze %dma_wait3A_2984 : memref<1x1x16x8x128xf32, #tpu.memory_space<hbm>> -> memref<16x8x128xf32, #tpu.memory_space<hbm>>
    %dma_wait3A_2986 = tpu.memref_slice %arg6[%dma_wait3A_2975] : memref<6x!tpu.dma_semaphore, #tpu.memory_space<semaphore_mem>> -> memref<1x!tpu.dma_semaphore, #tpu.memory_space<semaphore_mem>>
    %dma_wait3A_2987 = tpu.memref_squeeze %dma_wait3A_2986 : memref<1x!tpu.dma_semaphore, #tpu.memory_space<semaphore_mem>> -> memref<!tpu.dma_semaphore, #tpu.memory_space<semaphore_mem>>
    %dma_wait3A_2988 = arith.constant 0 : i32
    %dma_wait3A_2989 = arith.constant 0 : i32
    %dma_wait3A_2990 = arith.constant 0 : i32
    %dma_wait3A_2991 = tpu.memref_slice %arg3[%add3A_2972, %dma_wait3A_2974, %dma_wait3A_2988, %dma_wait3A_2989, %dma_wait3A_2990] : memref<128x8x16x8x128xf32, #tpu.memory_space<hbm>> -> memref<1x1x16x8x128xf32, #tpu.memory_space<hbm>>
    %dma_wait3A_2992 = tpu.memref_squeeze %dma_wait3A_2991 : memref<1x1x16x8x128xf32, #tpu.memory_space<hbm>> -> memref<16x8x128xf32, #tpu.memory_space<hbm>>
    %dma_wait3A_2993 = arith.constant 0 : i32
    %dma_wait3A_2994 = arith.constant 0 : i32
    %dma_wait3A_2995 = arith.constant 0 : i32
    %dma_wait3A_2996 = tpu.memref_slice %arg4[%dma_wait3A_2973, %dma_wait3A_2993, %dma_wait3A_2994, %dma_wait3A_2995] : memref<6x16x8x128xf32, #tpu.memory_space<vmem>> -> memref<1x16x8x128xf32, #tpu.memory_space<vmem>>
    %dma_wait3A_2997 = tpu.memref_squeeze %dma_wait3A_2996 : memref<1x16x8x128xf32, #tpu.memory_space<vmem>> -> memref<16x8x128xf32, #tpu.memory_space<vmem>>
    tpu.wait_dma2 semaphore(%dma_wait3A_2987 : memref<!tpu.dma_semaphore, #tpu.memory_space<semaphore_mem>>) src(%dma_wait3A_2997 : memref<16x8x128xf32, #tpu.memory_space<vmem>>) dst(%dma_wait3A_2992 : memref<16x8x128xf32, #tpu.memory_space<hbm>>)
    %add3A_2998 = arith.constant 3 : i32
    %add3A_2999 = arith.addi %mul3A_2, %add3A_2998 : i32
    %dma_start3A_3000 = arith.constant 6 : i32
    %dma_start3A_3001 = arith.constant 0 : i32
    %dma_start3A_3002 = arith.constant 0 : i32
    %dma_start3A_3003 = arith.constant 0 : i32
    %dma_start3A_3004 = arith.constant 0 : i32
    %dma_start3A_3005 = arith.constant 0 : i32
    %dma_start3A_3006 = tpu.memref_slice %arg4[%dma_start3A_3001, %dma_start3A_3003, %dma_start3A_3004, %dma_start3A_3005] : memref<6x16x8x128xf32, #tpu.memory_space<vmem>> -> memref<1x16x8x128xf32, #tpu.memory_space<vmem>>
    %dma_start3A_3007 = tpu.memref_squeeze %dma_start3A_3006 : memref<1x16x8x128xf32, #tpu.memory_space<vmem>> -> memref<16x8x128xf32, #tpu.memory_space<vmem>>
    %dma_start3A_3008 = arith.constant 0 : i32
    %dma_start3A_3009 = arith.constant 0 : i32
    %dma_start3A_3010 = arith.constant 0 : i32
    %dma_start3A_3011 = tpu.memref_slice %arg2[%add3A_2999, %dma_start3A_3000, %dma_start3A_3008, %dma_start3A_3009, %dma_start3A_3010] : memref<128x8x16x8x128xf32, #tpu.memory_space<hbm>> -> memref<1x1x16x8x128xf32, #tpu.memory_space<hbm>>
    %dma_start3A_3012 = tpu.memref_squeeze %dma_start3A_3011 : memref<1x1x16x8x128xf32, #tpu.memory_space<hbm>> -> memref<16x8x128xf32, #tpu.memory_space<hbm>>
    %dma_start3A_3013 = tpu.memref_slice %arg5[%dma_start3A_3002] : memref<6x!tpu.dma_semaphore, #tpu.memory_space<semaphore_mem>> -> memref<1x!tpu.dma_semaphore, #tpu.memory_space<semaphore_mem>>
    %dma_start3A_3014 = tpu.memref_squeeze %dma_start3A_3013 : memref<1x!tpu.dma_semaphore, #tpu.memory_space<semaphore_mem>> -> memref<!tpu.dma_semaphore, #tpu.memory_space<semaphore_mem>>
    %dma_start3A_3015 = arith.constant 0 : i32
    %dma_start3A_3016 = arith.constant 0 : i32
    %dma_start3A_3017 = arith.constant 0 : i32
    %dma_start3A_3018 = tpu.memref_slice %arg4[%dma_start3A_3001, %dma_start3A_3015, %dma_start3A_3016, %dma_start3A_3017] : memref<6x16x8x128xf32, #tpu.memory_space<vmem>> -> memref<1x16x8x128xf32, #tpu.memory_space<vmem>>
    %dma_start3A_3019 = tpu.memref_squeeze %dma_start3A_3018 : memref<1x16x8x128xf32, #tpu.memory_space<vmem>> -> memref<16x8x128xf32, #tpu.memory_space<vmem>>
    %dma_start3A_3020 = arith.constant 0 : i32
    %dma_start3A_3021 = arith.constant 0 : i32
    %dma_start3A_3022 = arith.constant 0 : i32
    %dma_start3A_3023 = tpu.memref_slice %arg2[%add3A_2999, %dma_start3A_3000, %dma_start3A_3020, %dma_start3A_3021, %dma_start3A_3022] : memref<128x8x16x8x128xf32, #tpu.memory_space<hbm>> -> memref<1x1x16x8x128xf32, #tpu.memory_space<hbm>>
    %dma_start3A_3024 = tpu.memref_squeeze %dma_start3A_3023 : memref<1x1x16x8x128xf32, #tpu.memory_space<hbm>> -> memref<16x8x128xf32, #tpu.memory_space<hbm>>
    tpu.enqueue_dma source(%dma_start3A_3024 : memref<16x8x128xf32, #tpu.memory_space<hbm>>) target(%dma_start3A_3019 : memref<16x8x128xf32, #tpu.memory_space<vmem>>) target_semaphore(%dma_start3A_3014 : memref<!tpu.dma_semaphore, #tpu.memory_space<semaphore_mem>>)
    %add3A_3025 = arith.constant 3 : i32
    %add3A_3026 = arith.addi %mul3A_2, %add3A_3025 : i32
    %dma_wait3A_3027 = arith.constant 4 : i32
    %dma_wait3A_3028 = arith.constant 4 : i32
    %dma_wait3A_3029 = arith.constant 4 : i32
    %dma_wait3A_3030 = arith.constant 0 : i32
    %dma_wait3A_3031 = arith.constant 0 : i32
    %dma_wait3A_3032 = arith.constant 0 : i32
    %dma_wait3A_3033 = tpu.memref_slice %arg4[%dma_wait3A_3028, %dma_wait3A_3030, %dma_wait3A_3031, %dma_wait3A_3032] : memref<6x16x8x128xf32, #tpu.memory_space<vmem>> -> memref<1x16x8x128xf32, #tpu.memory_space<vmem>>
    %dma_wait3A_3034 = tpu.memref_squeeze %dma_wait3A_3033 : memref<1x16x8x128xf32, #tpu.memory_space<vmem>> -> memref<16x8x128xf32, #tpu.memory_space<vmem>>
    %dma_wait3A_3035 = arith.constant 0 : i32
    %dma_wait3A_3036 = arith.constant 0 : i32
    %dma_wait3A_3037 = arith.constant 0 : i32
    %dma_wait3A_3038 = tpu.memref_slice %arg2[%add3A_3026, %dma_wait3A_3027, %dma_wait3A_3035, %dma_wait3A_3036, %dma_wait3A_3037] : memref<128x8x16x8x128xf32, #tpu.memory_space<hbm>> -> memref<1x1x16x8x128xf32, #tpu.memory_space<hbm>>
    %dma_wait3A_3039 = tpu.memref_squeeze %dma_wait3A_3038 : memref<1x1x16x8x128xf32, #tpu.memory_space<hbm>> -> memref<16x8x128xf32, #tpu.memory_space<hbm>>
    %dma_wait3A_3040 = tpu.memref_slice %arg5[%dma_wait3A_3029] : memref<6x!tpu.dma_semaphore, #tpu.memory_space<semaphore_mem>> -> memref<1x!tpu.dma_semaphore, #tpu.memory_space<semaphore_mem>>
    %dma_wait3A_3041 = tpu.memref_squeeze %dma_wait3A_3040 : memref<1x!tpu.dma_semaphore, #tpu.memory_space<semaphore_mem>> -> memref<!tpu.dma_semaphore, #tpu.memory_space<semaphore_mem>>
    %dma_wait3A_3042 = arith.constant 0 : i32
    %dma_wait3A_3043 = arith.constant 0 : i32
    %dma_wait3A_3044 = arith.constant 0 : i32
    %dma_wait3A_3045 = tpu.memref_slice %arg4[%dma_wait3A_3028, %dma_wait3A_3042, %dma_wait3A_3043, %dma_wait3A_3044] : memref<6x16x8x128xf32, #tpu.memory_space<vmem>> -> memref<1x16x8x128xf32, #tpu.memory_space<vmem>>
    %dma_wait3A_3046 = tpu.memref_squeeze %dma_wait3A_3045 : memref<1x16x8x128xf32, #tpu.memory_space<vmem>> -> memref<16x8x128xf32, #tpu.memory_space<vmem>>
    %dma_wait3A_3047 = arith.constant 0 : i32
    %dma_wait3A_3048 = arith.constant 0 : i32
    %dma_wait3A_3049 = arith.constant 0 : i32
    %dma_wait3A_3050 = tpu.memref_slice %arg2[%add3A_3026, %dma_wait3A_3027, %dma_wait3A_3047, %dma_wait3A_3048, %dma_wait3A_3049] : memref<128x8x16x8x128xf32, #tpu.memory_space<hbm>> -> memref<1x1x16x8x128xf32, #tpu.memory_space<hbm>>
    %dma_wait3A_3051 = tpu.memref_squeeze %dma_wait3A_3050 : memref<1x1x16x8x128xf32, #tpu.memory_space<hbm>> -> memref<16x8x128xf32, #tpu.memory_space<hbm>>
    tpu.wait_dma2 semaphore(%dma_wait3A_3041 : memref<!tpu.dma_semaphore, #tpu.memory_space<semaphore_mem>>) src(%dma_wait3A_3051 : memref<16x8x128xf32, #tpu.memory_space<hbm>>) dst(%dma_wait3A_3046 : memref<16x8x128xf32, #tpu.memory_space<vmem>>)
    %add3A_3052 = arith.constant 3 : i32
    %add3A_3053 = arith.addi %mul3A_2, %add3A_3052 : i32
    %dma_start3A_3054 = arith.constant 4 : i32
    %dma_start3A_3055 = arith.constant 4 : i32
    %dma_start3A_3056 = arith.constant 4 : i32
    %dma_start3A_3057 = arith.constant 0 : i32
    %dma_start3A_3058 = arith.constant 0 : i32
    %dma_start3A_3059 = arith.constant 0 : i32
    %dma_start3A_3060 = tpu.memref_slice %arg4[%dma_start3A_3054, %dma_start3A_3057, %dma_start3A_3058, %dma_start3A_3059] : memref<6x16x8x128xf32, #tpu.memory_space<vmem>> -> memref<1x16x8x128xf32, #tpu.memory_space<vmem>>
    %dma_start3A_3061 = tpu.memref_squeeze %dma_start3A_3060 : memref<1x16x8x128xf32, #tpu.memory_space<vmem>> -> memref<16x8x128xf32, #tpu.memory_space<vmem>>
    %dma_start3A_3062 = arith.constant 0 : i32
    %dma_start3A_3063 = arith.constant 0 : i32
    %dma_start3A_3064 = arith.constant 0 : i32
    %dma_start3A_3065 = tpu.memref_slice %arg3[%add3A_3053, %dma_start3A_3055, %dma_start3A_3062, %dma_start3A_3063, %dma_start3A_3064] : memref<128x8x16x8x128xf32, #tpu.memory_space<hbm>> -> memref<1x1x16x8x128xf32, #tpu.memory_space<hbm>>
    %dma_start3A_3066 = tpu.memref_squeeze %dma_start3A_3065 : memref<1x1x16x8x128xf32, #tpu.memory_space<hbm>> -> memref<16x8x128xf32, #tpu.memory_space<hbm>>
    %dma_start3A_3067 = tpu.memref_slice %arg6[%dma_start3A_3056] : memref<6x!tpu.dma_semaphore, #tpu.memory_space<semaphore_mem>> -> memref<1x!tpu.dma_semaphore, #tpu.memory_space<semaphore_mem>>
    %dma_start3A_3068 = tpu.memref_squeeze %dma_start3A_3067 : memref<1x!tpu.dma_semaphore, #tpu.memory_space<semaphore_mem>> -> memref<!tpu.dma_semaphore, #tpu.memory_space<semaphore_mem>>
    %dma_start3A_3069 = arith.constant 0 : i32
    %dma_start3A_3070 = arith.constant 0 : i32
    %dma_start3A_3071 = arith.constant 0 : i32
    %dma_start3A_3072 = tpu.memref_slice %arg3[%add3A_3053, %dma_start3A_3055, %dma_start3A_3069, %dma_start3A_3070, %dma_start3A_3071] : memref<128x8x16x8x128xf32, #tpu.memory_space<hbm>> -> memref<1x1x16x8x128xf32, #tpu.memory_space<hbm>>
    %dma_start3A_3073 = tpu.memref_squeeze %dma_start3A_3072 : memref<1x1x16x8x128xf32, #tpu.memory_space<hbm>> -> memref<16x8x128xf32, #tpu.memory_space<hbm>>
    %dma_start3A_3074 = arith.constant 0 : i32
    %dma_start3A_3075 = arith.constant 0 : i32
    %dma_start3A_3076 = arith.constant 0 : i32
    %dma_start3A_3077 = tpu.memref_slice %arg4[%dma_start3A_3054, %dma_start3A_3074, %dma_start3A_3075, %dma_start3A_3076] : memref<6x16x8x128xf32, #tpu.memory_space<vmem>> -> memref<1x16x8x128xf32, #tpu.memory_space<vmem>>
    %dma_start3A_3078 = tpu.memref_squeeze %dma_start3A_3077 : memref<1x16x8x128xf32, #tpu.memory_space<vmem>> -> memref<16x8x128xf32, #tpu.memory_space<vmem>>
    tpu.enqueue_dma source(%dma_start3A_3078 : memref<16x8x128xf32, #tpu.memory_space<vmem>>) target(%dma_start3A_3073 : memref<16x8x128xf32, #tpu.memory_space<hbm>>) target_semaphore(%dma_start3A_3068 : memref<!tpu.dma_semaphore, #tpu.memory_space<semaphore_mem>>)
    %add3A_3079 = arith.constant 3 : i32
    %add3A_3080 = arith.addi %mul3A_2, %add3A_3079 : i32
    %dma_wait3A_3081 = arith.constant 1 : i32
    %dma_wait3A_3082 = arith.constant 1 : i32
    %dma_wait3A_3083 = arith.constant 1 : i32
    %dma_wait3A_3084 = arith.constant 0 : i32
    %dma_wait3A_3085 = arith.constant 0 : i32
    %dma_wait3A_3086 = arith.constant 0 : i32
    %dma_wait3A_3087 = tpu.memref_slice %arg4[%dma_wait3A_3081, %dma_wait3A_3084, %dma_wait3A_3085, %dma_wait3A_3086] : memref<6x16x8x128xf32, #tpu.memory_space<vmem>> -> memref<1x16x8x128xf32, #tpu.memory_space<vmem>>
    %dma_wait3A_3088 = tpu.memref_squeeze %dma_wait3A_3087 : memref<1x16x8x128xf32, #tpu.memory_space<vmem>> -> memref<16x8x128xf32, #tpu.memory_space<vmem>>
    %dma_wait3A_3089 = arith.constant 0 : i32
    %dma_wait3A_3090 = arith.constant 0 : i32
    %dma_wait3A_3091 = arith.constant 0 : i32
    %dma_wait3A_3092 = tpu.memref_slice %arg3[%add3A_3080, %dma_wait3A_3082, %dma_wait3A_3089, %dma_wait3A_3090, %dma_wait3A_3091] : memref<128x8x16x8x128xf32, #tpu.memory_space<hbm>> -> memref<1x1x16x8x128xf32, #tpu.memory_space<hbm>>
    %dma_wait3A_3093 = tpu.memref_squeeze %dma_wait3A_3092 : memref<1x1x16x8x128xf32, #tpu.memory_space<hbm>> -> memref<16x8x128xf32, #tpu.memory_space<hbm>>
    %dma_wait3A_3094 = tpu.memref_slice %arg6[%dma_wait3A_3083] : memref<6x!tpu.dma_semaphore, #tpu.memory_space<semaphore_mem>> -> memref<1x!tpu.dma_semaphore, #tpu.memory_space<semaphore_mem>>
    %dma_wait3A_3095 = tpu.memref_squeeze %dma_wait3A_3094 : memref<1x!tpu.dma_semaphore, #tpu.memory_space<semaphore_mem>> -> memref<!tpu.dma_semaphore, #tpu.memory_space<semaphore_mem>>
    %dma_wait3A_3096 = arith.constant 0 : i32
    %dma_wait3A_3097 = arith.constant 0 : i32
    %dma_wait3A_3098 = arith.constant 0 : i32
    %dma_wait3A_3099 = tpu.memref_slice %arg3[%add3A_3080, %dma_wait3A_3082, %dma_wait3A_3096, %dma_wait3A_3097, %dma_wait3A_3098] : memref<128x8x16x8x128xf32, #tpu.memory_space<hbm>> -> memref<1x1x16x8x128xf32, #tpu.memory_space<hbm>>
    %dma_wait3A_3100 = tpu.memref_squeeze %dma_wait3A_3099 : memref<1x1x16x8x128xf32, #tpu.memory_space<hbm>> -> memref<16x8x128xf32, #tpu.memory_space<hbm>>
    %dma_wait3A_3101 = arith.constant 0 : i32
    %dma_wait3A_3102 = arith.constant 0 : i32
    %dma_wait3A_3103 = arith.constant 0 : i32
    %dma_wait3A_3104 = tpu.memref_slice %arg4[%dma_wait3A_3081, %dma_wait3A_3101, %dma_wait3A_3102, %dma_wait3A_3103] : memref<6x16x8x128xf32, #tpu.memory_space<vmem>> -> memref<1x16x8x128xf32, #tpu.memory_space<vmem>>
    %dma_wait3A_3105 = tpu.memref_squeeze %dma_wait3A_3104 : memref<1x16x8x128xf32, #tpu.memory_space<vmem>> -> memref<16x8x128xf32, #tpu.memory_space<vmem>>
    tpu.wait_dma2 semaphore(%dma_wait3A_3095 : memref<!tpu.dma_semaphore, #tpu.memory_space<semaphore_mem>>) src(%dma_wait3A_3105 : memref<16x8x128xf32, #tpu.memory_space<vmem>>) dst(%dma_wait3A_3100 : memref<16x8x128xf32, #tpu.memory_space<hbm>>)
    %add3A_3106 = arith.constant 3 : i32
    %add3A_3107 = arith.addi %mul3A_2, %add3A_3106 : i32
    %dma_start3A_3108 = arith.constant 7 : i32
    %dma_start3A_3109 = arith.constant 1 : i32
    %dma_start3A_3110 = arith.constant 1 : i32
    %dma_start3A_3111 = arith.constant 0 : i32
    %dma_start3A_3112 = arith.constant 0 : i32
    %dma_start3A_3113 = arith.constant 0 : i32
    %dma_start3A_3114 = tpu.memref_slice %arg4[%dma_start3A_3109, %dma_start3A_3111, %dma_start3A_3112, %dma_start3A_3113] : memref<6x16x8x128xf32, #tpu.memory_space<vmem>> -> memref<1x16x8x128xf32, #tpu.memory_space<vmem>>
    %dma_start3A_3115 = tpu.memref_squeeze %dma_start3A_3114 : memref<1x16x8x128xf32, #tpu.memory_space<vmem>> -> memref<16x8x128xf32, #tpu.memory_space<vmem>>
    %dma_start3A_3116 = arith.constant 0 : i32
    %dma_start3A_3117 = arith.constant 0 : i32
    %dma_start3A_3118 = arith.constant 0 : i32
    %dma_start3A_3119 = tpu.memref_slice %arg2[%add3A_3107, %dma_start3A_3108, %dma_start3A_3116, %dma_start3A_3117, %dma_start3A_3118] : memref<128x8x16x8x128xf32, #tpu.memory_space<hbm>> -> memref<1x1x16x8x128xf32, #tpu.memory_space<hbm>>
    %dma_start3A_3120 = tpu.memref_squeeze %dma_start3A_3119 : memref<1x1x16x8x128xf32, #tpu.memory_space<hbm>> -> memref<16x8x128xf32, #tpu.memory_space<hbm>>
    %dma_start3A_3121 = tpu.memref_slice %arg5[%dma_start3A_3110] : memref<6x!tpu.dma_semaphore, #tpu.memory_space<semaphore_mem>> -> memref<1x!tpu.dma_semaphore, #tpu.memory_space<semaphore_mem>>
    %dma_start3A_3122 = tpu.memref_squeeze %dma_start3A_3121 : memref<1x!tpu.dma_semaphore, #tpu.memory_space<semaphore_mem>> -> memref<!tpu.dma_semaphore, #tpu.memory_space<semaphore_mem>>
    %dma_start3A_3123 = arith.constant 0 : i32
    %dma_start3A_3124 = arith.constant 0 : i32
    %dma_start3A_3125 = arith.constant 0 : i32
    %dma_start3A_3126 = tpu.memref_slice %arg4[%dma_start3A_3109, %dma_start3A_3123, %dma_start3A_3124, %dma_start3A_3125] : memref<6x16x8x128xf32, #tpu.memory_space<vmem>> -> memref<1x16x8x128xf32, #tpu.memory_space<vmem>>
    %dma_start3A_3127 = tpu.memref_squeeze %dma_start3A_3126 : memref<1x16x8x128xf32, #tpu.memory_space<vmem>> -> memref<16x8x128xf32, #tpu.memory_space<vmem>>
    %dma_start3A_3128 = arith.constant 0 : i32
    %dma_start3A_3129 = arith.constant 0 : i32
    %dma_start3A_3130 = arith.constant 0 : i32
    %dma_start3A_3131 = tpu.memref_slice %arg2[%add3A_3107, %dma_start3A_3108, %dma_start3A_3128, %dma_start3A_3129, %dma_start3A_3130] : memref<128x8x16x8x128xf32, #tpu.memory_space<hbm>> -> memref<1x1x16x8x128xf32, #tpu.memory_space<hbm>>
    %dma_start3A_3132 = tpu.memref_squeeze %dma_start3A_3131 : memref<1x1x16x8x128xf32, #tpu.memory_space<hbm>> -> memref<16x8x128xf32, #tpu.memory_space<hbm>>
    tpu.enqueue_dma source(%dma_start3A_3132 : memref<16x8x128xf32, #tpu.memory_space<hbm>>) target(%dma_start3A_3127 : memref<16x8x128xf32, #tpu.memory_space<vmem>>) target_semaphore(%dma_start3A_3122 : memref<!tpu.dma_semaphore, #tpu.memory_space<semaphore_mem>>)
    %add3A_3133 = arith.constant 3 : i32
    %add3A_3134 = arith.addi %mul3A_2, %add3A_3133 : i32
    %dma_wait3A_3135 = arith.constant 5 : i32
    %dma_wait3A_3136 = arith.constant 5 : i32
    %dma_wait3A_3137 = arith.constant 5 : i32
    %dma_wait3A_3138 = arith.constant 0 : i32
    %dma_wait3A_3139 = arith.constant 0 : i32
    %dma_wait3A_3140 = arith.constant 0 : i32
    %dma_wait3A_3141 = tpu.memref_slice %arg4[%dma_wait3A_3136, %dma_wait3A_3138, %dma_wait3A_3139, %dma_wait3A_3140] : memref<6x16x8x128xf32, #tpu.memory_space<vmem>> -> memref<1x16x8x128xf32, #tpu.memory_space<vmem>>
    %dma_wait3A_3142 = tpu.memref_squeeze %dma_wait3A_3141 : memref<1x16x8x128xf32, #tpu.memory_space<vmem>> -> memref<16x8x128xf32, #tpu.memory_space<vmem>>
    %dma_wait3A_3143 = arith.constant 0 : i32
    %dma_wait3A_3144 = arith.constant 0 : i32
    %dma_wait3A_3145 = arith.constant 0 : i32
    %dma_wait3A_3146 = tpu.memref_slice %arg2[%add3A_3134, %dma_wait3A_3135, %dma_wait3A_3143, %dma_wait3A_3144, %dma_wait3A_3145] : memref<128x8x16x8x128xf32, #tpu.memory_space<hbm>> -> memref<1x1x16x8x128xf32, #tpu.memory_space<hbm>>
    %dma_wait3A_3147 = tpu.memref_squeeze %dma_wait3A_3146 : memref<1x1x16x8x128xf32, #tpu.memory_space<hbm>> -> memref<16x8x128xf32, #tpu.memory_space<hbm>>
    %dma_wait3A_3148 = tpu.memref_slice %arg5[%dma_wait3A_3137] : memref<6x!tpu.dma_semaphore, #tpu.memory_space<semaphore_mem>> -> memref<1x!tpu.dma_semaphore, #tpu.memory_space<semaphore_mem>>
    %dma_wait3A_3149 = tpu.memref_squeeze %dma_wait3A_3148 : memref<1x!tpu.dma_semaphore, #tpu.memory_space<semaphore_mem>> -> memref<!tpu.dma_semaphore, #tpu.memory_space<semaphore_mem>>
    %dma_wait3A_3150 = arith.constant 0 : i32
    %dma_wait3A_3151 = arith.constant 0 : i32
    %dma_wait3A_3152 = arith.constant 0 : i32
    %dma_wait3A_3153 = tpu.memref_slice %arg4[%dma_wait3A_3136, %dma_wait3A_3150, %dma_wait3A_3151, %dma_wait3A_3152] : memref<6x16x8x128xf32, #tpu.memory_space<vmem>> -> memref<1x16x8x128xf32, #tpu.memory_space<vmem>>
    %dma_wait3A_3154 = tpu.memref_squeeze %dma_wait3A_3153 : memref<1x16x8x128xf32, #tpu.memory_space<vmem>> -> memref<16x8x128xf32, #tpu.memory_space<vmem>>
    %dma_wait3A_3155 = arith.constant 0 : i32
    %dma_wait3A_3156 = arith.constant 0 : i32
    %dma_wait3A_3157 = arith.constant 0 : i32
    %dma_wait3A_3158 = tpu.memref_slice %arg2[%add3A_3134, %dma_wait3A_3135, %dma_wait3A_3155, %dma_wait3A_3156, %dma_wait3A_3157] : memref<128x8x16x8x128xf32, #tpu.memory_space<hbm>> -> memref<1x1x16x8x128xf32, #tpu.memory_space<hbm>>
    %dma_wait3A_3159 = tpu.memref_squeeze %dma_wait3A_3158 : memref<1x1x16x8x128xf32, #tpu.memory_space<hbm>> -> memref<16x8x128xf32, #tpu.memory_space<hbm>>
    tpu.wait_dma2 semaphore(%dma_wait3A_3149 : memref<!tpu.dma_semaphore, #tpu.memory_space<semaphore_mem>>) src(%dma_wait3A_3159 : memref<16x8x128xf32, #tpu.memory_space<hbm>>) dst(%dma_wait3A_3154 : memref<16x8x128xf32, #tpu.memory_space<vmem>>)
    %add3A_3160 = arith.constant 3 : i32
    %add3A_3161 = arith.addi %mul3A_2, %add3A_3160 : i32
    %dma_start3A_3162 = arith.constant 5 : i32
    %dma_start3A_3163 = arith.constant 5 : i32
    %dma_start3A_3164 = arith.constant 5 : i32
    %dma_start3A_3165 = arith.constant 0 : i32
    %dma_start3A_3166 = arith.constant 0 : i32
    %dma_start3A_3167 = arith.constant 0 : i32
    %dma_start3A_3168 = tpu.memref_slice %arg4[%dma_start3A_3162, %dma_start3A_3165, %dma_start3A_3166, %dma_start3A_3167] : memref<6x16x8x128xf32, #tpu.memory_space<vmem>> -> memref<1x16x8x128xf32, #tpu.memory_space<vmem>>
    %dma_start3A_3169 = tpu.memref_squeeze %dma_start3A_3168 : memref<1x16x8x128xf32, #tpu.memory_space<vmem>> -> memref<16x8x128xf32, #tpu.memory_space<vmem>>
    %dma_start3A_3170 = arith.constant 0 : i32
    %dma_start3A_3171 = arith.constant 0 : i32
    %dma_start3A_3172 = arith.constant 0 : i32
    %dma_start3A_3173 = tpu.memref_slice %arg3[%add3A_3161, %dma_start3A_3163, %dma_start3A_3170, %dma_start3A_3171, %dma_start3A_3172] : memref<128x8x16x8x128xf32, #tpu.memory_space<hbm>> -> memref<1x1x16x8x128xf32, #tpu.memory_space<hbm>>
    %dma_start3A_3174 = tpu.memref_squeeze %dma_start3A_3173 : memref<1x1x16x8x128xf32, #tpu.memory_space<hbm>> -> memref<16x8x128xf32, #tpu.memory_space<hbm>>
    %dma_start3A_3175 = tpu.memref_slice %arg6[%dma_start3A_3164] : memref<6x!tpu.dma_semaphore, #tpu.memory_space<semaphore_mem>> -> memref<1x!tpu.dma_semaphore, #tpu.memory_space<semaphore_mem>>
    %dma_start3A_3176 = tpu.memref_squeeze %dma_start3A_3175 : memref<1x!tpu.dma_semaphore, #tpu.memory_space<semaphore_mem>> -> memref<!tpu.dma_semaphore, #tpu.memory_space<semaphore_mem>>
    %dma_start3A_3177 = arith.constant 0 : i32
    %dma_start3A_3178 = arith.constant 0 : i32
    %dma_start3A_3179 = arith.constant 0 : i32
    %dma_start3A_3180 = tpu.memref_slice %arg3[%add3A_3161, %dma_start3A_3163, %dma_start3A_3177, %dma_start3A_3178, %dma_start3A_3179] : memref<128x8x16x8x128xf32, #tpu.memory_space<hbm>> -> memref<1x1x16x8x128xf32, #tpu.memory_space<hbm>>
    %dma_start3A_3181 = tpu.memref_squeeze %dma_start3A_3180 : memref<1x1x16x8x128xf32, #tpu.memory_space<hbm>> -> memref<16x8x128xf32, #tpu.memory_space<hbm>>
    %dma_start3A_3182 = arith.constant 0 : i32
    %dma_start3A_3183 = arith.constant 0 : i32
    %dma_start3A_3184 = arith.constant 0 : i32
    %dma_start3A_3185 = tpu.memref_slice %arg4[%dma_start3A_3162, %dma_start3A_3182, %dma_start3A_3183, %dma_start3A_3184] : memref<6x16x8x128xf32, #tpu.memory_space<vmem>> -> memref<1x16x8x128xf32, #tpu.memory_space<vmem>>
    %dma_start3A_3186 = tpu.memref_squeeze %dma_start3A_3185 : memref<1x16x8x128xf32, #tpu.memory_space<vmem>> -> memref<16x8x128xf32, #tpu.memory_space<vmem>>
    tpu.enqueue_dma source(%dma_start3A_3186 : memref<16x8x128xf32, #tpu.memory_space<vmem>>) target(%dma_start3A_3181 : memref<16x8x128xf32, #tpu.memory_space<hbm>>) target_semaphore(%dma_start3A_3176 : memref<!tpu.dma_semaphore, #tpu.memory_space<semaphore_mem>>)
    %add3A_3187 = arith.constant 3 : i32
    %add3A_3188 = arith.addi %mul3A_2, %add3A_3187 : i32
    %dma_wait3A_3189 = arith.constant 6 : i32
    %dma_wait3A_3190 = arith.constant 0 : i32
    %dma_wait3A_3191 = arith.constant 0 : i32
    %dma_wait3A_3192 = arith.constant 0 : i32
    %dma_wait3A_3193 = arith.constant 0 : i32
    %dma_wait3A_3194 = arith.constant 0 : i32
    %dma_wait3A_3195 = tpu.memref_slice %arg4[%dma_wait3A_3190, %dma_wait3A_3192, %dma_wait3A_3193, %dma_wait3A_3194] : memref<6x16x8x128xf32, #tpu.memory_space<vmem>> -> memref<1x16x8x128xf32, #tpu.memory_space<vmem>>
    %dma_wait3A_3196 = tpu.memref_squeeze %dma_wait3A_3195 : memref<1x16x8x128xf32, #tpu.memory_space<vmem>> -> memref<16x8x128xf32, #tpu.memory_space<vmem>>
    %dma_wait3A_3197 = arith.constant 0 : i32
    %dma_wait3A_3198 = arith.constant 0 : i32
    %dma_wait3A_3199 = arith.constant 0 : i32
    %dma_wait3A_3200 = tpu.memref_slice %arg2[%add3A_3188, %dma_wait3A_3189, %dma_wait3A_3197, %dma_wait3A_3198, %dma_wait3A_3199] : memref<128x8x16x8x128xf32, #tpu.memory_space<hbm>> -> memref<1x1x16x8x128xf32, #tpu.memory_space<hbm>>
    %dma_wait3A_3201 = tpu.memref_squeeze %dma_wait3A_3200 : memref<1x1x16x8x128xf32, #tpu.memory_space<hbm>> -> memref<16x8x128xf32, #tpu.memory_space<hbm>>
    %dma_wait3A_3202 = tpu.memref_slice %arg5[%dma_wait3A_3191] : memref<6x!tpu.dma_semaphore, #tpu.memory_space<semaphore_mem>> -> memref<1x!tpu.dma_semaphore, #tpu.memory_space<semaphore_mem>>
    %dma_wait3A_3203 = tpu.memref_squeeze %dma_wait3A_3202 : memref<1x!tpu.dma_semaphore, #tpu.memory_space<semaphore_mem>> -> memref<!tpu.dma_semaphore, #tpu.memory_space<semaphore_mem>>
    %dma_wait3A_3204 = arith.constant 0 : i32
    %dma_wait3A_3205 = arith.constant 0 : i32
    %dma_wait3A_3206 = arith.constant 0 : i32
    %dma_wait3A_3207 = tpu.memref_slice %arg4[%dma_wait3A_3190, %dma_wait3A_3204, %dma_wait3A_3205, %dma_wait3A_3206] : memref<6x16x8x128xf32, #tpu.memory_space<vmem>> -> memref<1x16x8x128xf32, #tpu.memory_space<vmem>>
    %dma_wait3A_3208 = tpu.memref_squeeze %dma_wait3A_3207 : memref<1x16x8x128xf32, #tpu.memory_space<vmem>> -> memref<16x8x128xf32, #tpu.memory_space<vmem>>
    %dma_wait3A_3209 = arith.constant 0 : i32
    %dma_wait3A_3210 = arith.constant 0 : i32
    %dma_wait3A_3211 = arith.constant 0 : i32
    %dma_wait3A_3212 = tpu.memref_slice %arg2[%add3A_3188, %dma_wait3A_3189, %dma_wait3A_3209, %dma_wait3A_3210, %dma_wait3A_3211] : memref<128x8x16x8x128xf32, #tpu.memory_space<hbm>> -> memref<1x1x16x8x128xf32, #tpu.memory_space<hbm>>
    %dma_wait3A_3213 = tpu.memref_squeeze %dma_wait3A_3212 : memref<1x1x16x8x128xf32, #tpu.memory_space<hbm>> -> memref<16x8x128xf32, #tpu.memory_space<hbm>>
    tpu.wait_dma2 semaphore(%dma_wait3A_3203 : memref<!tpu.dma_semaphore, #tpu.memory_space<semaphore_mem>>) src(%dma_wait3A_3213 : memref<16x8x128xf32, #tpu.memory_space<hbm>>) dst(%dma_wait3A_3208 : memref<16x8x128xf32, #tpu.memory_space<vmem>>)
    %add3A_3214 = arith.constant 3 : i32
    %add3A_3215 = arith.addi %mul3A_2, %add3A_3214 : i32
    %dma_start3A_3216 = arith.constant 0 : i32
    %dma_start3A_3217 = arith.constant 6 : i32
    %dma_start3A_3218 = arith.constant 0 : i32
    %dma_start3A_3219 = arith.constant 0 : i32
    %dma_start3A_3220 = arith.constant 0 : i32
    %dma_start3A_3221 = arith.constant 0 : i32
    %dma_start3A_3222 = tpu.memref_slice %arg4[%dma_start3A_3216, %dma_start3A_3219, %dma_start3A_3220, %dma_start3A_3221] : memref<6x16x8x128xf32, #tpu.memory_space<vmem>> -> memref<1x16x8x128xf32, #tpu.memory_space<vmem>>
    %dma_start3A_3223 = tpu.memref_squeeze %dma_start3A_3222 : memref<1x16x8x128xf32, #tpu.memory_space<vmem>> -> memref<16x8x128xf32, #tpu.memory_space<vmem>>
    %dma_start3A_3224 = arith.constant 0 : i32
    %dma_start3A_3225 = arith.constant 0 : i32
    %dma_start3A_3226 = arith.constant 0 : i32
    %dma_start3A_3227 = tpu.memref_slice %arg3[%add3A_3215, %dma_start3A_3217, %dma_start3A_3224, %dma_start3A_3225, %dma_start3A_3226] : memref<128x8x16x8x128xf32, #tpu.memory_space<hbm>> -> memref<1x1x16x8x128xf32, #tpu.memory_space<hbm>>
    %dma_start3A_3228 = tpu.memref_squeeze %dma_start3A_3227 : memref<1x1x16x8x128xf32, #tpu.memory_space<hbm>> -> memref<16x8x128xf32, #tpu.memory_space<hbm>>
    %dma_start3A_3229 = tpu.memref_slice %arg6[%dma_start3A_3218] : memref<6x!tpu.dma_semaphore, #tpu.memory_space<semaphore_mem>> -> memref<1x!tpu.dma_semaphore, #tpu.memory_space<semaphore_mem>>
    %dma_start3A_3230 = tpu.memref_squeeze %dma_start3A_3229 : memref<1x!tpu.dma_semaphore, #tpu.memory_space<semaphore_mem>> -> memref<!tpu.dma_semaphore, #tpu.memory_space<semaphore_mem>>
    %dma_start3A_3231 = arith.constant 0 : i32
    %dma_start3A_3232 = arith.constant 0 : i32
    %dma_start3A_3233 = arith.constant 0 : i32
    %dma_start3A_3234 = tpu.memref_slice %arg3[%add3A_3215, %dma_start3A_3217, %dma_start3A_3231, %dma_start3A_3232, %dma_start3A_3233] : memref<128x8x16x8x128xf32, #tpu.memory_space<hbm>> -> memref<1x1x16x8x128xf32, #tpu.memory_space<hbm>>
    %dma_start3A_3235 = tpu.memref_squeeze %dma_start3A_3234 : memref<1x1x16x8x128xf32, #tpu.memory_space<hbm>> -> memref<16x8x128xf32, #tpu.memory_space<hbm>>
    %dma_start3A_3236 = arith.constant 0 : i32
    %dma_start3A_3237 = arith.constant 0 : i32
    %dma_start3A_3238 = arith.constant 0 : i32
    %dma_start3A_3239 = tpu.memref_slice %arg4[%dma_start3A_3216, %dma_start3A_3236, %dma_start3A_3237, %dma_start3A_3238] : memref<6x16x8x128xf32, #tpu.memory_space<vmem>> -> memref<1x16x8x128xf32, #tpu.memory_space<vmem>>
    %dma_start3A_3240 = tpu.memref_squeeze %dma_start3A_3239 : memref<1x16x8x128xf32, #tpu.memory_space<vmem>> -> memref<16x8x128xf32, #tpu.memory_space<vmem>>
    tpu.enqueue_dma source(%dma_start3A_3240 : memref<16x8x128xf32, #tpu.memory_space<vmem>>) target(%dma_start3A_3235 : memref<16x8x128xf32, #tpu.memory_space<hbm>>) target_semaphore(%dma_start3A_3230 : memref<!tpu.dma_semaphore, #tpu.memory_space<semaphore_mem>>)
    %add3A_3241 = arith.constant 3 : i32
    %add3A_3242 = arith.addi %mul3A_2, %add3A_3241 : i32
    %dma_wait3A_3243 = arith.constant 7 : i32
    %dma_wait3A_3244 = arith.constant 1 : i32
    %dma_wait3A_3245 = arith.constant 1 : i32
    %dma_wait3A_3246 = arith.constant 0 : i32
    %dma_wait3A_3247 = arith.constant 0 : i32
    %dma_wait3A_3248 = arith.constant 0 : i32
    %dma_wait3A_3249 = tpu.memref_slice %arg4[%dma_wait3A_3244, %dma_wait3A_3246, %dma_wait3A_3247, %dma_wait3A_3248] : memref<6x16x8x128xf32, #tpu.memory_space<vmem>> -> memref<1x16x8x128xf32, #tpu.memory_space<vmem>>
    %dma_wait3A_3250 = tpu.memref_squeeze %dma_wait3A_3249 : memref<1x16x8x128xf32, #tpu.memory_space<vmem>> -> memref<16x8x128xf32, #tpu.memory_space<vmem>>
    %dma_wait3A_3251 = arith.constant 0 : i32
    %dma_wait3A_3252 = arith.constant 0 : i32
    %dma_wait3A_3253 = arith.constant 0 : i32
    %dma_wait3A_3254 = tpu.memref_slice %arg2[%add3A_3242, %dma_wait3A_3243, %dma_wait3A_3251, %dma_wait3A_3252, %dma_wait3A_3253] : memref<128x8x16x8x128xf32, #tpu.memory_space<hbm>> -> memref<1x1x16x8x128xf32, #tpu.memory_space<hbm>>
    %dma_wait3A_3255 = tpu.memref_squeeze %dma_wait3A_3254 : memref<1x1x16x8x128xf32, #tpu.memory_space<hbm>> -> memref<16x8x128xf32, #tpu.memory_space<hbm>>
    %dma_wait3A_3256 = tpu.memref_slice %arg5[%dma_wait3A_3245] : memref<6x!tpu.dma_semaphore, #tpu.memory_space<semaphore_mem>> -> memref<1x!tpu.dma_semaphore, #tpu.memory_space<semaphore_mem>>
    %dma_wait3A_3257 = tpu.memref_squeeze %dma_wait3A_3256 : memref<1x!tpu.dma_semaphore, #tpu.memory_space<semaphore_mem>> -> memref<!tpu.dma_semaphore, #tpu.memory_space<semaphore_mem>>
    %dma_wait3A_3258 = arith.constant 0 : i32
    %dma_wait3A_3259 = arith.constant 0 : i32
    %dma_wait3A_3260 = arith.constant 0 : i32
    %dma_wait3A_3261 = tpu.memref_slice %arg4[%dma_wait3A_3244, %dma_wait3A_3258, %dma_wait3A_3259, %dma_wait3A_3260] : memref<6x16x8x128xf32, #tpu.memory_space<vmem>> -> memref<1x16x8x128xf32, #tpu.memory_space<vmem>>
    %dma_wait3A_3262 = tpu.memref_squeeze %dma_wait3A_3261 : memref<1x16x8x128xf32, #tpu.memory_space<vmem>> -> memref<16x8x128xf32, #tpu.memory_space<vmem>>
    %dma_wait3A_3263 = arith.constant 0 : i32
    %dma_wait3A_3264 = arith.constant 0 : i32
    %dma_wait3A_3265 = arith.constant 0 : i32
    %dma_wait3A_3266 = tpu.memref_slice %arg2[%add3A_3242, %dma_wait3A_3243, %dma_wait3A_3263, %dma_wait3A_3264, %dma_wait3A_3265] : memref<128x8x16x8x128xf32, #tpu.memory_space<hbm>> -> memref<1x1x16x8x128xf32, #tpu.memory_space<hbm>>
    %dma_wait3A_3267 = tpu.memref_squeeze %dma_wait3A_3266 : memref<1x1x16x8x128xf32, #tpu.memory_space<hbm>> -> memref<16x8x128xf32, #tpu.memory_space<hbm>>
    tpu.wait_dma2 semaphore(%dma_wait3A_3257 : memref<!tpu.dma_semaphore, #tpu.memory_space<semaphore_mem>>) src(%dma_wait3A_3267 : memref<16x8x128xf32, #tpu.memory_space<hbm>>) dst(%dma_wait3A_3262 : memref<16x8x128xf32, #tpu.memory_space<vmem>>)
    %add3A_3268 = arith.constant 3 : i32
    %add3A_3269 = arith.addi %mul3A_2, %add3A_3268 : i32
    %dma_start3A_3270 = arith.constant 1 : i32
    %dma_start3A_3271 = arith.constant 7 : i32
    %dma_start3A_3272 = arith.constant 1 : i32
    %dma_start3A_3273 = arith.constant 0 : i32
    %dma_start3A_3274 = arith.constant 0 : i32
    %dma_start3A_3275 = arith.constant 0 : i32
    %dma_start3A_3276 = tpu.memref_slice %arg4[%dma_start3A_3270, %dma_start3A_3273, %dma_start3A_3274, %dma_start3A_3275] : memref<6x16x8x128xf32, #tpu.memory_space<vmem>> -> memref<1x16x8x128xf32, #tpu.memory_space<vmem>>
    %dma_start3A_3277 = tpu.memref_squeeze %dma_start3A_3276 : memref<1x16x8x128xf32, #tpu.memory_space<vmem>> -> memref<16x8x128xf32, #tpu.memory_space<vmem>>
    %dma_start3A_3278 = arith.constant 0 : i32
    %dma_start3A_3279 = arith.constant 0 : i32
    %dma_start3A_3280 = arith.constant 0 : i32
    %dma_start3A_3281 = tpu.memref_slice %arg3[%add3A_3269, %dma_start3A_3271, %dma_start3A_3278, %dma_start3A_3279, %dma_start3A_3280] : memref<128x8x16x8x128xf32, #tpu.memory_space<hbm>> -> memref<1x1x16x8x128xf32, #tpu.memory_space<hbm>>
    %dma_start3A_3282 = tpu.memref_squeeze %dma_start3A_3281 : memref<1x1x16x8x128xf32, #tpu.memory_space<hbm>> -> memref<16x8x128xf32, #tpu.memory_space<hbm>>
    %dma_start3A_3283 = tpu.memref_slice %arg6[%dma_start3A_3272] : memref<6x!tpu.dma_semaphore, #tpu.memory_space<semaphore_mem>> -> memref<1x!tpu.dma_semaphore, #tpu.memory_space<semaphore_mem>>
    %dma_start3A_3284 = tpu.memref_squeeze %dma_start3A_3283 : memref<1x!tpu.dma_semaphore, #tpu.memory_space<semaphore_mem>> -> memref<!tpu.dma_semaphore, #tpu.memory_space<semaphore_mem>>
    %dma_start3A_3285 = arith.constant 0 : i32
    %dma_start3A_3286 = arith.constant 0 : i32
    %dma_start3A_3287 = arith.constant 0 : i32
    %dma_start3A_3288 = tpu.memref_slice %arg3[%add3A_3269, %dma_start3A_3271, %dma_start3A_3285, %dma_start3A_3286, %dma_start3A_3287] : memref<128x8x16x8x128xf32, #tpu.memory_space<hbm>> -> memref<1x1x16x8x128xf32, #tpu.memory_space<hbm>>
    %dma_start3A_3289 = tpu.memref_squeeze %dma_start3A_3288 : memref<1x1x16x8x128xf32, #tpu.memory_space<hbm>> -> memref<16x8x128xf32, #tpu.memory_space<hbm>>
    %dma_start3A_3290 = arith.constant 0 : i32
    %dma_start3A_3291 = arith.constant 0 : i32
    %dma_start3A_3292 = arith.constant 0 : i32
    %dma_start3A_3293 = tpu.memref_slice %arg4[%dma_start3A_3270, %dma_start3A_3290, %dma_start3A_3291, %dma_start3A_3292] : memref<6x16x8x128xf32, #tpu.memory_space<vmem>> -> memref<1x16x8x128xf32, #tpu.memory_space<vmem>>
    %dma_start3A_3294 = tpu.memref_squeeze %dma_start3A_3293 : memref<1x16x8x128xf32, #tpu.memory_space<vmem>> -> memref<16x8x128xf32, #tpu.memory_space<vmem>>
    tpu.enqueue_dma source(%dma_start3A_3294 : memref<16x8x128xf32, #tpu.memory_space<vmem>>) target(%dma_start3A_3289 : memref<16x8x128xf32, #tpu.memory_space<hbm>>) target_semaphore(%dma_start3A_3284 : memref<!tpu.dma_semaphore, #tpu.memory_space<semaphore_mem>>)
    %add3A_3295 = arith.constant 3 : i32
    %add3A_3296 = arith.addi %mul3A_2, %add3A_3295 : i32
    %dma_wait3A_3297 = arith.constant 2 : i32
    %dma_wait3A_3298 = arith.constant 2 : i32
    %dma_wait3A_3299 = arith.constant 2 : i32
    %dma_wait3A_3300 = arith.constant 0 : i32
    %dma_wait3A_3301 = arith.constant 0 : i32
    %dma_wait3A_3302 = arith.constant 0 : i32
    %dma_wait3A_3303 = tpu.memref_slice %arg4[%dma_wait3A_3297, %dma_wait3A_3300, %dma_wait3A_3301, %dma_wait3A_3302] : memref<6x16x8x128xf32, #tpu.memory_space<vmem>> -> memref<1x16x8x128xf32, #tpu.memory_space<vmem>>
    %dma_wait3A_3304 = tpu.memref_squeeze %dma_wait3A_3303 : memref<1x16x8x128xf32, #tpu.memory_space<vmem>> -> memref<16x8x128xf32, #tpu.memory_space<vmem>>
    %dma_wait3A_3305 = arith.constant 0 : i32
    %dma_wait3A_3306 = arith.constant 0 : i32
    %dma_wait3A_3307 = arith.constant 0 : i32
    %dma_wait3A_3308 = tpu.memref_slice %arg3[%add3A_3296, %dma_wait3A_3298, %dma_wait3A_3305, %dma_wait3A_3306, %dma_wait3A_3307] : memref<128x8x16x8x128xf32, #tpu.memory_space<hbm>> -> memref<1x1x16x8x128xf32, #tpu.memory_space<hbm>>
    %dma_wait3A_3309 = tpu.memref_squeeze %dma_wait3A_3308 : memref<1x1x16x8x128xf32, #tpu.memory_space<hbm>> -> memref<16x8x128xf32, #tpu.memory_space<hbm>>
    %dma_wait3A_3310 = tpu.memref_slice %arg6[%dma_wait3A_3299] : memref<6x!tpu.dma_semaphore, #tpu.memory_space<semaphore_mem>> -> memref<1x!tpu.dma_semaphore, #tpu.memory_space<semaphore_mem>>
    %dma_wait3A_3311 = tpu.memref_squeeze %dma_wait3A_3310 : memref<1x!tpu.dma_semaphore, #tpu.memory_space<semaphore_mem>> -> memref<!tpu.dma_semaphore, #tpu.memory_space<semaphore_mem>>
    %dma_wait3A_3312 = arith.constant 0 : i32
    %dma_wait3A_3313 = arith.constant 0 : i32
    %dma_wait3A_3314 = arith.constant 0 : i32
    %dma_wait3A_3315 = tpu.memref_slice %arg3[%add3A_3296, %dma_wait3A_3298, %dma_wait3A_3312, %dma_wait3A_3313, %dma_wait3A_3314] : memref<128x8x16x8x128xf32, #tpu.memory_space<hbm>> -> memref<1x1x16x8x128xf32, #tpu.memory_space<hbm>>
    %dma_wait3A_3316 = tpu.memref_squeeze %dma_wait3A_3315 : memref<1x1x16x8x128xf32, #tpu.memory_space<hbm>> -> memref<16x8x128xf32, #tpu.memory_space<hbm>>
    %dma_wait3A_3317 = arith.constant 0 : i32
    %dma_wait3A_3318 = arith.constant 0 : i32
    %dma_wait3A_3319 = arith.constant 0 : i32
    %dma_wait3A_3320 = tpu.memref_slice %arg4[%dma_wait3A_3297, %dma_wait3A_3317, %dma_wait3A_3318, %dma_wait3A_3319] : memref<6x16x8x128xf32, #tpu.memory_space<vmem>> -> memref<1x16x8x128xf32, #tpu.memory_space<vmem>>
    %dma_wait3A_3321 = tpu.memref_squeeze %dma_wait3A_3320 : memref<1x16x8x128xf32, #tpu.memory_space<vmem>> -> memref<16x8x128xf32, #tpu.memory_space<vmem>>
    tpu.wait_dma2 semaphore(%dma_wait3A_3311 : memref<!tpu.dma_semaphore, #tpu.memory_space<semaphore_mem>>) src(%dma_wait3A_3321 : memref<16x8x128xf32, #tpu.memory_space<vmem>>) dst(%dma_wait3A_3316 : memref<16x8x128xf32, #tpu.memory_space<hbm>>)
    %add3A_3322 = arith.constant 3 : i32
    %add3A_3323 = arith.addi %mul3A_2, %add3A_3322 : i32
    %dma_wait3A_3324 = arith.constant 3 : i32
    %dma_wait3A_3325 = arith.constant 3 : i32
    %dma_wait3A_3326 = arith.constant 3 : i32
    %dma_wait3A_3327 = arith.constant 0 : i32
    %dma_wait3A_3328 = arith.constant 0 : i32
    %dma_wait3A_3329 = arith.constant 0 : i32
    %dma_wait3A_3330 = tpu.memref_slice %arg4[%dma_wait3A_3324, %dma_wait3A_3327, %dma_wait3A_3328, %dma_wait3A_3329] : memref<6x16x8x128xf32, #tpu.memory_space<vmem>> -> memref<1x16x8x128xf32, #tpu.memory_space<vmem>>
    %dma_wait3A_3331 = tpu.memref_squeeze %dma_wait3A_3330 : memref<1x16x8x128xf32, #tpu.memory_space<vmem>> -> memref<16x8x128xf32, #tpu.memory_space<vmem>>
    %dma_wait3A_3332 = arith.constant 0 : i32
    %dma_wait3A_3333 = arith.constant 0 : i32
    %dma_wait3A_3334 = arith.constant 0 : i32
    %dma_wait3A_3335 = tpu.memref_slice %arg3[%add3A_3323, %dma_wait3A_3325, %dma_wait3A_3332, %dma_wait3A_3333, %dma_wait3A_3334] : memref<128x8x16x8x128xf32, #tpu.memory_space<hbm>> -> memref<1x1x16x8x128xf32, #tpu.memory_space<hbm>>
    %dma_wait3A_3336 = tpu.memref_squeeze %dma_wait3A_3335 : memref<1x1x16x8x128xf32, #tpu.memory_space<hbm>> -> memref<16x8x128xf32, #tpu.memory_space<hbm>>
    %dma_wait3A_3337 = tpu.memref_slice %arg6[%dma_wait3A_3326] : memref<6x!tpu.dma_semaphore, #tpu.memory_space<semaphore_mem>> -> memref<1x!tpu.dma_semaphore, #tpu.memory_space<semaphore_mem>>
    %dma_wait3A_3338 = tpu.memref_squeeze %dma_wait3A_3337 : memref<1x!tpu.dma_semaphore, #tpu.memory_space<semaphore_mem>> -> memref<!tpu.dma_semaphore, #tpu.memory_space<semaphore_mem>>
    %dma_wait3A_3339 = arith.constant 0 : i32
    %dma_wait3A_3340 = arith.constant 0 : i32
    %dma_wait3A_3341 = arith.constant 0 : i32
    %dma_wait3A_3342 = tpu.memref_slice %arg3[%add3A_3323, %dma_wait3A_3325, %dma_wait3A_3339, %dma_wait3A_3340, %dma_wait3A_3341] : memref<128x8x16x8x128xf32, #tpu.memory_space<hbm>> -> memref<1x1x16x8x128xf32, #tpu.memory_space<hbm>>
    %dma_wait3A_3343 = tpu.memref_squeeze %dma_wait3A_3342 : memref<1x1x16x8x128xf32, #tpu.memory_space<hbm>> -> memref<16x8x128xf32, #tpu.memory_space<hbm>>
    %dma_wait3A_3344 = arith.constant 0 : i32
    %dma_wait3A_3345 = arith.constant 0 : i32
    %dma_wait3A_3346 = arith.constant 0 : i32
    %dma_wait3A_3347 = tpu.memref_slice %arg4[%dma_wait3A_3324, %dma_wait3A_3344, %dma_wait3A_3345, %dma_wait3A_3346] : memref<6x16x8x128xf32, #tpu.memory_space<vmem>> -> memref<1x16x8x128xf32, #tpu.memory_space<vmem>>
    %dma_wait3A_3348 = tpu.memref_squeeze %dma_wait3A_3347 : memref<1x16x8x128xf32, #tpu.memory_space<vmem>> -> memref<16x8x128xf32, #tpu.memory_space<vmem>>
    tpu.wait_dma2 semaphore(%dma_wait3A_3338 : memref<!tpu.dma_semaphore, #tpu.memory_space<semaphore_mem>>) src(%dma_wait3A_3348 : memref<16x8x128xf32, #tpu.memory_space<vmem>>) dst(%dma_wait3A_3343 : memref<16x8x128xf32, #tpu.memory_space<hbm>>)
    %add3A_3349 = arith.constant 3 : i32
    %add3A_3350 = arith.addi %mul3A_2, %add3A_3349 : i32
    %dma_wait3A_3351 = arith.constant 4 : i32
    %dma_wait3A_3352 = arith.constant 4 : i32
    %dma_wait3A_3353 = arith.constant 4 : i32
    %dma_wait3A_3354 = arith.constant 0 : i32
    %dma_wait3A_3355 = arith.constant 0 : i32
    %dma_wait3A_3356 = arith.constant 0 : i32
    %dma_wait3A_3357 = tpu.memref_slice %arg4[%dma_wait3A_3351, %dma_wait3A_3354, %dma_wait3A_3355, %dma_wait3A_3356] : memref<6x16x8x128xf32, #tpu.memory_space<vmem>> -> memref<1x16x8x128xf32, #tpu.memory_space<vmem>>
    %dma_wait3A_3358 = tpu.memref_squeeze %dma_wait3A_3357 : memref<1x16x8x128xf32, #tpu.memory_space<vmem>> -> memref<16x8x128xf32, #tpu.memory_space<vmem>>
    %dma_wait3A_3359 = arith.constant 0 : i32
    %dma_wait3A_3360 = arith.constant 0 : i32
    %dma_wait3A_3361 = arith.constant 0 : i32
    %dma_wait3A_3362 = tpu.memref_slice %arg3[%add3A_3350, %dma_wait3A_3352, %dma_wait3A_3359, %dma_wait3A_3360, %dma_wait3A_3361] : memref<128x8x16x8x128xf32, #tpu.memory_space<hbm>> -> memref<1x1x16x8x128xf32, #tpu.memory_space<hbm>>
    %dma_wait3A_3363 = tpu.memref_squeeze %dma_wait3A_3362 : memref<1x1x16x8x128xf32, #tpu.memory_space<hbm>> -> memref<16x8x128xf32, #tpu.memory_space<hbm>>
    %dma_wait3A_3364 = tpu.memref_slice %arg6[%dma_wait3A_3353] : memref<6x!tpu.dma_semaphore, #tpu.memory_space<semaphore_mem>> -> memref<1x!tpu.dma_semaphore, #tpu.memory_space<semaphore_mem>>
    %dma_wait3A_3365 = tpu.memref_squeeze %dma_wait3A_3364 : memref<1x!tpu.dma_semaphore, #tpu.memory_space<semaphore_mem>> -> memref<!tpu.dma_semaphore, #tpu.memory_space<semaphore_mem>>
    %dma_wait3A_3366 = arith.constant 0 : i32
    %dma_wait3A_3367 = arith.constant 0 : i32
    %dma_wait3A_3368 = arith.constant 0 : i32
    %dma_wait3A_3369 = tpu.memref_slice %arg3[%add3A_3350, %dma_wait3A_3352, %dma_wait3A_3366, %dma_wait3A_3367, %dma_wait3A_3368] : memref<128x8x16x8x128xf32, #tpu.memory_space<hbm>> -> memref<1x1x16x8x128xf32, #tpu.memory_space<hbm>>
    %dma_wait3A_3370 = tpu.memref_squeeze %dma_wait3A_3369 : memref<1x1x16x8x128xf32, #tpu.memory_space<hbm>> -> memref<16x8x128xf32, #tpu.memory_space<hbm>>
    %dma_wait3A_3371 = arith.constant 0 : i32
    %dma_wait3A_3372 = arith.constant 0 : i32
    %dma_wait3A_3373 = arith.constant 0 : i32
    %dma_wait3A_3374 = tpu.memref_slice %arg4[%dma_wait3A_3351, %dma_wait3A_3371, %dma_wait3A_3372, %dma_wait3A_3373] : memref<6x16x8x128xf32, #tpu.memory_space<vmem>> -> memref<1x16x8x128xf32, #tpu.memory_space<vmem>>
    %dma_wait3A_3375 = tpu.memref_squeeze %dma_wait3A_3374 : memref<1x16x8x128xf32, #tpu.memory_space<vmem>> -> memref<16x8x128xf32, #tpu.memory_space<vmem>>
    tpu.wait_dma2 semaphore(%dma_wait3A_3365 : memref<!tpu.dma_semaphore, #tpu.memory_space<semaphore_mem>>) src(%dma_wait3A_3375 : memref<16x8x128xf32, #tpu.memory_space<vmem>>) dst(%dma_wait3A_3370 : memref<16x8x128xf32, #tpu.memory_space<hbm>>)
    %add3A_3376 = arith.constant 3 : i32
    %add3A_3377 = arith.addi %mul3A_2, %add3A_3376 : i32
    %dma_wait3A_3378 = arith.constant 5 : i32
    %dma_wait3A_3379 = arith.constant 5 : i32
    %dma_wait3A_3380 = arith.constant 5 : i32
    %dma_wait3A_3381 = arith.constant 0 : i32
    %dma_wait3A_3382 = arith.constant 0 : i32
    %dma_wait3A_3383 = arith.constant 0 : i32
    %dma_wait3A_3384 = tpu.memref_slice %arg4[%dma_wait3A_3378, %dma_wait3A_3381, %dma_wait3A_3382, %dma_wait3A_3383] : memref<6x16x8x128xf32, #tpu.memory_space<vmem>> -> memref<1x16x8x128xf32, #tpu.memory_space<vmem>>
    %dma_wait3A_3385 = tpu.memref_squeeze %dma_wait3A_3384 : memref<1x16x8x128xf32, #tpu.memory_space<vmem>> -> memref<16x8x128xf32, #tpu.memory_space<vmem>>
    %dma_wait3A_3386 = arith.constant 0 : i32
    %dma_wait3A_3387 = arith.constant 0 : i32
    %dma_wait3A_3388 = arith.constant 0 : i32
    %dma_wait3A_3389 = tpu.memref_slice %arg3[%add3A_3377, %dma_wait3A_3379, %dma_wait3A_3386, %dma_wait3A_3387, %dma_wait3A_3388] : memref<128x8x16x8x128xf32, #tpu.memory_space<hbm>> -> memref<1x1x16x8x128xf32, #tpu.memory_space<hbm>>
    %dma_wait3A_3390 = tpu.memref_squeeze %dma_wait3A_3389 : memref<1x1x16x8x128xf32, #tpu.memory_space<hbm>> -> memref<16x8x128xf32, #tpu.memory_space<hbm>>
    %dma_wait3A_3391 = tpu.memref_slice %arg6[%dma_wait3A_3380] : memref<6x!tpu.dma_semaphore, #tpu.memory_space<semaphore_mem>> -> memref<1x!tpu.dma_semaphore, #tpu.memory_space<semaphore_mem>>
    %dma_wait3A_3392 = tpu.memref_squeeze %dma_wait3A_3391 : memref<1x!tpu.dma_semaphore, #tpu.memory_space<semaphore_mem>> -> memref<!tpu.dma_semaphore, #tpu.memory_space<semaphore_mem>>
    %dma_wait3A_3393 = arith.constant 0 : i32
    %dma_wait3A_3394 = arith.constant 0 : i32
    %dma_wait3A_3395 = arith.constant 0 : i32
    %dma_wait3A_3396 = tpu.memref_slice %arg3[%add3A_3377, %dma_wait3A_3379, %dma_wait3A_3393, %dma_wait3A_3394, %dma_wait3A_3395] : memref<128x8x16x8x128xf32, #tpu.memory_space<hbm>> -> memref<1x1x16x8x128xf32, #tpu.memory_space<hbm>>
    %dma_wait3A_3397 = tpu.memref_squeeze %dma_wait3A_3396 : memref<1x1x16x8x128xf32, #tpu.memory_space<hbm>> -> memref<16x8x128xf32, #tpu.memory_space<hbm>>
    %dma_wait3A_3398 = arith.constant 0 : i32
    %dma_wait3A_3399 = arith.constant 0 : i32
    %dma_wait3A_3400 = arith.constant 0 : i32
    %dma_wait3A_3401 = tpu.memref_slice %arg4[%dma_wait3A_3378, %dma_wait3A_3398, %dma_wait3A_3399, %dma_wait3A_3400] : memref<6x16x8x128xf32, #tpu.memory_space<vmem>> -> memref<1x16x8x128xf32, #tpu.memory_space<vmem>>
    %dma_wait3A_3402 = tpu.memref_squeeze %dma_wait3A_3401 : memref<1x16x8x128xf32, #tpu.memory_space<vmem>> -> memref<16x8x128xf32, #tpu.memory_space<vmem>>
    tpu.wait_dma2 semaphore(%dma_wait3A_3392 : memref<!tpu.dma_semaphore, #tpu.memory_space<semaphore_mem>>) src(%dma_wait3A_3402 : memref<16x8x128xf32, #tpu.memory_space<vmem>>) dst(%dma_wait3A_3397 : memref<16x8x128xf32, #tpu.memory_space<hbm>>)
    %add3A_3403 = arith.constant 3 : i32
    %add3A_3404 = arith.addi %mul3A_2, %add3A_3403 : i32
    %dma_wait3A_3405 = arith.constant 0 : i32
    %dma_wait3A_3406 = arith.constant 6 : i32
    %dma_wait3A_3407 = arith.constant 0 : i32
    %dma_wait3A_3408 = arith.constant 0 : i32
    %dma_wait3A_3409 = arith.constant 0 : i32
    %dma_wait3A_3410 = arith.constant 0 : i32
    %dma_wait3A_3411 = tpu.memref_slice %arg4[%dma_wait3A_3405, %dma_wait3A_3408, %dma_wait3A_3409, %dma_wait3A_3410] : memref<6x16x8x128xf32, #tpu.memory_space<vmem>> -> memref<1x16x8x128xf32, #tpu.memory_space<vmem>>
    %dma_wait3A_3412 = tpu.memref_squeeze %dma_wait3A_3411 : memref<1x16x8x128xf32, #tpu.memory_space<vmem>> -> memref<16x8x128xf32, #tpu.memory_space<vmem>>
    %dma_wait3A_3413 = arith.constant 0 : i32
    %dma_wait3A_3414 = arith.constant 0 : i32
    %dma_wait3A_3415 = arith.constant 0 : i32
    %dma_wait3A_3416 = tpu.memref_slice %arg3[%add3A_3404, %dma_wait3A_3406, %dma_wait3A_3413, %dma_wait3A_3414, %dma_wait3A_3415] : memref<128x8x16x8x128xf32, #tpu.memory_space<hbm>> -> memref<1x1x16x8x128xf32, #tpu.memory_space<hbm>>
    %dma_wait3A_3417 = tpu.memref_squeeze %dma_wait3A_3416 : memref<1x1x16x8x128xf32, #tpu.memory_space<hbm>> -> memref<16x8x128xf32, #tpu.memory_space<hbm>>
    %dma_wait3A_3418 = tpu.memref_slice %arg6[%dma_wait3A_3407] : memref<6x!tpu.dma_semaphore, #tpu.memory_space<semaphore_mem>> -> memref<1x!tpu.dma_semaphore, #tpu.memory_space<semaphore_mem>>
    %dma_wait3A_3419 = tpu.memref_squeeze %dma_wait3A_3418 : memref<1x!tpu.dma_semaphore, #tpu.memory_space<semaphore_mem>> -> memref<!tpu.dma_semaphore, #tpu.memory_space<semaphore_mem>>
    %dma_wait3A_3420 = arith.constant 0 : i32
    %dma_wait3A_3421 = arith.constant 0 : i32
    %dma_wait3A_3422 = arith.constant 0 : i32
    %dma_wait3A_3423 = tpu.memref_slice %arg3[%add3A_3404, %dma_wait3A_3406, %dma_wait3A_3420, %dma_wait3A_3421, %dma_wait3A_3422] : memref<128x8x16x8x128xf32, #tpu.memory_space<hbm>> -> memref<1x1x16x8x128xf32, #tpu.memory_space<hbm>>
    %dma_wait3A_3424 = tpu.memref_squeeze %dma_wait3A_3423 : memref<1x1x16x8x128xf32, #tpu.memory_space<hbm>> -> memref<16x8x128xf32, #tpu.memory_space<hbm>>
    %dma_wait3A_3425 = arith.constant 0 : i32
    %dma_wait3A_3426 = arith.constant 0 : i32
    %dma_wait3A_3427 = arith.constant 0 : i32
    %dma_wait3A_3428 = tpu.memref_slice %arg4[%dma_wait3A_3405, %dma_wait3A_3425, %dma_wait3A_3426, %dma_wait3A_3427] : memref<6x16x8x128xf32, #tpu.memory_space<vmem>> -> memref<1x16x8x128xf32, #tpu.memory_space<vmem>>
    %dma_wait3A_3429 = tpu.memref_squeeze %dma_wait3A_3428 : memref<1x16x8x128xf32, #tpu.memory_space<vmem>> -> memref<16x8x128xf32, #tpu.memory_space<vmem>>
    tpu.wait_dma2 semaphore(%dma_wait3A_3419 : memref<!tpu.dma_semaphore, #tpu.memory_space<semaphore_mem>>) src(%dma_wait3A_3429 : memref<16x8x128xf32, #tpu.memory_space<vmem>>) dst(%dma_wait3A_3424 : memref<16x8x128xf32, #tpu.memory_space<hbm>>)
    %add3A_3430 = arith.constant 3 : i32
    %add3A_3431 = arith.addi %mul3A_2, %add3A_3430 : i32
    %dma_wait3A_3432 = arith.constant 1 : i32
    %dma_wait3A_3433 = arith.constant 7 : i32
    %dma_wait3A_3434 = arith.constant 1 : i32
    %dma_wait3A_3435 = arith.constant 0 : i32
    %dma_wait3A_3436 = arith.constant 0 : i32
    %dma_wait3A_3437 = arith.constant 0 : i32
    %dma_wait3A_3438 = tpu.memref_slice %arg4[%dma_wait3A_3432, %dma_wait3A_3435, %dma_wait3A_3436, %dma_wait3A_3437] : memref<6x16x8x128xf32, #tpu.memory_space<vmem>> -> memref<1x16x8x128xf32, #tpu.memory_space<vmem>>
    %dma_wait3A_3439 = tpu.memref_squeeze %dma_wait3A_3438 : memref<1x16x8x128xf32, #tpu.memory_space<vmem>> -> memref<16x8x128xf32, #tpu.memory_space<vmem>>
    %dma_wait3A_3440 = arith.constant 0 : i32
    %dma_wait3A_3441 = arith.constant 0 : i32
    %dma_wait3A_3442 = arith.constant 0 : i32
    %dma_wait3A_3443 = tpu.memref_slice %arg3[%add3A_3431, %dma_wait3A_3433, %dma_wait3A_3440, %dma_wait3A_3441, %dma_wait3A_3442] : memref<128x8x16x8x128xf32, #tpu.memory_space<hbm>> -> memref<1x1x16x8x128xf32, #tpu.memory_space<hbm>>
    %dma_wait3A_3444 = tpu.memref_squeeze %dma_wait3A_3443 : memref<1x1x16x8x128xf32, #tpu.memory_space<hbm>> -> memref<16x8x128xf32, #tpu.memory_space<hbm>>
    %dma_wait3A_3445 = tpu.memref_slice %arg6[%dma_wait3A_3434] : memref<6x!tpu.dma_semaphore, #tpu.memory_space<semaphore_mem>> -> memref<1x!tpu.dma_semaphore, #tpu.memory_space<semaphore_mem>>
    %dma_wait3A_3446 = tpu.memref_squeeze %dma_wait3A_3445 : memref<1x!tpu.dma_semaphore, #tpu.memory_space<semaphore_mem>> -> memref<!tpu.dma_semaphore, #tpu.memory_space<semaphore_mem>>
    %dma_wait3A_3447 = arith.constant 0 : i32
    %dma_wait3A_3448 = arith.constant 0 : i32
    %dma_wait3A_3449 = arith.constant 0 : i32
    %dma_wait3A_3450 = tpu.memref_slice %arg3[%add3A_3431, %dma_wait3A_3433, %dma_wait3A_3447, %dma_wait3A_3448, %dma_wait3A_3449] : memref<128x8x16x8x128xf32, #tpu.memory_space<hbm>> -> memref<1x1x16x8x128xf32, #tpu.memory_space<hbm>>
    %dma_wait3A_3451 = tpu.memref_squeeze %dma_wait3A_3450 : memref<1x1x16x8x128xf32, #tpu.memory_space<hbm>> -> memref<16x8x128xf32, #tpu.memory_space<hbm>>
    %dma_wait3A_3452 = arith.constant 0 : i32
    %dma_wait3A_3453 = arith.constant 0 : i32
    %dma_wait3A_3454 = arith.constant 0 : i32
    %dma_wait3A_3455 = tpu.memref_slice %arg4[%dma_wait3A_3432, %dma_wait3A_3452, %dma_wait3A_3453, %dma_wait3A_3454] : memref<6x16x8x128xf32, #tpu.memory_space<vmem>> -> memref<1x16x8x128xf32, #tpu.memory_space<vmem>>
    %dma_wait3A_3456 = tpu.memref_squeeze %dma_wait3A_3455 : memref<1x16x8x128xf32, #tpu.memory_space<vmem>> -> memref<16x8x128xf32, #tpu.memory_space<vmem>>
    tpu.wait_dma2 semaphore(%dma_wait3A_3446 : memref<!tpu.dma_semaphore, #tpu.memory_space<semaphore_mem>>) src(%dma_wait3A_3456 : memref<16x8x128xf32, #tpu.memory_space<vmem>>) dst(%dma_wait3A_3451 : memref<16x8x128xf32, #tpu.memory_space<hbm>>)
    return
  }
}

module attributes {stable_mosaic.version = 14 : i64} {
  func.func @_mul_body(%arg0: i32, %arg1: memref<1x2048xf32, #tpu.memory_space<vmem>>, %arg2: memref<8x64x2048xf32, #tpu.memory_space<vmem>>, %arg3: memref<8x64x2048xf32, #tpu.memory_space<vmem>>) attributes {dimension_semantics = [#tpu.dimension_semantics<arbitrary>], iteration_bounds = array<i64: 16>, scalar_prefetch = 0 : i64, scratch_operands = 0 : i64, tpu.core_type = #tpu.core_type<tc>, window_params = [{pipeline_mode = #tpu.pipeline_mode<synchronous>, transform_indices = @transform_0, window_bounds = array<i64: 1, 2048>}, {transform_indices = @transform_1, window_bounds = array<i64: 8, 64, 2048>}, {transform_indices = @transform_2, window_bounds = array<i64: 8, 64, 2048>}]} {
    %get3A = arith.constant 0 : index
    %get3A_0 = arith.constant 0 : index
    %get3A_1 = vector.load %arg1[%get3A, %get3A_0] : memref<1x2048xf32, #tpu.memory_space<vmem>>, vector<1x2048xf32>
    %ge3A = arith.constant 1.000000e-01 : f32
    %ge3A_2 = vector.broadcast %ge3A : f32 to vector<1x2048xf32>
    %ge3A_3 = arith.cmpf oge, %get3A_1, %ge3A_2 : vector<1x2048xf32>
    %convert_element_type3A = arith.extui %ge3A_3 : vector<1x2048xi1> to vector<1x2048xi32>
    %convert_element_type3A_4 = arith.sitofp %convert_element_type3A : vector<1x2048xi32> to vector<1x2048xf32>
    %get3A_5 = arith.constant 0 : index
    %get3A_6 = arith.constant 0 : index
    %get3A_7 = arith.constant 0 : index
    %get3A_8 = vector.load %arg2[%get3A_5, %get3A_6, %get3A_7] : memref<8x64x2048xf32, #tpu.memory_space<vmem>>, vector<8x64x2048xf32>
    %broadcast_in_dim3A = vector.shape_cast %convert_element_type3A_4 : vector<1x2048xf32> to vector<1x1x2048xf32>
    %mul3A = vector.broadcast %broadcast_in_dim3A : vector<1x1x2048xf32> to vector<8x64x2048xf32>
    %mul3A_9 = arith.mulf %get3A_8, %mul3A : vector<8x64x2048xf32>
    %swap3A = arith.constant 0 : index
    %swap3A_10 = arith.constant 0 : index
    %swap3A_11 = arith.constant 0 : index
    %swap3A_12 = vector.load %arg3[%swap3A, %swap3A_10, %swap3A_11] : memref<8x64x2048xf32, #tpu.memory_space<vmem>>, vector<8x64x2048xf32>
    tpu.vector_store %arg3[%swap3A, %swap3A_10, %swap3A_11], %mul3A_9 {strides = array<i32>} : memref<8x64x2048xf32, #tpu.memory_space<vmem>>, vector<8x64x2048xf32>,
    return
  }
  func.func @transform_0(%arg0: i32) -> (i32, i32) {
    %c0_i32 = arith.constant 0 : i32
    %c0_i32_0 = arith.constant 0 : i32
    %c0_i32_1 = arith.constant 0 : i32
    return %c0_i32, %c0_i32_0 : i32, i32
  }
  func.func @transform_1(%arg0: i32) -> (i32, i32, i32) {
    %c0_i32 = arith.constant 0 : i32
    %c0_i32_0 = arith.constant 0 : i32
    %c0_i32_1 = arith.constant 0 : i32
    return %arg0, %c0_i32, %c0_i32_0 : i32, i32, i32
  }
  func.func @transform_2(%arg0: i32) -> (i32, i32, i32) {
    %c0_i32 = arith.constant 0 : i32
    %c0_i32_0 = arith.constant 0 : i32
    %c0_i32_1 = arith.constant 0 : i32
    return %arg0, %c0_i32, %c0_i32_0 : i32, i32, i32
  }
}

</mosaic_0001>

<sc_bundles>
// kernel: kernel.4.cloned.1.call-start
scs
__scs_entry_jumppad:
0x0: {  	(pc) =	sbr.rel $0x88, $3  }
0x1: {  	(tag) =	ssettag $0x0;
	lr =	simm.s32 $0x1  }
0x2: {  	[smem:$0x3F9E] =	sst lr;
	_ =	strace $0xD0000000  }
0x3: {  	_ = 	snop  }
0x4: {  	_ = 	snop  }
0x5: {  	_ = 	snop  }
0x6: {  	_ = 	snop  }
0x7: {  	_ = 	snop  }
__scs_overlays_trampoline_lowered:
0x8: {  	[smem:$0x3FAD] =	sst s0  }
0x9: {  	[smem:$0x3FAE] =	sst s1  }
0xa: {  	[smem:$0x3FAF] =	sst s2  }
0xb: {  	[smem:$0x3FB0] =	sst s3  }
0xc: {  	[smem:$0x3FB1] =	sst s4  }
0xd: {  	[smem:$0x3FB2] =	sst s5  }
0xe: {  	[smem:$0x3FB3] =	sst s6  }
0xf: {  	[smem:$0x3FB4] =	sst s7  }
0x10: {  	[smem:$0x3FB5] =	sst s8  }
0x11: {  	[smem:$0x3FB6] =	sst s9;
	s0 =	simm.s32 @!p0 $0x0  }
0x12: {  	s1 =	sld [smem:$0x3F9C];
	s0 =	simm.s32 @p0 $0x1  }
0x13: {  	[smem:$0x3FB7] =	sst s0;
	s0 =	simm.s32 @!p1 $0x0  }
0x14: {  	s2 =	sld [smem:$0x3F9B];
	s0 =	simm.s32 @p1 $0x1  }
0x15: {  	[smem:$0x3FB8] =	sst s0;
	s0 =	simm.s32 @!p2 $0x0  }
0x16: {  	s3 =	sld [smem:$0x3FDB];
	s0 =	simm.s32 @p2 $0x1  }
0x17: {  	s4 =	simm.s32 $0x1BF5;
	[smem:$0x3FBA] =	sst s0  }
0x18: {  	s0 =	sld [smem:$0x3F9D];
	_ =	swait.ge [sflag:s4], $0x0  }
0x19: {  	s7 =	sld [smem:$0x3F9E]  }
0x1a: {  	s8 =	sadd.s32 $0xFFFFE003, lr  }
0x1b: {  	s9 =	sadd.s32 $0xFFFFFEF7, lr;
	s5 =	simm.s32 $0xFFFFFFFF;
	p2 =	slt.u32 s8, $0xFFFFF086  }
0x1c: {  	p1 =	slt.u32 s9, $0xF7A;
	s5 =	simm.s32 @!p2 $0x0  }
0x1d: {  	s5 =	simm.s32 @p1 $0x1;
	p0 =	seq.s32 s7, s2  }
0x1e: {  	s7 =	smul.u32 @!p0 $0xF7A, s2;
	p2 =	seq.s32 @!p0 s5, $0x0  }
0x1f: {  	s9 =	smul.u32 $0xF7A, s1;
	s8 =	simm.s32 @!p0 $0x1BF5;
	p2 =	por !p2, p0  }
0x20: {  	[sflag:s8] =	ssyncset.s32 @!p0 $0xFFFFF086;
	s6 =	sadd.s32 @!p0 s3, s7;
	s7 =	simm.s32 @!p0 $0x108  }
0x21: {  	s3 =	sadd.s32 s3, s9;
	s6 =	sadd.s32 @!p0 $0x88, s6;
	s7 =	simm.s32 @p2 $0x1082  }
0x22: {  	[simem:s7], [sflag:s8] =	dma.local @!p0 [hbm:s6], $0xF7A  }
0x23: {  	s9 =	sor.u32 $0xD0000000, s2;
	s6 =	simm.s32 $0x108;
	_ =	swait.ge @!p0 [sflag:s8], $0x0  }
0x24: {  	s3 =	sadd.s32 $0x88, s3;
	s6 =	simm.s32 @!p1 $0x1082;
	[sflag:s4] =	ssyncset.s32 $0xFFFFF086  }
0x25: {  	[simem:s6], [sflag:s4] =	dma.local [hbm:s3], $0xF7A  }
0x26: {  	[smem:$0x3F9E] =	sst s1;
	(tag) =	ssettag s2;
	_ =	strace s9  }
0x27: {  	s1 =	sld [smem:$0x3FAE]  }
0x28: {  	s2 =	sld [smem:$0x3FAF]  }
0x29: {  	s4 =	sld [smem:$0x3FB1]  }
0x2a: {  	p0 =	seq.s32 s5, $0x0;
	s5 =	sld [smem:$0x3FB2]  }
0x2b: {  	s6 =	sld [smem:$0x3FB3]  }
0x2c: {  	s7 =	sld [smem:$0x3FB4]  }
0x2d: {  	s3 =	simm.s32 $0x108;
	s8 =	sld [smem:$0x3FB5]  }
0x2e: {  	s3 =	simm.s32 @!p0 $0x1082;
	s9 =	sld [smem:$0x3FB6]  }
0x2f: {  	lr =	sadd.s32 s0, s3;
	s0 =	sld [smem:$0x3FAD]  }
0x30: {  	s3 =	sld [smem:$0x3FB0]  }
0x31: {  	[smem:$0x3FB9] =	sst s10  }
0x32: {  	s10 =	sld [smem:$0x3FB7];
	_ =	sdelay $0x3  }
0x33: {  	p0 =	seq.s32 s10, $0x1;
	s10 =	sld [smem:$0x3FB9];
	_ =	sdelay $0x3  }
0x34: {  	[smem:$0x3FB9] =	sst s10  }
0x35: {  	s10 =	sld [smem:$0x3FB8];
	_ =	sdelay $0x3  }
0x36: {  	p1 =	seq.s32 s10, $0x1;
	s10 =	sld [smem:$0x3FB9];
	_ =	sdelay $0x3  }
0x37: {  	[smem:$0x3FB9] =	sst s10  }
0x38: {  	s10 =	sld [smem:$0x3FBA]  }
0x39: {  	_ = 	snop;
	(pc) =	sbr.ind lr, $3  }
0x3a: {  	_ = 	snop  }
0x3b: {  	_ = 	snop  }
0x3c: {  	p2 =	seq.s32 s10, $0x1;
	s10 =	sld [smem:$0x3FB9]  }
0x3d: {  	_ =	shalt  }
0x3e: {  	_ =	shalt  }
0x3f: {  	_ =	shalt  }
0x40: {  	_ =	shalt  }
0x41: {  	_ =	shalt  }
0x42: {  	_ =	shalt  }
0x43: {  	_ =	shalt  }
0x44: {  	_ =	shalt  }
0x45: {  	_ =	shalt  }
0x46: {  	_ =	shalt  }
0x47: {  	_ =	shalt  }
0x48: {  	_ =	shalt  }
0x49: {  	_ =	shalt  }
0x4a: {  	_ =	shalt  }
0x4b: {  	_ =	shalt  }
0x4c: {  	_ =	shalt  }
0x4d: {  	_ =	shalt  }
0x4e: {  	_ =	shalt  }
0x4f: {  	_ =	shalt  }
0x50: {  	_ =	shalt  }
0x51: {  	_ =	shalt  }
0x52: {  	_ =	shalt  }
0x53: {  	_ =	shalt  }
0x54: {  	_ =	shalt  }
0x55: {  	_ =	shalt  }
0x56: {  	_ =	shalt  }
0x57: {  	_ =	shalt  }
0x58: {  	_ =	shalt  }
0x59: {  	_ =	shalt  }
0x5a: {  	_ =	shalt  }
0x5b: {  	_ =	shalt  }
0x5c: {  	_ =	shalt  }
0x5d: {  	_ =	shalt  }
0x5e: {  	_ =	shalt  }
0x5f: {  	_ =	shalt  }
0x60: {  	_ =	shalt  }
0x61: {  	_ =	shalt  }
0x62: {  	_ =	shalt  }
0x63: {  	_ =	shalt  }
0x64: {  	_ =	shalt  }
0x65: {  	_ =	shalt  }
0x66: {  	_ =	shalt  }
0x67: {  	_ =	shalt  }
0x68: {  	_ =	shalt  }
0x69: {  	_ =	shalt  }
0x6a: {  	_ =	shalt  }
0x6b: {  	_ =	shalt  }
0x6c: {  	_ =	shalt  }
0x6d: {  	_ =	shalt  }
0x6e: {  	_ =	shalt  }
0x6f: {  	_ =	shalt  }
0x70: {  	_ =	shalt  }
0x71: {  	_ =	shalt  }
0x72: {  	_ =	shalt  }
0x73: {  	_ =	shalt  }
0x74: {  	_ =	shalt  }
0x75: {  	_ =	shalt  }
0x76: {  	_ =	shalt  }
0x77: {  	_ =	shalt  }
0x78: {  	_ =	shalt  }
0x79: {  	_ =	shalt  }
0x7a: {  	_ =	shalt  }
0x7b: {  	_ =	shalt  }
0x7c: {  	_ =	shalt  }
0x7d: {  	_ =	shalt  }
0x7e: {  	_ =	shalt  }
0x7f: {  	_ =	shalt  }
0x80: {  	_ =	shalt  }
0x81: {  	_ =	shalt  }
0x82: {  	_ =	shalt  }
0x83: {  	_ =	shalt  }
0x84: {  	_ =	shalt  }
0x85: {  	_ =	shalt  }
0x86: {  	_ =	shalt  }
0x87: {  	_ =	shalt  }
.Lfunc_end0:
.L_simem_size_0:
called_computation_lowered:
.L_overlay_start_0:
0x88: {  	s2 =	sld [smem:$0x3FD9]  }
0x89: {  	s3 =	sld [smem:$0x3FFE];
	_ =	sdelay $0x1  }
0x8a: {  	s1 =	srdreg.scid  }
0x8b: {  	s0 =	sand.u32 $0x1, s1  }
0x8c: {  	s15 =	sshll.u32 s0, $0xA;
	s2 =	sadd.s32 s3, s2  }
0x8d: {  	s2 =	sadd.s32 s2, s15  }
0x8e: {  	[smem:$0x3FC5] =	sst s2  }
0x8f: {  	_ = 	snop  }
0x90: {  	s2 =	sld [smem:$0x3FD0];
	_ =	sdelay $0x2  }
0x91: {  	s4 =	simm.s32 $0xA;
	s5 =	simm.s32 $0x10;
	s16 =	sld [smem:$0x3FC9]  }
0x92: {  	[smem:s5], [sflag:s4] =	dma.local [hbm:s2], $0x1  }
0x93: {  	_ =	swait.eq [sflag:s4], $0x1  }
0x94: {  	[sflag:s4] =	ssyncset.done $0x0  }
0x95: {  	[sflag:s4] =	ssyncadd.s32 $0xFFFFFFFF  }
0x96: {  	s17 =	sld [smem:$0x10];
	(tm) =	ssettm $0x1  }
0x97: {  	s18 =	sld [smem:$0x3FFB];
	_ =	sdelay $0x3  }
0x98: {  	_ =	strace s18  }
0x99: {  	s4 =	sld [smem:$0x3FFC];
	_ =	sdelay $0x3  }
0x9a: {  	_ =	strace s4  }
0x9b: {  	s4 =	sld [smem:$0x3FFD];
	_ =	sdelay $0x3  }
0x9c: {  	_ =	strace s4  }
0x9d: {  	_ =	strace $0x8FFFFFFF  }
0x9e: {  	s19 =	sld [smem:$0x3FDB];
	_ =	sdelay $0x1  }
0x9f: {  	s20 =	simm.s32 $_scs_section_size  }
0xa0: {  	s6 =	simm.s32 $_size__tile_overlayer_lowered;
	s7 =	simm.s32 $_tile_overlayer_lowered  }
0xa1: {  	s23 =	simm.s32 $0x1BFF;
	s22 =	sshll.u32 s7, $0x1;
	s4 =	sadd.s32 s20, s19  }
0xa2: {  	s8 =	simm.s32 $0x0;
	s21 =	sshll.u32 s6, $0x1;
	s6 =	sadd.s32 s22, s4  }
0xa3: {  	[timem:s8], [sflag:s23] =	dma.local [hbm:s6], s21  }
0xa4: {  	_ =	swait.ge [sflag:s23], s21  }
0xa5: {  	s5 =	ssub.s32 $0x0, s21;
	[sflag:s23] =	ssyncset.done $0x0  }
0xa6: {  	[sflag:s23] =	ssyncadd.s32 s5;
	_ =	sdelay $0x1  }
0xa7: {  	s24 =	simm.s32 $0x1B8B  }
0xa8: {  	_ =	swait.ge [sflag:s24], $0x1  }
0xa9: {  	[sflag:s24] =	ssyncset.done $0x0  }
0xaa: {  	s25 =	simm.s32 $0x1B8E;
	[sflag:s24] =	ssyncadd.s32 $0xFFFFFFFF  }
0xab: {  	s26 =	simm.s32 $execute0_lowered;
	[smem:$0x3FD2] =	sst s25  }
0xac: {  	s5 =	sshll.u32 s26, $0x1;
	_ =	strace $0x80000046;
	[dreg:$0x1] =	wrdreg $0xFFFFFFFF  }
0xad: {  	s28 =	simm.s32 $_size_execute0_lowered;
	s4 =	sadd.s32 s4, s5;
	[dreg:$0x0] =	wrdreg $0x0  }
0xae: {  	s5 =	sshll.u32 s28, $0x1;
	[dreg:$0x2] =	wrdreg s4  }
0xaf: {  	[dreg:$0x3] =	wrdreg s5  }
0xb0: {  	[dreg:$0x4] =	wrdreg $0xC0  }
0xb1: {  	_ =	task [dreg:s8], $0x5FFFF  }
0xb2: {  	[dreg:$0x1] =	wrdreg $0xFFFFFFFF  }
0xb3: {  	[dreg:$0x0] =	wrdreg $0x60  }
0xb4: {  	[dreg:$0x2] =	wrdreg s16  }
0xb5: {  	[dreg:$0x3] =	wrdreg s17  }
0xb6: {  	[dreg:$0x4] =	wrdreg $0x9  }
0xb7: {  	_ =	task.clear_ibuf [dreg:s8], $0x5FFFF;
	_ =	strace $0x90000046  }
0xb8: {  	s29 =	simm.s32 $0x9;
	_ =	strace $0x80000048  }
0xb9: {  	_ =	swait.ge [sflag:s29], $0x1  }
0xba: {  	[sflag:s29] =	ssyncadd.s32 $0xFFFFFFFF  }
0xbb: {  	_ =	strace $0x90000048  }
0xbc: {  	_ =	sfence  }
0xbd: {  	s30 =	sld [smem:$0x0];
	_ =	sdelay $0x2  }
0xbe: {  	s31 =	sshll.u32 s1, $0xD;
	s1 =	sshrl.u32 s1, $0x2  }
0xbf: {  	s3 =	sand.u32 $0x4000, s31;
	s1 =	sadd.s32 s1, s30  }
0xc0: {  	s0 =	sor.u32 s3, s0;
	s1 =	sshll.u32 s1, $0x11  }
0xc1: {  	s0 =	sor.u32 s1, s0  }
0xc2: {  	s0 =	sadd.s32 $0x8F2B, s0  }
0xc3: {  	[sflag:s0] =	ssyncadd.remote.s32 $0x1  }
0xc4: {  	_ =	sfence.sel $0xFFFF  }
0xc5: {  	[dreg:$0x0] =	wrdreg $0xFFFFFFFF;
	(pc) =	sbr.abs _section_cstart, $3  }
0xc6: {  	[dreg:$0x1] =	wrdreg $0xFFFFFFFF  }
0xc7: {  	_ =	task.clear_ibuf [dreg:s8], $0x2FFFF;
	_ =	strace $0x9FFFFFFF  }
0xc8: {  	(tm) =	ssettm $0x7FFFFFFF  }
0xc9: {  	_ =	shalt  }
tec
execute0_lowered:
.L_overlay_start_1:
0x0: {  	(tag) =	ssettag $0x1  }
0x1: {  	s1 =	srdreg.scid  }
0x2: {  	s3 =	rddreg [dreg:$0x0];
	s4 =	stileid.u32;
	s5 =	sand.u32 $0x1, s1  }
0x3: {  	s2 =	simm.s32 $0x0;
	s10 =	sshll.u32 s4, $0x11;
	s11 =	sshll.u32 s5, $0x10  }
0x4: {  	[smem:$0x7FF] =	sst s2;
	s4 =	sor.u32 s11, s10  }
0x5: {  	s0 =	rddreg [dreg:$0x1];
	_ =	strace $0x80000047;
	s1 =	sadd.s32 s3, s4  }
0x6: {  	s6 =	sor.u32 $0x800, s4;
	s14 =	sadd.s32 s0, s4;
	[dreg:$0x3] =	wrdreg s1  }
0x7: {  	s7 =	sor.u32 $0x1000, s4;
	s12 =	sadd.s32 s3, s6;
	[dreg:$0x6] =	wrdreg s14  }
0x8: {  	s8 =	sor.u32 $0x1800, s4;
	s13 =	sadd.s32 s3, s7;
	[dreg:$0x4] =	wrdreg s12  }
0x9: {  	s15 =	sadd.s32 s3, s8;
	[dreg:$0x5] =	wrdreg s13  }
0xa: {  	s17 =	sor.u32 $0x2000, s4;
	s16 =	sadd.s32 s0, s6;
	[dreg:$0x7] =	wrdreg s15  }
0xb: {  	s18 =	sadd.s32 s3, s17;
	[dreg:$0x8] =	wrdreg s16  }
0xc: {  	s20 =	sor.u32 $0x2800, s4;
	s19 =	sadd.s32 s0, s7;
	[dreg:$0x9] =	wrdreg s18  }
0xd: {  	s21 =	sadd.s32 s3, s20;
	[dreg:$0xa] =	wrdreg s19  }
0xe: {  	s23 =	sor.u32 $0x3000, s4;
	s22 =	sadd.s32 s0, s8;
	[dreg:$0xb] =	wrdreg s21  }
0xf: {  	s24 =	sadd.s32 s3, s23;
	[dreg:$0xc] =	wrdreg s22  }
0x10: {  	s26 =	sor.u32 $0x3800, s4;
	s25 =	sadd.s32 s0, s17;
	[dreg:$0xd] =	wrdreg s24  }
0x11: {  	s9 =	sadd.s32 s3, s26;
	[dreg:$0xe] =	wrdreg s25  }
0x12: {  	s10 =	sadd.s32 s0, s20;
	[dreg:$0xf] =	wrdreg s9  }
0x13: {  	s11 =	sor.u32 $0x4000, s4;
	[dreg:$0x10] =	wrdreg s10  }
0x14: {  	s12 =	sadd.s32 s3, s11;
	s1 =	rddreg [dreg:$0x3]  }
0x15: {  	s14 =	sor.u32 $0x4800, s4;
	s13 =	sadd.s32 s0, s23;
	[dreg:$0x11] =	wrdreg s12  }
0x16: {  	s15 =	sadd.s32 s3, s14;
	[dreg:$0x12] =	wrdreg s13  }
0x17: {  	s17 =	sor.u32 $0x5000, s4;
	s16 =	sadd.s32 s0, s26;
	[dreg:$0x13] =	wrdreg s15  }
0x18: {  	s18 =	sadd.s32 s3, s17;
	[dreg:$0x14] =	wrdreg s16  }
0x19: {  	s20 =	sor.u32 $0x5800, s4;
	s19 =	sadd.s32 s0, s11;
	[dreg:$0x15] =	wrdreg s18  }
0x1a: {  	s21 =	sadd.s32 s3, s20;
	[dreg:$0x16] =	wrdreg s19  }
0x1b: {  	s22 =	sadd.s32 s0, s14;
	[dreg:$0x17] =	wrdreg s21  }
0x1c: {  	s25 =	sadd.s32 s0, s17;
	[dreg:$0x18] =	wrdreg s22  }
0x1d: {  	s23 =	sor.u32 $0x6000, s4;
	s10 =	sadd.s32 s0, s20;
	[dreg:$0x1a] =	wrdreg s25  }
0x1e: {  	s26 =	sor.u32 $0x6800, s4;
	s24 =	sadd.s32 s3, s23;
	[dreg:$0x1c] =	wrdreg s10  }
0x1f: {  	s11 =	sor.u32 $0x7000, s4;
	s9 =	sadd.s32 s3, s26;
	[dreg:$0x19] =	wrdreg s24  }
0x20: {  	s29 =	simm.s32 $0x8000;
	s12 =	sadd.s32 s3, s11;
	[dreg:$0x1b] =	wrdreg s9  }
0x21: {  	s14 =	sor.u32 $0x7800, s4;
	s13 =	sadd.s32 s0, s23;
	[dreg:$0x1d] =	wrdreg s12  }
0x22: {  	s31 =	simm.s32 $0x3;
	s15 =	sadd.s32 s3, s14;
	[dreg:$0x1e] =	wrdreg s13  }
0x23: {  	s17 =	sor.u32 $0x8000, s4;
	s16 =	sadd.s32 s0, s26;
	[dreg:$0x1f] =	wrdreg s15  }
0x24: {  	s30 =	simm.s32 $0x4;
	s18 =	sadd.s32 s3, s17;
	[smem:$0x7E6] =	sst s16  }
0x25: {  	s20 =	sor.u32 $0x8800, s4;
	s19 =	sadd.s32 s0, s11;
	[smem:$0x7E7] =	sst s18  }
0x26: {  	s28 =	simm.s32 $0x5;
	s21 =	sadd.s32 s3, s20;
	[smem:$0x7E8] =	sst s19  }
0x27: {  	p0 =	por $0x0, $0x0;
	s22 =	sadd.s32 s0, s14;
	[smem:$0x7E9] =	sst s21  }
0x28: {  	s5 =	ssub.s32 $0x2, s5;
	s25 =	sadd.s32 s0, s17;
	[smem:$0x7EA] =	sst s22  }
0x29: {  	s23 =	sor.u32 $0x9000, s4;
	s10 =	sadd.s32 s0, s20;
	[smem:$0x7EC] =	sst s25  }
0x2a: {  	s26 =	sor.u32 $0x9800, s4;
	s24 =	sadd.s32 s3, s23;
	[smem:$0x7EE] =	sst s10  }
0x2b: {  	s11 =	sor.u32 $0xA000, s4;
	s9 =	sadd.s32 s3, s26;
	[smem:$0x7EB] =	sst s24  }
0x2c: {  	s6 =	simm.s32 $0x4000;
	s12 =	sadd.s32 s3, s11;
	[smem:$0x7ED] =	sst s9  }
0x2d: {  	s14 =	sor.u32 $0xA800, s4;
	s13 =	sadd.s32 s0, s23;
	[smem:$0x7EF] =	sst s12  }
0x2e: {  	s17 =	sor.u32 $0xB000, s4;
	s15 =	sadd.s32 s3, s14;
	[smem:$0x7F0] =	sst s13  }
0x2f: {  	s20 =	sor.u32 $0xB800, s4;
	s16 =	sadd.s32 s0, s26;
	[smem:$0x7F1] =	sst s15  }
0x30: {  	s18 =	sadd.s32 s3, s17;
	s19 =	sadd.s32 s0, s11;
	[smem:$0x7F2] =	sst s16  }
0x31: {  	s21 =	sadd.s32 s3, s20;
	s22 =	sadd.s32 s0, s14;
	[smem:$0x7F3] =	sst s18  }
0x32: {  	s23 =	sor.u32 $0xC000, s4;
	s25 =	sadd.s32 s0, s17;
	[smem:$0x7F4] =	sst s19  }
0x33: {  	s26 =	sor.u32 $0xC800, s4;
	s11 =	sadd.s32 s0, s20;
	[smem:$0x7F5] =	sst s21  }
0x34: {  	s17 =	sor.u32 $0xE000, s4;
	[smem:$0x7F6] =	sst s22;
	s24 =	sadd.s32 s3, s23  }
0x35: {  	[smem:$0x7F8] =	sst s25;
	s10 =	sadd.s32 s3, s26;
	s12 =	sor.u32 $0xD000, s4  }
0x36: {  	[smem:$0x7FA] =	sst s11;
	s14 =	sadd.s32 s0, s23;
	s15 =	sor.u32 $0xD800, s4  }
0x37: {  	s9 =	sshrl.u32 s5, $0x1;
	s25 =	sadd.s32 s0, s26;
	s23 =	sadd.s32 s3, s17  }
0x38: {  	s19 =	sor.u32 $0xE800, s4;
	s22 =	sor.u32 $0xF000, s4;
	[smem:$0x7F7] =	sst s24  }
0x39: {  	s4 =	sor.u32 $0xF800, s4;
	s11 =	simm.s32 $0x1;
	[smem:$0x7F9] =	sst s10  }
0x3a: {  	s26 =	simm.s32 $0xC000;
	s13 =	sadd.s32 s3, s12;
	[smem:$0x7FC] =	sst s14  }
0x3b: {  	s16 =	sadd.s32 s3, s15;
	s9 =	ssub.s32 s5, s9;
	s21 =	sadd.s32 s0, s12  }
0x3c: {  	s20 =	sadd.s32 s3, s19;
	s18 =	sadd.s32 s0, s15;
	s14 =	sadd.s32 s0, s17  }
0x3d: {  	s10 =	sadd.s32 s3, s4;
	s8 =	sadd.s32 s0, s19;
	s24 =	smax.u32 s9, $0x1  }
0x3e: {  	s7 =	sadd.s32 s0, s22;
	s5 =	sadd.s32 s0, s4;
	p1 =	sne.s32 s24, $0x1  }
.Ltmp0:
0x3f: {  	s19 =	simm.s32 $0x14000;
	s4 =	simm.s32 $0x8;
	(pc) =	sbr.rel @!p1 .LBB2_3-.Ltmp0, $4  }
0x40: {  	s17 =	simm.s32 $0x9;
	s15 =	simm.s32 $0xA;
	[smem:$0x7FB] =	sst s13  }
0x41: {  	s12 =	simm.s32 $0xC;
	[smem:$0x7FD] =	sst s16;
	s16 =	sadd.s32 s3, s22  }
0x42: {  	s9 =	simm.s32 $0x2;
	s22 =	simm.s32 $0x10000;
	s3 =	simm.s32 $0x7  }
0x43: {  	s13 =	simm.s32 $0xB;
	s0 =	sadd.s32 $0xFFFFFFFF, s24;
	s24 =	simm.s32 $0x6  }
0x44: {  	[smem:$0x7E5] =	sst s0  }
0x45: {  	[tilespmem:s2], [sflag:$0x1] =	stream.linear.gather [hbm4b:s1+s2], $0x4000, $0x38;
	[tilespmem:$0x18000] =	vst v63  }
0x46: {  	s0 =	rddreg [dreg:$0x4]  }
0x47: {  	[tilespmem:s6], [sflag:$0x2] =	stream.linear.gather [hbm4b:s0+s2], $0x4000, $0x38;
	[tilespmem:$0x18000] =	vst v63  }
0x48: {  	s1 =	rddreg [dreg:$0x5]  }
0x49: {  	[tilespmem:s29], [sflag:$0x3] =	stream.linear.gather [hbm4b:s1+s2], $0x4000, $0x38;
	[tilespmem:$0x18000] =	vst v63  }
0x4a: {  	_ =	swait.ge [sflag:s11], $0x4000  }
0x4b: {  	[sflag:s11] =	ssyncset.done $0x0  }
0x4c: {  	s0 =	rddreg [dreg:$0x6];
	[sflag:s11] =	ssyncadd.s32 $0xFFFFC000  }
0x4d: {  	[hbm4b:s0+s2] =	stream.linear.scatter [tilespmem:s2], [sflag:$0x7], $0x4000, $0x38;
	[tilespmem:$0x18000] =	vst v63  }
0x4e: {  	s1 =	rddreg [dreg:$0x7]  }
0x4f: {  	[tilespmem:s26], [sflag:$0x4] =	stream.linear.gather [hbm4b:s1+s2], $0x4000, $0x38;
	[tilespmem:$0x18000] =	vst v63  }
0x50: {  	_ =	swait.ge [sflag:s9], $0x4000  }
0x51: {  	[sflag:s9] =	ssyncset.done $0x0  }
0x52: {  	s0 =	rddreg [dreg:$0x8];
	[sflag:s9] =	ssyncadd.s32 $0xFFFFC000  }
0x53: {  	[hbm4b:s0+s2] =	stream.linear.scatter [tilespmem:s6], [sflag:$0x8], $0x4000, $0x38;
	[tilespmem:$0x18000] =	vst v63  }
0x54: {  	s1 =	rddreg [dreg:$0x9]  }
0x55: {  	[tilespmem:s22], [sflag:$0x5] =	stream.linear.gather [hbm4b:s1+s2], $0x4000, $0x38;
	[tilespmem:$0x18000] =	vst v63  }
0x56: {  	_ =	swait.ge [sflag:s31], $0x4000  }
0x57: {  	[sflag:s31] =	ssyncset.done $0x0  }
0x58: {  	s0 =	rddreg [dreg:$0xa];
	[sflag:s31] =	ssyncadd.s32 $0xFFFFC000  }
0x59: {  	[hbm4b:s0+s2] =	stream.linear.scatter [tilespmem:s29], [sflag:$0x9], $0x4000, $0x38;
	[tilespmem:$0x18000] =	vst v63  }
0x5a: {  	s1 =	rddreg [dreg:$0xb]  }
0x5b: {  	[tilespmem:s19], [sflag:$0x6] =	stream.linear.gather [hbm4b:s1+s2], $0x4000, $0x38;
	[tilespmem:$0x18000] =	vst v63  }
0x5c: {  	_ =	swait.ge [sflag:s30], $0x4000  }
0x5d: {  	[sflag:s30] =	ssyncset.done $0x0  }
0x5e: {  	s1 =	rddreg [dreg:$0xc];
	[sflag:s30] =	ssyncadd.s32 $0xFFFFC000  }
0x5f: {  	[hbm4b:s1+s2] =	stream.linear.scatter [tilespmem:s26], [sflag:$0xA], $0x4000, $0x38;
	[tilespmem:$0x18000] =	vst v63  }
0x60: {  	_ =	swait.ge [sflag:s3], $0x4000  }
0x61: {  	[sflag:s3] =	ssyncset.done $0x0  }
0x62: {  	s1 =	rddreg [dreg:$0xd];
	[sflag:s3] =	ssyncadd.s32 $0xFFFFC000  }
0x63: {  	[tilespmem:s2], [sflag:$0x1] =	stream.linear.gather [hbm4b:s1+s2], $0x4000, $0x38;
	[tilespmem:$0x18000] =	vst v63  }
0x64: {  	_ =	swait.ge [sflag:s28], $0x4000  }
0x65: {  	[sflag:s28] =	ssyncset.done $0x0  }
0x66: {  	s1 =	rddreg [dreg:$0xe];
	[sflag:s28] =	ssyncadd.s32 $0xFFFFC000  }
0x67: {  	[hbm4b:s1+s2] =	stream.linear.scatter [tilespmem:s22], [sflag:$0xB], $0x4000, $0x38;
	[tilespmem:$0x18000] =	vst v63  }
0x68: {  	_ =	swait.ge [sflag:s4], $0x4000  }
0x69: {  	[sflag:s4] =	ssyncset.done $0x0  }
0x6a: {  	s1 =	rddreg [dreg:$0xf];
	[sflag:s4] =	ssyncadd.s32 $0xFFFFC000  }
0x6b: {  	[tilespmem:s6], [sflag:$0x2] =	stream.linear.gather [hbm4b:s1+s2], $0x4000, $0x38;
	[tilespmem:$0x18000] =	vst v63  }
0x6c: {  	_ =	swait.ge [sflag:s24], $0x4000  }
0x6d: {  	[sflag:s24] =	ssyncset.done $0x0  }
0x6e: {  	s1 =	rddreg [dreg:$0x10];
	[sflag:s24] =	ssyncadd.s32 $0xFFFFC000  }
0x6f: {  	[hbm4b:s1+s2] =	stream.linear.scatter [tilespmem:s19], [sflag:$0xC], $0x4000, $0x38;
	[tilespmem:$0x18000] =	vst v63  }
0x70: {  	_ =	swait.ge [sflag:s17], $0x4000  }
0x71: {  	[sflag:s17] =	ssyncset.done $0x0  }
0x72: {  	s1 =	rddreg [dreg:$0x11];
	[sflag:s17] =	ssyncadd.s32 $0xFFFFC000  }
0x73: {  	[tilespmem:s29], [sflag:$0x3] =	stream.linear.gather [hbm4b:s1+s2], $0x4000, $0x38;
	[tilespmem:$0x18000] =	vst v63  }
0x74: {  	_ =	swait.ge [sflag:s11], $0x4000  }
0x75: {  	[sflag:s11] =	ssyncset.done $0x0  }
0x76: {  	s1 =	rddreg [dreg:$0x12];
	[sflag:s11] =	ssyncadd.s32 $0xFFFFC000  }
0x77: {  	[hbm4b:s1+s2] =	stream.linear.scatter [tilespmem:s2], [sflag:$0x7], $0x4000, $0x38;
	[tilespmem:$0x18000] =	vst v63  }
0x78: {  	_ =	swait.ge [sflag:s15], $0x4000  }
0x79: {  	[sflag:s15] =	ssyncset.done $0x0  }
0x7a: {  	s1 =	rddreg [dreg:$0x13];
	[sflag:s15] =	ssyncadd.s32 $0xFFFFC000  }
0x7b: {  	[tilespmem:s26], [sflag:$0x4] =	stream.linear.gather [hbm4b:s1+s2], $0x4000, $0x38;
	[tilespmem:$0x18000] =	vst v63  }
0x7c: {  	_ =	swait.ge [sflag:s9], $0x4000  }
0x7d: {  	[sflag:s9] =	ssyncset.done $0x0  }
0x7e: {  	s1 =	rddreg [dreg:$0x14];
	[sflag:s9] =	ssyncadd.s32 $0xFFFFC000  }
0x7f: {  	[hbm4b:s1+s2] =	stream.linear.scatter [tilespmem:s6], [sflag:$0x8], $0x4000, $0x38;
	[tilespmem:$0x18000] =	vst v63  }
0x80: {  	_ =	swait.ge [sflag:s13], $0x4000  }
0x81: {  	[sflag:s13] =	ssyncset.done $0x0  }
0x82: {  	s1 =	rddreg [dreg:$0x15];
	[sflag:s13] =	ssyncadd.s32 $0xFFFFC000  }
0x83: {  	[tilespmem:s22], [sflag:$0x5] =	stream.linear.gather [hbm4b:s1+s2], $0x4000, $0x38;
	[tilespmem:$0x18000] =	vst v63  }
0x84: {  	_ =	swait.ge [sflag:s31], $0x4000  }
0x85: {  	[sflag:s31] =	ssyncset.done $0x0  }
0x86: {  	s1 =	rddreg [dreg:$0x16];
	[sflag:s31] =	ssyncadd.s32 $0xFFFFC000  }
0x87: {  	[hbm4b:s1+s2] =	stream.linear.scatter [tilespmem:s29], [sflag:$0x9], $0x4000, $0x38;
	[tilespmem:$0x18000] =	vst v63  }
0x88: {  	_ =	swait.ge [sflag:s12], $0x4000  }
0x89: {  	[sflag:s12] =	ssyncset.done $0x0  }
0x8a: {  	s1 =	rddreg [dreg:$0x17];
	[sflag:s12] =	ssyncadd.s32 $0xFFFFC000  }
0x8b: {  	[tilespmem:s19], [sflag:$0x6] =	stream.linear.gather [hbm4b:s1+s2], $0x4000, $0x38;
	[tilespmem:$0x18000] =	vst v63  }
0x8c: {  	_ =	swait.ge [sflag:s30], $0x4000  }
0x8d: {  	[sflag:s30] =	ssyncset.done $0x0  }
0x8e: {  	s1 =	rddreg [dreg:$0x18];
	[sflag:s30] =	ssyncadd.s32 $0xFFFFC000  }
0x8f: {  	[hbm4b:s1+s2] =	stream.linear.scatter [tilespmem:s26], [sflag:$0xA], $0x4000, $0x38;
	[tilespmem:$0x18000] =	vst v63  }
0x90: {  	_ =	swait.ge [sflag:s3], $0x4000  }
0x91: {  	[sflag:s3] =	ssyncset.done $0x0  }
0x92: {  	s1 =	rddreg [dreg:$0x19];
	[sflag:s3] =	ssyncadd.s32 $0xFFFFC000  }
0x93: {  	[tilespmem:s2], [sflag:$0x1] =	stream.linear.gather [hbm4b:s1+s2], $0x4000, $0x38;
	[tilespmem:$0x18000] =	vst v63  }
0x94: {  	_ =	swait.ge [sflag:s28], $0x4000  }
0x95: {  	[sflag:s28] =	ssyncset.done $0x0  }
0x96: {  	s1 =	rddreg [dreg:$0x1a];
	[sflag:s28] =	ssyncadd.s32 $0xFFFFC000  }
0x97: {  	[hbm4b:s1+s2] =	stream.linear.scatter [tilespmem:s22], [sflag:$0xB], $0x4000, $0x38;
	[tilespmem:$0x18000] =	vst v63  }
0x98: {  	_ =	swait.ge [sflag:s4], $0x4000  }
0x99: {  	[sflag:s4] =	ssyncset.done $0x0  }
0x9a: {  	s1 =	rddreg [dreg:$0x1b];
	[sflag:s4] =	ssyncadd.s32 $0xFFFFC000  }
0x9b: {  	[tilespmem:s6], [sflag:$0x2] =	stream.linear.gather [hbm4b:s1+s2], $0x4000, $0x38;
	[tilespmem:$0x18000] =	vst v63  }
0x9c: {  	_ =	swait.ge [sflag:s24], $0x4000  }
0x9d: {  	[sflag:s24] =	ssyncset.done $0x0  }
0x9e: {  	s1 =	rddreg [dreg:$0x1c];
	[sflag:s24] =	ssyncadd.s32 $0xFFFFC000  }
0x9f: {  	[hbm4b:s1+s2] =	stream.linear.scatter [tilespmem:s19], [sflag:$0xC], $0x4000, $0x38;
	[tilespmem:$0x18000] =	vst v63  }
0xa0: {  	_ =	swait.ge [sflag:s17], $0x4000  }
0xa1: {  	[sflag:s17] =	ssyncset.done $0x0  }
0xa2: {  	s1 =	rddreg [dreg:$0x1d];
	[sflag:s17] =	ssyncadd.s32 $0xFFFFC000  }
0xa3: {  	[tilespmem:s29], [sflag:$0x3] =	stream.linear.gather [hbm4b:s1+s2], $0x4000, $0x38;
	[tilespmem:$0x18000] =	vst v63  }
0xa4: {  	_ =	swait.ge [sflag:s11], $0x4000  }
0xa5: {  	[sflag:s11] =	ssyncset.done $0x0  }
0xa6: {  	s1 =	rddreg [dreg:$0x1e];
	[sflag:s11] =	ssyncadd.s32 $0xFFFFC000  }
0xa7: {  	[hbm4b:s1+s2] =	stream.linear.scatter [tilespmem:s2], [sflag:$0x7], $0x4000, $0x38;
	[tilespmem:$0x18000] =	vst v63  }
0xa8: {  	_ =	swait.ge [sflag:s15], $0x4000  }
0xa9: {  	[sflag:s15] =	ssyncset.done $0x0  }
0xaa: {  	s1 =	rddreg [dreg:$0x1f];
	[sflag:s15] =	ssyncadd.s32 $0xFFFFC000  }
0xab: {  	[tilespmem:s26], [sflag:$0x4] =	stream.linear.gather [hbm4b:s1+s2], $0x4000, $0x38;
	[tilespmem:$0x18000] =	vst v63  }
0xac: {  	_ =	swait.ge [sflag:s9], $0x4000  }
0xad: {  	s1 =	sld [smem:$0x7E6]  }
0xae: {  	[sflag:s9] =	ssyncset.done $0x0  }
0xaf: {  	[sflag:s9] =	ssyncadd.s32 $0xFFFFC000  }
0xb0: {  	[hbm4b:s1+s2] =	stream.linear.scatter [tilespmem:s6], [sflag:$0x8], $0x4000, $0x38;
	[tilespmem:$0x18000] =	vst v63  }
0xb1: {  	_ =	swait.ge [sflag:s13], $0x4000  }
0xb2: {  	s1 =	sld [smem:$0x7E7]  }
0xb3: {  	[sflag:s13] =	ssyncset.done $0x0  }
0xb4: {  	[sflag:s13] =	ssyncadd.s32 $0xFFFFC000  }
0xb5: {  	[tilespmem:s22], [sflag:$0x5] =	stream.linear.gather [hbm4b:s1+s2], $0x4000, $0x38;
	[tilespmem:$0x18000] =	vst v63  }
0xb6: {  	_ =	swait.ge [sflag:s31], $0x4000  }
0xb7: {  	s1 =	sld [smem:$0x7E8]  }
0xb8: {  	[sflag:s31] =	ssyncset.done $0x0  }
0xb9: {  	[sflag:s31] =	ssyncadd.s32 $0xFFFFC000  }
0xba: {  	[hbm4b:s1+s2] =	stream.linear.scatter [tilespmem:s29], [sflag:$0x9], $0x4000, $0x38;
	[tilespmem:$0x18000] =	vst v63  }
0xbb: {  	_ =	swait.ge [sflag:s12], $0x4000  }
0xbc: {  	s1 =	sld [smem:$0x7E9]  }
0xbd: {  	[sflag:s12] =	ssyncset.done $0x0  }
0xbe: {  	[sflag:s12] =	ssyncadd.s32 $0xFFFFC000  }
0xbf: {  	[tilespmem:s19], [sflag:$0x6] =	stream.linear.gather [hbm4b:s1+s2], $0x4000, $0x38;
	[tilespmem:$0x18000] =	vst v63  }
0xc0: {  	_ =	swait.ge [sflag:s30], $0x4000  }
0xc1: {  	s1 =	sld [smem:$0x7EA]  }
0xc2: {  	[sflag:s30] =	ssyncset.done $0x0  }
0xc3: {  	[sflag:s30] =	ssyncadd.s32 $0xFFFFC000  }
0xc4: {  	[hbm4b:s1+s2] =	stream.linear.scatter [tilespmem:s26], [sflag:$0xA], $0x4000, $0x38;
	[tilespmem:$0x18000] =	vst v63  }
0xc5: {  	_ =	swait.ge [sflag:s3], $0x4000  }
0xc6: {  	s1 =	sld [smem:$0x7EB]  }
0xc7: {  	[sflag:s3] =	ssyncset.done $0x0  }
0xc8: {  	[sflag:s3] =	ssyncadd.s32 $0xFFFFC000  }
0xc9: {  	[tilespmem:s2], [sflag:$0x1] =	stream.linear.gather [hbm4b:s1+s2], $0x4000, $0x38;
	[tilespmem:$0x18000] =	vst v63  }
0xca: {  	_ =	swait.ge [sflag:s28], $0x4000  }
0xcb: {  	s1 =	sld [smem:$0x7EC]  }
0xcc: {  	[sflag:s28] =	ssyncset.done $0x0  }
0xcd: {  	[sflag:s28] =	ssyncadd.s32 $0xFFFFC000  }
0xce: {  	[hbm4b:s1+s2] =	stream.linear.scatter [tilespmem:s22], [sflag:$0xB], $0x4000, $0x38;
	[tilespmem:$0x18000] =	vst v63  }
0xcf: {  	_ =	swait.ge [sflag:s4], $0x4000  }
0xd0: {  	s1 =	sld [smem:$0x7ED]  }
0xd1: {  	[sflag:s4] =	ssyncset.done $0x0  }
0xd2: {  	[sflag:s4] =	ssyncadd.s32 $0xFFFFC000  }
0xd3: {  	[tilespmem:s6], [sflag:$0x2] =	stream.linear.gather [hbm4b:s1+s2], $0x4000, $0x38;
	[tilespmem:$0x18000] =	vst v63  }
0xd4: {  	_ =	swait.ge [sflag:s24], $0x4000  }
0xd5: {  	s1 =	sld [smem:$0x7EE]  }
0xd6: {  	[sflag:s24] =	ssyncset.done $0x0  }
0xd7: {  	[sflag:s24] =	ssyncadd.s32 $0xFFFFC000  }
0xd8: {  	[hbm4b:s1+s2] =	stream.linear.scatter [tilespmem:s19], [sflag:$0xC], $0x4000, $0x38;
	[tilespmem:$0x18000] =	vst v63  }
0xd9: {  	_ =	swait.ge [sflag:s17], $0x4000  }
0xda: {  	s1 =	sld [smem:$0x7EF]  }
0xdb: {  	[sflag:s17] =	ssyncset.done $0x0  }
0xdc: {  	[sflag:s17] =	ssyncadd.s32 $0xFFFFC000  }
0xdd: {  	[tilespmem:s29], [sflag:$0x3] =	stream.linear.gather [hbm4b:s1+s2], $0x4000, $0x38;
	[tilespmem:$0x18000] =	vst v63  }
0xde: {  	_ =	swait.ge [sflag:s11], $0x4000  }
0xdf: {  	s1 =	sld [smem:$0x7F0]  }
0xe0: {  	[sflag:s11] =	ssyncset.done $0x0  }
0xe1: {  	[sflag:s11] =	ssyncadd.s32 $0xFFFFC000  }
0xe2: {  	[hbm4b:s1+s2] =	stream.linear.scatter [tilespmem:s2], [sflag:$0x7], $0x4000, $0x38;
	[tilespmem:$0x18000] =	vst v63  }
0xe3: {  	_ =	swait.ge [sflag:s15], $0x4000  }
0xe4: {  	s1 =	sld [smem:$0x7F1]  }
0xe5: {  	[sflag:s15] =	ssyncset.done $0x0  }
0xe6: {  	[sflag:s15] =	ssyncadd.s32 $0xFFFFC000  }
0xe7: {  	[tilespmem:s26], [sflag:$0x4] =	stream.linear.gather [hbm4b:s1+s2], $0x4000, $0x38;
	[tilespmem:$0x18000] =	vst v63  }
0xe8: {  	_ =	swait.ge [sflag:s9], $0x4000  }
0xe9: {  	s1 =	sld [smem:$0x7F2]  }
0xea: {  	[sflag:s9] =	ssyncset.done $0x0  }
0xeb: {  	[sflag:s9] =	ssyncadd.s32 $0xFFFFC000  }
0xec: {  	[hbm4b:s1+s2] =	stream.linear.scatter [tilespmem:s6], [sflag:$0x8], $0x4000, $0x38;
	[tilespmem:$0x18000] =	vst v63  }
0xed: {  	_ =	swait.ge [sflag:s13], $0x4000  }
0xee: {  	s1 =	sld [smem:$0x7F3]  }
0xef: {  	[sflag:s13] =	ssyncset.done $0x0  }
0xf0: {  	[sflag:s13] =	ssyncadd.s32 $0xFFFFC000  }
0xf1: {  	[tilespmem:s22], [sflag:$0x5] =	stream.linear.gather [hbm4b:s1+s2], $0x4000, $0x38;
	[tilespmem:$0x18000] =	vst v63  }
0xf2: {  	_ =	swait.ge [sflag:s31], $0x4000  }
0xf3: {  	s1 =	sld [smem:$0x7F4]  }
0xf4: {  	[sflag:s31] =	ssyncset.done $0x0  }
0xf5: {  	[sflag:s31] =	ssyncadd.s32 $0xFFFFC000  }
0xf6: {  	[hbm4b:s1+s2] =	stream.linear.scatter [tilespmem:s29], [sflag:$0x9], $0x4000, $0x38;
	[tilespmem:$0x18000] =	vst v63  }
0xf7: {  	_ =	swait.ge [sflag:s12], $0x4000  }
0xf8: {  	s1 =	sld [smem:$0x7F5]  }
0xf9: {  	[sflag:s12] =	ssyncset.done $0x0  }
0xfa: {  	[sflag:s12] =	ssyncadd.s32 $0xFFFFC000  }
0xfb: {  	[tilespmem:s19], [sflag:$0x6] =	stream.linear.gather [hbm4b:s1+s2], $0x4000, $0x38;
	[tilespmem:$0x18000] =	vst v63  }
0xfc: {  	_ =	swait.ge [sflag:s30], $0x4000  }
0xfd: {  	s1 =	sld [smem:$0x7F6]  }
0xfe: {  	[sflag:s30] =	ssyncset.done $0x0  }
0xff: {  	[sflag:s30] =	ssyncadd.s32 $0xFFFFC000  }
0x100: {  	[hbm4b:s1+s2] =	stream.linear.scatter [tilespmem:s26], [sflag:$0xA], $0x4000, $0x38;
	[tilespmem:$0x18000] =	vst v63  }
0x101: {  	_ =	swait.ge [sflag:s3], $0x4000  }
0x102: {  	s1 =	sld [smem:$0x7F7]  }
0x103: {  	[sflag:s3] =	ssyncset.done $0x0  }
0x104: {  	[sflag:s3] =	ssyncadd.s32 $0xFFFFC000  }
0x105: {  	[tilespmem:s2], [sflag:$0x1] =	stream.linear.gather [hbm4b:s1+s2], $0x4000, $0x38;
	[tilespmem:$0x18000] =	vst v63  }
0x106: {  	_ =	swait.ge [sflag:s28], $0x4000  }
0x107: {  	s1 =	sld [smem:$0x7F8]  }
0x108: {  	[sflag:s28] =	ssyncset.done $0x0  }
0x109: {  	[sflag:s28] =	ssyncadd.s32 $0xFFFFC000  }
0x10a: {  	[hbm4b:s1+s2] =	stream.linear.scatter [tilespmem:s22], [sflag:$0xB], $0x4000, $0x38;
	[tilespmem:$0x18000] =	vst v63  }
0x10b: {  	_ =	swait.ge [sflag:s4], $0x4000  }
0x10c: {  	s1 =	sld [smem:$0x7F9]  }
0x10d: {  	[sflag:s4] =	ssyncset.done $0x0  }
0x10e: {  	[sflag:s4] =	ssyncadd.s32 $0xFFFFC000  }
0x10f: {  	[tilespmem:s6], [sflag:$0x2] =	stream.linear.gather [hbm4b:s1+s2], $0x4000, $0x38;
	[tilespmem:$0x18000] =	vst v63  }
0x110: {  	_ =	swait.ge [sflag:s24], $0x4000  }
0x111: {  	s1 =	sld [smem:$0x7FA]  }
0x112: {  	[sflag:s24] =	ssyncset.done $0x0  }
0x113: {  	[sflag:s24] =	ssyncadd.s32 $0xFFFFC000  }
0x114: {  	[hbm4b:s1+s2] =	stream.linear.scatter [tilespmem:s19], [sflag:$0xC], $0x4000, $0x38;
	[tilespmem:$0x18000] =	vst v63  }
0x115: {  	_ =	swait.ge [sflag:s17], $0x4000  }
0x116: {  	s1 =	sld [smem:$0x7FB]  }
0x117: {  	[sflag:s17] =	ssyncset.done $0x0  }
0x118: {  	[sflag:s17] =	ssyncadd.s32 $0xFFFFC000  }
0x119: {  	[tilespmem:s29], [sflag:$0x3] =	stream.linear.gather [hbm4b:s1+s2], $0x4000, $0x38;
	[tilespmem:$0x18000] =	vst v63  }
0x11a: {  	_ =	swait.ge [sflag:s11], $0x4000  }
0x11b: {  	s1 =	sld [smem:$0x7FC]  }
0x11c: {  	[sflag:s11] =	ssyncset.done $0x0  }
0x11d: {  	[sflag:s11] =	ssyncadd.s32 $0xFFFFC000  }
0x11e: {  	[hbm4b:s1+s2] =	stream.linear.scatter [tilespmem:s2], [sflag:$0x7], $0x4000, $0x38;
	[tilespmem:$0x18000] =	vst v63  }
0x11f: {  	_ =	swait.ge [sflag:s15], $0x4000  }
0x120: {  	s1 =	sld [smem:$0x7FD]  }
0x121: {  	[sflag:s15] =	ssyncset.done $0x0  }
0x122: {  	[sflag:s15] =	ssyncadd.s32 $0xFFFFC000  }
0x123: {  	[tilespmem:s26], [sflag:$0x4] =	stream.linear.gather [hbm4b:s1+s2], $0x4000, $0x38;
	[tilespmem:$0x18000] =	vst v63  }
0x124: {  	_ =	swait.ge [sflag:s9], $0x4000  }
0x125: {  	[sflag:s9] =	ssyncset.done $0x0  }
0x126: {  	[sflag:s9] =	ssyncadd.s32 $0xFFFFC000  }
0x127: {  	[hbm4b:s25+s2] =	stream.linear.scatter [tilespmem:s6], [sflag:$0x8], $0x4000, $0x38;
	[tilespmem:$0x18000] =	vst v63  }
0x128: {  	_ =	swait.ge [sflag:s13], $0x4000  }
0x129: {  	[sflag:s13] =	ssyncset.done $0x0  }
0x12a: {  	[sflag:s13] =	ssyncadd.s32 $0xFFFFC000  }
0x12b: {  	[tilespmem:s22], [sflag:$0x5] =	stream.linear.gather [hbm4b:s23+s2], $0x4000, $0x38;
	[tilespmem:$0x18000] =	vst v63  }
0x12c: {  	_ =	swait.ge [sflag:s31], $0x4000  }
0x12d: {  	[sflag:s31] =	ssyncset.done $0x0  }
0x12e: {  	[sflag:s31] =	ssyncadd.s32 $0xFFFFC000  }
0x12f: {  	[hbm4b:s21+s2] =	stream.linear.scatter [tilespmem:s29], [sflag:$0x9], $0x4000, $0x38;
	[tilespmem:$0x18000] =	vst v63  }
0x130: {  	_ =	swait.ge [sflag:s12], $0x4000  }
0x131: {  	[sflag:s12] =	ssyncset.done $0x0  }
0x132: {  	[sflag:s12] =	ssyncadd.s32 $0xFFFFC000  }
0x133: {  	[tilespmem:s19], [sflag:$0x6] =	stream.linear.gather [hbm4b:s20+s2], $0x4000, $0x38;
	[tilespmem:$0x18000] =	vst v63  }
0x134: {  	_ =	swait.ge [sflag:s30], $0x4000  }
0x135: {  	[sflag:s30] =	ssyncset.done $0x0  }
0x136: {  	[sflag:s30] =	ssyncadd.s32 $0xFFFFC000  }
0x137: {  	[hbm4b:s18+s2] =	stream.linear.scatter [tilespmem:s26], [sflag:$0xA], $0x4000, $0x38;
	[tilespmem:$0x18000] =	vst v63  }
0x138: {  	_ =	swait.ge [sflag:s3], $0x4000  }
0x139: {  	[sflag:s3] =	ssyncset.done $0x0  }
0x13a: {  	[sflag:s3] =	ssyncadd.s32 $0xFFFFC000  }
0x13b: {  	[tilespmem:s2], [sflag:$0x1] =	stream.linear.gather [hbm4b:s16+s2], $0x4000, $0x38;
	[tilespmem:$0x18000] =	vst v63  }
0x13c: {  	_ =	swait.ge [sflag:s28], $0x4000  }
0x13d: {  	[sflag:s28] =	ssyncset.done $0x0  }
0x13e: {  	[sflag:s28] =	ssyncadd.s32 $0xFFFFC000  }
0x13f: {  	[hbm4b:s14+s2] =	stream.linear.scatter [tilespmem:s22], [sflag:$0xB], $0x4000, $0x38;
	[tilespmem:$0x18000] =	vst v63  }
0x140: {  	_ =	swait.ge [sflag:s4], $0x4000  }
0x141: {  	[sflag:s4] =	ssyncset.done $0x0  }
0x142: {  	[sflag:s4] =	ssyncadd.s32 $0xFFFFC000  }
0x143: {  	[tilespmem:s6], [sflag:$0x2] =	stream.linear.gather [hbm4b:s10+s2], $0x4000, $0x38;
	[tilespmem:$0x18000] =	vst v63  }
0x144: {  	_ =	swait.ge [sflag:s24], $0x4000  }
0x145: {  	[sflag:s24] =	ssyncset.done $0x0  }
0x146: {  	[sflag:s24] =	ssyncadd.s32 $0xFFFFC000  }
0x147: {  	[hbm4b:s8+s2] =	stream.linear.scatter [tilespmem:s19], [sflag:$0xC], $0x4000, $0x38;
	[tilespmem:$0x18000] =	vst v63  }
0x148: {  	_ =	swait.ge [sflag:s11], $0x4000  }
0x149: {  	[sflag:s11] =	ssyncset.done $0x0  }
0x14a: {  	[sflag:s11] =	ssyncadd.s32 $0xFFFFC000  }
0x14b: {  	[hbm4b:s7+s2] =	stream.linear.scatter [tilespmem:s2], [sflag:$0x7], $0x4000, $0x38;
	[tilespmem:$0x18000] =	vst v63  }
0x14c: {  	_ =	swait.ge [sflag:s9], $0x4000  }
0x14d: {  	[sflag:s9] =	ssyncset.done $0x0  }
0x14e: {  	[sflag:s9] =	ssyncadd.s32 $0xFFFFC000  }
0x14f: {  	[hbm4b:s5+s2] =	stream.linear.scatter [tilespmem:s6], [sflag:$0x8], $0x4000, $0x38;
	[tilespmem:$0x18000] =	vst v63  }
0x150: {  	_ =	swait.ge [sflag:s17], $0x4000  }
0x151: {  	[sflag:s17] =	ssyncset.done $0x0  }
0x152: {  	[sflag:s17] =	ssyncadd.s32 $0xFFFFC000  }
0x153: {  	_ =	swait.ge [sflag:s15], $0x4000  }
0x154: {  	[sflag:s15] =	ssyncset.done $0x0  }
0x155: {  	[sflag:s15] =	ssyncadd.s32 $0xFFFFC000  }
0x156: {  	_ =	swait.ge [sflag:s13], $0x4000  }
0x157: {  	[sflag:s13] =	ssyncset.done $0x0  }
0x158: {  	[sflag:s13] =	ssyncadd.s32 $0xFFFFC000  }
0x159: {  	_ =	swait.ge [sflag:s12], $0x4000  }
0x15a: {  	[sflag:s12] =	ssyncset.done $0x0  }
0x15b: {  	[sflag:s12] =	ssyncadd.s32 $0xFFFFC000  }
0x15c: {  	_ =	swait.ge [sflag:s3], $0x4000  }
0x15d: {  	s1 =	sld [smem:$0x7E5];
	_ =	sdelay $0x2  }
0x15e: {  	p1 =	sne.s32 s1, $0x1  }
.Ltmp1:
0x15f: {  	_ = 	snop;
	(pc) =	sbr.rel @!p1 .LBB2_3-.Ltmp1, $4  }
0x160: {  	[sflag:s3] =	ssyncset.done $0x0  }
0x161: {  	[sflag:s3] =	ssyncadd.s32 $0xFFFFC000  }
0x162: {  	p0 =	por $0x1, $0x1;
	_ =	swait.ge [sflag:s4], $0x4000  }
0x163: {  	s0 =	sadd.s32 $0xFFFFFFFF, s1;
	s1 =	rddreg [dreg:$0x3];
	[sflag:s4] =	ssyncset.done $0x0  }
.LBB2_2:
0x164: {  	[sflag:s4] =	ssyncadd.s32 $0xFFFFC000;
	s12 =	simm.s32 $0x4000  }
0x165: {  	s19 =	smov.u32 s25;
	s25 =	smov.u32 s23;
	s23 =	smov.u32 s21  }
0x166: {  	s21 =	smov.u32 s20;
	s20 =	smov.u32 s18;
	s18 =	smov.u32 s16  }
0x167: {  	s16 =	smov.u32 s14;
	s14 =	smov.u32 s10;
	s10 =	smov.u32 s8  }
0x168: {  	[tilespmem:s2], [sflag:$0x1] =	stream.linear.gather [hbm4b:s1+s2], $0x4000, $0x38;
	[tilespmem:$0x18000] =	vst v63  }
0x169: {  	s8 =	smov.u32 s7;
	s7 =	smov.u32 s5;
	s5 =	rddreg [dreg:$0x4]  }
0x16a: {  	[tilespmem:s12], [sflag:$0x2] =	stream.linear.gather [hbm4b:s5+s2], $0x4000, $0x38;
	[tilespmem:$0x18000] =	vst v63  }
0x16b: {  	s6 =	simm.s32 $0x8000;
	s1 =	rddreg [dreg:$0x5]  }
0x16c: {  	[tilespmem:s6], [sflag:$0x3] =	stream.linear.gather [hbm4b:s1+s2], $0x4000, $0x38;
	[tilespmem:$0x18000] =	vst v63  }
0x16d: {  	_ =	swait.ge [sflag:s11], $0x4000  }
0x16e: {  	[sflag:s11] =	ssyncset.done $0x0  }
0x16f: {  	s1 =	rddreg [dreg:$0x6];
	[sflag:s11] =	ssyncadd.s32 $0xFFFFC000  }
0x170: {  	[hbm4b:s1+s2] =	stream.linear.scatter [tilespmem:s2], [sflag:$0x7], $0x4000, $0x38;
	[tilespmem:$0x18000] =	vst v63  }
0x171: {  	s29 =	simm.s32 $0xC000;
	s5 =	rddreg [dreg:$0x7]  }
0x172: {  	[tilespmem:s29], [sflag:$0x4] =	stream.linear.gather [hbm4b:s5+s2], $0x4000, $0x38;
	[tilespmem:$0x18000] =	vst v63  }
0x173: {  	_ =	swait.ge [sflag:s9], $0x4000  }
0x174: {  	[sflag:s9] =	ssyncset.done $0x0  }
0x175: {  	s6 =	simm.s32 $0x4000;
	s1 =	rddreg [dreg:$0x8];
	[sflag:s9] =	ssyncadd.s32 $0xFFFFC000  }
0x176: {  	[hbm4b:s1+s2] =	stream.linear.scatter [tilespmem:s6], [sflag:$0x8], $0x4000, $0x38;
	[tilespmem:$0x18000] =	vst v63  }
0x177: {  	s26 =	simm.s32 $0x10000;
	s5 =	rddreg [dreg:$0x9]  }
0x178: {  	[tilespmem:s26], [sflag:$0x5] =	stream.linear.gather [hbm4b:s5+s2], $0x4000, $0x38;
	[tilespmem:$0x18000] =	vst v63  }
0x179: {  	_ =	swait.ge [sflag:s31], $0x4000  }
0x17a: {  	[sflag:s31] =	ssyncset.done $0x0  }
0x17b: {  	s29 =	simm.s32 $0x8000;
	s1 =	rddreg [dreg:$0xa];
	[sflag:s31] =	ssyncadd.s32 $0xFFFFC000  }
0x17c: {  	[hbm4b:s1+s2] =	stream.linear.scatter [tilespmem:s29], [sflag:$0x9], $0x4000, $0x38;
	[tilespmem:$0x18000] =	vst v63  }
0x17d: {  	s22 =	simm.s32 $0x14000;
	s5 =	rddreg [dreg:$0xb]  }
0x17e: {  	[tilespmem:s22], [sflag:$0x6] =	stream.linear.gather [hbm4b:s5+s2], $0x4000, $0x38;
	[tilespmem:$0x18000] =	vst v63  }
0x17f: {  	_ =	swait.ge [sflag:s30], $0x4000  }
0x180: {  	[sflag:s30] =	ssyncset.done $0x0  }
0x181: {  	s26 =	simm.s32 $0xC000;
	s1 =	rddreg [dreg:$0xc];
	[sflag:s30] =	ssyncadd.s32 $0xFFFFC000  }
0x182: {  	[hbm4b:s1+s2] =	stream.linear.scatter [tilespmem:s26], [sflag:$0xA], $0x4000, $0x38;
	[tilespmem:$0x18000] =	vst v63  }
0x183: {  	_ =	swait.ge [sflag:s3], $0x4000  }
0x184: {  	[sflag:s3] =	ssyncset.done $0x0  }
0x185: {  	s1 =	rddreg [dreg:$0xd];
	[sflag:s3] =	ssyncadd.s32 $0xFFFFC000  }
0x186: {  	[tilespmem:s2], [sflag:$0x1] =	stream.linear.gather [hbm4b:s1+s2], $0x4000, $0x38;
	[tilespmem:$0x18000] =	vst v63  }
0x187: {  	_ =	swait.ge [sflag:s28], $0x4000  }
0x188: {  	s22 =	simm.s32 $0x10000;
	s5 =	smov.u32 s7;
	[sflag:s28] =	ssyncset.done $0x0  }
0x189: {  	s7 =	smov.u32 s8;
	s1 =	rddreg [dreg:$0xe];
	[sflag:s28] =	ssyncadd.s32 $0xFFFFC000  }
0x18a: {  	[hbm4b:s1+s2] =	stream.linear.scatter [tilespmem:s22], [sflag:$0xB], $0x4000, $0x38;
	[tilespmem:$0x18000] =	vst v63  }
0x18b: {  	s8 =	smov.u32 s10;
	s10 =	smov.u32 s14;
	_ =	swait.ge [sflag:s4], $0x4000  }
0x18c: {  	s14 =	smov.u32 s16;
	s16 =	smov.u32 s18;
	[sflag:s4] =	ssyncset.done $0x0  }
0x18d: {  	s18 =	smov.u32 s20;
	s1 =	rddreg [dreg:$0xf];
	[sflag:s4] =	ssyncadd.s32 $0xFFFFC000  }
0x18e: {  	[tilespmem:s6], [sflag:$0x2] =	stream.linear.gather [hbm4b:s1+s2], $0x4000, $0x38;
	[tilespmem:$0x18000] =	vst v63  }
0x18f: {  	s20 =	smov.u32 s21;
	s21 =	smov.u32 s23;
	_ =	swait.ge [sflag:s24], $0x4000  }
0x190: {  	s23 =	smov.u32 s25;
	s25 =	smov.u32 s19;
	[sflag:s24] =	ssyncset.done $0x0  }
0x191: {  	s19 =	simm.s32 $0x14000;
	s1 =	rddreg [dreg:$0x10];
	[sflag:s24] =	ssyncadd.s32 $0xFFFFC000  }
0x192: {  	[hbm4b:s1+s2] =	stream.linear.scatter [tilespmem:s19], [sflag:$0xC], $0x4000, $0x38;
	[tilespmem:$0x18000] =	vst v63  }
0x193: {  	_ =	swait.ge [sflag:s17], $0x4000  }
0x194: {  	[sflag:s17] =	ssyncset.done $0x0  }
0x195: {  	s1 =	rddreg [dreg:$0x11];
	[sflag:s17] =	ssyncadd.s32 $0xFFFFC000  }
0x196: {  	[tilespmem:s29], [sflag:$0x3] =	stream.linear.gather [hbm4b:s1+s2], $0x4000, $0x38;
	[tilespmem:$0x18000] =	vst v63  }
0x197: {  	_ =	swait.ge [sflag:s11], $0x4000  }
0x198: {  	[sflag:s11] =	ssyncset.done $0x0  }
0x199: {  	s1 =	rddreg [dreg:$0x12];
	[sflag:s11] =	ssyncadd.s32 $0xFFFFC000  }
0x19a: {  	[hbm4b:s1+s2] =	stream.linear.scatter [tilespmem:s2], [sflag:$0x7], $0x4000, $0x38;
	[tilespmem:$0x18000] =	vst v63  }
0x19b: {  	_ =	swait.ge [sflag:s15], $0x4000  }
0x19c: {  	[sflag:s15] =	ssyncset.done $0x0  }
0x19d: {  	s1 =	rddreg [dreg:$0x13];
	[sflag:s15] =	ssyncadd.s32 $0xFFFFC000  }
0x19e: {  	[tilespmem:s26], [sflag:$0x4] =	stream.linear.gather [hbm4b:s1+s2], $0x4000, $0x38;
	[tilespmem:$0x18000] =	vst v63  }
0x19f: {  	_ =	swait.ge [sflag:s9], $0x4000  }
0x1a0: {  	[sflag:s9] =	ssyncset.done $0x0  }
0x1a1: {  	s1 =	rddreg [dreg:$0x14];
	[sflag:s9] =	ssyncadd.s32 $0xFFFFC000  }
0x1a2: {  	[hbm4b:s1+s2] =	stream.linear.scatter [tilespmem:s6], [sflag:$0x8], $0x4000, $0x38;
	[tilespmem:$0x18000] =	vst v63  }
0x1a3: {  	_ =	swait.ge [sflag:s13], $0x4000  }
0x1a4: {  	[sflag:s13] =	ssyncset.done $0x0  }
0x1a5: {  	s1 =	rddreg [dreg:$0x15];
	[sflag:s13] =	ssyncadd.s32 $0xFFFFC000  }
0x1a6: {  	[tilespmem:s22], [sflag:$0x5] =	stream.linear.gather [hbm4b:s1+s2], $0x4000, $0x38;
	[tilespmem:$0x18000] =	vst v63  }
0x1a7: {  	_ =	swait.ge [sflag:s31], $0x4000  }
0x1a8: {  	[sflag:s31] =	ssyncset.done $0x0  }
0x1a9: {  	s12 =	simm.s32 $0xC;
	s1 =	rddreg [dreg:$0x16];
	[sflag:s31] =	ssyncadd.s32 $0xFFFFC000  }
0x1aa: {  	[hbm4b:s1+s2] =	stream.linear.scatter [tilespmem:s29], [sflag:$0x9], $0x4000, $0x38;
	[tilespmem:$0x18000] =	vst v63  }
0x1ab: {  	_ =	swait.ge [sflag:s12], $0x4000  }
0x1ac: {  	[sflag:s12] =	ssyncset.done $0x0  }
0x1ad: {  	s1 =	rddreg [dreg:$0x17];
	[sflag:s12] =	ssyncadd.s32 $0xFFFFC000  }
0x1ae: {  	[tilespmem:s19], [sflag:$0x6] =	stream.linear.gather [hbm4b:s1+s2], $0x4000, $0x38;
	[tilespmem:$0x18000] =	vst v63  }
0x1af: {  	_ =	swait.ge [sflag:s30], $0x4000  }
0x1b0: {  	[sflag:s30] =	ssyncset.done $0x0  }
0x1b1: {  	s1 =	rddreg [dreg:$0x18];
	[sflag:s30] =	ssyncadd.s32 $0xFFFFC000  }
0x1b2: {  	[hbm4b:s1+s2] =	stream.linear.scatter [tilespmem:s26], [sflag:$0xA], $0x4000, $0x38;
	[tilespmem:$0x18000] =	vst v63  }
0x1b3: {  	_ =	swait.ge [sflag:s3], $0x4000  }
0x1b4: {  	[sflag:s3] =	ssyncset.done $0x0  }
0x1b5: {  	s1 =	rddreg [dreg:$0x19];
	[sflag:s3] =	ssyncadd.s32 $0xFFFFC000  }
0x1b6: {  	[tilespmem:s2], [sflag:$0x1] =	stream.linear.gather [hbm4b:s1+s2], $0x4000, $0x38;
	[tilespmem:$0x18000] =	vst v63  }
0x1b7: {  	_ =	swait.ge [sflag:s28], $0x4000  }
0x1b8: {  	[sflag:s28] =	ssyncset.done $0x0  }
0x1b9: {  	s1 =	rddreg [dreg:$0x1a];
	[sflag:s28] =	ssyncadd.s32 $0xFFFFC000  }
0x1ba: {  	[hbm4b:s1+s2] =	stream.linear.scatter [tilespmem:s22], [sflag:$0xB], $0x4000, $0x38;
	[tilespmem:$0x18000] =	vst v63  }
0x1bb: {  	_ =	swait.ge [sflag:s4], $0x4000  }
0x1bc: {  	[sflag:s4] =	ssyncset.done $0x0  }
0x1bd: {  	s1 =	rddreg [dreg:$0x1b];
	[sflag:s4] =	ssyncadd.s32 $0xFFFFC000  }
0x1be: {  	[tilespmem:s6], [sflag:$0x2] =	stream.linear.gather [hbm4b:s1+s2], $0x4000, $0x38;
	[tilespmem:$0x18000] =	vst v63  }
0x1bf: {  	_ =	swait.ge [sflag:s24], $0x4000  }
0x1c0: {  	[sflag:s24] =	ssyncset.done $0x0  }
0x1c1: {  	s1 =	rddreg [dreg:$0x1c];
	[sflag:s24] =	ssyncadd.s32 $0xFFFFC000  }
0x1c2: {  	[hbm4b:s1+s2] =	stream.linear.scatter [tilespmem:s19], [sflag:$0xC], $0x4000, $0x38;
	[tilespmem:$0x18000] =	vst v63  }
0x1c3: {  	_ =	swait.ge [sflag:s17], $0x4000  }
0x1c4: {  	[sflag:s17] =	ssyncset.done $0x0  }
0x1c5: {  	s1 =	rddreg [dreg:$0x1d];
	[sflag:s17] =	ssyncadd.s32 $0xFFFFC000  }
0x1c6: {  	[tilespmem:s29], [sflag:$0x3] =	stream.linear.gather [hbm4b:s1+s2], $0x4000, $0x38;
	[tilespmem:$0x18000] =	vst v63  }
0x1c7: {  	_ =	swait.ge [sflag:s11], $0x4000  }
0x1c8: {  	[sflag:s11] =	ssyncset.done $0x0  }
0x1c9: {  	s1 =	rddreg [dreg:$0x1e];
	[sflag:s11] =	ssyncadd.s32 $0xFFFFC000  }
0x1ca: {  	[hbm4b:s1+s2] =	stream.linear.scatter [tilespmem:s2], [sflag:$0x7], $0x4000, $0x38;
	[tilespmem:$0x18000] =	vst v63  }
0x1cb: {  	_ =	swait.ge [sflag:s15], $0x4000  }
0x1cc: {  	[sflag:s15] =	ssyncset.done $0x0  }
0x1cd: {  	s1 =	rddreg [dreg:$0x1f];
	[sflag:s15] =	ssyncadd.s32 $0xFFFFC000  }
0x1ce: {  	[tilespmem:s26], [sflag:$0x4] =	stream.linear.gather [hbm4b:s1+s2], $0x4000, $0x38;
	[tilespmem:$0x18000] =	vst v63  }
0x1cf: {  	_ =	swait.ge [sflag:s9], $0x4000  }
0x1d0: {  	s1 =	sld [smem:$0x7E6]  }
0x1d1: {  	[sflag:s9] =	ssyncset.done $0x0  }
0x1d2: {  	[sflag:s9] =	ssyncadd.s32 $0xFFFFC000  }
0x1d3: {  	[hbm4b:s1+s2] =	stream.linear.scatter [tilespmem:s6], [sflag:$0x8], $0x4000, $0x38;
	[tilespmem:$0x18000] =	vst v63  }
0x1d4: {  	_ =	swait.ge [sflag:s13], $0x4000  }
0x1d5: {  	s1 =	sld [smem:$0x7E7]  }
0x1d6: {  	[sflag:s13] =	ssyncset.done $0x0  }
0x1d7: {  	[sflag:s13] =	ssyncadd.s32 $0xFFFFC000  }
0x1d8: {  	[tilespmem:s22], [sflag:$0x5] =	stream.linear.gather [hbm4b:s1+s2], $0x4000, $0x38;
	[tilespmem:$0x18000] =	vst v63  }
0x1d9: {  	_ =	swait.ge [sflag:s31], $0x4000  }
0x1da: {  	s1 =	sld [smem:$0x7E8]  }
0x1db: {  	[sflag:s31] =	ssyncset.done $0x0  }
0x1dc: {  	[sflag:s31] =	ssyncadd.s32 $0xFFFFC000  }
0x1dd: {  	[hbm4b:s1+s2] =	stream.linear.scatter [tilespmem:s29], [sflag:$0x9], $0x4000, $0x38;
	[tilespmem:$0x18000] =	vst v63  }
0x1de: {  	_ =	swait.ge [sflag:s12], $0x4000  }
0x1df: {  	s1 =	sld [smem:$0x7E9]  }
0x1e0: {  	[sflag:s12] =	ssyncset.done $0x0  }
0x1e1: {  	[sflag:s12] =	ssyncadd.s32 $0xFFFFC000  }
0x1e2: {  	[tilespmem:s19], [sflag:$0x6] =	stream.linear.gather [hbm4b:s1+s2], $0x4000, $0x38;
	[tilespmem:$0x18000] =	vst v63  }
0x1e3: {  	_ =	swait.ge [sflag:s30], $0x4000  }
0x1e4: {  	s1 =	sld [smem:$0x7EA]  }
0x1e5: {  	[sflag:s30] =	ssyncset.done $0x0  }
0x1e6: {  	[sflag:s30] =	ssyncadd.s32 $0xFFFFC000  }
0x1e7: {  	[hbm4b:s1+s2] =	stream.linear.scatter [tilespmem:s26], [sflag:$0xA], $0x4000, $0x38;
	[tilespmem:$0x18000] =	vst v63  }
0x1e8: {  	_ =	swait.ge [sflag:s3], $0x4000  }
0x1e9: {  	s1 =	sld [smem:$0x7EB]  }
0x1ea: {  	[sflag:s3] =	ssyncset.done $0x0  }
0x1eb: {  	[sflag:s3] =	ssyncadd.s32 $0xFFFFC000  }
0x1ec: {  	[tilespmem:s2], [sflag:$0x1] =	stream.linear.gather [hbm4b:s1+s2], $0x4000, $0x38;
	[tilespmem:$0x18000] =	vst v63  }
0x1ed: {  	_ =	swait.ge [sflag:s28], $0x4000  }
0x1ee: {  	s1 =	sld [smem:$0x7EC]  }
0x1ef: {  	[sflag:s28] =	ssyncset.done $0x0  }
0x1f0: {  	[sflag:s28] =	ssyncadd.s32 $0xFFFFC000  }
0x1f1: {  	[hbm4b:s1+s2] =	stream.linear.scatter [tilespmem:s22], [sflag:$0xB], $0x4000, $0x38;
	[tilespmem:$0x18000] =	vst v63  }
0x1f2: {  	_ =	swait.ge [sflag:s4], $0x4000  }
0x1f3: {  	s1 =	sld [smem:$0x7ED]  }
0x1f4: {  	[sflag:s4] =	ssyncset.done $0x0  }
0x1f5: {  	[sflag:s4] =	ssyncadd.s32 $0xFFFFC000  }
0x1f6: {  	[tilespmem:s6], [sflag:$0x2] =	stream.linear.gather [hbm4b:s1+s2], $0x4000, $0x38;
	[tilespmem:$0x18000] =	vst v63  }
0x1f7: {  	_ =	swait.ge [sflag:s24], $0x4000  }
0x1f8: {  	s1 =	sld [smem:$0x7EE]  }
0x1f9: {  	[sflag:s24] =	ssyncset.done $0x0  }
0x1fa: {  	[sflag:s24] =	ssyncadd.s32 $0xFFFFC000  }
0x1fb: {  	[hbm4b:s1+s2] =	stream.linear.scatter [tilespmem:s19], [sflag:$0xC], $0x4000, $0x38;
	[tilespmem:$0x18000] =	vst v63  }
0x1fc: {  	_ =	swait.ge [sflag:s17], $0x4000  }
0x1fd: {  	s1 =	sld [smem:$0x7EF]  }
0x1fe: {  	[sflag:s17] =	ssyncset.done $0x0  }
0x1ff: {  	[sflag:s17] =	ssyncadd.s32 $0xFFFFC000  }
0x200: {  	[tilespmem:s29], [sflag:$0x3] =	stream.linear.gather [hbm4b:s1+s2], $0x4000, $0x38;
	[tilespmem:$0x18000] =	vst v63  }
0x201: {  	_ =	swait.ge [sflag:s11], $0x4000  }
0x202: {  	s1 =	sld [smem:$0x7F0]  }
0x203: {  	[sflag:s11] =	ssyncset.done $0x0  }
0x204: {  	[sflag:s11] =	ssyncadd.s32 $0xFFFFC000  }
0x205: {  	[hbm4b:s1+s2] =	stream.linear.scatter [tilespmem:s2], [sflag:$0x7], $0x4000, $0x38;
	[tilespmem:$0x18000] =	vst v63  }
0x206: {  	_ =	swait.ge [sflag:s15], $0x4000  }
0x207: {  	s1 =	sld [smem:$0x7F1]  }
0x208: {  	[sflag:s15] =	ssyncset.done $0x0  }
0x209: {  	[sflag:s15] =	ssyncadd.s32 $0xFFFFC000  }
0x20a: {  	[tilespmem:s26], [sflag:$0x4] =	stream.linear.gather [hbm4b:s1+s2], $0x4000, $0x38;
	[tilespmem:$0x18000] =	vst v63  }
0x20b: {  	_ =	swait.ge [sflag:s9], $0x4000  }
0x20c: {  	s1 =	sld [smem:$0x7F2]  }
0x20d: {  	[sflag:s9] =	ssyncset.done $0x0  }
0x20e: {  	[sflag:s9] =	ssyncadd.s32 $0xFFFFC000  }
0x20f: {  	[hbm4b:s1+s2] =	stream.linear.scatter [tilespmem:s6], [sflag:$0x8], $0x4000, $0x38;
	[tilespmem:$0x18000] =	vst v63  }
0x210: {  	_ =	swait.ge [sflag:s13], $0x4000  }
0x211: {  	s1 =	sld [smem:$0x7F3]  }
0x212: {  	[sflag:s13] =	ssyncset.done $0x0  }
0x213: {  	[sflag:s13] =	ssyncadd.s32 $0xFFFFC000  }
0x214: {  	[tilespmem:s22], [sflag:$0x5] =	stream.linear.gather [hbm4b:s1+s2], $0x4000, $0x38;
	[tilespmem:$0x18000] =	vst v63  }
0x215: {  	_ =	swait.ge [sflag:s31], $0x4000  }
0x216: {  	s1 =	sld [smem:$0x7F4]  }
0x217: {  	[sflag:s31] =	ssyncset.done $0x0  }
0x218: {  	[sflag:s31] =	ssyncadd.s32 $0xFFFFC000  }
0x219: {  	[hbm4b:s1+s2] =	stream.linear.scatter [tilespmem:s29], [sflag:$0x9], $0x4000, $0x38;
	[tilespmem:$0x18000] =	vst v63  }
0x21a: {  	_ =	swait.ge [sflag:s12], $0x4000  }
0x21b: {  	s1 =	sld [smem:$0x7F5]  }
0x21c: {  	[sflag:s12] =	ssyncset.done $0x0  }
0x21d: {  	[sflag:s12] =	ssyncadd.s32 $0xFFFFC000  }
0x21e: {  	[tilespmem:s19], [sflag:$0x6] =	stream.linear.gather [hbm4b:s1+s2], $0x4000, $0x38;
	[tilespmem:$0x18000] =	vst v63  }
0x21f: {  	_ =	swait.ge [sflag:s30], $0x4000  }
0x220: {  	s1 =	sld [smem:$0x7F6]  }
0x221: {  	[sflag:s30] =	ssyncset.done $0x0  }
0x222: {  	[sflag:s30] =	ssyncadd.s32 $0xFFFFC000  }
0x223: {  	[hbm4b:s1+s2] =	stream.linear.scatter [tilespmem:s26], [sflag:$0xA], $0x4000, $0x38;
	[tilespmem:$0x18000] =	vst v63  }
0x224: {  	_ =	swait.ge [sflag:s3], $0x4000  }
0x225: {  	s1 =	sld [smem:$0x7F7]  }
0x226: {  	[sflag:s3] =	ssyncset.done $0x0  }
0x227: {  	[sflag:s3] =	ssyncadd.s32 $0xFFFFC000  }
0x228: {  	[tilespmem:s2], [sflag:$0x1] =	stream.linear.gather [hbm4b:s1+s2], $0x4000, $0x38;
	[tilespmem:$0x18000] =	vst v63  }
0x229: {  	_ =	swait.ge [sflag:s28], $0x4000  }
0x22a: {  	s1 =	sld [smem:$0x7F8]  }
0x22b: {  	[sflag:s28] =	ssyncset.done $0x0  }
0x22c: {  	[sflag:s28] =	ssyncadd.s32 $0xFFFFC000  }
0x22d: {  	[hbm4b:s1+s2] =	stream.linear.scatter [tilespmem:s22], [sflag:$0xB], $0x4000, $0x38;
	[tilespmem:$0x18000] =	vst v63  }
0x22e: {  	_ =	swait.ge [sflag:s4], $0x4000  }
0x22f: {  	s1 =	sld [smem:$0x7F9]  }
0x230: {  	[sflag:s4] =	ssyncset.done $0x0  }
0x231: {  	[sflag:s4] =	ssyncadd.s32 $0xFFFFC000  }
0x232: {  	[tilespmem:s6], [sflag:$0x2] =	stream.linear.gather [hbm4b:s1+s2], $0x4000, $0x38;
	[tilespmem:$0x18000] =	vst v63  }
0x233: {  	_ =	swait.ge [sflag:s24], $0x4000  }
0x234: {  	s1 =	sld [smem:$0x7FA]  }
0x235: {  	[sflag:s24] =	ssyncset.done $0x0  }
0x236: {  	[sflag:s24] =	ssyncadd.s32 $0xFFFFC000  }
0x237: {  	[hbm4b:s1+s2] =	stream.linear.scatter [tilespmem:s19], [sflag:$0xC], $0x4000, $0x38;
	[tilespmem:$0x18000] =	vst v63  }
0x238: {  	_ =	swait.ge [sflag:s17], $0x4000  }
0x239: {  	s1 =	sld [smem:$0x7FB]  }
0x23a: {  	[sflag:s17] =	ssyncset.done $0x0  }
0x23b: {  	[sflag:s17] =	ssyncadd.s32 $0xFFFFC000  }
0x23c: {  	[tilespmem:s29], [sflag:$0x3] =	stream.linear.gather [hbm4b:s1+s2], $0x4000, $0x38;
	[tilespmem:$0x18000] =	vst v63  }
0x23d: {  	_ =	swait.ge [sflag:s11], $0x4000  }
0x23e: {  	s1 =	sld [smem:$0x7FC]  }
0x23f: {  	[sflag:s11] =	ssyncset.done $0x0  }
0x240: {  	[sflag:s11] =	ssyncadd.s32 $0xFFFFC000  }
0x241: {  	[hbm4b:s1+s2] =	stream.linear.scatter [tilespmem:s2], [sflag:$0x7], $0x4000, $0x38;
	[tilespmem:$0x18000] =	vst v63  }
0x242: {  	_ =	swait.ge [sflag:s15], $0x4000  }
0x243: {  	s1 =	sld [smem:$0x7FD]  }
0x244: {  	[sflag:s15] =	ssyncset.done $0x0  }
0x245: {  	[sflag:s15] =	ssyncadd.s32 $0xFFFFC000  }
0x246: {  	[tilespmem:s26], [sflag:$0x4] =	stream.linear.gather [hbm4b:s1+s2], $0x4000, $0x38;
	[tilespmem:$0x18000] =	vst v63  }
0x247: {  	_ =	swait.ge [sflag:s9], $0x4000  }
0x248: {  	[sflag:s9] =	ssyncset.done $0x0  }
0x249: {  	[sflag:s9] =	ssyncadd.s32 $0xFFFFC000  }
0x24a: {  	[hbm4b:s25+s2] =	stream.linear.scatter [tilespmem:s6], [sflag:$0x8], $0x4000, $0x38;
	[tilespmem:$0x18000] =	vst v63  }
0x24b: {  	_ =	swait.ge [sflag:s13], $0x4000  }
0x24c: {  	[sflag:s13] =	ssyncset.done $0x0  }
0x24d: {  	[sflag:s13] =	ssyncadd.s32 $0xFFFFC000  }
0x24e: {  	[tilespmem:s22], [sflag:$0x5] =	stream.linear.gather [hbm4b:s23+s2], $0x4000, $0x38;
	[tilespmem:$0x18000] =	vst v63  }
0x24f: {  	_ =	swait.ge [sflag:s31], $0x4000  }
0x250: {  	[sflag:s31] =	ssyncset.done $0x0  }
0x251: {  	[sflag:s31] =	ssyncadd.s32 $0xFFFFC000  }
0x252: {  	[hbm4b:s21+s2] =	stream.linear.scatter [tilespmem:s29], [sflag:$0x9], $0x4000, $0x38;
	[tilespmem:$0x18000] =	vst v63  }
0x253: {  	_ =	swait.ge [sflag:s12], $0x4000  }
0x254: {  	[sflag:s12] =	ssyncset.done $0x0  }
0x255: {  	[sflag:s12] =	ssyncadd.s32 $0xFFFFC000  }
0x256: {  	[tilespmem:s19], [sflag:$0x6] =	stream.linear.gather [hbm4b:s20+s2], $0x4000, $0x38;
	[tilespmem:$0x18000] =	vst v63  }
0x257: {  	_ =	swait.ge [sflag:s30], $0x4000  }
0x258: {  	[sflag:s30] =	ssyncset.done $0x0  }
0x259: {  	[sflag:s30] =	ssyncadd.s32 $0xFFFFC000  }
0x25a: {  	[hbm4b:s18+s2] =	stream.linear.scatter [tilespmem:s26], [sflag:$0xA], $0x4000, $0x38;
	[tilespmem:$0x18000] =	vst v63  }
0x25b: {  	_ =	swait.ge [sflag:s3], $0x4000  }
0x25c: {  	[sflag:s3] =	ssyncset.done $0x0  }
0x25d: {  	[sflag:s3] =	ssyncadd.s32 $0xFFFFC000  }
0x25e: {  	[tilespmem:s2], [sflag:$0x1] =	stream.linear.gather [hbm4b:s16+s2], $0x4000, $0x38;
	[tilespmem:$0x18000] =	vst v63  }
0x25f: {  	_ =	swait.ge [sflag:s28], $0x4000  }
0x260: {  	[sflag:s28] =	ssyncset.done $0x0  }
0x261: {  	[sflag:s28] =	ssyncadd.s32 $0xFFFFC000  }
0x262: {  	[hbm4b:s14+s2] =	stream.linear.scatter [tilespmem:s22], [sflag:$0xB], $0x4000, $0x38;
	[tilespmem:$0x18000] =	vst v63  }
0x263: {  	_ =	swait.ge [sflag:s4], $0x4000  }
0x264: {  	[sflag:s4] =	ssyncset.done $0x0  }
0x265: {  	[sflag:s4] =	ssyncadd.s32 $0xFFFFC000  }
0x266: {  	[tilespmem:s6], [sflag:$0x2] =	stream.linear.gather [hbm4b:s10+s2], $0x4000, $0x38;
	[tilespmem:$0x18000] =	vst v63  }
0x267: {  	_ =	swait.ge [sflag:s24], $0x4000  }
0x268: {  	[sflag:s24] =	ssyncset.done $0x0  }
0x269: {  	[sflag:s24] =	ssyncadd.s32 $0xFFFFC000  }
0x26a: {  	[hbm4b:s8+s2] =	stream.linear.scatter [tilespmem:s19], [sflag:$0xC], $0x4000, $0x38;
	[tilespmem:$0x18000] =	vst v63  }
0x26b: {  	_ =	swait.ge [sflag:s11], $0x4000  }
0x26c: {  	[sflag:s11] =	ssyncset.done $0x0  }
0x26d: {  	[sflag:s11] =	ssyncadd.s32 $0xFFFFC000  }
0x26e: {  	[hbm4b:s7+s2] =	stream.linear.scatter [tilespmem:s2], [sflag:$0x7], $0x4000, $0x38;
	[tilespmem:$0x18000] =	vst v63  }
0x26f: {  	_ =	swait.ge [sflag:s9], $0x4000  }
0x270: {  	[sflag:s9] =	ssyncset.done $0x0  }
0x271: {  	[sflag:s9] =	ssyncadd.s32 $0xFFFFC000  }
0x272: {  	[hbm4b:s5+s2] =	stream.linear.scatter [tilespmem:s6], [sflag:$0x8], $0x4000, $0x38;
	[tilespmem:$0x18000] =	vst v63  }
0x273: {  	_ =	swait.ge [sflag:s17], $0x4000  }
0x274: {  	[sflag:s17] =	ssyncset.done $0x0  }
0x275: {  	[sflag:s17] =	ssyncadd.s32 $0xFFFFC000  }
0x276: {  	_ =	swait.ge [sflag:s15], $0x4000  }
0x277: {  	[sflag:s15] =	ssyncset.done $0x0  }
0x278: {  	[sflag:s15] =	ssyncadd.s32 $0xFFFFC000  }
0x279: {  	_ =	swait.ge [sflag:s13], $0x4000  }
0x27a: {  	[sflag:s13] =	ssyncset.done $0x0  }
0x27b: {  	[sflag:s13] =	ssyncadd.s32 $0xFFFFC000  }
0x27c: {  	_ =	swait.ge [sflag:s12], $0x4000  }
0x27d: {  	[sflag:s12] =	ssyncset.done $0x0  }
0x27e: {  	p1 =	sne.s32 s0, $0x1;
	[sflag:s12] =	ssyncadd.s32 $0xFFFFC000  }
.Ltmp2:
0x27f: {  	_ =	swait.ge [sflag:s3], $0x4000;
	(pc) =	sbr.rel @p1 .LBB2_2-.Ltmp2, $4  }
0x280: {  	[sflag:s3] =	ssyncset.done $0x0  }
0x281: {  	[sflag:s3] =	ssyncadd.s32 $0xFFFFC000  }
0x282: {  	_ =	swait.ge [sflag:s4], $0x4000  }
0x283: {  	s0 =	sadd.s32 $0xFFFFFFFF, s0;
	s1 =	rddreg [dreg:$0x3];
	[sflag:s4] =	ssyncset.done $0x0  }
.LBB2_3:
0x284: {  	[sflag:s4] =	ssyncadd.s32 @p0 $0xFFFFC000  }
0x285: {  	[tilespmem:s2], [sflag:$0x1] =	stream.linear.gather [hbm4b:s1+s2], $0x4000, $0x38;
	[tilespmem:$0x18000] =	vst v63  }
0x286: {  	s0 =	rddreg [dreg:$0x4]  }
0x287: {  	[tilespmem:s6], [sflag:$0x2] =	stream.linear.gather [hbm4b:s0+s2], $0x4000, $0x38;
	[tilespmem:$0x18000] =	vst v63  }
0x288: {  	s1 =	rddreg [dreg:$0x5]  }
0x289: {  	[tilespmem:s29], [sflag:$0x3] =	stream.linear.gather [hbm4b:s1+s2], $0x4000, $0x38;
	[tilespmem:$0x18000] =	vst v63  }
0x28a: {  	_ =	swait.ge [sflag:s11], $0x4000  }
0x28b: {  	[sflag:s11] =	ssyncset.done $0x0  }
0x28c: {  	s0 =	rddreg [dreg:$0x6];
	[sflag:s11] =	ssyncadd.s32 $0xFFFFC000  }
0x28d: {  	[hbm4b:s0+s2] =	stream.linear.scatter [tilespmem:s2], [sflag:$0x7], $0x4000, $0x38;
	[tilespmem:$0x18000] =	vst v63  }
0x28e: {  	s1 =	rddreg [dreg:$0x7]  }
0x28f: {  	[tilespmem:s26], [sflag:$0x4] =	stream.linear.gather [hbm4b:s1+s2], $0x4000, $0x38;
	[tilespmem:$0x18000] =	vst v63  }
0x290: {  	_ =	swait.ge [sflag:s9], $0x4000  }
0x291: {  	[sflag:s9] =	ssyncset.done $0x0  }
0x292: {  	s0 =	rddreg [dreg:$0x8];
	[sflag:s9] =	ssyncadd.s32 $0xFFFFC000  }
0x293: {  	[hbm4b:s0+s2] =	stream.linear.scatter [tilespmem:s6], [sflag:$0x8], $0x4000, $0x38;
	[tilespmem:$0x18000] =	vst v63  }
0x294: {  	s1 =	rddreg [dreg:$0x9]  }
0x295: {  	[tilespmem:s22], [sflag:$0x5] =	stream.linear.gather [hbm4b:s1+s2], $0x4000, $0x38;
	[tilespmem:$0x18000] =	vst v63  }
0x296: {  	_ =	swait.ge [sflag:s31], $0x4000  }
0x297: {  	[sflag:s31] =	ssyncset.done $0x0  }
0x298: {  	s0 =	rddreg [dreg:$0xa];
	[sflag:s31] =	ssyncadd.s32 $0xFFFFC000  }
0x299: {  	[hbm4b:s0+s2] =	stream.linear.scatter [tilespmem:s29], [sflag:$0x9], $0x4000, $0x38;
	[tilespmem:$0x18000] =	vst v63  }
0x29a: {  	s1 =	rddreg [dreg:$0xb]  }
0x29b: {  	[tilespmem:s19], [sflag:$0x6] =	stream.linear.gather [hbm4b:s1+s2], $0x4000, $0x38;
	[tilespmem:$0x18000] =	vst v63  }
0x29c: {  	_ =	swait.ge [sflag:s30], $0x4000  }
0x29d: {  	[sflag:s30] =	ssyncset.done $0x0  }
0x29e: {  	s1 =	rddreg [dreg:$0xc];
	[sflag:s30] =	ssyncadd.s32 $0xFFFFC000  }
0x29f: {  	[hbm4b:s1+s2] =	stream.linear.scatter [tilespmem:s26], [sflag:$0xA], $0x4000, $0x38;
	[tilespmem:$0x18000] =	vst v63  }
0x2a0: {  	_ =	swait.ge [sflag:s3], $0x4000  }
0x2a1: {  	[sflag:s3] =	ssyncset.done $0x0  }
0x2a2: {  	s1 =	rddreg [dreg:$0xd];
	[sflag:s3] =	ssyncadd.s32 $0xFFFFC000  }
0x2a3: {  	[tilespmem:s2], [sflag:$0x1] =	stream.linear.gather [hbm4b:s1+s2], $0x4000, $0x38;
	[tilespmem:$0x18000] =	vst v63  }
0x2a4: {  	_ =	swait.ge [sflag:s28], $0x4000  }
0x2a5: {  	[sflag:s28] =	ssyncset.done $0x0  }
0x2a6: {  	s1 =	rddreg [dreg:$0xe];
	[sflag:s28] =	ssyncadd.s32 $0xFFFFC000  }
0x2a7: {  	[hbm4b:s1+s2] =	stream.linear.scatter [tilespmem:s22], [sflag:$0xB], $0x4000, $0x38;
	[tilespmem:$0x18000] =	vst v63  }
0x2a8: {  	_ =	swait.ge [sflag:s4], $0x4000  }
0x2a9: {  	[sflag:s4] =	ssyncset.done $0x0  }
0x2aa: {  	s1 =	rddreg [dreg:$0xf];
	[sflag:s4] =	ssyncadd.s32 $0xFFFFC000  }
0x2ab: {  	[tilespmem:s6], [sflag:$0x2] =	stream.linear.gather [hbm4b:s1+s2], $0x4000, $0x38;
	[tilespmem:$0x18000] =	vst v63  }
0x2ac: {  	_ =	swait.ge [sflag:s24], $0x4000  }
0x2ad: {  	[sflag:s24] =	ssyncset.done $0x0  }
0x2ae: {  	s1 =	rddreg [dreg:$0x10];
	[sflag:s24] =	ssyncadd.s32 $0xFFFFC000  }
0x2af: {  	[hbm4b:s1+s2] =	stream.linear.scatter [tilespmem:s19], [sflag:$0xC], $0x4000, $0x38;
	[tilespmem:$0x18000] =	vst v63  }
0x2b0: {  	_ =	swait.ge [sflag:s17], $0x4000  }
0x2b1: {  	[sflag:s17] =	ssyncset.done $0x0  }
0x2b2: {  	s1 =	rddreg [dreg:$0x11];
	[sflag:s17] =	ssyncadd.s32 $0xFFFFC000  }
0x2b3: {  	[tilespmem:s29], [sflag:$0x3] =	stream.linear.gather [hbm4b:s1+s2], $0x4000, $0x38;
	[tilespmem:$0x18000] =	vst v63  }
0x2b4: {  	_ =	swait.ge [sflag:s11], $0x4000  }
0x2b5: {  	[sflag:s11] =	ssyncset.done $0x0  }
0x2b6: {  	s1 =	rddreg [dreg:$0x12];
	[sflag:s11] =	ssyncadd.s32 $0xFFFFC000  }
0x2b7: {  	[hbm4b:s1+s2] =	stream.linear.scatter [tilespmem:s2], [sflag:$0x7], $0x4000, $0x38;
	[tilespmem:$0x18000] =	vst v63  }
0x2b8: {  	_ =	swait.ge [sflag:s15], $0x4000  }
0x2b9: {  	[sflag:s15] =	ssyncset.done $0x0  }
0x2ba: {  	s1 =	rddreg [dreg:$0x13];
	[sflag:s15] =	ssyncadd.s32 $0xFFFFC000  }
0x2bb: {  	[tilespmem:s26], [sflag:$0x4] =	stream.linear.gather [hbm4b:s1+s2], $0x4000, $0x38;
	[tilespmem:$0x18000] =	vst v63  }
0x2bc: {  	_ =	swait.ge [sflag:s9], $0x4000  }
0x2bd: {  	[sflag:s9] =	ssyncset.done $0x0  }
0x2be: {  	s1 =	rddreg [dreg:$0x14];
	[sflag:s9] =	ssyncadd.s32 $0xFFFFC000  }
0x2bf: {  	[hbm4b:s1+s2] =	stream.linear.scatter [tilespmem:s6], [sflag:$0x8], $0x4000, $0x38;
	[tilespmem:$0x18000] =	vst v63  }
0x2c0: {  	_ =	swait.ge [sflag:s13], $0x4000  }
0x2c1: {  	[sflag:s13] =	ssyncset.done $0x0  }
0x2c2: {  	s1 =	rddreg [dreg:$0x15];
	[sflag:s13] =	ssyncadd.s32 $0xFFFFC000  }
0x2c3: {  	[tilespmem:s22], [sflag:$0x5] =	stream.linear.gather [hbm4b:s1+s2], $0x4000, $0x38;
	[tilespmem:$0x18000] =	vst v63  }
0x2c4: {  	_ =	swait.ge [sflag:s31], $0x4000  }
0x2c5: {  	[sflag:s31] =	ssyncset.done $0x0  }
0x2c6: {  	s1 =	rddreg [dreg:$0x16];
	[sflag:s31] =	ssyncadd.s32 $0xFFFFC000  }
0x2c7: {  	[hbm4b:s1+s2] =	stream.linear.scatter [tilespmem:s29], [sflag:$0x9], $0x4000, $0x38;
	[tilespmem:$0x18000] =	vst v63  }
0x2c8: {  	_ =	swait.ge [sflag:s12], $0x4000  }
0x2c9: {  	[sflag:s12] =	ssyncset.done $0x0  }
0x2ca: {  	s1 =	rddreg [dreg:$0x17];
	[sflag:s12] =	ssyncadd.s32 $0xFFFFC000  }
0x2cb: {  	[tilespmem:s19], [sflag:$0x6] =	stream.linear.gather [hbm4b:s1+s2], $0x4000, $0x38;
	[tilespmem:$0x18000] =	vst v63  }
0x2cc: {  	_ =	swait.ge [sflag:s30], $0x4000  }
0x2cd: {  	[sflag:s30] =	ssyncset.done $0x0  }
0x2ce: {  	s1 =	rddreg [dreg:$0x18];
	[sflag:s30] =	ssyncadd.s32 $0xFFFFC000  }
0x2cf: {  	[hbm4b:s1+s2] =	stream.linear.scatter [tilespmem:s26], [sflag:$0xA], $0x4000, $0x38;
	[tilespmem:$0x18000] =	vst v63  }
0x2d0: {  	_ =	swait.ge [sflag:s3], $0x4000  }
0x2d1: {  	[sflag:s3] =	ssyncset.done $0x0  }
0x2d2: {  	s1 =	rddreg [dreg:$0x19];
	[sflag:s3] =	ssyncadd.s32 $0xFFFFC000  }
0x2d3: {  	[tilespmem:s2], [sflag:$0x1] =	stream.linear.gather [hbm4b:s1+s2], $0x4000, $0x38;
	[tilespmem:$0x18000] =	vst v63  }
0x2d4: {  	_ =	swait.ge [sflag:s28], $0x4000  }
0x2d5: {  	[sflag:s28] =	ssyncset.done $0x0  }
0x2d6: {  	s1 =	rddreg [dreg:$0x1a];
	[sflag:s28] =	ssyncadd.s32 $0xFFFFC000  }
0x2d7: {  	[hbm4b:s1+s2] =	stream.linear.scatter [tilespmem:s22], [sflag:$0xB], $0x4000, $0x38;
	[tilespmem:$0x18000] =	vst v63  }
0x2d8: {  	_ =	swait.ge [sflag:s4], $0x4000  }
0x2d9: {  	[sflag:s4] =	ssyncset.done $0x0  }
0x2da: {  	s1 =	rddreg [dreg:$0x1b];
	[sflag:s4] =	ssyncadd.s32 $0xFFFFC000  }
0x2db: {  	[tilespmem:s6], [sflag:$0x2] =	stream.linear.gather [hbm4b:s1+s2], $0x4000, $0x38;
	[tilespmem:$0x18000] =	vst v63  }
0x2dc: {  	_ =	swait.ge [sflag:s24], $0x4000  }
0x2dd: {  	[sflag:s24] =	ssyncset.done $0x0  }
0x2de: {  	s1 =	rddreg [dreg:$0x1c];
	[sflag:s24] =	ssyncadd.s32 $0xFFFFC000  }
0x2df: {  	[hbm4b:s1+s2] =	stream.linear.scatter [tilespmem:s19], [sflag:$0xC], $0x4000, $0x38;
	[tilespmem:$0x18000] =	vst v63  }
0x2e0: {  	_ =	swait.ge [sflag:s17], $0x4000  }
0x2e1: {  	[sflag:s17] =	ssyncset.done $0x0  }
0x2e2: {  	s1 =	rddreg [dreg:$0x1d];
	[sflag:s17] =	ssyncadd.s32 $0xFFFFC000  }
0x2e3: {  	[tilespmem:s29], [sflag:$0x3] =	stream.linear.gather [hbm4b:s1+s2], $0x4000, $0x38;
	[tilespmem:$0x18000] =	vst v63  }
0x2e4: {  	_ =	swait.ge [sflag:s11], $0x4000  }
0x2e5: {  	[sflag:s11] =	ssyncset.done $0x0  }
0x2e6: {  	s1 =	rddreg [dreg:$0x1e];
	[sflag:s11] =	ssyncadd.s32 $0xFFFFC000  }
0x2e7: {  	[hbm4b:s1+s2] =	stream.linear.scatter [tilespmem:s2], [sflag:$0x7], $0x4000, $0x38;
	[tilespmem:$0x18000] =	vst v63  }
0x2e8: {  	_ =	swait.ge [sflag:s15], $0x4000  }
0x2e9: {  	[sflag:s15] =	ssyncset.done $0x0  }
0x2ea: {  	s1 =	rddreg [dreg:$0x1f];
	[sflag:s15] =	ssyncadd.s32 $0xFFFFC000  }
0x2eb: {  	[tilespmem:s26], [sflag:$0x4] =	stream.linear.gather [hbm4b:s1+s2], $0x4000, $0x38;
	[tilespmem:$0x18000] =	vst v63  }
0x2ec: {  	_ =	swait.ge [sflag:s9], $0x4000  }
0x2ed: {  	s1 =	sld [smem:$0x7E6]  }
0x2ee: {  	[sflag:s9] =	ssyncset.done $0x0  }
0x2ef: {  	[sflag:s9] =	ssyncadd.s32 $0xFFFFC000  }
0x2f0: {  	[hbm4b:s1+s2] =	stream.linear.scatter [tilespmem:s6], [sflag:$0x8], $0x4000, $0x38;
	[tilespmem:$0x18000] =	vst v63  }
0x2f1: {  	_ =	swait.ge [sflag:s13], $0x4000  }
0x2f2: {  	s1 =	sld [smem:$0x7E7]  }
0x2f3: {  	[sflag:s13] =	ssyncset.done $0x0  }
0x2f4: {  	[sflag:s13] =	ssyncadd.s32 $0xFFFFC000  }
0x2f5: {  	[tilespmem:s22], [sflag:$0x5] =	stream.linear.gather [hbm4b:s1+s2], $0x4000, $0x38;
	[tilespmem:$0x18000] =	vst v63  }
0x2f6: {  	_ =	swait.ge [sflag:s31], $0x4000  }
0x2f7: {  	s1 =	sld [smem:$0x7E8]  }
0x2f8: {  	[sflag:s31] =	ssyncset.done $0x0  }
0x2f9: {  	[sflag:s31] =	ssyncadd.s32 $0xFFFFC000  }
0x2fa: {  	[hbm4b:s1+s2] =	stream.linear.scatter [tilespmem:s29], [sflag:$0x9], $0x4000, $0x38;
	[tilespmem:$0x18000] =	vst v63  }
0x2fb: {  	_ =	swait.ge [sflag:s12], $0x4000  }
0x2fc: {  	s1 =	sld [smem:$0x7E9]  }
0x2fd: {  	[sflag:s12] =	ssyncset.done $0x0  }
0x2fe: {  	[sflag:s12] =	ssyncadd.s32 $0xFFFFC000  }
0x2ff: {  	[tilespmem:s19], [sflag:$0x6] =	stream.linear.gather [hbm4b:s1+s2], $0x4000, $0x38;
	[tilespmem:$0x18000] =	vst v63  }
0x300: {  	_ =	swait.ge [sflag:s30], $0x4000  }
0x301: {  	s1 =	sld [smem:$0x7EA]  }
0x302: {  	[sflag:s30] =	ssyncset.done $0x0  }
0x303: {  	[sflag:s30] =	ssyncadd.s32 $0xFFFFC000  }
0x304: {  	[hbm4b:s1+s2] =	stream.linear.scatter [tilespmem:s26], [sflag:$0xA], $0x4000, $0x38;
	[tilespmem:$0x18000] =	vst v63  }
0x305: {  	_ =	swait.ge [sflag:s3], $0x4000  }
0x306: {  	s1 =	sld [smem:$0x7EB]  }
0x307: {  	[sflag:s3] =	ssyncset.done $0x0  }
0x308: {  	[sflag:s3] =	ssyncadd.s32 $0xFFFFC000  }
0x309: {  	[tilespmem:s2], [sflag:$0x1] =	stream.linear.gather [hbm4b:s1+s2], $0x4000, $0x38;
	[tilespmem:$0x18000] =	vst v63  }
0x30a: {  	_ =	swait.ge [sflag:s28], $0x4000  }
0x30b: {  	s1 =	sld [smem:$0x7EC]  }
0x30c: {  	[sflag:s28] =	ssyncset.done $0x0  }
0x30d: {  	[sflag:s28] =	ssyncadd.s32 $0xFFFFC000  }
0x30e: {  	[hbm4b:s1+s2] =	stream.linear.scatter [tilespmem:s22], [sflag:$0xB], $0x4000, $0x38;
	[tilespmem:$0x18000] =	vst v63  }
0x30f: {  	_ =	swait.ge [sflag:s4], $0x4000  }
0x310: {  	s1 =	sld [smem:$0x7ED]  }
0x311: {  	[sflag:s4] =	ssyncset.done $0x0  }
0x312: {  	[sflag:s4] =	ssyncadd.s32 $0xFFFFC000  }
0x313: {  	[tilespmem:s6], [sflag:$0x2] =	stream.linear.gather [hbm4b:s1+s2], $0x4000, $0x38;
	[tilespmem:$0x18000] =	vst v63  }
0x314: {  	_ =	swait.ge [sflag:s24], $0x4000  }
0x315: {  	s1 =	sld [smem:$0x7EE]  }
0x316: {  	[sflag:s24] =	ssyncset.done $0x0  }
0x317: {  	[sflag:s24] =	ssyncadd.s32 $0xFFFFC000  }
0x318: {  	[hbm4b:s1+s2] =	stream.linear.scatter [tilespmem:s19], [sflag:$0xC], $0x4000, $0x38;
	[tilespmem:$0x18000] =	vst v63  }
0x319: {  	_ =	swait.ge [sflag:s17], $0x4000  }
0x31a: {  	s1 =	sld [smem:$0x7EF]  }
0x31b: {  	[sflag:s17] =	ssyncset.done $0x0  }
0x31c: {  	[sflag:s17] =	ssyncadd.s32 $0xFFFFC000  }
0x31d: {  	[tilespmem:s29], [sflag:$0x3] =	stream.linear.gather [hbm4b:s1+s2], $0x4000, $0x38;
	[tilespmem:$0x18000] =	vst v63  }
0x31e: {  	_ =	swait.ge [sflag:s11], $0x4000  }
0x31f: {  	s1 =	sld [smem:$0x7F0]  }
0x320: {  	[sflag:s11] =	ssyncset.done $0x0  }
0x321: {  	[sflag:s11] =	ssyncadd.s32 $0xFFFFC000  }
0x322: {  	[hbm4b:s1+s2] =	stream.linear.scatter [tilespmem:s2], [sflag:$0x7], $0x4000, $0x38;
	[tilespmem:$0x18000] =	vst v63  }
0x323: {  	_ =	swait.ge [sflag:s15], $0x4000  }
0x324: {  	s1 =	sld [smem:$0x7F1]  }
0x325: {  	[sflag:s15] =	ssyncset.done $0x0  }
0x326: {  	[sflag:s15] =	ssyncadd.s32 $0xFFFFC000  }
0x327: {  	[tilespmem:s26], [sflag:$0x4] =	stream.linear.gather [hbm4b:s1+s2], $0x4000, $0x38;
	[tilespmem:$0x18000] =	vst v63  }
0x328: {  	_ =	swait.ge [sflag:s9], $0x4000  }
0x329: {  	s1 =	sld [smem:$0x7F2]  }
0x32a: {  	[sflag:s9] =	ssyncset.done $0x0  }
0x32b: {  	[sflag:s9] =	ssyncadd.s32 $0xFFFFC000  }
0x32c: {  	[hbm4b:s1+s2] =	stream.linear.scatter [tilespmem:s6], [sflag:$0x8], $0x4000, $0x38;
	[tilespmem:$0x18000] =	vst v63  }
0x32d: {  	_ =	swait.ge [sflag:s13], $0x4000  }
0x32e: {  	s1 =	sld [smem:$0x7F3]  }
0x32f: {  	[sflag:s13] =	ssyncset.done $0x0  }
0x330: {  	[sflag:s13] =	ssyncadd.s32 $0xFFFFC000  }
0x331: {  	[tilespmem:s22], [sflag:$0x5] =	stream.linear.gather [hbm4b:s1+s2], $0x4000, $0x38;
	[tilespmem:$0x18000] =	vst v63  }
0x332: {  	_ =	swait.ge [sflag:s31], $0x4000  }
0x333: {  	s1 =	sld [smem:$0x7F4]  }
0x334: {  	[sflag:s31] =	ssyncset.done $0x0  }
0x335: {  	[sflag:s31] =	ssyncadd.s32 $0xFFFFC000  }
0x336: {  	[hbm4b:s1+s2] =	stream.linear.scatter [tilespmem:s29], [sflag:$0x9], $0x4000, $0x38;
	[tilespmem:$0x18000] =	vst v63  }
0x337: {  	_ =	swait.ge [sflag:s12], $0x4000  }
0x338: {  	s1 =	sld [smem:$0x7F5]  }
0x339: {  	[sflag:s12] =	ssyncset.done $0x0  }
0x33a: {  	[sflag:s12] =	ssyncadd.s32 $0xFFFFC000  }
0x33b: {  	[tilespmem:s19], [sflag:$0x6] =	stream.linear.gather [hbm4b:s1+s2], $0x4000, $0x38;
	[tilespmem:$0x18000] =	vst v63  }
0x33c: {  	_ =	swait.ge [sflag:s30], $0x4000  }
0x33d: {  	s1 =	sld [smem:$0x7F6]  }
0x33e: {  	[sflag:s30] =	ssyncset.done $0x0  }
0x33f: {  	[sflag:s30] =	ssyncadd.s32 $0xFFFFC000  }
0x340: {  	[hbm4b:s1+s2] =	stream.linear.scatter [tilespmem:s26], [sflag:$0xA], $0x4000, $0x38;
	[tilespmem:$0x18000] =	vst v63  }
0x341: {  	_ =	swait.ge [sflag:s3], $0x4000  }
0x342: {  	s1 =	sld [smem:$0x7F7]  }
0x343: {  	[sflag:s3] =	ssyncset.done $0x0  }
0x344: {  	[sflag:s3] =	ssyncadd.s32 $0xFFFFC000  }
0x345: {  	[tilespmem:s2], [sflag:$0x1] =	stream.linear.gather [hbm4b:s1+s2], $0x4000, $0x38;
	[tilespmem:$0x18000] =	vst v63  }
0x346: {  	_ =	swait.ge [sflag:s28], $0x4000  }
0x347: {  	s1 =	sld [smem:$0x7F8]  }
0x348: {  	[sflag:s28] =	ssyncset.done $0x0  }
0x349: {  	[sflag:s28] =	ssyncadd.s32 $0xFFFFC000  }
0x34a: {  	[hbm4b:s1+s2] =	stream.linear.scatter [tilespmem:s22], [sflag:$0xB], $0x4000, $0x38;
	[tilespmem:$0x18000] =	vst v63  }
0x34b: {  	_ =	swait.ge [sflag:s4], $0x4000  }
0x34c: {  	s1 =	sld [smem:$0x7F9]  }
0x34d: {  	[sflag:s4] =	ssyncset.done $0x0  }
0x34e: {  	[sflag:s4] =	ssyncadd.s32 $0xFFFFC000  }
0x34f: {  	[tilespmem:s6], [sflag:$0x2] =	stream.linear.gather [hbm4b:s1+s2], $0x4000, $0x38;
	[tilespmem:$0x18000] =	vst v63  }
0x350: {  	_ =	swait.ge [sflag:s24], $0x4000  }
0x351: {  	s1 =	sld [smem:$0x7FA]  }
0x352: {  	[sflag:s24] =	ssyncset.done $0x0  }
0x353: {  	[sflag:s24] =	ssyncadd.s32 $0xFFFFC000  }
0x354: {  	[hbm4b:s1+s2] =	stream.linear.scatter [tilespmem:s19], [sflag:$0xC], $0x4000, $0x38;
	[tilespmem:$0x18000] =	vst v63  }
0x355: {  	_ =	swait.ge [sflag:s17], $0x4000  }
0x356: {  	s1 =	sld [smem:$0x7FB]  }
0x357: {  	[sflag:s17] =	ssyncset.done $0x0  }
0x358: {  	[sflag:s17] =	ssyncadd.s32 $0xFFFFC000  }
0x359: {  	[tilespmem:s29], [sflag:$0x3] =	stream.linear.gather [hbm4b:s1+s2], $0x4000, $0x38;
	[tilespmem:$0x18000] =	vst v63  }
0x35a: {  	_ =	swait.ge [sflag:s11], $0x4000  }
0x35b: {  	s1 =	sld [smem:$0x7FC]  }
0x35c: {  	[sflag:s11] =	ssyncset.done $0x0  }
0x35d: {  	[sflag:s11] =	ssyncadd.s32 $0xFFFFC000  }
0x35e: {  	[hbm4b:s1+s2] =	stream.linear.scatter [tilespmem:s2], [sflag:$0x7], $0x4000, $0x38;
	[tilespmem:$0x18000] =	vst v63  }
0x35f: {  	_ =	swait.ge [sflag:s15], $0x4000  }
0x360: {  	s1 =	sld [smem:$0x7FD]  }
0x361: {  	[sflag:s15] =	ssyncset.done $0x0  }
0x362: {  	[sflag:s15] =	ssyncadd.s32 $0xFFFFC000  }
0x363: {  	[tilespmem:s26], [sflag:$0x4] =	stream.linear.gather [hbm4b:s1+s2], $0x4000, $0x38;
	[tilespmem:$0x18000] =	vst v63  }
0x364: {  	_ =	swait.ge [sflag:s9], $0x4000  }
0x365: {  	[sflag:s9] =	ssyncset.done $0x0  }
0x366: {  	[sflag:s9] =	ssyncadd.s32 $0xFFFFC000  }
0x367: {  	[hbm4b:s25+s2] =	stream.linear.scatter [tilespmem:s6], [sflag:$0x8], $0x4000, $0x38;
	[tilespmem:$0x18000] =	vst v63  }
0x368: {  	_ =	swait.ge [sflag:s13], $0x4000  }
0x369: {  	[sflag:s13] =	ssyncset.done $0x0  }
0x36a: {  	[sflag:s13] =	ssyncadd.s32 $0xFFFFC000  }
0x36b: {  	[tilespmem:s22], [sflag:$0x5] =	stream.linear.gather [hbm4b:s23+s2], $0x4000, $0x38;
	[tilespmem:$0x18000] =	vst v63  }
0x36c: {  	_ =	swait.ge [sflag:s31], $0x4000  }
0x36d: {  	[sflag:s31] =	ssyncset.done $0x0  }
0x36e: {  	[sflag:s31] =	ssyncadd.s32 $0xFFFFC000  }
0x36f: {  	[hbm4b:s21+s2] =	stream.linear.scatter [tilespmem:s29], [sflag:$0x9], $0x4000, $0x38;
	[tilespmem:$0x18000] =	vst v63  }
0x370: {  	_ =	swait.ge [sflag:s12], $0x4000  }
0x371: {  	[sflag:s12] =	ssyncset.done $0x0  }
0x372: {  	[sflag:s12] =	ssyncadd.s32 $0xFFFFC000  }
0x373: {  	[tilespmem:s19], [sflag:$0x6] =	stream.linear.gather [hbm4b:s20+s2], $0x4000, $0x38;
	[tilespmem:$0x18000] =	vst v63  }
0x374: {  	_ =	swait.ge [sflag:s30], $0x4000  }
0x375: {  	[sflag:s30] =	ssyncset.done $0x0  }
0x376: {  	[sflag:s30] =	ssyncadd.s32 $0xFFFFC000  }
0x377: {  	[hbm4b:s18+s2] =	stream.linear.scatter [tilespmem:s26], [sflag:$0xA], $0x4000, $0x38;
	[tilespmem:$0x18000] =	vst v63  }
0x378: {  	_ =	swait.ge [sflag:s3], $0x4000  }
0x379: {  	[sflag:s3] =	ssyncset.done $0x0  }
0x37a: {  	[sflag:s3] =	ssyncadd.s32 $0xFFFFC000  }
0x37b: {  	[tilespmem:s2], [sflag:$0x1] =	stream.linear.gather [hbm4b:s16+s2], $0x4000, $0x38;
	[tilespmem:$0x18000] =	vst v63  }
0x37c: {  	_ =	swait.ge [sflag:s28], $0x4000  }
0x37d: {  	[sflag:s28] =	ssyncset.done $0x0  }
0x37e: {  	[sflag:s28] =	ssyncadd.s32 $0xFFFFC000  }
0x37f: {  	[hbm4b:s14+s2] =	stream.linear.scatter [tilespmem:s22], [sflag:$0xB], $0x4000, $0x38;
	[tilespmem:$0x18000] =	vst v63  }
0x380: {  	_ =	swait.ge [sflag:s4], $0x4000  }
0x381: {  	[sflag:s4] =	ssyncset.done $0x0  }
0x382: {  	[sflag:s4] =	ssyncadd.s32 $0xFFFFC000  }
0x383: {  	[tilespmem:s6], [sflag:$0x2] =	stream.linear.gather [hbm4b:s10+s2], $0x4000, $0x38;
	[tilespmem:$0x18000] =	vst v63  }
0x384: {  	_ =	swait.ge [sflag:s24], $0x4000  }
0x385: {  	[sflag:s24] =	ssyncset.done $0x0  }
0x386: {  	[sflag:s24] =	ssyncadd.s32 $0xFFFFC000  }
0x387: {  	[hbm4b:s8+s2] =	stream.linear.scatter [tilespmem:s19], [sflag:$0xC], $0x4000, $0x38;
	[tilespmem:$0x18000] =	vst v63  }
0x388: {  	_ =	swait.ge [sflag:s11], $0x4000  }
0x389: {  	[sflag:s11] =	ssyncset.done $0x0  }
0x38a: {  	[sflag:s11] =	ssyncadd.s32 $0xFFFFC000  }
0x38b: {  	[hbm4b:s7+s2] =	stream.linear.scatter [tilespmem:s2], [sflag:$0x7], $0x4000, $0x38;
	[tilespmem:$0x18000] =	vst v63  }
0x38c: {  	_ =	swait.ge [sflag:s9], $0x4000  }
0x38d: {  	[sflag:s9] =	ssyncset.done $0x0  }
0x38e: {  	[sflag:s9] =	ssyncadd.s32 $0xFFFFC000  }
0x38f: {  	[hbm4b:s5+s2] =	stream.linear.scatter [tilespmem:s6], [sflag:$0x8], $0x4000, $0x38;
	[tilespmem:$0x18000] =	vst v63  }
0x390: {  	_ =	swait.ge [sflag:s17], $0x4000  }
0x391: {  	[sflag:s17] =	ssyncset.done $0x0  }
0x392: {  	[sflag:s17] =	ssyncadd.s32 $0xFFFFC000  }
0x393: {  	_ =	swait.ge [sflag:s15], $0x4000  }
0x394: {  	[sflag:s15] =	ssyncset.done $0x0  }
0x395: {  	[sflag:s15] =	ssyncadd.s32 $0xFFFFC000  }
0x396: {  	_ =	swait.ge [sflag:s13], $0x4000  }
0x397: {  	[sflag:s13] =	ssyncset.done $0x0  }
0x398: {  	[sflag:s13] =	ssyncadd.s32 $0xFFFFC000  }
0x399: {  	_ =	swait.ge [sflag:s12], $0x4000  }
0x39a: {  	[sflag:s12] =	ssyncset.done $0x0  }
0x39b: {  	[sflag:s12] =	ssyncadd.s32 $0xFFFFC000  }
0x39c: {  	_ =	swait.ge [sflag:s3], $0x4000  }
0x39d: {  	[sflag:s3] =	ssyncset.done $0x0  }
0x39e: {  	[sflag:s3] =	ssyncadd.s32 $0xFFFFC000  }
0x39f: {  	_ =	swait.ge [sflag:s4], $0x4000  }
0x3a0: {  	[sflag:s4] =	ssyncset.done $0x0  }
0x3a1: {  	[sflag:s4] =	ssyncadd.s32 $0xFFFFC000  }
0x3a2: {  	_ =	sfence.sel $0x180000  }
0x3a3: {  	[bflag:$0x0] =	sbarrier.arrive $0xFFFF  }
0x3a4: {  	_ =	strace $0x90000047  }
0x3a5: {  	s31 =	stileid.u32;
	[bflag:$0x2] =	sbarrier.arrive $0xFFFF  }
0x3a6: {  	p0 =	sne.s32 s31, $0x0;
	s0 =	rddreg [dreg:$0x2]  }
0x3a7: {  	s0 =	sadd.s32 @!p0 $0x100000, s0  }
0x3a8: {  	[sflag:s0] =	ssyncadd.tile.s32 @!p0 $0x1;
	_ =	shalt  }
.Lfunc_end2:
_tile_overlayer_lowered:
.L_overlay_start_2:
0x3a9: {  	(tag) =	ssettag $0x2  }
0x3aa: {  	s0 =	rddreg [dreg:$0x0];
	s2 =	stileid.u32  }
0x3ab: {  	s1 =	rddreg [dreg:$0x1];
	p0 =	sne.s32 s2, $0x0  }
0x3ac: {  	s3 =	rddreg [dreg:$0x2];
	[bflag:$0x3] =	sbarrier.arrive $0xFFFF;
	s2 =	simm.s32 @!p0 $0x1C0D  }
0x3ad: {  	[timem:s3], [sflag:s2] =	dma.local @!p0 [hbm:s0], s1  }
0x3ae: {  	s0 =	simm.s32 @!p0 $0xD  }
0x3af: {  	_ =	swait.ge @!p0 [sflag:s0], s1  }
0x3b0: {  	s1 =	ssub.s32 @!p0 $0x0, s1;
	[sflag:s0] =	ssyncset.done @!p0 $0x0  }
0x3b1: {  	[sflag:s0] =	ssyncadd.s32 @!p0 s1  }
0x3b2: {  	[bflag:$0x3] =	sbarrier.arrive $0xFFFF  }
0x3b3: {  	_ =	shalt  }

</sc_bundles>
